<compile_context>
chip_gen: v7x
topology: tpu7x:2x2x1
jax: 0.10.2.dev20260603
libtpu: 0.0.44.dev20260713+nightly
codegen_flags: <defaults>
</compile_context>

<pallas_src>
import functools

import jax
import jax.numpy as jnp
from jax import lax
from jax.experimental import pallas as pl
from jax.experimental.pallas import tpu as pltpu
from jax.experimental.pallas import tpu_sc as plsc

B = 1024
N = 4096
R = 4

C = 80
CB = 96
CMIN = 56
CMAX = 80
BISECT_ITERS = 14

NC = 2
NS = 16
NW = NC * NS
ROWS_PER_W = B // NW
RB_DMA = 8

RB_A = 64
RB_C = 16


def _stage_a_body(u_ref, fg_ref, w_ref, rw_ref, mu_ref, lp_ref):
    u = u_ref[...]
    w = w_ref[...]
    fg = fg_ref[...]
    rw = rw_ref[...]
    uw = u + w - u * w
    ur = jnp.ones_like(u)
    for r in range(R):
        ur = ur * (1.0 - rw[:, r, :] * fg[:, r][:, None])
    mu = uw * ur
    mu_ref[...] = mu

    ones_n = jnp.ones((N, 1), jnp.float32)
    lo = jnp.zeros((RB_A, 1), jnp.float32)
    hi = jnp.ones((RB_A, 1), jnp.float32)
    tf = jnp.ones((RB_A, 1), jnp.float32)
    found = jnp.zeros((RB_A, 1), jnp.bool_)
    for _ in range(BISECT_ITERS):
        mid = 0.5 * (lo + hi)
        mfi = jnp.where(mu <= mid, jnp.float32(1.0), jnp.float32(0.0))
        c = jnp.dot(mfi, ones_n)
        inband = (c >= CMIN) & (c <= CMAX)
        tf = jnp.where(inband & ~found, mid, tf)
        found = found | inband
        lo = jnp.where(c < CMIN, mid, lo)
        hi = jnp.where(c > CMAX, mid, hi)
    t = jnp.where(found, tf, lo)

    mask = mu <= t
    mf = jnp.where(mask, jnp.float32(1.0), jnp.float32(0.0))
    ut = jnp.where(
        lax.broadcasted_iota(jnp.int32, (128, 128), 0)
        <= lax.broadcasted_iota(jnp.int32, (128, 128), 1),
        jnp.float32(1.0), jnp.float32(0.0))
    y = jnp.dot(mf.reshape(RB_A * 32, 128), ut).reshape(RB_A, 32, 128)
    tot = y[:, :, 127]
    sl = jnp.where(
        lax.broadcasted_iota(jnp.int32, (32, 32), 0)
        < lax.broadcasted_iota(jnp.int32, (32, 32), 1),
        jnp.float32(1.0), jnp.float32(0.0))
    base = jnp.dot(tot, sl)
    incl = (y + base[:, :, None]).reshape(RB_A, N)
    pos = (incl - mf).astype(jnp.int32)

    row0 = pl.program_id(0) * RB_A
    rows = row0 + lax.broadcasted_iota(jnp.int32, (RB_A, N), 0)
    jloc = lax.rem(rows, ROWS_PER_W)
    lane16 = lax.rem(lax.broadcasted_iota(jnp.int32, (RB_A, N), 1), 16)
    lp_ref[...] = jnp.where(mask, jloc * CB + pos,
                            ROWS_PER_W * CB + lane16)


def _stage_a(u, fg, w, rw):
    return pl.pallas_call(
        _stage_a_body,
        grid=(B // RB_A,),
        in_specs=[
            pl.BlockSpec((RB_A, N), lambda i: (i, 0)),
            pl.BlockSpec((RB_A, R), lambda i: (i, 0)),
            pl.BlockSpec((RB_A, N), lambda i: (i, 0)),
            pl.BlockSpec((RB_A, R, N), lambda i: (i, 0, 0)),
        ],
        out_specs=[
            pl.BlockSpec((RB_A, N), lambda i: (i, 0)),
            pl.BlockSpec((RB_A, N), lambda i: (i, 0)),
        ],
        out_shape=[
            jax.ShapeDtypeStruct((B, N), jnp.float32),
            jax.ShapeDtypeStruct((B, N), jnp.int32),
        ],
        compiler_params=pltpu.CompilerParams(
            allow_input_fusion=(False, False, False, True)),
    )(u, fg, w, rw)


def _stage_b_body(mu_hbm, lp_hbm, cv_hbm, ci_hbm, mu_vm, lp_vm, cv_vm, ci_vm):
    wid = lax.axis_index("s") * NC + lax.axis_index("c")
    rbase = wid * ROWS_PER_W

    pad_v = jnp.full((16,), 2.0, jnp.float32)
    zero_i = jnp.zeros((16,), jnp.int32)

    @plsc.parallel_loop(0, (ROWS_PER_W * CB + 16) // 16, unroll=8)
    def _init(q):
        cv_vm[pl.ds(q * 16, 16)] = pad_v
        ci_vm[pl.ds(q * 16, 16)] = zero_i

    for bi in range(ROWS_PER_W // RB_DMA):
        pltpu.sync_copy(mu_hbm.at[pl.ds(rbase + bi * RB_DMA, RB_DMA)], mu_vm)
        pltpu.sync_copy(lp_hbm.at[pl.ds(rbase + bi * RB_DMA, RB_DMA)], lp_vm)

        @plsc.parallel_loop(0, RB_DMA * (N // 16), unroll=8)
        def _scan(q):
            jj = q // (N // 16)
            cq = lax.rem(q, N // 16)
            v = mu_vm[jj, pl.ds(cq * 16, 16)]
            lp = lp_vm[jj, pl.ds(cq * 16, 16)]
            iv = lax.iota(jnp.int32, 16) + cq * 16
            plsc.store_scatter(cv_vm, [lp], v)
            plsc.store_scatter(ci_vm, [lp], iv)

    pltpu.sync_copy(cv_vm.at[pl.ds(0, ROWS_PER_W * CB)],
                    cv_hbm.at[pl.ds(rbase * CB, ROWS_PER_W * CB)])
    pltpu.sync_copy(ci_vm.at[pl.ds(0, ROWS_PER_W * CB)],
                    ci_hbm.at[pl.ds(rbase * CB, ROWS_PER_W * CB)])


def _stage_b(mu_flat, lp_flat):
    mesh = plsc.VectorSubcoreMesh(core_axis_name="c", subcore_axis_name="s")
    f = functools.partial(
        pl.kernel,
        out_type=(
            jax.ShapeDtypeStruct((B * CB,), jnp.float32),
            jax.ShapeDtypeStruct((B * CB,), jnp.int32),
        ),
        mesh=mesh,
        compiler_params=pltpu.CompilerParams(needs_layout_passes=False),
        scratch_types=[
            pltpu.VMEM((RB_DMA, N), jnp.float32),
            pltpu.VMEM((RB_DMA, N), jnp.int32),
            pltpu.VMEM((ROWS_PER_W * CB + 16,), jnp.float32),
            pltpu.VMEM((ROWS_PER_W * CB + 16,), jnp.int32),
        ],
    )(_stage_b_body)
    return f(mu_flat, lp_flat)


def _stage_c_body(cv_ref, ci_ref, aw_ref, gi_ref):
    v = cv_ref[...][:, :C]
    ix = ci_ref[...][:, :C]
    vk = v[:, :, None]
    vj = v[:, None, :]
    ik = ix[:, :, None]
    ij = ix[:, None, :]
    smaller = (vj < vk) | ((vj == vk) & (ij < ik))
    logv = jnp.log(jnp.maximum(v, jnp.float32(1e-38)))
    smaller_f = jnp.where(smaller, jnp.float32(1.0), jnp.float32(0.0))
    slog = lax.dot_general(smaller_f, logv,
                           dimension_numbers=(((2,), (1,)), ((0,), (0,))))
    p = jnp.exp(slog)
    aw = (1.0 - v) * p
    pad = v > 1.5
    aw = jnp.where(pad, 0.0, aw)
    lanes = lax.broadcasted_iota(jnp.int32, (RB_C, C), 1)
    gi = jnp.where(pad, N + lax.rem(lanes, 16), ix)
    aw_ref[...] = aw
    gi_ref[...] = gi


def _stage_c(cv, ci):
    return pl.pallas_call(
        _stage_c_body,
        grid=(B // RB_C,),
        in_specs=[
            pl.BlockSpec((RB_C, CB), lambda i: (i, 0)),
            pl.BlockSpec((RB_C, CB), lambda i: (i, 0)),
        ],
        out_specs=[
            pl.BlockSpec((RB_C, C), lambda i: (i, 0)),
            pl.BlockSpec((RB_C, C), lambda i: (i, 0)),
        ],
        out_shape=[
            jax.ShapeDtypeStruct((B, C), jnp.float32),
            jax.ShapeDtypeStruct((B, C), jnp.int32),
        ],
    )(cv, ci)


def _stage_d_body(aw_hbm, gi_hbm, out_hbm, aw_vm, gi_vm, rb0, rb1, sem0, sem1):
    wid = lax.axis_index("s") * NC + lax.axis_index("c")
    rbase = wid * ROWS_PER_W

    pltpu.sync_copy(aw_hbm.at[pl.ds(rbase * C, ROWS_PER_W * C)], aw_vm)
    pltpu.sync_copy(gi_hbm.at[pl.ds(rbase * C, ROWS_PER_W * C)], gi_vm)

    zv = jnp.zeros((16,), jnp.float32)

    @plsc.parallel_loop(0, (N + 16) // 16, unroll=8)
    def _zfill(q):
        rb0[pl.ds(q * 16, 16)] = zv
        rb1[pl.ds(q * 16, 16)] = zv

    bufs = (rb0, rb1)
    sems = (sem0, sem1)
    for j in range(ROWS_PER_W):
        buf = bufs[j % 2]
        sem = sems[j % 2]
        if j >= 2:
            pltpu.make_async_copy(
                buf.at[pl.ds(0, N)], out_hbm.at[rbase + j - 2], sem).wait()
            for q in range(C // 16):
                g = gi_vm[pl.ds((j - 2) * C + q * 16, 16)]
                plsc.store_scatter(buf, [g], zv)
        for q in range(C // 16):
            a = aw_vm[pl.ds(j * C + q * 16, 16)]
            g = gi_vm[pl.ds(j * C + q * 16, 16)]
            plsc.store_scatter(buf, [g], a)
        pltpu.make_async_copy(
            buf.at[pl.ds(0, N)], out_hbm.at[rbase + j], sem).start()

    for j in (ROWS_PER_W - 2, ROWS_PER_W - 1):
        pltpu.make_async_copy(
            bufs[j % 2].at[pl.ds(0, N)],
            out_hbm.at[rbase + j], sems[j % 2]).wait()


def _stage_d(aw, gi):
    mesh = plsc.VectorSubcoreMesh(core_axis_name="c", subcore_axis_name="s")
    f = functools.partial(
        pl.kernel,
        out_type=jax.ShapeDtypeStruct((B, N), jnp.float32),
        mesh=mesh,
        compiler_params=pltpu.CompilerParams(needs_layout_passes=False),
        scratch_types=[
            pltpu.VMEM((ROWS_PER_W * C,), jnp.float32),
            pltpu.VMEM((ROWS_PER_W * C,), jnp.int32),
            pltpu.VMEM((N + 16,), jnp.float32),
            pltpu.VMEM((N + 16,), jnp.float32),
            pltpu.SemaphoreType.DMA,
            pltpu.SemaphoreType.DMA,
        ],
    )(_stage_d_body)
    return f(aw, gi)


def kernel(memory_usage, free_gates, write_weighting, read_weightings):
    rw_t = jnp.transpose(read_weightings, (0, 2, 1))
    mu, lp = _stage_a(memory_usage, free_gates, write_weighting, rw_t)
    cv, ci = _stage_b(mu, lp)
    aw_c, gi = _stage_c(cv.reshape(B, CB), ci.reshape(B, CB))
    allocation_weights = _stage_d(aw_c.reshape(B * C), gi.reshape(B * C))
    return (allocation_weights, mu)

# --- scband reference (transcript-rebuilt; emitter-appended) ---
"""Pipeline reference for scband-dynamic-memory-allocation-60352880444049 (READ-ONLY COPY).

The authoritative reference and input builder live on the scoring server;
editing this copy changes nothing except your own understanding.
"""

import jax, jax.numpy as jnp
import numpy as np

B = 1024
N = 4096
R = 4

def setup_inputs(seed: int = 0):
    key = jax.random.key(seed)
    k1, k2, k3, k4 = jax.random.split(key, 4)
    return {
        "memory_usage": jax.random.uniform(k1, (B, N), dtype=jnp.float32),
        "free_gates": jax.random.uniform(k2, (B, R), dtype=jnp.float32),
        "write_weighting": jax.random.uniform(k3, (B, N), dtype=jnp.float32),
        "read_weightings": jax.random.uniform(k4, (B, N, R), dtype=jnp.float32),
    }

def reference(memory_usage, free_gates, write_weighting, read_weightings):
    # update_memory_usage
    usage_write = memory_usage + write_weighting - memory_usage * write_weighting
    usage_read = jnp.prod(1.0 - read_weightings * free_gates[:, None, :], axis=2)
    mu = usage_write * usage_read
    # update_free_list (torch.detach -> stop_gradient)
    ordered_usage = jax.lax.stop_gradient(jnp.sort(mu, axis=1))
    sorted_indices = jax.lax.stop_gradient(jnp.argsort(mu, axis=1))
    # update_allocation_weights
    b, n = mu.shape
    ones = jnp.ones((b, 1), dtype=mu.dtype)
    usage_ones = jnp.concatenate([ones, ordered_usage[:, :-1]], axis=1)
    prod = jnp.cumprod(usage_ones, axis=1)
    aw_ordered = (1.0 - ordered_usage) * prod
    # unorder_tensor: scatter-overwrite into flat buffer
    add = jnp.arange(b, dtype=sorted_indices.dtype) * n
    flat_idx = (sorted_indices + add[:, None]).reshape(-1)
    flat_vals = aw_ordered.reshape(-1)
    aw_flat = jnp.zeros((b * n,), dtype=mu.dtype).at[flat_idx].set(flat_vals)
    allocation_weights = aw_flat.reshape(b, n)
    return (allocation_weights, mu)

if __name__ == "__main__":
    import jax
    _d = setup_inputs()
    print(jax.jit(kernel)(*tuple(_d.values())))

</pallas_src>

<mosaic_0001>
#map = affine_map<(d0, d1) -> (0)>
#map1 = affine_map<(d0, d1) -> (0, 0)>
module attributes {stable_mosaic.version = 14 : i64} {
  func.func @_stage_d_body(%arg0: i32, %arg1: i32, %arg2: memref<81920xf32, #tpu.memory_space<hbm>>, %arg3: memref<81920xi32, #tpu.memory_space<hbm>>, %arg4: memref<1024x4096xf32, #tpu.memory_space<hbm>>, %arg5: memref<2560xf32, #tpu.memory_space<vmem>>, %arg6: memref<2560xi32, #tpu.memory_space<vmem>>, %arg7: memref<4112xf32, #tpu.memory_space<vmem>>, %arg8: memref<4112xf32, #tpu.memory_space<vmem>>, %arg9: memref<!tpu.dma_semaphore, #tpu.memory_space<semaphore_mem>>, %arg10: memref<!tpu.dma_semaphore, #tpu.memory_space<semaphore_mem>>) attributes {dimension_semantics = [#tpu.dimension_semantics<core_parallel>, #tpu.dimension_semantics<subcore_parallel>], iteration_bounds = array<i64: 2, 16>, scalar_prefetch = 0 : i64, scratch_operands = 6 : i64, tpu.core_type = #tpu.core_type<sc_vector_subcore>, window_params = [{transform_indices = #map}, {transform_indices = #map}, {transform_indices = #map1}]} {
    %mul3A = arith.constant 2 : i32
    %mul3A_0 = arith.muli %arg1, %mul3A : i32
    %add3A = arith.addi %mul3A_0, %arg0 : i32
    %mul3A_1 = arith.constant 32 : i32
    %mul3A_2 = arith.muli %add3A, %mul3A_1 : i32
    %mul3A_3 = arith.constant 80 : i32
    %mul3A_4 = arith.muli %mul3A_2, %mul3A_3 : i32
    "tpu.region"() ({
      %run_scoped3A = tpu.sem_alloc : memref<!tpu.dma_semaphore, #tpu.memory_space<semaphore_mem>>
      %dma_start3A_1774 = tpu.memref_slice %arg2[%mul3A_4] : memref<81920xf32, #tpu.memory_space<hbm>> -> memref<2560xf32, #tpu.memory_space<hbm>>
      %dma_start3A_1775 = tpu.memref_slice %arg2[%mul3A_4] : memref<81920xf32, #tpu.memory_space<hbm>> -> memref<2560xf32, #tpu.memory_space<hbm>>
      tpu.enqueue_dma source(%dma_start3A_1775 : memref<2560xf32, #tpu.memory_space<hbm>>) target(%arg5 : memref<2560xf32, #tpu.memory_space<vmem>>) target_semaphore(%run_scoped3A : memref<!tpu.dma_semaphore, #tpu.memory_space<semaphore_mem>>)
      %dma_wait3A_1776 = tpu.memref_slice %arg2[%mul3A_4] : memref<81920xf32, #tpu.memory_space<hbm>> -> memref<2560xf32, #tpu.memory_space<hbm>>
      %dma_wait3A_1777 = tpu.memref_slice %arg2[%mul3A_4] : memref<81920xf32, #tpu.memory_space<hbm>> -> memref<2560xf32, #tpu.memory_space<hbm>>
      tpu.wait_dma2 semaphore(%run_scoped3A : memref<!tpu.dma_semaphore, #tpu.memory_space<semaphore_mem>>) src(%dma_wait3A_1777 : memref<2560xf32, #tpu.memory_space<hbm>>) dst(%arg5 : memref<2560xf32, #tpu.memory_space<vmem>>)
      tpu.yield
    }) : () -> ()
    %mul3A_5 = arith.constant 80 : i32
    %mul3A_6 = arith.muli %mul3A_2, %mul3A_5 : i32
    "tpu.region"() ({
      %run_scoped3A = tpu.sem_alloc : memref<!tpu.dma_semaphore, #tpu.memory_space<semaphore_mem>>
      %dma_start3A_1774 = tpu.memref_slice %arg3[%mul3A_6] : memref<81920xi32, #tpu.memory_space<hbm>> -> memref<2560xi32, #tpu.memory_space<hbm>>
      %dma_start3A_1775 = tpu.memref_slice %arg3[%mul3A_6] : memref<81920xi32, #tpu.memory_space<hbm>> -> memref<2560xi32, #tpu.memory_space<hbm>>
      tpu.enqueue_dma source(%dma_start3A_1775 : memref<2560xi32, #tpu.memory_space<hbm>>) target(%arg6 : memref<2560xi32, #tpu.memory_space<vmem>>) target_semaphore(%run_scoped3A : memref<!tpu.dma_semaphore, #tpu.memory_space<semaphore_mem>>)
      %dma_wait3A_1776 = tpu.memref_slice %arg3[%mul3A_6] : memref<81920xi32, #tpu.memory_space<hbm>> -> memref<2560xi32, #tpu.memory_space<hbm>>
      %dma_wait3A_1777 = tpu.memref_slice %arg3[%mul3A_6] : memref<81920xi32, #tpu.memory_space<hbm>> -> memref<2560xi32, #tpu.memory_space<hbm>>
      tpu.wait_dma2 semaphore(%run_scoped3A : memref<!tpu.dma_semaphore, #tpu.memory_space<semaphore_mem>>) src(%dma_wait3A_1777 : memref<2560xi32, #tpu.memory_space<hbm>>) dst(%arg6 : memref<2560xi32, #tpu.memory_space<vmem>>)
      tpu.yield
    }) : () -> ()
    %broadcast_in_dim3A = arith.constant 0.000000e+00 : f32
    %broadcast_in_dim3A_7 = vector.broadcast %broadcast_in_dim3A : f32 to vector<16xf32>
    %parallel_loop3A = arith.constant 0 : i32
    %parallel_loop3A_8 = arith.constant 257 : i32
    %parallel_loop3A_9 = arith.constant 1 : i32
    scf.for %parallel_loop3A_1774 = %parallel_loop3A to %parallel_loop3A_8 step %parallel_loop3A_9  : i32 {
      %parallel_loop3A_1775 = arith.constant 16 : i32
      %parallel_loop3A_1776 = arith.muli %parallel_loop3A_1774, %parallel_loop3A_1775 : i32
      %parallel_loop3A_1777 = arith.index_cast %parallel_loop3A_1776 : i32 to index
      %parallel_loop3A_1778 = tpu.vector_load %arg7[%parallel_loop3A_1777] {strides = array<i32>} : memref<4112xf32, #tpu.memory_space<vmem>>, vector<16xf32>,
      tpu.vector_store %arg7[%parallel_loop3A_1777], %broadcast_in_dim3A_7 {strides = array<i32>} : memref<4112xf32, #tpu.memory_space<vmem>>, vector<16xf32>,
      %parallel_loop3A_1779 = arith.constant 16 : i32
      %parallel_loop3A_1780 = arith.muli %parallel_loop3A_1774, %parallel_loop3A_1779 : i32
      %parallel_loop3A_1781 = arith.index_cast %parallel_loop3A_1780 : i32 to index
      %parallel_loop3A_1782 = tpu.vector_load %arg8[%parallel_loop3A_1781] {strides = array<i32>} : memref<4112xf32, #tpu.memory_space<vmem>>, vector<16xf32>,
      tpu.vector_store %arg8[%parallel_loop3A_1781], %broadcast_in_dim3A_7 {strides = array<i32>} : memref<4112xf32, #tpu.memory_space<vmem>>, vector<16xf32>,
    } {sc.loop_unroll_factor = 8 : i64, sc.parallel_access}
    %get3A = arith.constant 0 : index
    %get3A_10 = tpu.vector_load %arg5[%get3A] {strides = array<i32>} : memref<2560xf32, #tpu.memory_space<vmem>>, vector<16xf32>,
    %get3A_11 = arith.constant 0 : index
    %get3A_12 = tpu.vector_load %arg6[%get3A_11] {strides = array<i32>} : memref<2560xi32, #tpu.memory_space<vmem>>, vector<16xi32>,
    tpu.vector_store_idx %arg7[%get3A_12], %get3A_10 : memref<4112xf32, #tpu.memory_space<vmem>>[vector<16xi32>], vector<16xf32>,
    %get3A_13 = arith.constant 16 : index
    %get3A_14 = tpu.vector_load %arg5[%get3A_13] {strides = array<i32>} : memref<2560xf32, #tpu.memory_space<vmem>>, vector<16xf32>,
    %get3A_15 = arith.constant 16 : index
    %get3A_16 = tpu.vector_load %arg6[%get3A_15] {strides = array<i32>} : memref<2560xi32, #tpu.memory_space<vmem>>, vector<16xi32>,
    tpu.vector_store_idx %arg7[%get3A_16], %get3A_14 : memref<4112xf32, #tpu.memory_space<vmem>>[vector<16xi32>], vector<16xf32>,
    %get3A_17 = arith.constant 32 : index
    %get3A_18 = tpu.vector_load %arg5[%get3A_17] {strides = array<i32>} : memref<2560xf32, #tpu.memory_space<vmem>>, vector<16xf32>,
    %get3A_19 = arith.constant 32 : index
    %get3A_20 = tpu.vector_load %arg6[%get3A_19] {strides = array<i32>} : memref<2560xi32, #tpu.memory_space<vmem>>, vector<16xi32>,
    tpu.vector_store_idx %arg7[%get3A_20], %get3A_18 : memref<4112xf32, #tpu.memory_space<vmem>>[vector<16xi32>], vector<16xf32>,
    %get3A_21 = arith.constant 48 : index
    %get3A_22 = tpu.vector_load %arg5[%get3A_21] {strides = array<i32>} : memref<2560xf32, #tpu.memory_space<vmem>>, vector<16xf32>,
    %get3A_23 = arith.constant 48 : index
    %get3A_24 = tpu.vector_load %arg6[%get3A_23] {strides = array<i32>} : memref<2560xi32, #tpu.memory_space<vmem>>, vector<16xi32>,
    tpu.vector_store_idx %arg7[%get3A_24], %get3A_22 : memref<4112xf32, #tpu.memory_space<vmem>>[vector<16xi32>], vector<16xf32>,
    %get3A_25 = arith.constant 64 : index
    %get3A_26 = tpu.vector_load %arg5[%get3A_25] {strides = array<i32>} : memref<2560xf32, #tpu.memory_space<vmem>>, vector<16xf32>,
    %get3A_27 = arith.constant 64 : index
    %get3A_28 = tpu.vector_load %arg6[%get3A_27] {strides = array<i32>} : memref<2560xi32, #tpu.memory_space<vmem>>, vector<16xi32>,
    tpu.vector_store_idx %arg7[%get3A_28], %get3A_26 : memref<4112xf32, #tpu.memory_space<vmem>>[vector<16xi32>], vector<16xf32>,
    %add3A_29 = arith.constant 0 : i32
    %add3A_30 = arith.addi %mul3A_2, %add3A_29 : i32
    %dma_start3A = arith.constant 0 : i32
    %dma_start3A_31 = tpu.memref_slice %arg7[%dma_start3A] : memref<4112xf32, #tpu.memory_space<vmem>> -> memref<4096xf32, #tpu.memory_space<vmem>>
    %dma_start3A_32 = arith.constant 0 : i32
    %dma_start3A_33 = tpu.memref_slice %arg4[%add3A_30, %dma_start3A_32] : memref<1024x4096xf32, #tpu.memory_space<hbm>> -> memref<1x4096xf32, #tpu.memory_space<hbm>>
    %dma_start3A_34 = tpu.memref_squeeze %dma_start3A_33 : memref<1x4096xf32, #tpu.memory_space<hbm>> -> memref<4096xf32, #tpu.memory_space<hbm>>
    %dma_start3A_35 = arith.constant 0 : i32
    %dma_start3A_36 = tpu.memref_slice %arg4[%add3A_30, %dma_start3A_35] : memref<1024x4096xf32, #tpu.memory_space<hbm>> -> memref<1x4096xf32, #tpu.memory_space<hbm>>
    %dma_start3A_37 = tpu.memref_squeeze %dma_start3A_36 : memref<1x4096xf32, #tpu.memory_space<hbm>> -> memref<4096xf32, #tpu.memory_space<hbm>>
    %dma_start3A_38 = arith.constant 0 : i32
    %dma_start3A_39 = tpu.memref_slice %arg7[%dma_start3A_38] : memref<4112xf32, #tpu.memory_space<vmem>> -> memref<4096xf32, #tpu.memory_space<vmem>>
    tpu.enqueue_dma source(%dma_start3A_39 : memref<4096xf32, #tpu.memory_space<vmem>>) target(%dma_start3A_37 : memref<4096xf32, #tpu.memory_space<hbm>>) target_semaphore(%arg9 : memref<!tpu.dma_semaphore, #tpu.memory_space<semaphore_mem>>)
    %get3A_40 = arith.constant 80 : index
    %get3A_41 = tpu.vector_load %arg5[%get3A_40] {strides = array<i32>} : memref<2560xf32, #tpu.memory_space<vmem>>, vector<16xf32>,
    %get3A_42 = arith.constant 80 : index
    %get3A_43 = tpu.vector_load %arg6[%get3A_42] {strides = array<i32>} : memref<2560xi32, #tpu.memory_space<vmem>>, vector<16xi32>,
    tpu.vector_store_idx %arg8[%get3A_43], %get3A_41 : memref<4112xf32, #tpu.memory_space<vmem>>[vector<16xi32>], vector<16xf32>,
    %get3A_44 = arith.constant 96 : index
    %get3A_45 = tpu.vector_load %arg5[%get3A_44] {strides = array<i32>} : memref<2560xf32, #tpu.memory_space<vmem>>, vector<16xf32>,
    %get3A_46 = arith.constant 96 : index
    %get3A_47 = tpu.vector_load %arg6[%get3A_46] {strides = array<i32>} : memref<2560xi32, #tpu.memory_space<vmem>>, vector<16xi32>,
    tpu.vector_store_idx %arg8[%get3A_47], %get3A_45 : memref<4112xf32, #tpu.memory_space<vmem>>[vector<16xi32>], vector<16xf32>,
    %get3A_48 = arith.constant 112 : index
    %get3A_49 = tpu.vector_load %arg5[%get3A_48] {strides = array<i32>} : memref<2560xf32, #tpu.memory_space<vmem>>, vector<16xf32>,
    %get3A_50 = arith.constant 112 : index
    %get3A_51 = tpu.vector_load %arg6[%get3A_50] {strides = array<i32>} : memref<2560xi32, #tpu.memory_space<vmem>>, vector<16xi32>,
    tpu.vector_store_idx %arg8[%get3A_51], %get3A_49 : memref<4112xf32, #tpu.memory_space<vmem>>[vector<16xi32>], vector<16xf32>,
    %get3A_52 = arith.constant 128 : index
    %get3A_53 = tpu.vector_load %arg5[%get3A_52] {strides = array<i32>} : memref<2560xf32, #tpu.memory_space<vmem>>, vector<16xf32>,
    %get3A_54 = arith.constant 128 : index
    %get3A_55 = tpu.vector_load %arg6[%get3A_54] {strides = array<i32>} : memref<2560xi32, #tpu.memory_space<vmem>>, vector<16xi32>,
    tpu.vector_store_idx %arg8[%get3A_55], %get3A_53 : memref<4112xf32, #tpu.memory_space<vmem>>[vector<16xi32>], vector<16xf32>,
    %get3A_56 = arith.constant 144 : index
    %get3A_57 = tpu.vector_load %arg5[%get3A_56] {strides = array<i32>} : memref<2560xf32, #tpu.memory_space<vmem>>, vector<16xf32>,
    %get3A_58 = arith.constant 144 : index
    %get3A_59 = tpu.vector_load %arg6[%get3A_58] {strides = array<i32>} : memref<2560xi32, #tpu.memory_space<vmem>>, vector<16xi32>,
    tpu.vector_store_idx %arg8[%get3A_59], %get3A_57 : memref<4112xf32, #tpu.memory_space<vmem>>[vector<16xi32>], vector<16xf32>,
    %add3A_60 = arith.constant 1 : i32
    %add3A_61 = arith.addi %mul3A_2, %add3A_60 : i32
    %dma_start3A_62 = arith.constant 0 : i32
    %dma_start3A_63 = tpu.memref_slice %arg8[%dma_start3A_62] : memref<4112xf32, #tpu.memory_space<vmem>> -> memref<4096xf32, #tpu.memory_space<vmem>>
    %dma_start3A_64 = arith.constant 0 : i32
    %dma_start3A_65 = tpu.memref_slice %arg4[%add3A_61, %dma_start3A_64] : memref<1024x4096xf32, #tpu.memory_space<hbm>> -> memref<1x4096xf32, #tpu.memory_space<hbm>>
    %dma_start3A_66 = tpu.memref_squeeze %dma_start3A_65 : memref<1x4096xf32, #tpu.memory_space<hbm>> -> memref<4096xf32, #tpu.memory_space<hbm>>
    %dma_start3A_67 = arith.constant 0 : i32
    %dma_start3A_68 = tpu.memref_slice %arg4[%add3A_61, %dma_start3A_67] : memref<1024x4096xf32, #tpu.memory_space<hbm>> -> memref<1x4096xf32, #tpu.memory_space<hbm>>
    %dma_start3A_69 = tpu.memref_squeeze %dma_start3A_68 : memref<1x4096xf32, #tpu.memory_space<hbm>> -> memref<4096xf32, #tpu.memory_space<hbm>>
    %dma_start3A_70 = arith.constant 0 : i32
    %dma_start3A_71 = tpu.memref_slice %arg8[%dma_start3A_70] : memref<4112xf32, #tpu.memory_space<vmem>> -> memref<4096xf32, #tpu.memory_space<vmem>>
    tpu.enqueue_dma source(%dma_start3A_71 : memref<4096xf32, #tpu.memory_space<vmem>>) target(%dma_start3A_69 : memref<4096xf32, #tpu.memory_space<hbm>>) target_semaphore(%arg10 : memref<!tpu.dma_semaphore, #tpu.memory_space<semaphore_mem>>)
    %add3A_72 = arith.constant 2 : i32
    %add3A_73 = arith.addi %mul3A_2, %add3A_72 : i32
    %sub3A = arith.constant 2 : i32
    %sub3A_74 = arith.subi %add3A_73, %sub3A : i32
    %dma_wait3A = arith.constant 0 : i32
    %dma_wait3A_75 = tpu.memref_slice %arg7[%dma_wait3A] : memref<4112xf32, #tpu.memory_space<vmem>> -> memref<4096xf32, #tpu.memory_space<vmem>>
    %dma_wait3A_76 = arith.constant 0 : i32
    %dma_wait3A_77 = tpu.memref_slice %arg4[%sub3A_74, %dma_wait3A_76] : memref<1024x4096xf32, #tpu.memory_space<hbm>> -> memref<1x4096xf32, #tpu.memory_space<hbm>>
    %dma_wait3A_78 = tpu.memref_squeeze %dma_wait3A_77 : memref<1x4096xf32, #tpu.memory_space<hbm>> -> memref<4096xf32, #tpu.memory_space<hbm>>
    %dma_wait3A_79 = arith.constant 0 : i32
    %dma_wait3A_80 = tpu.memref_slice %arg4[%sub3A_74, %dma_wait3A_79] : memref<1024x4096xf32, #tpu.memory_space<hbm>> -> memref<1x4096xf32, #tpu.memory_space<hbm>>
    %dma_wait3A_81 = tpu.memref_squeeze %dma_wait3A_80 : memref<1x4096xf32, #tpu.memory_space<hbm>> -> memref<4096xf32, #tpu.memory_space<hbm>>
    %dma_wait3A_82 = arith.constant 0 : i32
    %dma_wait3A_83 = tpu.memref_slice %arg7[%dma_wait3A_82] : memref<4112xf32, #tpu.memory_space<vmem>> -> memref<4096xf32, #tpu.memory_space<vmem>>
    tpu.wait_dma2 semaphore(%arg9 : memref<!tpu.dma_semaphore, #tpu.memory_space<semaphore_mem>>) src(%dma_wait3A_83 : memref<4096xf32, #tpu.memory_space<vmem>>) dst(%dma_wait3A_81 : memref<4096xf32, #tpu.memory_space<hbm>>)
    %get3A_84 = arith.constant 0 : index
    %get3A_85 = tpu.vector_load %arg6[%get3A_84] {strides = array<i32>} : memref<2560xi32, #tpu.memory_space<vmem>>, vector<16xi32>,
    tpu.vector_store_idx %arg7[%get3A_85], %broadcast_in_dim3A_7 : memref<4112xf32, #tpu.memory_space<vmem>>[vector<16xi32>], vector<16xf32>,
    %get3A_86 = arith.constant 16 : index
    %get3A_87 = tpu.vector_load %arg6[%get3A_86] {strides = array<i32>} : memref<2560xi32, #tpu.memory_space<vmem>>, vector<16xi32>,
    tpu.vector_store_idx %arg7[%get3A_87], %broadcast_in_dim3A_7 : memref<4112xf32, #tpu.memory_space<vmem>>[vector<16xi32>], vector<16xf32>,
    %get3A_88 = arith.constant 32 : index
    %get3A_89 = tpu.vector_load %arg6[%get3A_88] {strides = array<i32>} : memref<2560xi32, #tpu.memory_space<vmem>>, vector<16xi32>,
    tpu.vector_store_idx %arg7[%get3A_89], %broadcast_in_dim3A_7 : memref<4112xf32, #tpu.memory_space<vmem>>[vector<16xi32>], vector<16xf32>,
    %get3A_90 = arith.constant 48 : index
    %get3A_91 = tpu.vector_load %arg6[%get3A_90] {strides = array<i32>} : memref<2560xi32, #tpu.memory_space<vmem>>, vector<16xi32>,
    tpu.vector_store_idx %arg7[%get3A_91], %broadcast_in_dim3A_7 : memref<4112xf32, #tpu.memory_space<vmem>>[vector<16xi32>], vector<16xf32>,
    %get3A_92 = arith.constant 64 : index
    %get3A_93 = tpu.vector_load %arg6[%get3A_92] {strides = array<i32>} : memref<2560xi32, #tpu.memory_space<vmem>>, vector<16xi32>,
    tpu.vector_store_idx %arg7[%get3A_93], %broadcast_in_dim3A_7 : memref<4112xf32, #tpu.memory_space<vmem>>[vector<16xi32>], vector<16xf32>,
    %get3A_94 = arith.constant 160 : index
    %get3A_95 = tpu.vector_load %arg5[%get3A_94] {strides = array<i32>} : memref<2560xf32, #tpu.memory_space<vmem>>, vector<16xf32>,
    %get3A_96 = arith.constant 160 : index
    %get3A_97 = tpu.vector_load %arg6[%get3A_96] {strides = array<i32>} : memref<2560xi32, #tpu.memory_space<vmem>>, vector<16xi32>,
    tpu.vector_store_idx %arg7[%get3A_97], %get3A_95 : memref<4112xf32, #tpu.memory_space<vmem>>[vector<16xi32>], vector<16xf32>,
    %get3A_98 = arith.constant 176 : index
    %get3A_99 = tpu.vector_load %arg5[%get3A_98] {strides = array<i32>} : memref<2560xf32, #tpu.memory_space<vmem>>, vector<16xf32>,
    %get3A_100 = arith.constant 176 : index
    %get3A_101 = tpu.vector_load %arg6[%get3A_100] {strides = array<i32>} : memref<2560xi32, #tpu.memory_space<vmem>>, vector<16xi32>,
    tpu.vector_store_idx %arg7[%get3A_101], %get3A_99 : memref<4112xf32, #tpu.memory_space<vmem>>[vector<16xi32>], vector<16xf32>,
    %get3A_102 = arith.constant 192 : index
    %get3A_103 = tpu.vector_load %arg5[%get3A_102] {strides = array<i32>} : memref<2560xf32, #tpu.memory_space<vmem>>, vector<16xf32>,
    %get3A_104 = arith.constant 192 : index
    %get3A_105 = tpu.vector_load %arg6[%get3A_104] {strides = array<i32>} : memref<2560xi32, #tpu.memory_space<vmem>>, vector<16xi32>,
    tpu.vector_store_idx %arg7[%get3A_105], %get3A_103 : memref<4112xf32, #tpu.memory_space<vmem>>[vector<16xi32>], vector<16xf32>,
    %get3A_106 = arith.constant 208 : index
    %get3A_107 = tpu.vector_load %arg5[%get3A_106] {strides = array<i32>} : memref<2560xf32, #tpu.memory_space<vmem>>, vector<16xf32>,
    %get3A_108 = arith.constant 208 : index
    %get3A_109 = tpu.vector_load %arg6[%get3A_108] {strides = array<i32>} : memref<2560xi32, #tpu.memory_space<vmem>>, vector<16xi32>,
    tpu.vector_store_idx %arg7[%get3A_109], %get3A_107 : memref<4112xf32, #tpu.memory_space<vmem>>[vector<16xi32>], vector<16xf32>,
    %get3A_110 = arith.constant 224 : index
    %get3A_111 = tpu.vector_load %arg5[%get3A_110] {strides = array<i32>} : memref<2560xf32, #tpu.memory_space<vmem>>, vector<16xf32>,
    %get3A_112 = arith.constant 224 : index
    %get3A_113 = tpu.vector_load %arg6[%get3A_112] {strides = array<i32>} : memref<2560xi32, #tpu.memory_space<vmem>>, vector<16xi32>,
    tpu.vector_store_idx %arg7[%get3A_113], %get3A_111 : memref<4112xf32, #tpu.memory_space<vmem>>[vector<16xi32>], vector<16xf32>,
    %add3A_114 = arith.constant 2 : i32
    %add3A_115 = arith.addi %mul3A_2, %add3A_114 : i32
    %dma_start3A_116 = arith.constant 0 : i32
    %dma_start3A_117 = tpu.memref_slice %arg7[%dma_start3A_116] : memref<4112xf32, #tpu.memory_space<vmem>> -> memref<4096xf32, #tpu.memory_space<vmem>>
    %dma_start3A_118 = arith.constant 0 : i32
    %dma_start3A_119 = tpu.memref_slice %arg4[%add3A_115, %dma_start3A_118] : memref<1024x4096xf32, #tpu.memory_space<hbm>> -> memref<1x4096xf32, #tpu.memory_space<hbm>>
    %dma_start3A_120 = tpu.memref_squeeze %dma_start3A_119 : memref<1x4096xf32, #tpu.memory_space<hbm>> -> memref<4096xf32, #tpu.memory_space<hbm>>
    %dma_start3A_121 = arith.constant 0 : i32
    %dma_start3A_122 = tpu.memref_slice %arg4[%add3A_115, %dma_start3A_121] : memref<1024x4096xf32, #tpu.memory_space<hbm>> -> memref<1x4096xf32, #tpu.memory_space<hbm>>
    %dma_start3A_123 = tpu.memref_squeeze %dma_start3A_122 : memref<1x4096xf32, #tpu.memory_space<hbm>> -> memref<4096xf32, #tpu.memory_space<hbm>>
    %dma_start3A_124 = arith.constant 0 : i32
    %dma_start3A_125 = tpu.memref_slice %arg7[%dma_start3A_124] : memref<4112xf32, #tpu.memory_space<vmem>> -> memref<4096xf32, #tpu.memory_space<vmem>>
    tpu.enqueue_dma source(%dma_start3A_125 : memref<4096xf32, #tpu.memory_space<vmem>>) target(%dma_start3A_123 : memref<4096xf32, #tpu.memory_space<hbm>>) target_semaphore(%arg9 : memref<!tpu.dma_semaphore, #tpu.memory_space<semaphore_mem>>)
    %add3A_126 = arith.constant 3 : i32
    %add3A_127 = arith.addi %mul3A_2, %add3A_126 : i32
    %sub3A_128 = arith.constant 2 : i32
    %sub3A_129 = arith.subi %add3A_127, %sub3A_128 : i32
    %dma_wait3A_130 = arith.constant 0 : i32
    %dma_wait3A_131 = tpu.memref_slice %arg8[%dma_wait3A_130] : memref<4112xf32, #tpu.memory_space<vmem>> -> memref<4096xf32, #tpu.memory_space<vmem>>
    %dma_wait3A_132 = arith.constant 0 : i32
    %dma_wait3A_133 = tpu.memref_slice %arg4[%sub3A_129, %dma_wait3A_132] : memref<1024x4096xf32, #tpu.memory_space<hbm>> -> memref<1x4096xf32, #tpu.memory_space<hbm>>
    %dma_wait3A_134 = tpu.memref_squeeze %dma_wait3A_133 : memref<1x4096xf32, #tpu.memory_space<hbm>> -> memref<4096xf32, #tpu.memory_space<hbm>>
    %dma_wait3A_135 = arith.constant 0 : i32
    %dma_wait3A_136 = tpu.memref_slice %arg4[%sub3A_129, %dma_wait3A_135] : memref<1024x4096xf32, #tpu.memory_space<hbm>> -> memref<1x4096xf32, #tpu.memory_space<hbm>>
    %dma_wait3A_137 = tpu.memref_squeeze %dma_wait3A_136 : memref<1x4096xf32, #tpu.memory_space<hbm>> -> memref<4096xf32, #tpu.memory_space<hbm>>
    %dma_wait3A_138 = arith.constant 0 : i32
    %dma_wait3A_139 = tpu.memref_slice %arg8[%dma_wait3A_138] : memref<4112xf32, #tpu.memory_space<vmem>> -> memref<4096xf32, #tpu.memory_space<vmem>>
    tpu.wait_dma2 semaphore(%arg10 : memref<!tpu.dma_semaphore, #tpu.memory_space<semaphore_mem>>) src(%dma_wait3A_139 : memref<4096xf32, #tpu.memory_space<vmem>>) dst(%dma_wait3A_137 : memref<4096xf32, #tpu.memory_space<hbm>>)
    %get3A_140 = arith.constant 80 : index
    %get3A_141 = tpu.vector_load %arg6[%get3A_140] {strides = array<i32>} : memref<2560xi32, #tpu.memory_space<vmem>>, vector<16xi32>,
    tpu.vector_store_idx %arg8[%get3A_141], %broadcast_in_dim3A_7 : memref<4112xf32, #tpu.memory_space<vmem>>[vector<16xi32>], vector<16xf32>,
    %get3A_142 = arith.constant 96 : index
    %get3A_143 = tpu.vector_load %arg6[%get3A_142] {strides = array<i32>} : memref<2560xi32, #tpu.memory_space<vmem>>, vector<16xi32>,
    tpu.vector_store_idx %arg8[%get3A_143], %broadcast_in_dim3A_7 : memref<4112xf32, #tpu.memory_space<vmem>>[vector<16xi32>], vector<16xf32>,
    %get3A_144 = arith.constant 112 : index
    %get3A_145 = tpu.vector_load %arg6[%get3A_144] {strides = array<i32>} : memref<2560xi32, #tpu.memory_space<vmem>>, vector<16xi32>,
    tpu.vector_store_idx %arg8[%get3A_145], %broadcast_in_dim3A_7 : memref<4112xf32, #tpu.memory_space<vmem>>[vector<16xi32>], vector<16xf32>,
    %get3A_146 = arith.constant 128 : index
    %get3A_147 = tpu.vector_load %arg6[%get3A_146] {strides = array<i32>} : memref<2560xi32, #tpu.memory_space<vmem>>, vector<16xi32>,
    tpu.vector_store_idx %arg8[%get3A_147], %broadcast_in_dim3A_7 : memref<4112xf32, #tpu.memory_space<vmem>>[vector<16xi32>], vector<16xf32>,
    %get3A_148 = arith.constant 144 : index
    %get3A_149 = tpu.vector_load %arg6[%get3A_148] {strides = array<i32>} : memref<2560xi32, #tpu.memory_space<vmem>>, vector<16xi32>,
    tpu.vector_store_idx %arg8[%get3A_149], %broadcast_in_dim3A_7 : memref<4112xf32, #tpu.memory_space<vmem>>[vector<16xi32>], vector<16xf32>,
    %get3A_150 = arith.constant 240 : index
    %get3A_151 = tpu.vector_load %arg5[%get3A_150] {strides = array<i32>} : memref<2560xf32, #tpu.memory_space<vmem>>, vector<16xf32>,
    %get3A_152 = arith.constant 240 : index
    %get3A_153 = tpu.vector_load %arg6[%get3A_152] {strides = array<i32>} : memref<2560xi32, #tpu.memory_space<vmem>>, vector<16xi32>,
    tpu.vector_store_idx %arg8[%get3A_153], %get3A_151 : memref<4112xf32, #tpu.memory_space<vmem>>[vector<16xi32>], vector<16xf32>,
    %get3A_154 = arith.constant 256 : index
    %get3A_155 = tpu.vector_load %arg5[%get3A_154] {strides = array<i32>} : memref<2560xf32, #tpu.memory_space<vmem>>, vector<16xf32>,
    %get3A_156 = arith.constant 256 : index
    %get3A_157 = tpu.vector_load %arg6[%get3A_156] {strides = array<i32>} : memref<2560xi32, #tpu.memory_space<vmem>>, vector<16xi32>,
    tpu.vector_store_idx %arg8[%get3A_157], %get3A_155 : memref<4112xf32, #tpu.memory_space<vmem>>[vector<16xi32>], vector<16xf32>,
    %get3A_158 = arith.constant 272 : index
    %get3A_159 = tpu.vector_load %arg5[%get3A_158] {strides = array<i32>} : memref<2560xf32, #tpu.memory_space<vmem>>, vector<16xf32>,
    %get3A_160 = arith.constant 272 : index
    %get3A_161 = tpu.vector_load %arg6[%get3A_160] {strides = array<i32>} : memref<2560xi32, #tpu.memory_space<vmem>>, vector<16xi32>,
    tpu.vector_store_idx %arg8[%get3A_161], %get3A_159 : memref<4112xf32, #tpu.memory_space<vmem>>[vector<16xi32>], vector<16xf32>,
    %get3A_162 = arith.constant 288 : index
    %get3A_163 = tpu.vector_load %arg5[%get3A_162] {strides = array<i32>} : memref<2560xf32, #tpu.memory_space<vmem>>, vector<16xf32>,
    %get3A_164 = arith.constant 288 : index
    %get3A_165 = tpu.vector_load %arg6[%get3A_164] {strides = array<i32>} : memref<2560xi32, #tpu.memory_space<vmem>>, vector<16xi32>,
    tpu.vector_store_idx %arg8[%get3A_165], %get3A_163 : memref<4112xf32, #tpu.memory_space<vmem>>[vector<16xi32>], vector<16xf32>,
    %get3A_166 = arith.constant 304 : index
    %get3A_167 = tpu.vector_load %arg5[%get3A_166] {strides = array<i32>} : memref<2560xf32, #tpu.memory_space<vmem>>, vector<16xf32>,
    %get3A_168 = arith.constant 304 : index
    %get3A_169 = tpu.vector_load %arg6[%get3A_168] {strides = array<i32>} : memref<2560xi32, #tpu.memory_space<vmem>>, vector<16xi32>,
    tpu.vector_store_idx %arg8[%get3A_169], %get3A_167 : memref<4112xf32, #tpu.memory_space<vmem>>[vector<16xi32>], vector<16xf32>,
    %add3A_170 = arith.constant 3 : i32
    %add3A_171 = arith.addi %mul3A_2, %add3A_170 : i32
    %dma_start3A_172 = arith.constant 0 : i32
    %dma_start3A_173 = tpu.memref_slice %arg8[%dma_start3A_172] : memref<4112xf32, #tpu.memory_space<vmem>> -> memref<4096xf32, #tpu.memory_space<vmem>>
    %dma_start3A_174 = arith.constant 0 : i32
    %dma_start3A_175 = tpu.memref_slice %arg4[%add3A_171, %dma_start3A_174] : memref<1024x4096xf32, #tpu.memory_space<hbm>> -> memref<1x4096xf32, #tpu.memory_space<hbm>>
    %dma_start3A_176 = tpu.memref_squeeze %dma_start3A_175 : memref<1x4096xf32, #tpu.memory_space<hbm>> -> memref<4096xf32, #tpu.memory_space<hbm>>
    %dma_start3A_177 = arith.constant 0 : i32
    %dma_start3A_178 = tpu.memref_slice %arg4[%add3A_171, %dma_start3A_177] : memref<1024x4096xf32, #tpu.memory_space<hbm>> -> memref<1x4096xf32, #tpu.memory_space<hbm>>
    %dma_start3A_179 = tpu.memref_squeeze %dma_start3A_178 : memref<1x4096xf32, #tpu.memory_space<hbm>> -> memref<4096xf32, #tpu.memory_space<hbm>>
    %dma_start3A_180 = arith.constant 0 : i32
    %dma_start3A_181 = tpu.memref_slice %arg8[%dma_start3A_180] : memref<4112xf32, #tpu.memory_space<vmem>> -> memref<4096xf32, #tpu.memory_space<vmem>>
    tpu.enqueue_dma source(%dma_start3A_181 : memref<4096xf32, #tpu.memory_space<vmem>>) target(%dma_start3A_179 : memref<4096xf32, #tpu.memory_space<hbm>>) target_semaphore(%arg10 : memref<!tpu.dma_semaphore, #tpu.memory_space<semaphore_mem>>)
    %add3A_182 = arith.constant 4 : i32
    %add3A_183 = arith.addi %mul3A_2, %add3A_182 : i32
    %sub3A_184 = arith.constant 2 : i32
    %sub3A_185 = arith.subi %add3A_183, %sub3A_184 : i32
    %dma_wait3A_186 = arith.constant 0 : i32
    %dma_wait3A_187 = tpu.memref_slice %arg7[%dma_wait3A_186] : memref<4112xf32, #tpu.memory_space<vmem>> -> memref<4096xf32, #tpu.memory_space<vmem>>
    %dma_wait3A_188 = arith.constant 0 : i32
    %dma_wait3A_189 = tpu.memref_slice %arg4[%sub3A_185, %dma_wait3A_188] : memref<1024x4096xf32, #tpu.memory_space<hbm>> -> memref<1x4096xf32, #tpu.memory_space<hbm>>
    %dma_wait3A_190 = tpu.memref_squeeze %dma_wait3A_189 : memref<1x4096xf32, #tpu.memory_space<hbm>> -> memref<4096xf32, #tpu.memory_space<hbm>>
    %dma_wait3A_191 = arith.constant 0 : i32
    %dma_wait3A_192 = tpu.memref_slice %arg4[%sub3A_185, %dma_wait3A_191] : memref<1024x4096xf32, #tpu.memory_space<hbm>> -> memref<1x4096xf32, #tpu.memory_space<hbm>>
    %dma_wait3A_193 = tpu.memref_squeeze %dma_wait3A_192 : memref<1x4096xf32, #tpu.memory_space<hbm>> -> memref<4096xf32, #tpu.memory_space<hbm>>
    %dma_wait3A_194 = arith.constant 0 : i32
    %dma_wait3A_195 = tpu.memref_slice %arg7[%dma_wait3A_194] : memref<4112xf32, #tpu.memory_space<vmem>> -> memref<4096xf32, #tpu.memory_space<vmem>>
    tpu.wait_dma2 semaphore(%arg9 : memref<!tpu.dma_semaphore, #tpu.memory_space<semaphore_mem>>) src(%dma_wait3A_195 : memref<4096xf32, #tpu.memory_space<vmem>>) dst(%dma_wait3A_193 : memref<4096xf32, #tpu.memory_space<hbm>>)
    %get3A_196 = arith.constant 160 : index
    %get3A_197 = tpu.vector_load %arg6[%get3A_196] {strides = array<i32>} : memref<2560xi32, #tpu.memory_space<vmem>>, vector<16xi32>,
    tpu.vector_store_idx %arg7[%get3A_197], %broadcast_in_dim3A_7 : memref<4112xf32, #tpu.memory_space<vmem>>[vector<16xi32>], vector<16xf32>,
    %get3A_198 = arith.constant 176 : index
    %get3A_199 = tpu.vector_load %arg6[%get3A_198] {strides = array<i32>} : memref<2560xi32, #tpu.memory_space<vmem>>, vector<16xi32>,
    tpu.vector_store_idx %arg7[%get3A_199], %broadcast_in_dim3A_7 : memref<4112xf32, #tpu.memory_space<vmem>>[vector<16xi32>], vector<16xf32>,
    %get3A_200 = arith.constant 192 : index
    %get3A_201 = tpu.vector_load %arg6[%get3A_200] {strides = array<i32>} : memref<2560xi32, #tpu.memory_space<vmem>>, vector<16xi32>,
    tpu.vector_store_idx %arg7[%get3A_201], %broadcast_in_dim3A_7 : memref<4112xf32, #tpu.memory_space<vmem>>[vector<16xi32>], vector<16xf32>,
    %get3A_202 = arith.constant 208 : index
    %get3A_203 = tpu.vector_load %arg6[%get3A_202] {strides = array<i32>} : memref<2560xi32, #tpu.memory_space<vmem>>, vector<16xi32>,
    tpu.vector_store_idx %arg7[%get3A_203], %broadcast_in_dim3A_7 : memref<4112xf32, #tpu.memory_space<vmem>>[vector<16xi32>], vector<16xf32>,
    %get3A_204 = arith.constant 224 : index
    %get3A_205 = tpu.vector_load %arg6[%get3A_204] {strides = array<i32>} : memref<2560xi32, #tpu.memory_space<vmem>>, vector<16xi32>,
    tpu.vector_store_idx %arg7[%get3A_205], %broadcast_in_dim3A_7 : memref<4112xf32, #tpu.memory_space<vmem>>[vector<16xi32>], vector<16xf32>,
    %get3A_206 = arith.constant 320 : index
    %get3A_207 = tpu.vector_load %arg5[%get3A_206] {strides = array<i32>} : memref<2560xf32, #tpu.memory_space<vmem>>, vector<16xf32>,
    %get3A_208 = arith.constant 320 : index
    %get3A_209 = tpu.vector_load %arg6[%get3A_208] {strides = array<i32>} : memref<2560xi32, #tpu.memory_space<vmem>>, vector<16xi32>,
    tpu.vector_store_idx %arg7[%get3A_209], %get3A_207 : memref<4112xf32, #tpu.memory_space<vmem>>[vector<16xi32>], vector<16xf32>,
    %get3A_210 = arith.constant 336 : index
    %get3A_211 = tpu.vector_load %arg5[%get3A_210] {strides = array<i32>} : memref<2560xf32, #tpu.memory_space<vmem>>, vector<16xf32>,
    %get3A_212 = arith.constant 336 : index
    %get3A_213 = tpu.vector_load %arg6[%get3A_212] {strides = array<i32>} : memref<2560xi32, #tpu.memory_space<vmem>>, vector<16xi32>,
    tpu.vector_store_idx %arg7[%get3A_213], %get3A_211 : memref<4112xf32, #tpu.memory_space<vmem>>[vector<16xi32>], vector<16xf32>,
    %get3A_214 = arith.constant 352 : index
    %get3A_215 = tpu.vector_load %arg5[%get3A_214] {strides = array<i32>} : memref<2560xf32, #tpu.memory_space<vmem>>, vector<16xf32>,
    %get3A_216 = arith.constant 352 : index
    %get3A_217 = tpu.vector_load %arg6[%get3A_216] {strides = array<i32>} : memref<2560xi32, #tpu.memory_space<vmem>>, vector<16xi32>,
    tpu.vector_store_idx %arg7[%get3A_217], %get3A_215 : memref<4112xf32, #tpu.memory_space<vmem>>[vector<16xi32>], vector<16xf32>,
    %get3A_218 = arith.constant 368 : index
    %get3A_219 = tpu.vector_load %arg5[%get3A_218] {strides = array<i32>} : memref<2560xf32, #tpu.memory_space<vmem>>, vector<16xf32>,
    %get3A_220 = arith.constant 368 : index
    %get3A_221 = tpu.vector_load %arg6[%get3A_220] {strides = array<i32>} : memref<2560xi32, #tpu.memory_space<vmem>>, vector<16xi32>,
    tpu.vector_store_idx %arg7[%get3A_221], %get3A_219 : memref<4112xf32, #tpu.memory_space<vmem>>[vector<16xi32>], vector<16xf32>,
    %get3A_222 = arith.constant 384 : index
    %get3A_223 = tpu.vector_load %arg5[%get3A_222] {strides = array<i32>} : memref<2560xf32, #tpu.memory_space<vmem>>, vector<16xf32>,
    %get3A_224 = arith.constant 384 : index
    %get3A_225 = tpu.vector_load %arg6[%get3A_224] {strides = array<i32>} : memref<2560xi32, #tpu.memory_space<vmem>>, vector<16xi32>,
    tpu.vector_store_idx %arg7[%get3A_225], %get3A_223 : memref<4112xf32, #tpu.memory_space<vmem>>[vector<16xi32>], vector<16xf32>,
    %add3A_226 = arith.constant 4 : i32
    %add3A_227 = arith.addi %mul3A_2, %add3A_226 : i32
    %dma_start3A_228 = arith.constant 0 : i32
    %dma_start3A_229 = tpu.memref_slice %arg7[%dma_start3A_228] : memref<4112xf32, #tpu.memory_space<vmem>> -> memref<4096xf32, #tpu.memory_space<vmem>>
    %dma_start3A_230 = arith.constant 0 : i32
    %dma_start3A_231 = tpu.memref_slice %arg4[%add3A_227, %dma_start3A_230] : memref<1024x4096xf32, #tpu.memory_space<hbm>> -> memref<1x4096xf32, #tpu.memory_space<hbm>>
    %dma_start3A_232 = tpu.memref_squeeze %dma_start3A_231 : memref<1x4096xf32, #tpu.memory_space<hbm>> -> memref<4096xf32, #tpu.memory_space<hbm>>
    %dma_start3A_233 = arith.constant 0 : i32
    %dma_start3A_234 = tpu.memref_slice %arg4[%add3A_227, %dma_start3A_233] : memref<1024x4096xf32, #tpu.memory_space<hbm>> -> memref<1x4096xf32, #tpu.memory_space<hbm>>
    %dma_start3A_235 = tpu.memref_squeeze %dma_start3A_234 : memref<1x4096xf32, #tpu.memory_space<hbm>> -> memref<4096xf32, #tpu.memory_space<hbm>>
    %dma_start3A_236 = arith.constant 0 : i32
    %dma_start3A_237 = tpu.memref_slice %arg7[%dma_start3A_236] : memref<4112xf32, #tpu.memory_space<vmem>> -> memref<4096xf32, #tpu.memory_space<vmem>>
    tpu.enqueue_dma source(%dma_start3A_237 : memref<4096xf32, #tpu.memory_space<vmem>>) target(%dma_start3A_235 : memref<4096xf32, #tpu.memory_space<hbm>>) target_semaphore(%arg9 : memref<!tpu.dma_semaphore, #tpu.memory_space<semaphore_mem>>)
    %add3A_238 = arith.constant 5 : i32
    %add3A_239 = arith.addi %mul3A_2, %add3A_238 : i32
    %sub3A_240 = arith.constant 2 : i32
    %sub3A_241 = arith.subi %add3A_239, %sub3A_240 : i32
    %dma_wait3A_242 = arith.constant 0 : i32
    %dma_wait3A_243 = tpu.memref_slice %arg8[%dma_wait3A_242] : memref<4112xf32, #tpu.memory_space<vmem>> -> memref<4096xf32, #tpu.memory_space<vmem>>
    %dma_wait3A_244 = arith.constant 0 : i32
    %dma_wait3A_245 = tpu.memref_slice %arg4[%sub3A_241, %dma_wait3A_244] : memref<1024x4096xf32, #tpu.memory_space<hbm>> -> memref<1x4096xf32, #tpu.memory_space<hbm>>
    %dma_wait3A_246 = tpu.memref_squeeze %dma_wait3A_245 : memref<1x4096xf32, #tpu.memory_space<hbm>> -> memref<4096xf32, #tpu.memory_space<hbm>>
    %dma_wait3A_247 = arith.constant 0 : i32
    %dma_wait3A_248 = tpu.memref_slice %arg4[%sub3A_241, %dma_wait3A_247] : memref<1024x4096xf32, #tpu.memory_space<hbm>> -> memref<1x4096xf32, #tpu.memory_space<hbm>>
    %dma_wait3A_249 = tpu.memref_squeeze %dma_wait3A_248 : memref<1x4096xf32, #tpu.memory_space<hbm>> -> memref<4096xf32, #tpu.memory_space<hbm>>
    %dma_wait3A_250 = arith.constant 0 : i32
    %dma_wait3A_251 = tpu.memref_slice %arg8[%dma_wait3A_250] : memref<4112xf32, #tpu.memory_space<vmem>> -> memref<4096xf32, #tpu.memory_space<vmem>>
    tpu.wait_dma2 semaphore(%arg10 : memref<!tpu.dma_semaphore, #tpu.memory_space<semaphore_mem>>) src(%dma_wait3A_251 : memref<4096xf32, #tpu.memory_space<vmem>>) dst(%dma_wait3A_249 : memref<4096xf32, #tpu.memory_space<hbm>>)
    %get3A_252 = arith.constant 240 : index
    %get3A_253 = tpu.vector_load %arg6[%get3A_252] {strides = array<i32>} : memref<2560xi32, #tpu.memory_space<vmem>>, vector<16xi32>,
    tpu.vector_store_idx %arg8[%get3A_253], %broadcast_in_dim3A_7 : memref<4112xf32, #tpu.memory_space<vmem>>[vector<16xi32>], vector<16xf32>,
    %get3A_254 = arith.constant 256 : index
    %get3A_255 = tpu.vector_load %arg6[%get3A_254] {strides = array<i32>} : memref<2560xi32, #tpu.memory_space<vmem>>, vector<16xi32>,
    tpu.vector_store_idx %arg8[%get3A_255], %broadcast_in_dim3A_7 : memref<4112xf32, #tpu.memory_space<vmem>>[vector<16xi32>], vector<16xf32>,
    %get3A_256 = arith.constant 272 : index
    %get3A_257 = tpu.vector_load %arg6[%get3A_256] {strides = array<i32>} : memref<2560xi32, #tpu.memory_space<vmem>>, vector<16xi32>,
    tpu.vector_store_idx %arg8[%get3A_257], %broadcast_in_dim3A_7 : memref<4112xf32, #tpu.memory_space<vmem>>[vector<16xi32>], vector<16xf32>,
    %get3A_258 = arith.constant 288 : index
    %get3A_259 = tpu.vector_load %arg6[%get3A_258] {strides = array<i32>} : memref<2560xi32, #tpu.memory_space<vmem>>, vector<16xi32>,
    tpu.vector_store_idx %arg8[%get3A_259], %broadcast_in_dim3A_7 : memref<4112xf32, #tpu.memory_space<vmem>>[vector<16xi32>], vector<16xf32>,
    %get3A_260 = arith.constant 304 : index
    %get3A_261 = tpu.vector_load %arg6[%get3A_260] {strides = array<i32>} : memref<2560xi32, #tpu.memory_space<vmem>>, vector<16xi32>,
    tpu.vector_store_idx %arg8[%get3A_261], %broadcast_in_dim3A_7 : memref<4112xf32, #tpu.memory_space<vmem>>[vector<16xi32>], vector<16xf32>,
    %get3A_262 = arith.constant 400 : index
    %get3A_263 = tpu.vector_load %arg5[%get3A_262] {strides = array<i32>} : memref<2560xf32, #tpu.memory_space<vmem>>, vector<16xf32>,
    %get3A_264 = arith.constant 400 : index
    %get3A_265 = tpu.vector_load %arg6[%get3A_264] {strides = array<i32>} : memref<2560xi32, #tpu.memory_space<vmem>>, vector<16xi32>,
    tpu.vector_store_idx %arg8[%get3A_265], %get3A_263 : memref<4112xf32, #tpu.memory_space<vmem>>[vector<16xi32>], vector<16xf32>,
    %get3A_266 = arith.constant 416 : index
    %get3A_267 = tpu.vector_load %arg5[%get3A_266] {strides = array<i32>} : memref<2560xf32, #tpu.memory_space<vmem>>, vector<16xf32>,
    %get3A_268 = arith.constant 416 : index
    %get3A_269 = tpu.vector_load %arg6[%get3A_268] {strides = array<i32>} : memref<2560xi32, #tpu.memory_space<vmem>>, vector<16xi32>,
    tpu.vector_store_idx %arg8[%get3A_269], %get3A_267 : memref<4112xf32, #tpu.memory_space<vmem>>[vector<16xi32>], vector<16xf32>,
    %get3A_270 = arith.constant 432 : index
    %get3A_271 = tpu.vector_load %arg5[%get3A_270] {strides = array<i32>} : memref<2560xf32, #tpu.memory_space<vmem>>, vector<16xf32>,
    %get3A_272 = arith.constant 432 : index
    %get3A_273 = tpu.vector_load %arg6[%get3A_272] {strides = array<i32>} : memref<2560xi32, #tpu.memory_space<vmem>>, vector<16xi32>,
    tpu.vector_store_idx %arg8[%get3A_273], %get3A_271 : memref<4112xf32, #tpu.memory_space<vmem>>[vector<16xi32>], vector<16xf32>,
    %get3A_274 = arith.constant 448 : index
    %get3A_275 = tpu.vector_load %arg5[%get3A_274] {strides = array<i32>} : memref<2560xf32, #tpu.memory_space<vmem>>, vector<16xf32>,
    %get3A_276 = arith.constant 448 : index
    %get3A_277 = tpu.vector_load %arg6[%get3A_276] {strides = array<i32>} : memref<2560xi32, #tpu.memory_space<vmem>>, vector<16xi32>,
    tpu.vector_store_idx %arg8[%get3A_277], %get3A_275 : memref<4112xf32, #tpu.memory_space<vmem>>[vector<16xi32>], vector<16xf32>,
    %get3A_278 = arith.constant 464 : index
    %get3A_279 = tpu.vector_load %arg5[%get3A_278] {strides = array<i32>} : memref<2560xf32, #tpu.memory_space<vmem>>, vector<16xf32>,
    %get3A_280 = arith.constant 464 : index
    %get3A_281 = tpu.vector_load %arg6[%get3A_280] {strides = array<i32>} : memref<2560xi32, #tpu.memory_space<vmem>>, vector<16xi32>,
    tpu.vector_store_idx %arg8[%get3A_281], %get3A_279 : memref<4112xf32, #tpu.memory_space<vmem>>[vector<16xi32>], vector<16xf32>,
    %add3A_282 = arith.constant 5 : i32
    %add3A_283 = arith.addi %mul3A_2, %add3A_282 : i32
    %dma_start3A_284 = arith.constant 0 : i32
    %dma_start3A_285 = tpu.memref_slice %arg8[%dma_start3A_284] : memref<4112xf32, #tpu.memory_space<vmem>> -> memref<4096xf32, #tpu.memory_space<vmem>>
    %dma_start3A_286 = arith.constant 0 : i32
    %dma_start3A_287 = tpu.memref_slice %arg4[%add3A_283, %dma_start3A_286] : memref<1024x4096xf32, #tpu.memory_space<hbm>> -> memref<1x4096xf32, #tpu.memory_space<hbm>>
    %dma_start3A_288 = tpu.memref_squeeze %dma_start3A_287 : memref<1x4096xf32, #tpu.memory_space<hbm>> -> memref<4096xf32, #tpu.memory_space<hbm>>
    %dma_start3A_289 = arith.constant 0 : i32
    %dma_start3A_290 = tpu.memref_slice %arg4[%add3A_283, %dma_start3A_289] : memref<1024x4096xf32, #tpu.memory_space<hbm>> -> memref<1x4096xf32, #tpu.memory_space<hbm>>
    %dma_start3A_291 = tpu.memref_squeeze %dma_start3A_290 : memref<1x4096xf32, #tpu.memory_space<hbm>> -> memref<4096xf32, #tpu.memory_space<hbm>>
    %dma_start3A_292 = arith.constant 0 : i32
    %dma_start3A_293 = tpu.memref_slice %arg8[%dma_start3A_292] : memref<4112xf32, #tpu.memory_space<vmem>> -> memref<4096xf32, #tpu.memory_space<vmem>>
    tpu.enqueue_dma source(%dma_start3A_293 : memref<4096xf32, #tpu.memory_space<vmem>>) target(%dma_start3A_291 : memref<4096xf32, #tpu.memory_space<hbm>>) target_semaphore(%arg10 : memref<!tpu.dma_semaphore, #tpu.memory_space<semaphore_mem>>)
    %add3A_294 = arith.constant 6 : i32
    %add3A_295 = arith.addi %mul3A_2, %add3A_294 : i32
    %sub3A_296 = arith.constant 2 : i32
    %sub3A_297 = arith.subi %add3A_295, %sub3A_296 : i32
    %dma_wait3A_298 = arith.constant 0 : i32
    %dma_wait3A_299 = tpu.memref_slice %arg7[%dma_wait3A_298] : memref<4112xf32, #tpu.memory_space<vmem>> -> memref<4096xf32, #tpu.memory_space<vmem>>
    %dma_wait3A_300 = arith.constant 0 : i32
    %dma_wait3A_301 = tpu.memref_slice %arg4[%sub3A_297, %dma_wait3A_300] : memref<1024x4096xf32, #tpu.memory_space<hbm>> -> memref<1x4096xf32, #tpu.memory_space<hbm>>
    %dma_wait3A_302 = tpu.memref_squeeze %dma_wait3A_301 : memref<1x4096xf32, #tpu.memory_space<hbm>> -> memref<4096xf32, #tpu.memory_space<hbm>>
    %dma_wait3A_303 = arith.constant 0 : i32
    %dma_wait3A_304 = tpu.memref_slice %arg4[%sub3A_297, %dma_wait3A_303] : memref<1024x4096xf32, #tpu.memory_space<hbm>> -> memref<1x4096xf32, #tpu.memory_space<hbm>>
    %dma_wait3A_305 = tpu.memref_squeeze %dma_wait3A_304 : memref<1x4096xf32, #tpu.memory_space<hbm>> -> memref<4096xf32, #tpu.memory_space<hbm>>
    %dma_wait3A_306 = arith.constant 0 : i32
    %dma_wait3A_307 = tpu.memref_slice %arg7[%dma_wait3A_306] : memref<4112xf32, #tpu.memory_space<vmem>> -> memref<4096xf32, #tpu.memory_space<vmem>>
    tpu.wait_dma2 semaphore(%arg9 : memref<!tpu.dma_semaphore, #tpu.memory_space<semaphore_mem>>) src(%dma_wait3A_307 : memref<4096xf32, #tpu.memory_space<vmem>>) dst(%dma_wait3A_305 : memref<4096xf32, #tpu.memory_space<hbm>>)
    %get3A_308 = arith.constant 320 : index
    %get3A_309 = tpu.vector_load %arg6[%get3A_308] {strides = array<i32>} : memref<2560xi32, #tpu.memory_space<vmem>>, vector<16xi32>,
    tpu.vector_store_idx %arg7[%get3A_309], %broadcast_in_dim3A_7 : memref<4112xf32, #tpu.memory_space<vmem>>[vector<16xi32>], vector<16xf32>,
    %get3A_310 = arith.constant 336 : index
    %get3A_311 = tpu.vector_load %arg6[%get3A_310] {strides = array<i32>} : memref<2560xi32, #tpu.memory_space<vmem>>, vector<16xi32>,
    tpu.vector_store_idx %arg7[%get3A_311], %broadcast_in_dim3A_7 : memref<4112xf32, #tpu.memory_space<vmem>>[vector<16xi32>], vector<16xf32>,
    %get3A_312 = arith.constant 352 : index
    %get3A_313 = tpu.vector_load %arg6[%get3A_312] {strides = array<i32>} : memref<2560xi32, #tpu.memory_space<vmem>>, vector<16xi32>,
    tpu.vector_store_idx %arg7[%get3A_313], %broadcast_in_dim3A_7 : memref<4112xf32, #tpu.memory_space<vmem>>[vector<16xi32>], vector<16xf32>,
    %get3A_314 = arith.constant 368 : index
    %get3A_315 = tpu.vector_load %arg6[%get3A_314] {strides = array<i32>} : memref<2560xi32, #tpu.memory_space<vmem>>, vector<16xi32>,
    tpu.vector_store_idx %arg7[%get3A_315], %broadcast_in_dim3A_7 : memref<4112xf32, #tpu.memory_space<vmem>>[vector<16xi32>], vector<16xf32>,
    %get3A_316 = arith.constant 384 : index
    %get3A_317 = tpu.vector_load %arg6[%get3A_316] {strides = array<i32>} : memref<2560xi32, #tpu.memory_space<vmem>>, vector<16xi32>,
    tpu.vector_store_idx %arg7[%get3A_317], %broadcast_in_dim3A_7 : memref<4112xf32, #tpu.memory_space<vmem>>[vector<16xi32>], vector<16xf32>,
    %get3A_318 = arith.constant 480 : index
    %get3A_319 = tpu.vector_load %arg5[%get3A_318] {strides = array<i32>} : memref<2560xf32, #tpu.memory_space<vmem>>, vector<16xf32>,
    %get3A_320 = arith.constant 480 : index
    %get3A_321 = tpu.vector_load %arg6[%get3A_320] {strides = array<i32>} : memref<2560xi32, #tpu.memory_space<vmem>>, vector<16xi32>,
    tpu.vector_store_idx %arg7[%get3A_321], %get3A_319 : memref<4112xf32, #tpu.memory_space<vmem>>[vector<16xi32>], vector<16xf32>,
    %get3A_322 = arith.constant 496 : index
    %get3A_323 = tpu.vector_load %arg5[%get3A_322] {strides = array<i32>} : memref<2560xf32, #tpu.memory_space<vmem>>, vector<16xf32>,
    %get3A_324 = arith.constant 496 : index
    %get3A_325 = tpu.vector_load %arg6[%get3A_324] {strides = array<i32>} : memref<2560xi32, #tpu.memory_space<vmem>>, vector<16xi32>,
    tpu.vector_store_idx %arg7[%get3A_325], %get3A_323 : memref<4112xf32, #tpu.memory_space<vmem>>[vector<16xi32>], vector<16xf32>,
    %get3A_326 = arith.constant 512 : index
    %get3A_327 = tpu.vector_load %arg5[%get3A_326] {strides = array<i32>} : memref<2560xf32, #tpu.memory_space<vmem>>, vector<16xf32>,
    %get3A_328 = arith.constant 512 : index
    %get3A_329 = tpu.vector_load %arg6[%get3A_328] {strides = array<i32>} : memref<2560xi32, #tpu.memory_space<vmem>>, vector<16xi32>,
    tpu.vector_store_idx %arg7[%get3A_329], %get3A_327 : memref<4112xf32, #tpu.memory_space<vmem>>[vector<16xi32>], vector<16xf32>,
    %get3A_330 = arith.constant 528 : index
    %get3A_331 = tpu.vector_load %arg5[%get3A_330] {strides = array<i32>} : memref<2560xf32, #tpu.memory_space<vmem>>, vector<16xf32>,
    %get3A_332 = arith.constant 528 : index
    %get3A_333 = tpu.vector_load %arg6[%get3A_332] {strides = array<i32>} : memref<2560xi32, #tpu.memory_space<vmem>>, vector<16xi32>,
    tpu.vector_store_idx %arg7[%get3A_333], %get3A_331 : memref<4112xf32, #tpu.memory_space<vmem>>[vector<16xi32>], vector<16xf32>,
    %get3A_334 = arith.constant 544 : index
    %get3A_335 = tpu.vector_load %arg5[%get3A_334] {strides = array<i32>} : memref<2560xf32, #tpu.memory_space<vmem>>, vector<16xf32>,
    %get3A_336 = arith.constant 544 : index
    %get3A_337 = tpu.vector_load %arg6[%get3A_336] {strides = array<i32>} : memref<2560xi32, #tpu.memory_space<vmem>>, vector<16xi32>,
    tpu.vector_store_idx %arg7[%get3A_337], %get3A_335 : memref<4112xf32, #tpu.memory_space<vmem>>[vector<16xi32>], vector<16xf32>,
    %add3A_338 = arith.constant 6 : i32
    %add3A_339 = arith.addi %mul3A_2, %add3A_338 : i32
    %dma_start3A_340 = arith.constant 0 : i32
    %dma_start3A_341 = tpu.memref_slice %arg7[%dma_start3A_340] : memref<4112xf32, #tpu.memory_space<vmem>> -> memref<4096xf32, #tpu.memory_space<vmem>>
    %dma_start3A_342 = arith.constant 0 : i32
    %dma_start3A_343 = tpu.memref_slice %arg4[%add3A_339, %dma_start3A_342] : memref<1024x4096xf32, #tpu.memory_space<hbm>> -> memref<1x4096xf32, #tpu.memory_space<hbm>>
    %dma_start3A_344 = tpu.memref_squeeze %dma_start3A_343 : memref<1x4096xf32, #tpu.memory_space<hbm>> -> memref<4096xf32, #tpu.memory_space<hbm>>
    %dma_start3A_345 = arith.constant 0 : i32
    %dma_start3A_346 = tpu.memref_slice %arg4[%add3A_339, %dma_start3A_345] : memref<1024x4096xf32, #tpu.memory_space<hbm>> -> memref<1x4096xf32, #tpu.memory_space<hbm>>
    %dma_start3A_347 = tpu.memref_squeeze %dma_start3A_346 : memref<1x4096xf32, #tpu.memory_space<hbm>> -> memref<4096xf32, #tpu.memory_space<hbm>>
    %dma_start3A_348 = arith.constant 0 : i32
    %dma_start3A_349 = tpu.memref_slice %arg7[%dma_start3A_348] : memref<4112xf32, #tpu.memory_space<vmem>> -> memref<4096xf32, #tpu.memory_space<vmem>>
    tpu.enqueue_dma source(%dma_start3A_349 : memref<4096xf32, #tpu.memory_space<vmem>>) target(%dma_start3A_347 : memref<4096xf32, #tpu.memory_space<hbm>>) target_semaphore(%arg9 : memref<!tpu.dma_semaphore, #tpu.memory_space<semaphore_mem>>)
    %add3A_350 = arith.constant 7 : i32
    %add3A_351 = arith.addi %mul3A_2, %add3A_350 : i32
    %sub3A_352 = arith.constant 2 : i32
    %sub3A_353 = arith.subi %add3A_351, %sub3A_352 : i32
    %dma_wait3A_354 = arith.constant 0 : i32
    %dma_wait3A_355 = tpu.memref_slice %arg8[%dma_wait3A_354] : memref<4112xf32, #tpu.memory_space<vmem>> -> memref<4096xf32, #tpu.memory_space<vmem>>
    %dma_wait3A_356 = arith.constant 0 : i32
    %dma_wait3A_357 = tpu.memref_slice %arg4[%sub3A_353, %dma_wait3A_356] : memref<1024x4096xf32, #tpu.memory_space<hbm>> -> memref<1x4096xf32, #tpu.memory_space<hbm>>
    %dma_wait3A_358 = tpu.memref_squeeze %dma_wait3A_357 : memref<1x4096xf32, #tpu.memory_space<hbm>> -> memref<4096xf32, #tpu.memory_space<hbm>>
    %dma_wait3A_359 = arith.constant 0 : i32
    %dma_wait3A_360 = tpu.memref_slice %arg4[%sub3A_353, %dma_wait3A_359] : memref<1024x4096xf32, #tpu.memory_space<hbm>> -> memref<1x4096xf32, #tpu.memory_space<hbm>>
    %dma_wait3A_361 = tpu.memref_squeeze %dma_wait3A_360 : memref<1x4096xf32, #tpu.memory_space<hbm>> -> memref<4096xf32, #tpu.memory_space<hbm>>
    %dma_wait3A_362 = arith.constant 0 : i32
    %dma_wait3A_363 = tpu.memref_slice %arg8[%dma_wait3A_362] : memref<4112xf32, #tpu.memory_space<vmem>> -> memref<4096xf32, #tpu.memory_space<vmem>>
    tpu.wait_dma2 semaphore(%arg10 : memref<!tpu.dma_semaphore, #tpu.memory_space<semaphore_mem>>) src(%dma_wait3A_363 : memref<4096xf32, #tpu.memory_space<vmem>>) dst(%dma_wait3A_361 : memref<4096xf32, #tpu.memory_space<hbm>>)
    %get3A_364 = arith.constant 400 : index
    %get3A_365 = tpu.vector_load %arg6[%get3A_364] {strides = array<i32>} : memref<2560xi32, #tpu.memory_space<vmem>>, vector<16xi32>,
    tpu.vector_store_idx %arg8[%get3A_365], %broadcast_in_dim3A_7 : memref<4112xf32, #tpu.memory_space<vmem>>[vector<16xi32>], vector<16xf32>,
    %get3A_366 = arith.constant 416 : index
    %get3A_367 = tpu.vector_load %arg6[%get3A_366] {strides = array<i32>} : memref<2560xi32, #tpu.memory_space<vmem>>, vector<16xi32>,
    tpu.vector_store_idx %arg8[%get3A_367], %broadcast_in_dim3A_7 : memref<4112xf32, #tpu.memory_space<vmem>>[vector<16xi32>], vector<16xf32>,
    %get3A_368 = arith.constant 432 : index
    %get3A_369 = tpu.vector_load %arg6[%get3A_368] {strides = array<i32>} : memref<2560xi32, #tpu.memory_space<vmem>>, vector<16xi32>,
    tpu.vector_store_idx %arg8[%get3A_369], %broadcast_in_dim3A_7 : memref<4112xf32, #tpu.memory_space<vmem>>[vector<16xi32>], vector<16xf32>,
    %get3A_370 = arith.constant 448 : index
    %get3A_371 = tpu.vector_load %arg6[%get3A_370] {strides = array<i32>} : memref<2560xi32, #tpu.memory_space<vmem>>, vector<16xi32>,
    tpu.vector_store_idx %arg8[%get3A_371], %broadcast_in_dim3A_7 : memref<4112xf32, #tpu.memory_space<vmem>>[vector<16xi32>], vector<16xf32>,
    %get3A_372 = arith.constant 464 : index
    %get3A_373 = tpu.vector_load %arg6[%get3A_372] {strides = array<i32>} : memref<2560xi32, #tpu.memory_space<vmem>>, vector<16xi32>,
    tpu.vector_store_idx %arg8[%get3A_373], %broadcast_in_dim3A_7 : memref<4112xf32, #tpu.memory_space<vmem>>[vector<16xi32>], vector<16xf32>,
    %get3A_374 = arith.constant 560 : index
    %get3A_375 = tpu.vector_load %arg5[%get3A_374] {strides = array<i32>} : memref<2560xf32, #tpu.memory_space<vmem>>, vector<16xf32>,
    %get3A_376 = arith.constant 560 : index
    %get3A_377 = tpu.vector_load %arg6[%get3A_376] {strides = array<i32>} : memref<2560xi32, #tpu.memory_space<vmem>>, vector<16xi32>,
    tpu.vector_store_idx %arg8[%get3A_377], %get3A_375 : memref<4112xf32, #tpu.memory_space<vmem>>[vector<16xi32>], vector<16xf32>,
    %get3A_378 = arith.constant 576 : index
    %get3A_379 = tpu.vector_load %arg5[%get3A_378] {strides = array<i32>} : memref<2560xf32, #tpu.memory_space<vmem>>, vector<16xf32>,
    %get3A_380 = arith.constant 576 : index
    %get3A_381 = tpu.vector_load %arg6[%get3A_380] {strides = array<i32>} : memref<2560xi32, #tpu.memory_space<vmem>>, vector<16xi32>,
    tpu.vector_store_idx %arg8[%get3A_381], %get3A_379 : memref<4112xf32, #tpu.memory_space<vmem>>[vector<16xi32>], vector<16xf32>,
    %get3A_382 = arith.constant 592 : index
    %get3A_383 = tpu.vector_load %arg5[%get3A_382] {strides = array<i32>} : memref<2560xf32, #tpu.memory_space<vmem>>, vector<16xf32>,
    %get3A_384 = arith.constant 592 : index
    %get3A_385 = tpu.vector_load %arg6[%get3A_384] {strides = array<i32>} : memref<2560xi32, #tpu.memory_space<vmem>>, vector<16xi32>,
    tpu.vector_store_idx %arg8[%get3A_385], %get3A_383 : memref<4112xf32, #tpu.memory_space<vmem>>[vector<16xi32>], vector<16xf32>,
    %get3A_386 = arith.constant 608 : index
    %get3A_387 = tpu.vector_load %arg5[%get3A_386] {strides = array<i32>} : memref<2560xf32, #tpu.memory_space<vmem>>, vector<16xf32>,
    %get3A_388 = arith.constant 608 : index
    %get3A_389 = tpu.vector_load %arg6[%get3A_388] {strides = array<i32>} : memref<2560xi32, #tpu.memory_space<vmem>>, vector<16xi32>,
    tpu.vector_store_idx %arg8[%get3A_389], %get3A_387 : memref<4112xf32, #tpu.memory_space<vmem>>[vector<16xi32>], vector<16xf32>,
    %get3A_390 = arith.constant 624 : index
    %get3A_391 = tpu.vector_load %arg5[%get3A_390] {strides = array<i32>} : memref<2560xf32, #tpu.memory_space<vmem>>, vector<16xf32>,
    %get3A_392 = arith.constant 624 : index
    %get3A_393 = tpu.vector_load %arg6[%get3A_392] {strides = array<i32>} : memref<2560xi32, #tpu.memory_space<vmem>>, vector<16xi32>,
    tpu.vector_store_idx %arg8[%get3A_393], %get3A_391 : memref<4112xf32, #tpu.memory_space<vmem>>[vector<16xi32>], vector<16xf32>,
    %add3A_394 = arith.constant 7 : i32
    %add3A_395 = arith.addi %mul3A_2, %add3A_394 : i32
    %dma_start3A_396 = arith.constant 0 : i32
    %dma_start3A_397 = tpu.memref_slice %arg8[%dma_start3A_396] : memref<4112xf32, #tpu.memory_space<vmem>> -> memref<4096xf32, #tpu.memory_space<vmem>>
    %dma_start3A_398 = arith.constant 0 : i32
    %dma_start3A_399 = tpu.memref_slice %arg4[%add3A_395, %dma_start3A_398] : memref<1024x4096xf32, #tpu.memory_space<hbm>> -> memref<1x4096xf32, #tpu.memory_space<hbm>>
    %dma_start3A_400 = tpu.memref_squeeze %dma_start3A_399 : memref<1x4096xf32, #tpu.memory_space<hbm>> -> memref<4096xf32, #tpu.memory_space<hbm>>
    %dma_start3A_401 = arith.constant 0 : i32
    %dma_start3A_402 = tpu.memref_slice %arg4[%add3A_395, %dma_start3A_401] : memref<1024x4096xf32, #tpu.memory_space<hbm>> -> memref<1x4096xf32, #tpu.memory_space<hbm>>
    %dma_start3A_403 = tpu.memref_squeeze %dma_start3A_402 : memref<1x4096xf32, #tpu.memory_space<hbm>> -> memref<4096xf32, #tpu.memory_space<hbm>>
    %dma_start3A_404 = arith.constant 0 : i32
    %dma_start3A_405 = tpu.memref_slice %arg8[%dma_start3A_404] : memref<4112xf32, #tpu.memory_space<vmem>> -> memref<4096xf32, #tpu.memory_space<vmem>>
    tpu.enqueue_dma source(%dma_start3A_405 : memref<4096xf32, #tpu.memory_space<vmem>>) target(%dma_start3A_403 : memref<4096xf32, #tpu.memory_space<hbm>>) target_semaphore(%arg10 : memref<!tpu.dma_semaphore, #tpu.memory_space<semaphore_mem>>)
    %add3A_406 = arith.constant 8 : i32
    %add3A_407 = arith.addi %mul3A_2, %add3A_406 : i32
    %sub3A_408 = arith.constant 2 : i32
    %sub3A_409 = arith.subi %add3A_407, %sub3A_408 : i32
    %dma_wait3A_410 = arith.constant 0 : i32
    %dma_wait3A_411 = tpu.memref_slice %arg7[%dma_wait3A_410] : memref<4112xf32, #tpu.memory_space<vmem>> -> memref<4096xf32, #tpu.memory_space<vmem>>
    %dma_wait3A_412 = arith.constant 0 : i32
    %dma_wait3A_413 = tpu.memref_slice %arg4[%sub3A_409, %dma_wait3A_412] : memref<1024x4096xf32, #tpu.memory_space<hbm>> -> memref<1x4096xf32, #tpu.memory_space<hbm>>
    %dma_wait3A_414 = tpu.memref_squeeze %dma_wait3A_413 : memref<1x4096xf32, #tpu.memory_space<hbm>> -> memref<4096xf32, #tpu.memory_space<hbm>>
    %dma_wait3A_415 = arith.constant 0 : i32
    %dma_wait3A_416 = tpu.memref_slice %arg4[%sub3A_409, %dma_wait3A_415] : memref<1024x4096xf32, #tpu.memory_space<hbm>> -> memref<1x4096xf32, #tpu.memory_space<hbm>>
    %dma_wait3A_417 = tpu.memref_squeeze %dma_wait3A_416 : memref<1x4096xf32, #tpu.memory_space<hbm>> -> memref<4096xf32, #tpu.memory_space<hbm>>
    %dma_wait3A_418 = arith.constant 0 : i32
    %dma_wait3A_419 = tpu.memref_slice %arg7[%dma_wait3A_418] : memref<4112xf32, #tpu.memory_space<vmem>> -> memref<4096xf32, #tpu.memory_space<vmem>>
    tpu.wait_dma2 semaphore(%arg9 : memref<!tpu.dma_semaphore, #tpu.memory_space<semaphore_mem>>) src(%dma_wait3A_419 : memref<4096xf32, #tpu.memory_space<vmem>>) dst(%dma_wait3A_417 : memref<4096xf32, #tpu.memory_space<hbm>>)
    %get3A_420 = arith.constant 480 : index
    %get3A_421 = tpu.vector_load %arg6[%get3A_420] {strides = array<i32>} : memref<2560xi32, #tpu.memory_space<vmem>>, vector<16xi32>,
    tpu.vector_store_idx %arg7[%get3A_421], %broadcast_in_dim3A_7 : memref<4112xf32, #tpu.memory_space<vmem>>[vector<16xi32>], vector<16xf32>,
    %get3A_422 = arith.constant 496 : index
    %get3A_423 = tpu.vector_load %arg6[%get3A_422] {strides = array<i32>} : memref<2560xi32, #tpu.memory_space<vmem>>, vector<16xi32>,
    tpu.vector_store_idx %arg7[%get3A_423], %broadcast_in_dim3A_7 : memref<4112xf32, #tpu.memory_space<vmem>>[vector<16xi32>], vector<16xf32>,
    %get3A_424 = arith.constant 512 : index
    %get3A_425 = tpu.vector_load %arg6[%get3A_424] {strides = array<i32>} : memref<2560xi32, #tpu.memory_space<vmem>>, vector<16xi32>,
    tpu.vector_store_idx %arg7[%get3A_425], %broadcast_in_dim3A_7 : memref<4112xf32, #tpu.memory_space<vmem>>[vector<16xi32>], vector<16xf32>,
    %get3A_426 = arith.constant 528 : index
    %get3A_427 = tpu.vector_load %arg6[%get3A_426] {strides = array<i32>} : memref<2560xi32, #tpu.memory_space<vmem>>, vector<16xi32>,
    tpu.vector_store_idx %arg7[%get3A_427], %broadcast_in_dim3A_7 : memref<4112xf32, #tpu.memory_space<vmem>>[vector<16xi32>], vector<16xf32>,
    %get3A_428 = arith.constant 544 : index
    %get3A_429 = tpu.vector_load %arg6[%get3A_428] {strides = array<i32>} : memref<2560xi32, #tpu.memory_space<vmem>>, vector<16xi32>,
    tpu.vector_store_idx %arg7[%get3A_429], %broadcast_in_dim3A_7 : memref<4112xf32, #tpu.memory_space<vmem>>[vector<16xi32>], vector<16xf32>,
    %get3A_430 = arith.constant 640 : index
    %get3A_431 = tpu.vector_load %arg5[%get3A_430] {strides = array<i32>} : memref<2560xf32, #tpu.memory_space<vmem>>, vector<16xf32>,
    %get3A_432 = arith.constant 640 : index
    %get3A_433 = tpu.vector_load %arg6[%get3A_432] {strides = array<i32>} : memref<2560xi32, #tpu.memory_space<vmem>>, vector<16xi32>,
    tpu.vector_store_idx %arg7[%get3A_433], %get3A_431 : memref<4112xf32, #tpu.memory_space<vmem>>[vector<16xi32>], vector<16xf32>,
    %get3A_434 = arith.constant 656 : index
    %get3A_435 = tpu.vector_load %arg5[%get3A_434] {strides = array<i32>} : memref<2560xf32, #tpu.memory_space<vmem>>, vector<16xf32>,
    %get3A_436 = arith.constant 656 : index
    %get3A_437 = tpu.vector_load %arg6[%get3A_436] {strides = array<i32>} : memref<2560xi32, #tpu.memory_space<vmem>>, vector<16xi32>,
    tpu.vector_store_idx %arg7[%get3A_437], %get3A_435 : memref<4112xf32, #tpu.memory_space<vmem>>[vector<16xi32>], vector<16xf32>,
    %get3A_438 = arith.constant 672 : index
    %get3A_439 = tpu.vector_load %arg5[%get3A_438] {strides = array<i32>} : memref<2560xf32, #tpu.memory_space<vmem>>, vector<16xf32>,
    %get3A_440 = arith.constant 672 : index
    %get3A_441 = tpu.vector_load %arg6[%get3A_440] {strides = array<i32>} : memref<2560xi32, #tpu.memory_space<vmem>>, vector<16xi32>,
    tpu.vector_store_idx %arg7[%get3A_441], %get3A_439 : memref<4112xf32, #tpu.memory_space<vmem>>[vector<16xi32>], vector<16xf32>,
    %get3A_442 = arith.constant 688 : index
    %get3A_443 = tpu.vector_load %arg5[%get3A_442] {strides = array<i32>} : memref<2560xf32, #tpu.memory_space<vmem>>, vector<16xf32>,
    %get3A_444 = arith.constant 688 : index
    %get3A_445 = tpu.vector_load %arg6[%get3A_444] {strides = array<i32>} : memref<2560xi32, #tpu.memory_space<vmem>>, vector<16xi32>,
    tpu.vector_store_idx %arg7[%get3A_445], %get3A_443 : memref<4112xf32, #tpu.memory_space<vmem>>[vector<16xi32>], vector<16xf32>,
    %get3A_446 = arith.constant 704 : index
    %get3A_447 = tpu.vector_load %arg5[%get3A_446] {strides = array<i32>} : memref<2560xf32, #tpu.memory_space<vmem>>, vector<16xf32>,
    %get3A_448 = arith.constant 704 : index
    %get3A_449 = tpu.vector_load %arg6[%get3A_448] {strides = array<i32>} : memref<2560xi32, #tpu.memory_space<vmem>>, vector<16xi32>,
    tpu.vector_store_idx %arg7[%get3A_449], %get3A_447 : memref<4112xf32, #tpu.memory_space<vmem>>[vector<16xi32>], vector<16xf32>,
    %add3A_450 = arith.constant 8 : i32
    %add3A_451 = arith.addi %mul3A_2, %add3A_450 : i32
    %dma_start3A_452 = arith.constant 0 : i32
    %dma_start3A_453 = tpu.memref_slice %arg7[%dma_start3A_452] : memref<4112xf32, #tpu.memory_space<vmem>> -> memref<4096xf32, #tpu.memory_space<vmem>>
    %dma_start3A_454 = arith.constant 0 : i32
    %dma_start3A_455 = tpu.memref_slice %arg4[%add3A_451, %dma_start3A_454] : memref<1024x4096xf32, #tpu.memory_space<hbm>> -> memref<1x4096xf32, #tpu.memory_space<hbm>>
    %dma_start3A_456 = tpu.memref_squeeze %dma_start3A_455 : memref<1x4096xf32, #tpu.memory_space<hbm>> -> memref<4096xf32, #tpu.memory_space<hbm>>
    %dma_start3A_457 = arith.constant 0 : i32
    %dma_start3A_458 = tpu.memref_slice %arg4[%add3A_451, %dma_start3A_457] : memref<1024x4096xf32, #tpu.memory_space<hbm>> -> memref<1x4096xf32, #tpu.memory_space<hbm>>
    %dma_start3A_459 = tpu.memref_squeeze %dma_start3A_458 : memref<1x4096xf32, #tpu.memory_space<hbm>> -> memref<4096xf32, #tpu.memory_space<hbm>>
    %dma_start3A_460 = arith.constant 0 : i32
    %dma_start3A_461 = tpu.memref_slice %arg7[%dma_start3A_460] : memref<4112xf32, #tpu.memory_space<vmem>> -> memref<4096xf32, #tpu.memory_space<vmem>>
    tpu.enqueue_dma source(%dma_start3A_461 : memref<4096xf32, #tpu.memory_space<vmem>>) target(%dma_start3A_459 : memref<4096xf32, #tpu.memory_space<hbm>>) target_semaphore(%arg9 : memref<!tpu.dma_semaphore, #tpu.memory_space<semaphore_mem>>)
    %add3A_462 = arith.constant 9 : i32
    %add3A_463 = arith.addi %mul3A_2, %add3A_462 : i32
    %sub3A_464 = arith.constant 2 : i32
    %sub3A_465 = arith.subi %add3A_463, %sub3A_464 : i32
    %dma_wait3A_466 = arith.constant 0 : i32
    %dma_wait3A_467 = tpu.memref_slice %arg8[%dma_wait3A_466] : memref<4112xf32, #tpu.memory_space<vmem>> -> memref<4096xf32, #tpu.memory_space<vmem>>
    %dma_wait3A_468 = arith.constant 0 : i32
    %dma_wait3A_469 = tpu.memref_slice %arg4[%sub3A_465, %dma_wait3A_468] : memref<1024x4096xf32, #tpu.memory_space<hbm>> -> memref<1x4096xf32, #tpu.memory_space<hbm>>
    %dma_wait3A_470 = tpu.memref_squeeze %dma_wait3A_469 : memref<1x4096xf32, #tpu.memory_space<hbm>> -> memref<4096xf32, #tpu.memory_space<hbm>>
    %dma_wait3A_471 = arith.constant 0 : i32
    %dma_wait3A_472 = tpu.memref_slice %arg4[%sub3A_465, %dma_wait3A_471] : memref<1024x4096xf32, #tpu.memory_space<hbm>> -> memref<1x4096xf32, #tpu.memory_space<hbm>>
    %dma_wait3A_473 = tpu.memref_squeeze %dma_wait3A_472 : memref<1x4096xf32, #tpu.memory_space<hbm>> -> memref<4096xf32, #tpu.memory_space<hbm>>
    %dma_wait3A_474 = arith.constant 0 : i32
    %dma_wait3A_475 = tpu.memref_slice %arg8[%dma_wait3A_474] : memref<4112xf32, #tpu.memory_space<vmem>> -> memref<4096xf32, #tpu.memory_space<vmem>>
    tpu.wait_dma2 semaphore(%arg10 : memref<!tpu.dma_semaphore, #tpu.memory_space<semaphore_mem>>) src(%dma_wait3A_475 : memref<4096xf32, #tpu.memory_space<vmem>>) dst(%dma_wait3A_473 : memref<4096xf32, #tpu.memory_space<hbm>>)
    %get3A_476 = arith.constant 560 : index
    %get3A_477 = tpu.vector_load %arg6[%get3A_476] {strides = array<i32>} : memref<2560xi32, #tpu.memory_space<vmem>>, vector<16xi32>,
    tpu.vector_store_idx %arg8[%get3A_477], %broadcast_in_dim3A_7 : memref<4112xf32, #tpu.memory_space<vmem>>[vector<16xi32>], vector<16xf32>,
    %get3A_478 = arith.constant 576 : index
    %get3A_479 = tpu.vector_load %arg6[%get3A_478] {strides = array<i32>} : memref<2560xi32, #tpu.memory_space<vmem>>, vector<16xi32>,
    tpu.vector_store_idx %arg8[%get3A_479], %broadcast_in_dim3A_7 : memref<4112xf32, #tpu.memory_space<vmem>>[vector<16xi32>], vector<16xf32>,
    %get3A_480 = arith.constant 592 : index
    %get3A_481 = tpu.vector_load %arg6[%get3A_480] {strides = array<i32>} : memref<2560xi32, #tpu.memory_space<vmem>>, vector<16xi32>,
    tpu.vector_store_idx %arg8[%get3A_481], %broadcast_in_dim3A_7 : memref<4112xf32, #tpu.memory_space<vmem>>[vector<16xi32>], vector<16xf32>,
    %get3A_482 = arith.constant 608 : index
    %get3A_483 = tpu.vector_load %arg6[%get3A_482] {strides = array<i32>} : memref<2560xi32, #tpu.memory_space<vmem>>, vector<16xi32>,
    tpu.vector_store_idx %arg8[%get3A_483], %broadcast_in_dim3A_7 : memref<4112xf32, #tpu.memory_space<vmem>>[vector<16xi32>], vector<16xf32>,
    %get3A_484 = arith.constant 624 : index
    %get3A_485 = tpu.vector_load %arg6[%get3A_484] {strides = array<i32>} : memref<2560xi32, #tpu.memory_space<vmem>>, vector<16xi32>,
    tpu.vector_store_idx %arg8[%get3A_485], %broadcast_in_dim3A_7 : memref<4112xf32, #tpu.memory_space<vmem>>[vector<16xi32>], vector<16xf32>,
    %get3A_486 = arith.constant 720 : index
    %get3A_487 = tpu.vector_load %arg5[%get3A_486] {strides = array<i32>} : memref<2560xf32, #tpu.memory_space<vmem>>, vector<16xf32>,
    %get3A_488 = arith.constant 720 : index
    %get3A_489 = tpu.vector_load %arg6[%get3A_488] {strides = array<i32>} : memref<2560xi32, #tpu.memory_space<vmem>>, vector<16xi32>,
    tpu.vector_store_idx %arg8[%get3A_489], %get3A_487 : memref<4112xf32, #tpu.memory_space<vmem>>[vector<16xi32>], vector<16xf32>,
    %get3A_490 = arith.constant 736 : index
    %get3A_491 = tpu.vector_load %arg5[%get3A_490] {strides = array<i32>} : memref<2560xf32, #tpu.memory_space<vmem>>, vector<16xf32>,
    %get3A_492 = arith.constant 736 : index
    %get3A_493 = tpu.vector_load %arg6[%get3A_492] {strides = array<i32>} : memref<2560xi32, #tpu.memory_space<vmem>>, vector<16xi32>,
    tpu.vector_store_idx %arg8[%get3A_493], %get3A_491 : memref<4112xf32, #tpu.memory_space<vmem>>[vector<16xi32>], vector<16xf32>,
    %get3A_494 = arith.constant 752 : index
    %get3A_495 = tpu.vector_load %arg5[%get3A_494] {strides = array<i32>} : memref<2560xf32, #tpu.memory_space<vmem>>, vector<16xf32>,
    %get3A_496 = arith.constant 752 : index
    %get3A_497 = tpu.vector_load %arg6[%get3A_496] {strides = array<i32>} : memref<2560xi32, #tpu.memory_space<vmem>>, vector<16xi32>,
    tpu.vector_store_idx %arg8[%get3A_497], %get3A_495 : memref<4112xf32, #tpu.memory_space<vmem>>[vector<16xi32>], vector<16xf32>,
    %get3A_498 = arith.constant 768 : index
    %get3A_499 = tpu.vector_load %arg5[%get3A_498] {strides = array<i32>} : memref<2560xf32, #tpu.memory_space<vmem>>, vector<16xf32>,
    %get3A_500 = arith.constant 768 : index
    %get3A_501 = tpu.vector_load %arg6[%get3A_500] {strides = array<i32>} : memref<2560xi32, #tpu.memory_space<vmem>>, vector<16xi32>,
    tpu.vector_store_idx %arg8[%get3A_501], %get3A_499 : memref<4112xf32, #tpu.memory_space<vmem>>[vector<16xi32>], vector<16xf32>,
    %get3A_502 = arith.constant 784 : index
    %get3A_503 = tpu.vector_load %arg5[%get3A_502] {strides = array<i32>} : memref<2560xf32, #tpu.memory_space<vmem>>, vector<16xf32>,
    %get3A_504 = arith.constant 784 : index
    %get3A_505 = tpu.vector_load %arg6[%get3A_504] {strides = array<i32>} : memref<2560xi32, #tpu.memory_space<vmem>>, vector<16xi32>,
    tpu.vector_store_idx %arg8[%get3A_505], %get3A_503 : memref<4112xf32, #tpu.memory_space<vmem>>[vector<16xi32>], vector<16xf32>,
    %add3A_506 = arith.constant 9 : i32
    %add3A_507 = arith.addi %mul3A_2, %add3A_506 : i32
    %dma_start3A_508 = arith.constant 0 : i32
    %dma_start3A_509 = tpu.memref_slice %arg8[%dma_start3A_508] : memref<4112xf32, #tpu.memory_space<vmem>> -> memref<4096xf32, #tpu.memory_space<vmem>>
    %dma_start3A_510 = arith.constant 0 : i32
    %dma_start3A_511 = tpu.memref_slice %arg4[%add3A_507, %dma_start3A_510] : memref<1024x4096xf32, #tpu.memory_space<hbm>> -> memref<1x4096xf32, #tpu.memory_space<hbm>>
    %dma_start3A_512 = tpu.memref_squeeze %dma_start3A_511 : memref<1x4096xf32, #tpu.memory_space<hbm>> -> memref<4096xf32, #tpu.memory_space<hbm>>
    %dma_start3A_513 = arith.constant 0 : i32
    %dma_start3A_514 = tpu.memref_slice %arg4[%add3A_507, %dma_start3A_513] : memref<1024x4096xf32, #tpu.memory_space<hbm>> -> memref<1x4096xf32, #tpu.memory_space<hbm>>
    %dma_start3A_515 = tpu.memref_squeeze %dma_start3A_514 : memref<1x4096xf32, #tpu.memory_space<hbm>> -> memref<4096xf32, #tpu.memory_space<hbm>>
    %dma_start3A_516 = arith.constant 0 : i32
    %dma_start3A_517 = tpu.memref_slice %arg8[%dma_start3A_516] : memref<4112xf32, #tpu.memory_space<vmem>> -> memref<4096xf32, #tpu.memory_space<vmem>>
    tpu.enqueue_dma source(%dma_start3A_517 : memref<4096xf32, #tpu.memory_space<vmem>>) target(%dma_start3A_515 : memref<4096xf32, #tpu.memory_space<hbm>>) target_semaphore(%arg10 : memref<!tpu.dma_semaphore, #tpu.memory_space<semaphore_mem>>)
    %add3A_518 = arith.constant 10 : i32
    %add3A_519 = arith.addi %mul3A_2, %add3A_518 : i32
    %sub3A_520 = arith.constant 2 : i32
    %sub3A_521 = arith.subi %add3A_519, %sub3A_520 : i32
    %dma_wait3A_522 = arith.constant 0 : i32
    %dma_wait3A_523 = tpu.memref_slice %arg7[%dma_wait3A_522] : memref<4112xf32, #tpu.memory_space<vmem>> -> memref<4096xf32, #tpu.memory_space<vmem>>
    %dma_wait3A_524 = arith.constant 0 : i32
    %dma_wait3A_525 = tpu.memref_slice %arg4[%sub3A_521, %dma_wait3A_524] : memref<1024x4096xf32, #tpu.memory_space<hbm>> -> memref<1x4096xf32, #tpu.memory_space<hbm>>
    %dma_wait3A_526 = tpu.memref_squeeze %dma_wait3A_525 : memref<1x4096xf32, #tpu.memory_space<hbm>> -> memref<4096xf32, #tpu.memory_space<hbm>>
    %dma_wait3A_527 = arith.constant 0 : i32
    %dma_wait3A_528 = tpu.memref_slice %arg4[%sub3A_521, %dma_wait3A_527] : memref<1024x4096xf32, #tpu.memory_space<hbm>> -> memref<1x4096xf32, #tpu.memory_space<hbm>>
    %dma_wait3A_529 = tpu.memref_squeeze %dma_wait3A_528 : memref<1x4096xf32, #tpu.memory_space<hbm>> -> memref<4096xf32, #tpu.memory_space<hbm>>
    %dma_wait3A_530 = arith.constant 0 : i32
    %dma_wait3A_531 = tpu.memref_slice %arg7[%dma_wait3A_530] : memref<4112xf32, #tpu.memory_space<vmem>> -> memref<4096xf32, #tpu.memory_space<vmem>>
    tpu.wait_dma2 semaphore(%arg9 : memref<!tpu.dma_semaphore, #tpu.memory_space<semaphore_mem>>) src(%dma_wait3A_531 : memref<4096xf32, #tpu.memory_space<vmem>>) dst(%dma_wait3A_529 : memref<4096xf32, #tpu.memory_space<hbm>>)
    %get3A_532 = arith.constant 640 : index
    %get3A_533 = tpu.vector_load %arg6[%get3A_532] {strides = array<i32>} : memref<2560xi32, #tpu.memory_space<vmem>>, vector<16xi32>,
    tpu.vector_store_idx %arg7[%get3A_533], %broadcast_in_dim3A_7 : memref<4112xf32, #tpu.memory_space<vmem>>[vector<16xi32>], vector<16xf32>,
    %get3A_534 = arith.constant 656 : index
    %get3A_535 = tpu.vector_load %arg6[%get3A_534] {strides = array<i32>} : memref<2560xi32, #tpu.memory_space<vmem>>, vector<16xi32>,
    tpu.vector_store_idx %arg7[%get3A_535], %broadcast_in_dim3A_7 : memref<4112xf32, #tpu.memory_space<vmem>>[vector<16xi32>], vector<16xf32>,
    %get3A_536 = arith.constant 672 : index
    %get3A_537 = tpu.vector_load %arg6[%get3A_536] {strides = array<i32>} : memref<2560xi32, #tpu.memory_space<vmem>>, vector<16xi32>,
    tpu.vector_store_idx %arg7[%get3A_537], %broadcast_in_dim3A_7 : memref<4112xf32, #tpu.memory_space<vmem>>[vector<16xi32>], vector<16xf32>,
    %get3A_538 = arith.constant 688 : index
    %get3A_539 = tpu.vector_load %arg6[%get3A_538] {strides = array<i32>} : memref<2560xi32, #tpu.memory_space<vmem>>, vector<16xi32>,
    tpu.vector_store_idx %arg7[%get3A_539], %broadcast_in_dim3A_7 : memref<4112xf32, #tpu.memory_space<vmem>>[vector<16xi32>], vector<16xf32>,
    %get3A_540 = arith.constant 704 : index
    %get3A_541 = tpu.vector_load %arg6[%get3A_540] {strides = array<i32>} : memref<2560xi32, #tpu.memory_space<vmem>>, vector<16xi32>,
    tpu.vector_store_idx %arg7[%get3A_541], %broadcast_in_dim3A_7 : memref<4112xf32, #tpu.memory_space<vmem>>[vector<16xi32>], vector<16xf32>,
    %get3A_542 = arith.constant 800 : index
    %get3A_543 = tpu.vector_load %arg5[%get3A_542] {strides = array<i32>} : memref<2560xf32, #tpu.memory_space<vmem>>, vector<16xf32>,
    %get3A_544 = arith.constant 800 : index
    %get3A_545 = tpu.vector_load %arg6[%get3A_544] {strides = array<i32>} : memref<2560xi32, #tpu.memory_space<vmem>>, vector<16xi32>,
    tpu.vector_store_idx %arg7[%get3A_545], %get3A_543 : memref<4112xf32, #tpu.memory_space<vmem>>[vector<16xi32>], vector<16xf32>,
    %get3A_546 = arith.constant 816 : index
    %get3A_547 = tpu.vector_load %arg5[%get3A_546] {strides = array<i32>} : memref<2560xf32, #tpu.memory_space<vmem>>, vector<16xf32>,
    %get3A_548 = arith.constant 816 : index
    %get3A_549 = tpu.vector_load %arg6[%get3A_548] {strides = array<i32>} : memref<2560xi32, #tpu.memory_space<vmem>>, vector<16xi32>,
    tpu.vector_store_idx %arg7[%get3A_549], %get3A_547 : memref<4112xf32, #tpu.memory_space<vmem>>[vector<16xi32>], vector<16xf32>,
    %get3A_550 = arith.constant 832 : index
    %get3A_551 = tpu.vector_load %arg5[%get3A_550] {strides = array<i32>} : memref<2560xf32, #tpu.memory_space<vmem>>, vector<16xf32>,
    %get3A_552 = arith.constant 832 : index
    %get3A_553 = tpu.vector_load %arg6[%get3A_552] {strides = array<i32>} : memref<2560xi32, #tpu.memory_space<vmem>>, vector<16xi32>,
    tpu.vector_store_idx %arg7[%get3A_553], %get3A_551 : memref<4112xf32, #tpu.memory_space<vmem>>[vector<16xi32>], vector<16xf32>,
    %get3A_554 = arith.constant 848 : index
    %get3A_555 = tpu.vector_load %arg5[%get3A_554] {strides = array<i32>} : memref<2560xf32, #tpu.memory_space<vmem>>, vector<16xf32>,
    %get3A_556 = arith.constant 848 : index
    %get3A_557 = tpu.vector_load %arg6[%get3A_556] {strides = array<i32>} : memref<2560xi32, #tpu.memory_space<vmem>>, vector<16xi32>,
    tpu.vector_store_idx %arg7[%get3A_557], %get3A_555 : memref<4112xf32, #tpu.memory_space<vmem>>[vector<16xi32>], vector<16xf32>,
    %get3A_558 = arith.constant 864 : index
    %get3A_559 = tpu.vector_load %arg5[%get3A_558] {strides = array<i32>} : memref<2560xf32, #tpu.memory_space<vmem>>, vector<16xf32>,
    %get3A_560 = arith.constant 864 : index
    %get3A_561 = tpu.vector_load %arg6[%get3A_560] {strides = array<i32>} : memref<2560xi32, #tpu.memory_space<vmem>>, vector<16xi32>,
    tpu.vector_store_idx %arg7[%get3A_561], %get3A_559 : memref<4112xf32, #tpu.memory_space<vmem>>[vector<16xi32>], vector<16xf32>,
    %add3A_562 = arith.constant 10 : i32
    %add3A_563 = arith.addi %mul3A_2, %add3A_562 : i32
    %dma_start3A_564 = arith.constant 0 : i32
    %dma_start3A_565 = tpu.memref_slice %arg7[%dma_start3A_564] : memref<4112xf32, #tpu.memory_space<vmem>> -> memref<4096xf32, #tpu.memory_space<vmem>>
    %dma_start3A_566 = arith.constant 0 : i32
    %dma_start3A_567 = tpu.memref_slice %arg4[%add3A_563, %dma_start3A_566] : memref<1024x4096xf32, #tpu.memory_space<hbm>> -> memref<1x4096xf32, #tpu.memory_space<hbm>>
    %dma_start3A_568 = tpu.memref_squeeze %dma_start3A_567 : memref<1x4096xf32, #tpu.memory_space<hbm>> -> memref<4096xf32, #tpu.memory_space<hbm>>
    %dma_start3A_569 = arith.constant 0 : i32
    %dma_start3A_570 = tpu.memref_slice %arg4[%add3A_563, %dma_start3A_569] : memref<1024x4096xf32, #tpu.memory_space<hbm>> -> memref<1x4096xf32, #tpu.memory_space<hbm>>
    %dma_start3A_571 = tpu.memref_squeeze %dma_start3A_570 : memref<1x4096xf32, #tpu.memory_space<hbm>> -> memref<4096xf32, #tpu.memory_space<hbm>>
    %dma_start3A_572 = arith.constant 0 : i32
    %dma_start3A_573 = tpu.memref_slice %arg7[%dma_start3A_572] : memref<4112xf32, #tpu.memory_space<vmem>> -> memref<4096xf32, #tpu.memory_space<vmem>>
    tpu.enqueue_dma source(%dma_start3A_573 : memref<4096xf32, #tpu.memory_space<vmem>>) target(%dma_start3A_571 : memref<4096xf32, #tpu.memory_space<hbm>>) target_semaphore(%arg9 : memref<!tpu.dma_semaphore, #tpu.memory_space<semaphore_mem>>)
    %add3A_574 = arith.constant 11 : i32
    %add3A_575 = arith.addi %mul3A_2, %add3A_574 : i32
    %sub3A_576 = arith.constant 2 : i32
    %sub3A_577 = arith.subi %add3A_575, %sub3A_576 : i32
    %dma_wait3A_578 = arith.constant 0 : i32
    %dma_wait3A_579 = tpu.memref_slice %arg8[%dma_wait3A_578] : memref<4112xf32, #tpu.memory_space<vmem>> -> memref<4096xf32, #tpu.memory_space<vmem>>
    %dma_wait3A_580 = arith.constant 0 : i32
    %dma_wait3A_581 = tpu.memref_slice %arg4[%sub3A_577, %dma_wait3A_580] : memref<1024x4096xf32, #tpu.memory_space<hbm>> -> memref<1x4096xf32, #tpu.memory_space<hbm>>
    %dma_wait3A_582 = tpu.memref_squeeze %dma_wait3A_581 : memref<1x4096xf32, #tpu.memory_space<hbm>> -> memref<4096xf32, #tpu.memory_space<hbm>>
    %dma_wait3A_583 = arith.constant 0 : i32
    %dma_wait3A_584 = tpu.memref_slice %arg4[%sub3A_577, %dma_wait3A_583] : memref<1024x4096xf32, #tpu.memory_space<hbm>> -> memref<1x4096xf32, #tpu.memory_space<hbm>>
    %dma_wait3A_585 = tpu.memref_squeeze %dma_wait3A_584 : memref<1x4096xf32, #tpu.memory_space<hbm>> -> memref<4096xf32, #tpu.memory_space<hbm>>
    %dma_wait3A_586 = arith.constant 0 : i32
    %dma_wait3A_587 = tpu.memref_slice %arg8[%dma_wait3A_586] : memref<4112xf32, #tpu.memory_space<vmem>> -> memref<4096xf32, #tpu.memory_space<vmem>>
    tpu.wait_dma2 semaphore(%arg10 : memref<!tpu.dma_semaphore, #tpu.memory_space<semaphore_mem>>) src(%dma_wait3A_587 : memref<4096xf32, #tpu.memory_space<vmem>>) dst(%dma_wait3A_585 : memref<4096xf32, #tpu.memory_space<hbm>>)
    %get3A_588 = arith.constant 720 : index
    %get3A_589 = tpu.vector_load %arg6[%get3A_588] {strides = array<i32>} : memref<2560xi32, #tpu.memory_space<vmem>>, vector<16xi32>,
    tpu.vector_store_idx %arg8[%get3A_589], %broadcast_in_dim3A_7 : memref<4112xf32, #tpu.memory_space<vmem>>[vector<16xi32>], vector<16xf32>,
    %get3A_590 = arith.constant 736 : index
    %get3A_591 = tpu.vector_load %arg6[%get3A_590] {strides = array<i32>} : memref<2560xi32, #tpu.memory_space<vmem>>, vector<16xi32>,
    tpu.vector_store_idx %arg8[%get3A_591], %broadcast_in_dim3A_7 : memref<4112xf32, #tpu.memory_space<vmem>>[vector<16xi32>], vector<16xf32>,
    %get3A_592 = arith.constant 752 : index
    %get3A_593 = tpu.vector_load %arg6[%get3A_592] {strides = array<i32>} : memref<2560xi32, #tpu.memory_space<vmem>>, vector<16xi32>,
    tpu.vector_store_idx %arg8[%get3A_593], %broadcast_in_dim3A_7 : memref<4112xf32, #tpu.memory_space<vmem>>[vector<16xi32>], vector<16xf32>,
    %get3A_594 = arith.constant 768 : index
    %get3A_595 = tpu.vector_load %arg6[%get3A_594] {strides = array<i32>} : memref<2560xi32, #tpu.memory_space<vmem>>, vector<16xi32>,
    tpu.vector_store_idx %arg8[%get3A_595], %broadcast_in_dim3A_7 : memref<4112xf32, #tpu.memory_space<vmem>>[vector<16xi32>], vector<16xf32>,
    %get3A_596 = arith.constant 784 : index
    %get3A_597 = tpu.vector_load %arg6[%get3A_596] {strides = array<i32>} : memref<2560xi32, #tpu.memory_space<vmem>>, vector<16xi32>,
    tpu.vector_store_idx %arg8[%get3A_597], %broadcast_in_dim3A_7 : memref<4112xf32, #tpu.memory_space<vmem>>[vector<16xi32>], vector<16xf32>,
    %get3A_598 = arith.constant 880 : index
    %get3A_599 = tpu.vector_load %arg5[%get3A_598] {strides = array<i32>} : memref<2560xf32, #tpu.memory_space<vmem>>, vector<16xf32>,
    %get3A_600 = arith.constant 880 : index
    %get3A_601 = tpu.vector_load %arg6[%get3A_600] {strides = array<i32>} : memref<2560xi32, #tpu.memory_space<vmem>>, vector<16xi32>,
    tpu.vector_store_idx %arg8[%get3A_601], %get3A_599 : memref<4112xf32, #tpu.memory_space<vmem>>[vector<16xi32>], vector<16xf32>,
    %get3A_602 = arith.constant 896 : index
    %get3A_603 = tpu.vector_load %arg5[%get3A_602] {strides = array<i32>} : memref<2560xf32, #tpu.memory_space<vmem>>, vector<16xf32>,
    %get3A_604 = arith.constant 896 : index
    %get3A_605 = tpu.vector_load %arg6[%get3A_604] {strides = array<i32>} : memref<2560xi32, #tpu.memory_space<vmem>>, vector<16xi32>,
    tpu.vector_store_idx %arg8[%get3A_605], %get3A_603 : memref<4112xf32, #tpu.memory_space<vmem>>[vector<16xi32>], vector<16xf32>,
    %get3A_606 = arith.constant 912 : index
    %get3A_607 = tpu.vector_load %arg5[%get3A_606] {strides = array<i32>} : memref<2560xf32, #tpu.memory_space<vmem>>, vector<16xf32>,
    %get3A_608 = arith.constant 912 : index
    %get3A_609 = tpu.vector_load %arg6[%get3A_608] {strides = array<i32>} : memref<2560xi32, #tpu.memory_space<vmem>>, vector<16xi32>,
    tpu.vector_store_idx %arg8[%get3A_609], %get3A_607 : memref<4112xf32, #tpu.memory_space<vmem>>[vector<16xi32>], vector<16xf32>,
    %get3A_610 = arith.constant 928 : index
    %get3A_611 = tpu.vector_load %arg5[%get3A_610] {strides = array<i32>} : memref<2560xf32, #tpu.memory_space<vmem>>, vector<16xf32>,
    %get3A_612 = arith.constant 928 : index
    %get3A_613 = tpu.vector_load %arg6[%get3A_612] {strides = array<i32>} : memref<2560xi32, #tpu.memory_space<vmem>>, vector<16xi32>,
    tpu.vector_store_idx %arg8[%get3A_613], %get3A_611 : memref<4112xf32, #tpu.memory_space<vmem>>[vector<16xi32>], vector<16xf32>,
    %get3A_614 = arith.constant 944 : index
    %get3A_615 = tpu.vector_load %arg5[%get3A_614] {strides = array<i32>} : memref<2560xf32, #tpu.memory_space<vmem>>, vector<16xf32>,
    %get3A_616 = arith.constant 944 : index
    %get3A_617 = tpu.vector_load %arg6[%get3A_616] {strides = array<i32>} : memref<2560xi32, #tpu.memory_space<vmem>>, vector<16xi32>,
    tpu.vector_store_idx %arg8[%get3A_617], %get3A_615 : memref<4112xf32, #tpu.memory_space<vmem>>[vector<16xi32>], vector<16xf32>,
    %add3A_618 = arith.constant 11 : i32
    %add3A_619 = arith.addi %mul3A_2, %add3A_618 : i32
    %dma_start3A_620 = arith.constant 0 : i32
    %dma_start3A_621 = tpu.memref_slice %arg8[%dma_start3A_620] : memref<4112xf32, #tpu.memory_space<vmem>> -> memref<4096xf32, #tpu.memory_space<vmem>>
    %dma_start3A_622 = arith.constant 0 : i32
    %dma_start3A_623 = tpu.memref_slice %arg4[%add3A_619, %dma_start3A_622] : memref<1024x4096xf32, #tpu.memory_space<hbm>> -> memref<1x4096xf32, #tpu.memory_space<hbm>>
    %dma_start3A_624 = tpu.memref_squeeze %dma_start3A_623 : memref<1x4096xf32, #tpu.memory_space<hbm>> -> memref<4096xf32, #tpu.memory_space<hbm>>
    %dma_start3A_625 = arith.constant 0 : i32
    %dma_start3A_626 = tpu.memref_slice %arg4[%add3A_619, %dma_start3A_625] : memref<1024x4096xf32, #tpu.memory_space<hbm>> -> memref<1x4096xf32, #tpu.memory_space<hbm>>
    %dma_start3A_627 = tpu.memref_squeeze %dma_start3A_626 : memref<1x4096xf32, #tpu.memory_space<hbm>> -> memref<4096xf32, #tpu.memory_space<hbm>>
    %dma_start3A_628 = arith.constant 0 : i32
    %dma_start3A_629 = tpu.memref_slice %arg8[%dma_start3A_628] : memref<4112xf32, #tpu.memory_space<vmem>> -> memref<4096xf32, #tpu.memory_space<vmem>>
    tpu.enqueue_dma source(%dma_start3A_629 : memref<4096xf32, #tpu.memory_space<vmem>>) target(%dma_start3A_627 : memref<4096xf32, #tpu.memory_space<hbm>>) target_semaphore(%arg10 : memref<!tpu.dma_semaphore, #tpu.memory_space<semaphore_mem>>)
    %add3A_630 = arith.constant 12 : i32
    %add3A_631 = arith.addi %mul3A_2, %add3A_630 : i32
    %sub3A_632 = arith.constant 2 : i32
    %sub3A_633 = arith.subi %add3A_631, %sub3A_632 : i32
    %dma_wait3A_634 = arith.constant 0 : i32
    %dma_wait3A_635 = tpu.memref_slice %arg7[%dma_wait3A_634] : memref<4112xf32, #tpu.memory_space<vmem>> -> memref<4096xf32, #tpu.memory_space<vmem>>
    %dma_wait3A_636 = arith.constant 0 : i32
    %dma_wait3A_637 = tpu.memref_slice %arg4[%sub3A_633, %dma_wait3A_636] : memref<1024x4096xf32, #tpu.memory_space<hbm>> -> memref<1x4096xf32, #tpu.memory_space<hbm>>
    %dma_wait3A_638 = tpu.memref_squeeze %dma_wait3A_637 : memref<1x4096xf32, #tpu.memory_space<hbm>> -> memref<4096xf32, #tpu.memory_space<hbm>>
    %dma_wait3A_639 = arith.constant 0 : i32
    %dma_wait3A_640 = tpu.memref_slice %arg4[%sub3A_633, %dma_wait3A_639] : memref<1024x4096xf32, #tpu.memory_space<hbm>> -> memref<1x4096xf32, #tpu.memory_space<hbm>>
    %dma_wait3A_641 = tpu.memref_squeeze %dma_wait3A_640 : memref<1x4096xf32, #tpu.memory_space<hbm>> -> memref<4096xf32, #tpu.memory_space<hbm>>
    %dma_wait3A_642 = arith.constant 0 : i32
    %dma_wait3A_643 = tpu.memref_slice %arg7[%dma_wait3A_642] : memref<4112xf32, #tpu.memory_space<vmem>> -> memref<4096xf32, #tpu.memory_space<vmem>>
    tpu.wait_dma2 semaphore(%arg9 : memref<!tpu.dma_semaphore, #tpu.memory_space<semaphore_mem>>) src(%dma_wait3A_643 : memref<4096xf32, #tpu.memory_space<vmem>>) dst(%dma_wait3A_641 : memref<4096xf32, #tpu.memory_space<hbm>>)
    %get3A_644 = arith.constant 800 : index
    %get3A_645 = tpu.vector_load %arg6[%get3A_644] {strides = array<i32>} : memref<2560xi32, #tpu.memory_space<vmem>>, vector<16xi32>,
    tpu.vector_store_idx %arg7[%get3A_645], %broadcast_in_dim3A_7 : memref<4112xf32, #tpu.memory_space<vmem>>[vector<16xi32>], vector<16xf32>,
    %get3A_646 = arith.constant 816 : index
    %get3A_647 = tpu.vector_load %arg6[%get3A_646] {strides = array<i32>} : memref<2560xi32, #tpu.memory_space<vmem>>, vector<16xi32>,
    tpu.vector_store_idx %arg7[%get3A_647], %broadcast_in_dim3A_7 : memref<4112xf32, #tpu.memory_space<vmem>>[vector<16xi32>], vector<16xf32>,
    %get3A_648 = arith.constant 832 : index
    %get3A_649 = tpu.vector_load %arg6[%get3A_648] {strides = array<i32>} : memref<2560xi32, #tpu.memory_space<vmem>>, vector<16xi32>,
    tpu.vector_store_idx %arg7[%get3A_649], %broadcast_in_dim3A_7 : memref<4112xf32, #tpu.memory_space<vmem>>[vector<16xi32>], vector<16xf32>,
    %get3A_650 = arith.constant 848 : index
    %get3A_651 = tpu.vector_load %arg6[%get3A_650] {strides = array<i32>} : memref<2560xi32, #tpu.memory_space<vmem>>, vector<16xi32>,
    tpu.vector_store_idx %arg7[%get3A_651], %broadcast_in_dim3A_7 : memref<4112xf32, #tpu.memory_space<vmem>>[vector<16xi32>], vector<16xf32>,
    %get3A_652 = arith.constant 864 : index
    %get3A_653 = tpu.vector_load %arg6[%get3A_652] {strides = array<i32>} : memref<2560xi32, #tpu.memory_space<vmem>>, vector<16xi32>,
    tpu.vector_store_idx %arg7[%get3A_653], %broadcast_in_dim3A_7 : memref<4112xf32, #tpu.memory_space<vmem>>[vector<16xi32>], vector<16xf32>,
    %get3A_654 = arith.constant 960 : index
    %get3A_655 = tpu.vector_load %arg5[%get3A_654] {strides = array<i32>} : memref<2560xf32, #tpu.memory_space<vmem>>, vector<16xf32>,
    %get3A_656 = arith.constant 960 : index
    %get3A_657 = tpu.vector_load %arg6[%get3A_656] {strides = array<i32>} : memref<2560xi32, #tpu.memory_space<vmem>>, vector<16xi32>,
    tpu.vector_store_idx %arg7[%get3A_657], %get3A_655 : memref<4112xf32, #tpu.memory_space<vmem>>[vector<16xi32>], vector<16xf32>,
    %get3A_658 = arith.constant 976 : index
    %get3A_659 = tpu.vector_load %arg5[%get3A_658] {strides = array<i32>} : memref<2560xf32, #tpu.memory_space<vmem>>, vector<16xf32>,
    %get3A_660 = arith.constant 976 : index
    %get3A_661 = tpu.vector_load %arg6[%get3A_660] {strides = array<i32>} : memref<2560xi32, #tpu.memory_space<vmem>>, vector<16xi32>,
    tpu.vector_store_idx %arg7[%get3A_661], %get3A_659 : memref<4112xf32, #tpu.memory_space<vmem>>[vector<16xi32>], vector<16xf32>,
    %get3A_662 = arith.constant 992 : index
    %get3A_663 = tpu.vector_load %arg5[%get3A_662] {strides = array<i32>} : memref<2560xf32, #tpu.memory_space<vmem>>, vector<16xf32>,
    %get3A_664 = arith.constant 992 : index
    %get3A_665 = tpu.vector_load %arg6[%get3A_664] {strides = array<i32>} : memref<2560xi32, #tpu.memory_space<vmem>>, vector<16xi32>,
    tpu.vector_store_idx %arg7[%get3A_665], %get3A_663 : memref<4112xf32, #tpu.memory_space<vmem>>[vector<16xi32>], vector<16xf32>,
    %get3A_666 = arith.constant 1008 : index
    %get3A_667 = tpu.vector_load %arg5[%get3A_666] {strides = array<i32>} : memref<2560xf32, #tpu.memory_space<vmem>>, vector<16xf32>,
    %get3A_668 = arith.constant 1008 : index
    %get3A_669 = tpu.vector_load %arg6[%get3A_668] {strides = array<i32>} : memref<2560xi32, #tpu.memory_space<vmem>>, vector<16xi32>,
    tpu.vector_store_idx %arg7[%get3A_669], %get3A_667 : memref<4112xf32, #tpu.memory_space<vmem>>[vector<16xi32>], vector<16xf32>,
    %get3A_670 = arith.constant 1024 : index
    %get3A_671 = tpu.vector_load %arg5[%get3A_670] {strides = array<i32>} : memref<2560xf32, #tpu.memory_space<vmem>>, vector<16xf32>,
    %get3A_672 = arith.constant 1024 : index
    %get3A_673 = tpu.vector_load %arg6[%get3A_672] {strides = array<i32>} : memref<2560xi32, #tpu.memory_space<vmem>>, vector<16xi32>,
    tpu.vector_store_idx %arg7[%get3A_673], %get3A_671 : memref<4112xf32, #tpu.memory_space<vmem>>[vector<16xi32>], vector<16xf32>,
    %add3A_674 = arith.constant 12 : i32
    %add3A_675 = arith.addi %mul3A_2, %add3A_674 : i32
    %dma_start3A_676 = arith.constant 0 : i32
    %dma_start3A_677 = tpu.memref_slice %arg7[%dma_start3A_676] : memref<4112xf32, #tpu.memory_space<vmem>> -> memref<4096xf32, #tpu.memory_space<vmem>>
    %dma_start3A_678 = arith.constant 0 : i32
    %dma_start3A_679 = tpu.memref_slice %arg4[%add3A_675, %dma_start3A_678] : memref<1024x4096xf32, #tpu.memory_space<hbm>> -> memref<1x4096xf32, #tpu.memory_space<hbm>>
    %dma_start3A_680 = tpu.memref_squeeze %dma_start3A_679 : memref<1x4096xf32, #tpu.memory_space<hbm>> -> memref<4096xf32, #tpu.memory_space<hbm>>
    %dma_start3A_681 = arith.constant 0 : i32
    %dma_start3A_682 = tpu.memref_slice %arg4[%add3A_675, %dma_start3A_681] : memref<1024x4096xf32, #tpu.memory_space<hbm>> -> memref<1x4096xf32, #tpu.memory_space<hbm>>
    %dma_start3A_683 = tpu.memref_squeeze %dma_start3A_682 : memref<1x4096xf32, #tpu.memory_space<hbm>> -> memref<4096xf32, #tpu.memory_space<hbm>>
    %dma_start3A_684 = arith.constant 0 : i32
    %dma_start3A_685 = tpu.memref_slice %arg7[%dma_start3A_684] : memref<4112xf32, #tpu.memory_space<vmem>> -> memref<4096xf32, #tpu.memory_space<vmem>>
    tpu.enqueue_dma source(%dma_start3A_685 : memref<4096xf32, #tpu.memory_space<vmem>>) target(%dma_start3A_683 : memref<4096xf32, #tpu.memory_space<hbm>>) target_semaphore(%arg9 : memref<!tpu.dma_semaphore, #tpu.memory_space<semaphore_mem>>)
    %add3A_686 = arith.constant 13 : i32
    %add3A_687 = arith.addi %mul3A_2, %add3A_686 : i32
    %sub3A_688 = arith.constant 2 : i32
    %sub3A_689 = arith.subi %add3A_687, %sub3A_688 : i32
    %dma_wait3A_690 = arith.constant 0 : i32
    %dma_wait3A_691 = tpu.memref_slice %arg8[%dma_wait3A_690] : memref<4112xf32, #tpu.memory_space<vmem>> -> memref<4096xf32, #tpu.memory_space<vmem>>
    %dma_wait3A_692 = arith.constant 0 : i32
    %dma_wait3A_693 = tpu.memref_slice %arg4[%sub3A_689, %dma_wait3A_692] : memref<1024x4096xf32, #tpu.memory_space<hbm>> -> memref<1x4096xf32, #tpu.memory_space<hbm>>
    %dma_wait3A_694 = tpu.memref_squeeze %dma_wait3A_693 : memref<1x4096xf32, #tpu.memory_space<hbm>> -> memref<4096xf32, #tpu.memory_space<hbm>>
    %dma_wait3A_695 = arith.constant 0 : i32
    %dma_wait3A_696 = tpu.memref_slice %arg4[%sub3A_689, %dma_wait3A_695] : memref<1024x4096xf32, #tpu.memory_space<hbm>> -> memref<1x4096xf32, #tpu.memory_space<hbm>>
    %dma_wait3A_697 = tpu.memref_squeeze %dma_wait3A_696 : memref<1x4096xf32, #tpu.memory_space<hbm>> -> memref<4096xf32, #tpu.memory_space<hbm>>
    %dma_wait3A_698 = arith.constant 0 : i32
    %dma_wait3A_699 = tpu.memref_slice %arg8[%dma_wait3A_698] : memref<4112xf32, #tpu.memory_space<vmem>> -> memref<4096xf32, #tpu.memory_space<vmem>>
    tpu.wait_dma2 semaphore(%arg10 : memref<!tpu.dma_semaphore, #tpu.memory_space<semaphore_mem>>) src(%dma_wait3A_699 : memref<4096xf32, #tpu.memory_space<vmem>>) dst(%dma_wait3A_697 : memref<4096xf32, #tpu.memory_space<hbm>>)
    %get3A_700 = arith.constant 880 : index
    %get3A_701 = tpu.vector_load %arg6[%get3A_700] {strides = array<i32>} : memref<2560xi32, #tpu.memory_space<vmem>>, vector<16xi32>,
    tpu.vector_store_idx %arg8[%get3A_701], %broadcast_in_dim3A_7 : memref<4112xf32, #tpu.memory_space<vmem>>[vector<16xi32>], vector<16xf32>,
    %get3A_702 = arith.constant 896 : index
    %get3A_703 = tpu.vector_load %arg6[%get3A_702] {strides = array<i32>} : memref<2560xi32, #tpu.memory_space<vmem>>, vector<16xi32>,
    tpu.vector_store_idx %arg8[%get3A_703], %broadcast_in_dim3A_7 : memref<4112xf32, #tpu.memory_space<vmem>>[vector<16xi32>], vector<16xf32>,
    %get3A_704 = arith.constant 912 : index
    %get3A_705 = tpu.vector_load %arg6[%get3A_704] {strides = array<i32>} : memref<2560xi32, #tpu.memory_space<vmem>>, vector<16xi32>,
    tpu.vector_store_idx %arg8[%get3A_705], %broadcast_in_dim3A_7 : memref<4112xf32, #tpu.memory_space<vmem>>[vector<16xi32>], vector<16xf32>,
    %get3A_706 = arith.constant 928 : index
    %get3A_707 = tpu.vector_load %arg6[%get3A_706] {strides = array<i32>} : memref<2560xi32, #tpu.memory_space<vmem>>, vector<16xi32>,
    tpu.vector_store_idx %arg8[%get3A_707], %broadcast_in_dim3A_7 : memref<4112xf32, #tpu.memory_space<vmem>>[vector<16xi32>], vector<16xf32>,
    %get3A_708 = arith.constant 944 : index
    %get3A_709 = tpu.vector_load %arg6[%get3A_708] {strides = array<i32>} : memref<2560xi32, #tpu.memory_space<vmem>>, vector<16xi32>,
    tpu.vector_store_idx %arg8[%get3A_709], %broadcast_in_dim3A_7 : memref<4112xf32, #tpu.memory_space<vmem>>[vector<16xi32>], vector<16xf32>,
    %get3A_710 = arith.constant 1040 : index
    %get3A_711 = tpu.vector_load %arg5[%get3A_710] {strides = array<i32>} : memref<2560xf32, #tpu.memory_space<vmem>>, vector<16xf32>,
    %get3A_712 = arith.constant 1040 : index
    %get3A_713 = tpu.vector_load %arg6[%get3A_712] {strides = array<i32>} : memref<2560xi32, #tpu.memory_space<vmem>>, vector<16xi32>,
    tpu.vector_store_idx %arg8[%get3A_713], %get3A_711 : memref<4112xf32, #tpu.memory_space<vmem>>[vector<16xi32>], vector<16xf32>,
    %get3A_714 = arith.constant 1056 : index
    %get3A_715 = tpu.vector_load %arg5[%get3A_714] {strides = array<i32>} : memref<2560xf32, #tpu.memory_space<vmem>>, vector<16xf32>,
    %get3A_716 = arith.constant 1056 : index
    %get3A_717 = tpu.vector_load %arg6[%get3A_716] {strides = array<i32>} : memref<2560xi32, #tpu.memory_space<vmem>>, vector<16xi32>,
    tpu.vector_store_idx %arg8[%get3A_717], %get3A_715 : memref<4112xf32, #tpu.memory_space<vmem>>[vector<16xi32>], vector<16xf32>,
    %get3A_718 = arith.constant 1072 : index
    %get3A_719 = tpu.vector_load %arg5[%get3A_718] {strides = array<i32>} : memref<2560xf32, #tpu.memory_space<vmem>>, vector<16xf32>,
    %get3A_720 = arith.constant 1072 : index
    %get3A_721 = tpu.vector_load %arg6[%get3A_720] {strides = array<i32>} : memref<2560xi32, #tpu.memory_space<vmem>>, vector<16xi32>,
    tpu.vector_store_idx %arg8[%get3A_721], %get3A_719 : memref<4112xf32, #tpu.memory_space<vmem>>[vector<16xi32>], vector<16xf32>,
    %get3A_722 = arith.constant 1088 : index
    %get3A_723 = tpu.vector_load %arg5[%get3A_722] {strides = array<i32>} : memref<2560xf32, #tpu.memory_space<vmem>>, vector<16xf32>,
    %get3A_724 = arith.constant 1088 : index
    %get3A_725 = tpu.vector_load %arg6[%get3A_724] {strides = array<i32>} : memref<2560xi32, #tpu.memory_space<vmem>>, vector<16xi32>,
    tpu.vector_store_idx %arg8[%get3A_725], %get3A_723 : memref<4112xf32, #tpu.memory_space<vmem>>[vector<16xi32>], vector<16xf32>,
    %get3A_726 = arith.constant 1104 : index
    %get3A_727 = tpu.vector_load %arg5[%get3A_726] {strides = array<i32>} : memref<2560xf32, #tpu.memory_space<vmem>>, vector<16xf32>,
    %get3A_728 = arith.constant 1104 : index
    %get3A_729 = tpu.vector_load %arg6[%get3A_728] {strides = array<i32>} : memref<2560xi32, #tpu.memory_space<vmem>>, vector<16xi32>,
    tpu.vector_store_idx %arg8[%get3A_729], %get3A_727 : memref<4112xf32, #tpu.memory_space<vmem>>[vector<16xi32>], vector<16xf32>,
    %add3A_730 = arith.constant 13 : i32
    %add3A_731 = arith.addi %mul3A_2, %add3A_730 : i32
    %dma_start3A_732 = arith.constant 0 : i32
    %dma_start3A_733 = tpu.memref_slice %arg8[%dma_start3A_732] : memref<4112xf32, #tpu.memory_space<vmem>> -> memref<4096xf32, #tpu.memory_space<vmem>>
    %dma_start3A_734 = arith.constant 0 : i32
    %dma_start3A_735 = tpu.memref_slice %arg4[%add3A_731, %dma_start3A_734] : memref<1024x4096xf32, #tpu.memory_space<hbm>> -> memref<1x4096xf32, #tpu.memory_space<hbm>>
    %dma_start3A_736 = tpu.memref_squeeze %dma_start3A_735 : memref<1x4096xf32, #tpu.memory_space<hbm>> -> memref<4096xf32, #tpu.memory_space<hbm>>
    %dma_start3A_737 = arith.constant 0 : i32
    %dma_start3A_738 = tpu.memref_slice %arg4[%add3A_731, %dma_start3A_737] : memref<1024x4096xf32, #tpu.memory_space<hbm>> -> memref<1x4096xf32, #tpu.memory_space<hbm>>
    %dma_start3A_739 = tpu.memref_squeeze %dma_start3A_738 : memref<1x4096xf32, #tpu.memory_space<hbm>> -> memref<4096xf32, #tpu.memory_space<hbm>>
    %dma_start3A_740 = arith.constant 0 : i32
    %dma_start3A_741 = tpu.memref_slice %arg8[%dma_start3A_740] : memref<4112xf32, #tpu.memory_space<vmem>> -> memref<4096xf32, #tpu.memory_space<vmem>>
    tpu.enqueue_dma source(%dma_start3A_741 : memref<4096xf32, #tpu.memory_space<vmem>>) target(%dma_start3A_739 : memref<4096xf32, #tpu.memory_space<hbm>>) target_semaphore(%arg10 : memref<!tpu.dma_semaphore, #tpu.memory_space<semaphore_mem>>)
    %add3A_742 = arith.constant 14 : i32
    %add3A_743 = arith.addi %mul3A_2, %add3A_742 : i32
    %sub3A_744 = arith.constant 2 : i32
    %sub3A_745 = arith.subi %add3A_743, %sub3A_744 : i32
    %dma_wait3A_746 = arith.constant 0 : i32
    %dma_wait3A_747 = tpu.memref_slice %arg7[%dma_wait3A_746] : memref<4112xf32, #tpu.memory_space<vmem>> -> memref<4096xf32, #tpu.memory_space<vmem>>
    %dma_wait3A_748 = arith.constant 0 : i32
    %dma_wait3A_749 = tpu.memref_slice %arg4[%sub3A_745, %dma_wait3A_748] : memref<1024x4096xf32, #tpu.memory_space<hbm>> -> memref<1x4096xf32, #tpu.memory_space<hbm>>
    %dma_wait3A_750 = tpu.memref_squeeze %dma_wait3A_749 : memref<1x4096xf32, #tpu.memory_space<hbm>> -> memref<4096xf32, #tpu.memory_space<hbm>>
    %dma_wait3A_751 = arith.constant 0 : i32
    %dma_wait3A_752 = tpu.memref_slice %arg4[%sub3A_745, %dma_wait3A_751] : memref<1024x4096xf32, #tpu.memory_space<hbm>> -> memref<1x4096xf32, #tpu.memory_space<hbm>>
    %dma_wait3A_753 = tpu.memref_squeeze %dma_wait3A_752 : memref<1x4096xf32, #tpu.memory_space<hbm>> -> memref<4096xf32, #tpu.memory_space<hbm>>
    %dma_wait3A_754 = arith.constant 0 : i32
    %dma_wait3A_755 = tpu.memref_slice %arg7[%dma_wait3A_754] : memref<4112xf32, #tpu.memory_space<vmem>> -> memref<4096xf32, #tpu.memory_space<vmem>>
    tpu.wait_dma2 semaphore(%arg9 : memref<!tpu.dma_semaphore, #tpu.memory_space<semaphore_mem>>) src(%dma_wait3A_755 : memref<4096xf32, #tpu.memory_space<vmem>>) dst(%dma_wait3A_753 : memref<4096xf32, #tpu.memory_space<hbm>>)
    %get3A_756 = arith.constant 960 : index
    %get3A_757 = tpu.vector_load %arg6[%get3A_756] {strides = array<i32>} : memref<2560xi32, #tpu.memory_space<vmem>>, vector<16xi32>,
    tpu.vector_store_idx %arg7[%get3A_757], %broadcast_in_dim3A_7 : memref<4112xf32, #tpu.memory_space<vmem>>[vector<16xi32>], vector<16xf32>,
    %get3A_758 = arith.constant 976 : index
    %get3A_759 = tpu.vector_load %arg6[%get3A_758] {strides = array<i32>} : memref<2560xi32, #tpu.memory_space<vmem>>, vector<16xi32>,
    tpu.vector_store_idx %arg7[%get3A_759], %broadcast_in_dim3A_7 : memref<4112xf32, #tpu.memory_space<vmem>>[vector<16xi32>], vector<16xf32>,
    %get3A_760 = arith.constant 992 : index
    %get3A_761 = tpu.vector_load %arg6[%get3A_760] {strides = array<i32>} : memref<2560xi32, #tpu.memory_space<vmem>>, vector<16xi32>,
    tpu.vector_store_idx %arg7[%get3A_761], %broadcast_in_dim3A_7 : memref<4112xf32, #tpu.memory_space<vmem>>[vector<16xi32>], vector<16xf32>,
    %get3A_762 = arith.constant 1008 : index
    %get3A_763 = tpu.vector_load %arg6[%get3A_762] {strides = array<i32>} : memref<2560xi32, #tpu.memory_space<vmem>>, vector<16xi32>,
    tpu.vector_store_idx %arg7[%get3A_763], %broadcast_in_dim3A_7 : memref<4112xf32, #tpu.memory_space<vmem>>[vector<16xi32>], vector<16xf32>,
    %get3A_764 = arith.constant 1024 : index
    %get3A_765 = tpu.vector_load %arg6[%get3A_764] {strides = array<i32>} : memref<2560xi32, #tpu.memory_space<vmem>>, vector<16xi32>,
    tpu.vector_store_idx %arg7[%get3A_765], %broadcast_in_dim3A_7 : memref<4112xf32, #tpu.memory_space<vmem>>[vector<16xi32>], vector<16xf32>,
    %get3A_766 = arith.constant 1120 : index
    %get3A_767 = tpu.vector_load %arg5[%get3A_766] {strides = array<i32>} : memref<2560xf32, #tpu.memory_space<vmem>>, vector<16xf32>,
    %get3A_768 = arith.constant 1120 : index
    %get3A_769 = tpu.vector_load %arg6[%get3A_768] {strides = array<i32>} : memref<2560xi32, #tpu.memory_space<vmem>>, vector<16xi32>,
    tpu.vector_store_idx %arg7[%get3A_769], %get3A_767 : memref<4112xf32, #tpu.memory_space<vmem>>[vector<16xi32>], vector<16xf32>,
    %get3A_770 = arith.constant 1136 : index
    %get3A_771 = tpu.vector_load %arg5[%get3A_770] {strides = array<i32>} : memref<2560xf32, #tpu.memory_space<vmem>>, vector<16xf32>,
    %get3A_772 = arith.constant 1136 : index
    %get3A_773 = tpu.vector_load %arg6[%get3A_772] {strides = array<i32>} : memref<2560xi32, #tpu.memory_space<vmem>>, vector<16xi32>,
    tpu.vector_store_idx %arg7[%get3A_773], %get3A_771 : memref<4112xf32, #tpu.memory_space<vmem>>[vector<16xi32>], vector<16xf32>,
    %get3A_774 = arith.constant 1152 : index
    %get3A_775 = tpu.vector_load %arg5[%get3A_774] {strides = array<i32>} : memref<2560xf32, #tpu.memory_space<vmem>>, vector<16xf32>,
    %get3A_776 = arith.constant 1152 : index
    %get3A_777 = tpu.vector_load %arg6[%get3A_776] {strides = array<i32>} : memref<2560xi32, #tpu.memory_space<vmem>>, vector<16xi32>,
    tpu.vector_store_idx %arg7[%get3A_777], %get3A_775 : memref<4112xf32, #tpu.memory_space<vmem>>[vector<16xi32>], vector<16xf32>,
    %get3A_778 = arith.constant 1168 : index
    %get3A_779 = tpu.vector_load %arg5[%get3A_778] {strides = array<i32>} : memref<2560xf32, #tpu.memory_space<vmem>>, vector<16xf32>,
    %get3A_780 = arith.constant 1168 : index
    %get3A_781 = tpu.vector_load %arg6[%get3A_780] {strides = array<i32>} : memref<2560xi32, #tpu.memory_space<vmem>>, vector<16xi32>,
    tpu.vector_store_idx %arg7[%get3A_781], %get3A_779 : memref<4112xf32, #tpu.memory_space<vmem>>[vector<16xi32>], vector<16xf32>,
    %get3A_782 = arith.constant 1184 : index
    %get3A_783 = tpu.vector_load %arg5[%get3A_782] {strides = array<i32>} : memref<2560xf32, #tpu.memory_space<vmem>>, vector<16xf32>,
    %get3A_784 = arith.constant 1184 : index
    %get3A_785 = tpu.vector_load %arg6[%get3A_784] {strides = array<i32>} : memref<2560xi32, #tpu.memory_space<vmem>>, vector<16xi32>,
    tpu.vector_store_idx %arg7[%get3A_785], %get3A_783 : memref<4112xf32, #tpu.memory_space<vmem>>[vector<16xi32>], vector<16xf32>,
    %add3A_786 = arith.constant 14 : i32
    %add3A_787 = arith.addi %mul3A_2, %add3A_786 : i32
    %dma_start3A_788 = arith.constant 0 : i32
    %dma_start3A_789 = tpu.memref_slice %arg7[%dma_start3A_788] : memref<4112xf32, #tpu.memory_space<vmem>> -> memref<4096xf32, #tpu.memory_space<vmem>>
    %dma_start3A_790 = arith.constant 0 : i32
    %dma_start3A_791 = tpu.memref_slice %arg4[%add3A_787, %dma_start3A_790] : memref<1024x4096xf32, #tpu.memory_space<hbm>> -> memref<1x4096xf32, #tpu.memory_space<hbm>>
    %dma_start3A_792 = tpu.memref_squeeze %dma_start3A_791 : memref<1x4096xf32, #tpu.memory_space<hbm>> -> memref<4096xf32, #tpu.memory_space<hbm>>
    %dma_start3A_793 = arith.constant 0 : i32
    %dma_start3A_794 = tpu.memref_slice %arg4[%add3A_787, %dma_start3A_793] : memref<1024x4096xf32, #tpu.memory_space<hbm>> -> memref<1x4096xf32, #tpu.memory_space<hbm>>
    %dma_start3A_795 = tpu.memref_squeeze %dma_start3A_794 : memref<1x4096xf32, #tpu.memory_space<hbm>> -> memref<4096xf32, #tpu.memory_space<hbm>>
    %dma_start3A_796 = arith.constant 0 : i32
    %dma_start3A_797 = tpu.memref_slice %arg7[%dma_start3A_796] : memref<4112xf32, #tpu.memory_space<vmem>> -> memref<4096xf32, #tpu.memory_space<vmem>>
    tpu.enqueue_dma source(%dma_start3A_797 : memref<4096xf32, #tpu.memory_space<vmem>>) target(%dma_start3A_795 : memref<4096xf32, #tpu.memory_space<hbm>>) target_semaphore(%arg9 : memref<!tpu.dma_semaphore, #tpu.memory_space<semaphore_mem>>)
    %add3A_798 = arith.constant 15 : i32
    %add3A_799 = arith.addi %mul3A_2, %add3A_798 : i32
    %sub3A_800 = arith.constant 2 : i32
    %sub3A_801 = arith.subi %add3A_799, %sub3A_800 : i32
    %dma_wait3A_802 = arith.constant 0 : i32
    %dma_wait3A_803 = tpu.memref_slice %arg8[%dma_wait3A_802] : memref<4112xf32, #tpu.memory_space<vmem>> -> memref<4096xf32, #tpu.memory_space<vmem>>
    %dma_wait3A_804 = arith.constant 0 : i32
    %dma_wait3A_805 = tpu.memref_slice %arg4[%sub3A_801, %dma_wait3A_804] : memref<1024x4096xf32, #tpu.memory_space<hbm>> -> memref<1x4096xf32, #tpu.memory_space<hbm>>
    %dma_wait3A_806 = tpu.memref_squeeze %dma_wait3A_805 : memref<1x4096xf32, #tpu.memory_space<hbm>> -> memref<4096xf32, #tpu.memory_space<hbm>>
    %dma_wait3A_807 = arith.constant 0 : i32
    %dma_wait3A_808 = tpu.memref_slice %arg4[%sub3A_801, %dma_wait3A_807] : memref<1024x4096xf32, #tpu.memory_space<hbm>> -> memref<1x4096xf32, #tpu.memory_space<hbm>>
    %dma_wait3A_809 = tpu.memref_squeeze %dma_wait3A_808 : memref<1x4096xf32, #tpu.memory_space<hbm>> -> memref<4096xf32, #tpu.memory_space<hbm>>
    %dma_wait3A_810 = arith.constant 0 : i32
    %dma_wait3A_811 = tpu.memref_slice %arg8[%dma_wait3A_810] : memref<4112xf32, #tpu.memory_space<vmem>> -> memref<4096xf32, #tpu.memory_space<vmem>>
    tpu.wait_dma2 semaphore(%arg10 : memref<!tpu.dma_semaphore, #tpu.memory_space<semaphore_mem>>) src(%dma_wait3A_811 : memref<4096xf32, #tpu.memory_space<vmem>>) dst(%dma_wait3A_809 : memref<4096xf32, #tpu.memory_space<hbm>>)
    %get3A_812 = arith.constant 1040 : index
    %get3A_813 = tpu.vector_load %arg6[%get3A_812] {strides = array<i32>} : memref<2560xi32, #tpu.memory_space<vmem>>, vector<16xi32>,
    tpu.vector_store_idx %arg8[%get3A_813], %broadcast_in_dim3A_7 : memref<4112xf32, #tpu.memory_space<vmem>>[vector<16xi32>], vector<16xf32>,
    %get3A_814 = arith.constant 1056 : index
    %get3A_815 = tpu.vector_load %arg6[%get3A_814] {strides = array<i32>} : memref<2560xi32, #tpu.memory_space<vmem>>, vector<16xi32>,
    tpu.vector_store_idx %arg8[%get3A_815], %broadcast_in_dim3A_7 : memref<4112xf32, #tpu.memory_space<vmem>>[vector<16xi32>], vector<16xf32>,
    %get3A_816 = arith.constant 1072 : index
    %get3A_817 = tpu.vector_load %arg6[%get3A_816] {strides = array<i32>} : memref<2560xi32, #tpu.memory_space<vmem>>, vector<16xi32>,
    tpu.vector_store_idx %arg8[%get3A_817], %broadcast_in_dim3A_7 : memref<4112xf32, #tpu.memory_space<vmem>>[vector<16xi32>], vector<16xf32>,
    %get3A_818 = arith.constant 1088 : index
    %get3A_819 = tpu.vector_load %arg6[%get3A_818] {strides = array<i32>} : memref<2560xi32, #tpu.memory_space<vmem>>, vector<16xi32>,
    tpu.vector_store_idx %arg8[%get3A_819], %broadcast_in_dim3A_7 : memref<4112xf32, #tpu.memory_space<vmem>>[vector<16xi32>], vector<16xf32>,
    %get3A_820 = arith.constant 1104 : index
    %get3A_821 = tpu.vector_load %arg6[%get3A_820] {strides = array<i32>} : memref<2560xi32, #tpu.memory_space<vmem>>, vector<16xi32>,
    tpu.vector_store_idx %arg8[%get3A_821], %broadcast_in_dim3A_7 : memref<4112xf32, #tpu.memory_space<vmem>>[vector<16xi32>], vector<16xf32>,
    %get3A_822 = arith.constant 1200 : index
    %get3A_823 = tpu.vector_load %arg5[%get3A_822] {strides = array<i32>} : memref<2560xf32, #tpu.memory_space<vmem>>, vector<16xf32>,
    %get3A_824 = arith.constant 1200 : index
    %get3A_825 = tpu.vector_load %arg6[%get3A_824] {strides = array<i32>} : memref<2560xi32, #tpu.memory_space<vmem>>, vector<16xi32>,
    tpu.vector_store_idx %arg8[%get3A_825], %get3A_823 : memref<4112xf32, #tpu.memory_space<vmem>>[vector<16xi32>], vector<16xf32>,
    %get3A_826 = arith.constant 1216 : index
    %get3A_827 = tpu.vector_load %arg5[%get3A_826] {strides = array<i32>} : memref<2560xf32, #tpu.memory_space<vmem>>, vector<16xf32>,
    %get3A_828 = arith.constant 1216 : index
    %get3A_829 = tpu.vector_load %arg6[%get3A_828] {strides = array<i32>} : memref<2560xi32, #tpu.memory_space<vmem>>, vector<16xi32>,
    tpu.vector_store_idx %arg8[%get3A_829], %get3A_827 : memref<4112xf32, #tpu.memory_space<vmem>>[vector<16xi32>], vector<16xf32>,
    %get3A_830 = arith.constant 1232 : index
    %get3A_831 = tpu.vector_load %arg5[%get3A_830] {strides = array<i32>} : memref<2560xf32, #tpu.memory_space<vmem>>, vector<16xf32>,
    %get3A_832 = arith.constant 1232 : index
    %get3A_833 = tpu.vector_load %arg6[%get3A_832] {strides = array<i32>} : memref<2560xi32, #tpu.memory_space<vmem>>, vector<16xi32>,
    tpu.vector_store_idx %arg8[%get3A_833], %get3A_831 : memref<4112xf32, #tpu.memory_space<vmem>>[vector<16xi32>], vector<16xf32>,
    %get3A_834 = arith.constant 1248 : index
    %get3A_835 = tpu.vector_load %arg5[%get3A_834] {strides = array<i32>} : memref<2560xf32, #tpu.memory_space<vmem>>, vector<16xf32>,
    %get3A_836 = arith.constant 1248 : index
    %get3A_837 = tpu.vector_load %arg6[%get3A_836] {strides = array<i32>} : memref<2560xi32, #tpu.memory_space<vmem>>, vector<16xi32>,
    tpu.vector_store_idx %arg8[%get3A_837], %get3A_835 : memref<4112xf32, #tpu.memory_space<vmem>>[vector<16xi32>], vector<16xf32>,
    %get3A_838 = arith.constant 1264 : index
    %get3A_839 = tpu.vector_load %arg5[%get3A_838] {strides = array<i32>} : memref<2560xf32, #tpu.memory_space<vmem>>, vector<16xf32>,
    %get3A_840 = arith.constant 1264 : index
    %get3A_841 = tpu.vector_load %arg6[%get3A_840] {strides = array<i32>} : memref<2560xi32, #tpu.memory_space<vmem>>, vector<16xi32>,
    tpu.vector_store_idx %arg8[%get3A_841], %get3A_839 : memref<4112xf32, #tpu.memory_space<vmem>>[vector<16xi32>], vector<16xf32>,
    %add3A_842 = arith.constant 15 : i32
    %add3A_843 = arith.addi %mul3A_2, %add3A_842 : i32
    %dma_start3A_844 = arith.constant 0 : i32
    %dma_start3A_845 = tpu.memref_slice %arg8[%dma_start3A_844] : memref<4112xf32, #tpu.memory_space<vmem>> -> memref<4096xf32, #tpu.memory_space<vmem>>
    %dma_start3A_846 = arith.constant 0 : i32
    %dma_start3A_847 = tpu.memref_slice %arg4[%add3A_843, %dma_start3A_846] : memref<1024x4096xf32, #tpu.memory_space<hbm>> -> memref<1x4096xf32, #tpu.memory_space<hbm>>
    %dma_start3A_848 = tpu.memref_squeeze %dma_start3A_847 : memref<1x4096xf32, #tpu.memory_space<hbm>> -> memref<4096xf32, #tpu.memory_space<hbm>>
    %dma_start3A_849 = arith.constant 0 : i32
    %dma_start3A_850 = tpu.memref_slice %arg4[%add3A_843, %dma_start3A_849] : memref<1024x4096xf32, #tpu.memory_space<hbm>> -> memref<1x4096xf32, #tpu.memory_space<hbm>>
    %dma_start3A_851 = tpu.memref_squeeze %dma_start3A_850 : memref<1x4096xf32, #tpu.memory_space<hbm>> -> memref<4096xf32, #tpu.memory_space<hbm>>
    %dma_start3A_852 = arith.constant 0 : i32
    %dma_start3A_853 = tpu.memref_slice %arg8[%dma_start3A_852] : memref<4112xf32, #tpu.memory_space<vmem>> -> memref<4096xf32, #tpu.memory_space<vmem>>
    tpu.enqueue_dma source(%dma_start3A_853 : memref<4096xf32, #tpu.memory_space<vmem>>) target(%dma_start3A_851 : memref<4096xf32, #tpu.memory_space<hbm>>) target_semaphore(%arg10 : memref<!tpu.dma_semaphore, #tpu.memory_space<semaphore_mem>>)
    %add3A_854 = arith.constant 16 : i32
    %add3A_855 = arith.addi %mul3A_2, %add3A_854 : i32
    %sub3A_856 = arith.constant 2 : i32
    %sub3A_857 = arith.subi %add3A_855, %sub3A_856 : i32
    %dma_wait3A_858 = arith.constant 0 : i32
    %dma_wait3A_859 = tpu.memref_slice %arg7[%dma_wait3A_858] : memref<4112xf32, #tpu.memory_space<vmem>> -> memref<4096xf32, #tpu.memory_space<vmem>>
    %dma_wait3A_860 = arith.constant 0 : i32
    %dma_wait3A_861 = tpu.memref_slice %arg4[%sub3A_857, %dma_wait3A_860] : memref<1024x4096xf32, #tpu.memory_space<hbm>> -> memref<1x4096xf32, #tpu.memory_space<hbm>>
    %dma_wait3A_862 = tpu.memref_squeeze %dma_wait3A_861 : memref<1x4096xf32, #tpu.memory_space<hbm>> -> memref<4096xf32, #tpu.memory_space<hbm>>
    %dma_wait3A_863 = arith.constant 0 : i32
    %dma_wait3A_864 = tpu.memref_slice %arg4[%sub3A_857, %dma_wait3A_863] : memref<1024x4096xf32, #tpu.memory_space<hbm>> -> memref<1x4096xf32, #tpu.memory_space<hbm>>
    %dma_wait3A_865 = tpu.memref_squeeze %dma_wait3A_864 : memref<1x4096xf32, #tpu.memory_space<hbm>> -> memref<4096xf32, #tpu.memory_space<hbm>>
    %dma_wait3A_866 = arith.constant 0 : i32
    %dma_wait3A_867 = tpu.memref_slice %arg7[%dma_wait3A_866] : memref<4112xf32, #tpu.memory_space<vmem>> -> memref<4096xf32, #tpu.memory_space<vmem>>
    tpu.wait_dma2 semaphore(%arg9 : memref<!tpu.dma_semaphore, #tpu.memory_space<semaphore_mem>>) src(%dma_wait3A_867 : memref<4096xf32, #tpu.memory_space<vmem>>) dst(%dma_wait3A_865 : memref<4096xf32, #tpu.memory_space<hbm>>)
    %get3A_868 = arith.constant 1120 : index
    %get3A_869 = tpu.vector_load %arg6[%get3A_868] {strides = array<i32>} : memref<2560xi32, #tpu.memory_space<vmem>>, vector<16xi32>,
    tpu.vector_store_idx %arg7[%get3A_869], %broadcast_in_dim3A_7 : memref<4112xf32, #tpu.memory_space<vmem>>[vector<16xi32>], vector<16xf32>,
    %get3A_870 = arith.constant 1136 : index
    %get3A_871 = tpu.vector_load %arg6[%get3A_870] {strides = array<i32>} : memref<2560xi32, #tpu.memory_space<vmem>>, vector<16xi32>,
    tpu.vector_store_idx %arg7[%get3A_871], %broadcast_in_dim3A_7 : memref<4112xf32, #tpu.memory_space<vmem>>[vector<16xi32>], vector<16xf32>,
    %get3A_872 = arith.constant 1152 : index
    %get3A_873 = tpu.vector_load %arg6[%get3A_872] {strides = array<i32>} : memref<2560xi32, #tpu.memory_space<vmem>>, vector<16xi32>,
    tpu.vector_store_idx %arg7[%get3A_873], %broadcast_in_dim3A_7 : memref<4112xf32, #tpu.memory_space<vmem>>[vector<16xi32>], vector<16xf32>,
    %get3A_874 = arith.constant 1168 : index
    %get3A_875 = tpu.vector_load %arg6[%get3A_874] {strides = array<i32>} : memref<2560xi32, #tpu.memory_space<vmem>>, vector<16xi32>,
    tpu.vector_store_idx %arg7[%get3A_875], %broadcast_in_dim3A_7 : memref<4112xf32, #tpu.memory_space<vmem>>[vector<16xi32>], vector<16xf32>,
    %get3A_876 = arith.constant 1184 : index
    %get3A_877 = tpu.vector_load %arg6[%get3A_876] {strides = array<i32>} : memref<2560xi32, #tpu.memory_space<vmem>>, vector<16xi32>,
    tpu.vector_store_idx %arg7[%get3A_877], %broadcast_in_dim3A_7 : memref<4112xf32, #tpu.memory_space<vmem>>[vector<16xi32>], vector<16xf32>,
    %get3A_878 = arith.constant 1280 : index
    %get3A_879 = tpu.vector_load %arg5[%get3A_878] {strides = array<i32>} : memref<2560xf32, #tpu.memory_space<vmem>>, vector<16xf32>,
    %get3A_880 = arith.constant 1280 : index
    %get3A_881 = tpu.vector_load %arg6[%get3A_880] {strides = array<i32>} : memref<2560xi32, #tpu.memory_space<vmem>>, vector<16xi32>,
    tpu.vector_store_idx %arg7[%get3A_881], %get3A_879 : memref<4112xf32, #tpu.memory_space<vmem>>[vector<16xi32>], vector<16xf32>,
    %get3A_882 = arith.constant 1296 : index
    %get3A_883 = tpu.vector_load %arg5[%get3A_882] {strides = array<i32>} : memref<2560xf32, #tpu.memory_space<vmem>>, vector<16xf32>,
    %get3A_884 = arith.constant 1296 : index
    %get3A_885 = tpu.vector_load %arg6[%get3A_884] {strides = array<i32>} : memref<2560xi32, #tpu.memory_space<vmem>>, vector<16xi32>,
    tpu.vector_store_idx %arg7[%get3A_885], %get3A_883 : memref<4112xf32, #tpu.memory_space<vmem>>[vector<16xi32>], vector<16xf32>,
    %get3A_886 = arith.constant 1312 : index
    %get3A_887 = tpu.vector_load %arg5[%get3A_886] {strides = array<i32>} : memref<2560xf32, #tpu.memory_space<vmem>>, vector<16xf32>,
    %get3A_888 = arith.constant 1312 : index
    %get3A_889 = tpu.vector_load %arg6[%get3A_888] {strides = array<i32>} : memref<2560xi32, #tpu.memory_space<vmem>>, vector<16xi32>,
    tpu.vector_store_idx %arg7[%get3A_889], %get3A_887 : memref<4112xf32, #tpu.memory_space<vmem>>[vector<16xi32>], vector<16xf32>,
    %get3A_890 = arith.constant 1328 : index
    %get3A_891 = tpu.vector_load %arg5[%get3A_890] {strides = array<i32>} : memref<2560xf32, #tpu.memory_space<vmem>>, vector<16xf32>,
    %get3A_892 = arith.constant 1328 : index
    %get3A_893 = tpu.vector_load %arg6[%get3A_892] {strides = array<i32>} : memref<2560xi32, #tpu.memory_space<vmem>>, vector<16xi32>,
    tpu.vector_store_idx %arg7[%get3A_893], %get3A_891 : memref<4112xf32, #tpu.memory_space<vmem>>[vector<16xi32>], vector<16xf32>,
    %get3A_894 = arith.constant 1344 : index
    %get3A_895 = tpu.vector_load %arg5[%get3A_894] {strides = array<i32>} : memref<2560xf32, #tpu.memory_space<vmem>>, vector<16xf32>,
    %get3A_896 = arith.constant 1344 : index
    %get3A_897 = tpu.vector_load %arg6[%get3A_896] {strides = array<i32>} : memref<2560xi32, #tpu.memory_space<vmem>>, vector<16xi32>,
    tpu.vector_store_idx %arg7[%get3A_897], %get3A_895 : memref<4112xf32, #tpu.memory_space<vmem>>[vector<16xi32>], vector<16xf32>,
    %add3A_898 = arith.constant 16 : i32
    %add3A_899 = arith.addi %mul3A_2, %add3A_898 : i32
    %dma_start3A_900 = arith.constant 0 : i32
    %dma_start3A_901 = tpu.memref_slice %arg7[%dma_start3A_900] : memref<4112xf32, #tpu.memory_space<vmem>> -> memref<4096xf32, #tpu.memory_space<vmem>>
    %dma_start3A_902 = arith.constant 0 : i32
    %dma_start3A_903 = tpu.memref_slice %arg4[%add3A_899, %dma_start3A_902] : memref<1024x4096xf32, #tpu.memory_space<hbm>> -> memref<1x4096xf32, #tpu.memory_space<hbm>>
    %dma_start3A_904 = tpu.memref_squeeze %dma_start3A_903 : memref<1x4096xf32, #tpu.memory_space<hbm>> -> memref<4096xf32, #tpu.memory_space<hbm>>
    %dma_start3A_905 = arith.constant 0 : i32
    %dma_start3A_906 = tpu.memref_slice %arg4[%add3A_899, %dma_start3A_905] : memref<1024x4096xf32, #tpu.memory_space<hbm>> -> memref<1x4096xf32, #tpu.memory_space<hbm>>
    %dma_start3A_907 = tpu.memref_squeeze %dma_start3A_906 : memref<1x4096xf32, #tpu.memory_space<hbm>> -> memref<4096xf32, #tpu.memory_space<hbm>>
    %dma_start3A_908 = arith.constant 0 : i32
    %dma_start3A_909 = tpu.memref_slice %arg7[%dma_start3A_908] : memref<4112xf32, #tpu.memory_space<vmem>> -> memref<4096xf32, #tpu.memory_space<vmem>>
    tpu.enqueue_dma source(%dma_start3A_909 : memref<4096xf32, #tpu.memory_space<vmem>>) target(%dma_start3A_907 : memref<4096xf32, #tpu.memory_space<hbm>>) target_semaphore(%arg9 : memref<!tpu.dma_semaphore, #tpu.memory_space<semaphore_mem>>)
    %add3A_910 = arith.constant 17 : i32
    %add3A_911 = arith.addi %mul3A_2, %add3A_910 : i32
    %sub3A_912 = arith.constant 2 : i32
    %sub3A_913 = arith.subi %add3A_911, %sub3A_912 : i32
    %dma_wait3A_914 = arith.constant 0 : i32
    %dma_wait3A_915 = tpu.memref_slice %arg8[%dma_wait3A_914] : memref<4112xf32, #tpu.memory_space<vmem>> -> memref<4096xf32, #tpu.memory_space<vmem>>
    %dma_wait3A_916 = arith.constant 0 : i32
    %dma_wait3A_917 = tpu.memref_slice %arg4[%sub3A_913, %dma_wait3A_916] : memref<1024x4096xf32, #tpu.memory_space<hbm>> -> memref<1x4096xf32, #tpu.memory_space<hbm>>
    %dma_wait3A_918 = tpu.memref_squeeze %dma_wait3A_917 : memref<1x4096xf32, #tpu.memory_space<hbm>> -> memref<4096xf32, #tpu.memory_space<hbm>>
    %dma_wait3A_919 = arith.constant 0 : i32
    %dma_wait3A_920 = tpu.memref_slice %arg4[%sub3A_913, %dma_wait3A_919] : memref<1024x4096xf32, #tpu.memory_space<hbm>> -> memref<1x4096xf32, #tpu.memory_space<hbm>>
    %dma_wait3A_921 = tpu.memref_squeeze %dma_wait3A_920 : memref<1x4096xf32, #tpu.memory_space<hbm>> -> memref<4096xf32, #tpu.memory_space<hbm>>
    %dma_wait3A_922 = arith.constant 0 : i32
    %dma_wait3A_923 = tpu.memref_slice %arg8[%dma_wait3A_922] : memref<4112xf32, #tpu.memory_space<vmem>> -> memref<4096xf32, #tpu.memory_space<vmem>>
    tpu.wait_dma2 semaphore(%arg10 : memref<!tpu.dma_semaphore, #tpu.memory_space<semaphore_mem>>) src(%dma_wait3A_923 : memref<4096xf32, #tpu.memory_space<vmem>>) dst(%dma_wait3A_921 : memref<4096xf32, #tpu.memory_space<hbm>>)
    %get3A_924 = arith.constant 1200 : index
    %get3A_925 = tpu.vector_load %arg6[%get3A_924] {strides = array<i32>} : memref<2560xi32, #tpu.memory_space<vmem>>, vector<16xi32>,
    tpu.vector_store_idx %arg8[%get3A_925], %broadcast_in_dim3A_7 : memref<4112xf32, #tpu.memory_space<vmem>>[vector<16xi32>], vector<16xf32>,
    %get3A_926 = arith.constant 1216 : index
    %get3A_927 = tpu.vector_load %arg6[%get3A_926] {strides = array<i32>} : memref<2560xi32, #tpu.memory_space<vmem>>, vector<16xi32>,
    tpu.vector_store_idx %arg8[%get3A_927], %broadcast_in_dim3A_7 : memref<4112xf32, #tpu.memory_space<vmem>>[vector<16xi32>], vector<16xf32>,
    %get3A_928 = arith.constant 1232 : index
    %get3A_929 = tpu.vector_load %arg6[%get3A_928] {strides = array<i32>} : memref<2560xi32, #tpu.memory_space<vmem>>, vector<16xi32>,
    tpu.vector_store_idx %arg8[%get3A_929], %broadcast_in_dim3A_7 : memref<4112xf32, #tpu.memory_space<vmem>>[vector<16xi32>], vector<16xf32>,
    %get3A_930 = arith.constant 1248 : index
    %get3A_931 = tpu.vector_load %arg6[%get3A_930] {strides = array<i32>} : memref<2560xi32, #tpu.memory_space<vmem>>, vector<16xi32>,
    tpu.vector_store_idx %arg8[%get3A_931], %broadcast_in_dim3A_7 : memref<4112xf32, #tpu.memory_space<vmem>>[vector<16xi32>], vector<16xf32>,
    %get3A_932 = arith.constant 1264 : index
    %get3A_933 = tpu.vector_load %arg6[%get3A_932] {strides = array<i32>} : memref<2560xi32, #tpu.memory_space<vmem>>, vector<16xi32>,
    tpu.vector_store_idx %arg8[%get3A_933], %broadcast_in_dim3A_7 : memref<4112xf32, #tpu.memory_space<vmem>>[vector<16xi32>], vector<16xf32>,
    %get3A_934 = arith.constant 1360 : index
    %get3A_935 = tpu.vector_load %arg5[%get3A_934] {strides = array<i32>} : memref<2560xf32, #tpu.memory_space<vmem>>, vector<16xf32>,
    %get3A_936 = arith.constant 1360 : index
    %get3A_937 = tpu.vector_load %arg6[%get3A_936] {strides = array<i32>} : memref<2560xi32, #tpu.memory_space<vmem>>, vector<16xi32>,
    tpu.vector_store_idx %arg8[%get3A_937], %get3A_935 : memref<4112xf32, #tpu.memory_space<vmem>>[vector<16xi32>], vector<16xf32>,
    %get3A_938 = arith.constant 1376 : index
    %get3A_939 = tpu.vector_load %arg5[%get3A_938] {strides = array<i32>} : memref<2560xf32, #tpu.memory_space<vmem>>, vector<16xf32>,
    %get3A_940 = arith.constant 1376 : index
    %get3A_941 = tpu.vector_load %arg6[%get3A_940] {strides = array<i32>} : memref<2560xi32, #tpu.memory_space<vmem>>, vector<16xi32>,
    tpu.vector_store_idx %arg8[%get3A_941], %get3A_939 : memref<4112xf32, #tpu.memory_space<vmem>>[vector<16xi32>], vector<16xf32>,
    %get3A_942 = arith.constant 1392 : index
    %get3A_943 = tpu.vector_load %arg5[%get3A_942] {strides = array<i32>} : memref<2560xf32, #tpu.memory_space<vmem>>, vector<16xf32>,
    %get3A_944 = arith.constant 1392 : index
    %get3A_945 = tpu.vector_load %arg6[%get3A_944] {strides = array<i32>} : memref<2560xi32, #tpu.memory_space<vmem>>, vector<16xi32>,
    tpu.vector_store_idx %arg8[%get3A_945], %get3A_943 : memref<4112xf32, #tpu.memory_space<vmem>>[vector<16xi32>], vector<16xf32>,
    %get3A_946 = arith.constant 1408 : index
    %get3A_947 = tpu.vector_load %arg5[%get3A_946] {strides = array<i32>} : memref<2560xf32, #tpu.memory_space<vmem>>, vector<16xf32>,
    %get3A_948 = arith.constant 1408 : index
    %get3A_949 = tpu.vector_load %arg6[%get3A_948] {strides = array<i32>} : memref<2560xi32, #tpu.memory_space<vmem>>, vector<16xi32>,
    tpu.vector_store_idx %arg8[%get3A_949], %get3A_947 : memref<4112xf32, #tpu.memory_space<vmem>>[vector<16xi32>], vector<16xf32>,
    %get3A_950 = arith.constant 1424 : index
    %get3A_951 = tpu.vector_load %arg5[%get3A_950] {strides = array<i32>} : memref<2560xf32, #tpu.memory_space<vmem>>, vector<16xf32>,
    %get3A_952 = arith.constant 1424 : index
    %get3A_953 = tpu.vector_load %arg6[%get3A_952] {strides = array<i32>} : memref<2560xi32, #tpu.memory_space<vmem>>, vector<16xi32>,
    tpu.vector_store_idx %arg8[%get3A_953], %get3A_951 : memref<4112xf32, #tpu.memory_space<vmem>>[vector<16xi32>], vector<16xf32>,
    %add3A_954 = arith.constant 17 : i32
    %add3A_955 = arith.addi %mul3A_2, %add3A_954 : i32
    %dma_start3A_956 = arith.constant 0 : i32
    %dma_start3A_957 = tpu.memref_slice %arg8[%dma_start3A_956] : memref<4112xf32, #tpu.memory_space<vmem>> -> memref<4096xf32, #tpu.memory_space<vmem>>
    %dma_start3A_958 = arith.constant 0 : i32
    %dma_start3A_959 = tpu.memref_slice %arg4[%add3A_955, %dma_start3A_958] : memref<1024x4096xf32, #tpu.memory_space<hbm>> -> memref<1x4096xf32, #tpu.memory_space<hbm>>
    %dma_start3A_960 = tpu.memref_squeeze %dma_start3A_959 : memref<1x4096xf32, #tpu.memory_space<hbm>> -> memref<4096xf32, #tpu.memory_space<hbm>>
    %dma_start3A_961 = arith.constant 0 : i32
    %dma_start3A_962 = tpu.memref_slice %arg4[%add3A_955, %dma_start3A_961] : memref<1024x4096xf32, #tpu.memory_space<hbm>> -> memref<1x4096xf32, #tpu.memory_space<hbm>>
    %dma_start3A_963 = tpu.memref_squeeze %dma_start3A_962 : memref<1x4096xf32, #tpu.memory_space<hbm>> -> memref<4096xf32, #tpu.memory_space<hbm>>
    %dma_start3A_964 = arith.constant 0 : i32
    %dma_start3A_965 = tpu.memref_slice %arg8[%dma_start3A_964] : memref<4112xf32, #tpu.memory_space<vmem>> -> memref<4096xf32, #tpu.memory_space<vmem>>
    tpu.enqueue_dma source(%dma_start3A_965 : memref<4096xf32, #tpu.memory_space<vmem>>) target(%dma_start3A_963 : memref<4096xf32, #tpu.memory_space<hbm>>) target_semaphore(%arg10 : memref<!tpu.dma_semaphore, #tpu.memory_space<semaphore_mem>>)
    %add3A_966 = arith.constant 18 : i32
    %add3A_967 = arith.addi %mul3A_2, %add3A_966 : i32
    %sub3A_968 = arith.constant 2 : i32
    %sub3A_969 = arith.subi %add3A_967, %sub3A_968 : i32
    %dma_wait3A_970 = arith.constant 0 : i32
    %dma_wait3A_971 = tpu.memref_slice %arg7[%dma_wait3A_970] : memref<4112xf32, #tpu.memory_space<vmem>> -> memref<4096xf32, #tpu.memory_space<vmem>>
    %dma_wait3A_972 = arith.constant 0 : i32
    %dma_wait3A_973 = tpu.memref_slice %arg4[%sub3A_969, %dma_wait3A_972] : memref<1024x4096xf32, #tpu.memory_space<hbm>> -> memref<1x4096xf32, #tpu.memory_space<hbm>>
    %dma_wait3A_974 = tpu.memref_squeeze %dma_wait3A_973 : memref<1x4096xf32, #tpu.memory_space<hbm>> -> memref<4096xf32, #tpu.memory_space<hbm>>
    %dma_wait3A_975 = arith.constant 0 : i32
    %dma_wait3A_976 = tpu.memref_slice %arg4[%sub3A_969, %dma_wait3A_975] : memref<1024x4096xf32, #tpu.memory_space<hbm>> -> memref<1x4096xf32, #tpu.memory_space<hbm>>
    %dma_wait3A_977 = tpu.memref_squeeze %dma_wait3A_976 : memref<1x4096xf32, #tpu.memory_space<hbm>> -> memref<4096xf32, #tpu.memory_space<hbm>>
    %dma_wait3A_978 = arith.constant 0 : i32
    %dma_wait3A_979 = tpu.memref_slice %arg7[%dma_wait3A_978] : memref<4112xf32, #tpu.memory_space<vmem>> -> memref<4096xf32, #tpu.memory_space<vmem>>
    tpu.wait_dma2 semaphore(%arg9 : memref<!tpu.dma_semaphore, #tpu.memory_space<semaphore_mem>>) src(%dma_wait3A_979 : memref<4096xf32, #tpu.memory_space<vmem>>) dst(%dma_wait3A_977 : memref<4096xf32, #tpu.memory_space<hbm>>)
    %get3A_980 = arith.constant 1280 : index
    %get3A_981 = tpu.vector_load %arg6[%get3A_980] {strides = array<i32>} : memref<2560xi32, #tpu.memory_space<vmem>>, vector<16xi32>,
    tpu.vector_store_idx %arg7[%get3A_981], %broadcast_in_dim3A_7 : memref<4112xf32, #tpu.memory_space<vmem>>[vector<16xi32>], vector<16xf32>,
    %get3A_982 = arith.constant 1296 : index
    %get3A_983 = tpu.vector_load %arg6[%get3A_982] {strides = array<i32>} : memref<2560xi32, #tpu.memory_space<vmem>>, vector<16xi32>,
    tpu.vector_store_idx %arg7[%get3A_983], %broadcast_in_dim3A_7 : memref<4112xf32, #tpu.memory_space<vmem>>[vector<16xi32>], vector<16xf32>,
    %get3A_984 = arith.constant 1312 : index
    %get3A_985 = tpu.vector_load %arg6[%get3A_984] {strides = array<i32>} : memref<2560xi32, #tpu.memory_space<vmem>>, vector<16xi32>,
    tpu.vector_store_idx %arg7[%get3A_985], %broadcast_in_dim3A_7 : memref<4112xf32, #tpu.memory_space<vmem>>[vector<16xi32>], vector<16xf32>,
    %get3A_986 = arith.constant 1328 : index
    %get3A_987 = tpu.vector_load %arg6[%get3A_986] {strides = array<i32>} : memref<2560xi32, #tpu.memory_space<vmem>>, vector<16xi32>,
    tpu.vector_store_idx %arg7[%get3A_987], %broadcast_in_dim3A_7 : memref<4112xf32, #tpu.memory_space<vmem>>[vector<16xi32>], vector<16xf32>,
    %get3A_988 = arith.constant 1344 : index
    %get3A_989 = tpu.vector_load %arg6[%get3A_988] {strides = array<i32>} : memref<2560xi32, #tpu.memory_space<vmem>>, vector<16xi32>,
    tpu.vector_store_idx %arg7[%get3A_989], %broadcast_in_dim3A_7 : memref<4112xf32, #tpu.memory_space<vmem>>[vector<16xi32>], vector<16xf32>,
    %get3A_990 = arith.constant 1440 : index
    %get3A_991 = tpu.vector_load %arg5[%get3A_990] {strides = array<i32>} : memref<2560xf32, #tpu.memory_space<vmem>>, vector<16xf32>,
    %get3A_992 = arith.constant 1440 : index
    %get3A_993 = tpu.vector_load %arg6[%get3A_992] {strides = array<i32>} : memref<2560xi32, #tpu.memory_space<vmem>>, vector<16xi32>,
    tpu.vector_store_idx %arg7[%get3A_993], %get3A_991 : memref<4112xf32, #tpu.memory_space<vmem>>[vector<16xi32>], vector<16xf32>,
    %get3A_994 = arith.constant 1456 : index
    %get3A_995 = tpu.vector_load %arg5[%get3A_994] {strides = array<i32>} : memref<2560xf32, #tpu.memory_space<vmem>>, vector<16xf32>,
    %get3A_996 = arith.constant 1456 : index
    %get3A_997 = tpu.vector_load %arg6[%get3A_996] {strides = array<i32>} : memref<2560xi32, #tpu.memory_space<vmem>>, vector<16xi32>,
    tpu.vector_store_idx %arg7[%get3A_997], %get3A_995 : memref<4112xf32, #tpu.memory_space<vmem>>[vector<16xi32>], vector<16xf32>,
    %get3A_998 = arith.constant 1472 : index
    %get3A_999 = tpu.vector_load %arg5[%get3A_998] {strides = array<i32>} : memref<2560xf32, #tpu.memory_space<vmem>>, vector<16xf32>,
    %get3A_1000 = arith.constant 1472 : index
    %get3A_1001 = tpu.vector_load %arg6[%get3A_1000] {strides = array<i32>} : memref<2560xi32, #tpu.memory_space<vmem>>, vector<16xi32>,
    tpu.vector_store_idx %arg7[%get3A_1001], %get3A_999 : memref<4112xf32, #tpu.memory_space<vmem>>[vector<16xi32>], vector<16xf32>,
    %get3A_1002 = arith.constant 1488 : index
    %get3A_1003 = tpu.vector_load %arg5[%get3A_1002] {strides = array<i32>} : memref<2560xf32, #tpu.memory_space<vmem>>, vector<16xf32>,
    %get3A_1004 = arith.constant 1488 : index
    %get3A_1005 = tpu.vector_load %arg6[%get3A_1004] {strides = array<i32>} : memref<2560xi32, #tpu.memory_space<vmem>>, vector<16xi32>,
    tpu.vector_store_idx %arg7[%get3A_1005], %get3A_1003 : memref<4112xf32, #tpu.memory_space<vmem>>[vector<16xi32>], vector<16xf32>,
    %get3A_1006 = arith.constant 1504 : index
    %get3A_1007 = tpu.vector_load %arg5[%get3A_1006] {strides = array<i32>} : memref<2560xf32, #tpu.memory_space<vmem>>, vector<16xf32>,
    %get3A_1008 = arith.constant 1504 : index
    %get3A_1009 = tpu.vector_load %arg6[%get3A_1008] {strides = array<i32>} : memref<2560xi32, #tpu.memory_space<vmem>>, vector<16xi32>,
    tpu.vector_store_idx %arg7[%get3A_1009], %get3A_1007 : memref<4112xf32, #tpu.memory_space<vmem>>[vector<16xi32>], vector<16xf32>,
    %add3A_1010 = arith.constant 18 : i32
    %add3A_1011 = arith.addi %mul3A_2, %add3A_1010 : i32
    %dma_start3A_1012 = arith.constant 0 : i32
    %dma_start3A_1013 = tpu.memref_slice %arg7[%dma_start3A_1012] : memref<4112xf32, #tpu.memory_space<vmem>> -> memref<4096xf32, #tpu.memory_space<vmem>>
    %dma_start3A_1014 = arith.constant 0 : i32
    %dma_start3A_1015 = tpu.memref_slice %arg4[%add3A_1011, %dma_start3A_1014] : memref<1024x4096xf32, #tpu.memory_space<hbm>> -> memref<1x4096xf32, #tpu.memory_space<hbm>>
    %dma_start3A_1016 = tpu.memref_squeeze %dma_start3A_1015 : memref<1x4096xf32, #tpu.memory_space<hbm>> -> memref<4096xf32, #tpu.memory_space<hbm>>
    %dma_start3A_1017 = arith.constant 0 : i32
    %dma_start3A_1018 = tpu.memref_slice %arg4[%add3A_1011, %dma_start3A_1017] : memref<1024x4096xf32, #tpu.memory_space<hbm>> -> memref<1x4096xf32, #tpu.memory_space<hbm>>
    %dma_start3A_1019 = tpu.memref_squeeze %dma_start3A_1018 : memref<1x4096xf32, #tpu.memory_space<hbm>> -> memref<4096xf32, #tpu.memory_space<hbm>>
    %dma_start3A_1020 = arith.constant 0 : i32
    %dma_start3A_1021 = tpu.memref_slice %arg7[%dma_start3A_1020] : memref<4112xf32, #tpu.memory_space<vmem>> -> memref<4096xf32, #tpu.memory_space<vmem>>
    tpu.enqueue_dma source(%dma_start3A_1021 : memref<4096xf32, #tpu.memory_space<vmem>>) target(%dma_start3A_1019 : memref<4096xf32, #tpu.memory_space<hbm>>) target_semaphore(%arg9 : memref<!tpu.dma_semaphore, #tpu.memory_space<semaphore_mem>>)
    %add3A_1022 = arith.constant 19 : i32
    %add3A_1023 = arith.addi %mul3A_2, %add3A_1022 : i32
    %sub3A_1024 = arith.constant 2 : i32
    %sub3A_1025 = arith.subi %add3A_1023, %sub3A_1024 : i32
    %dma_wait3A_1026 = arith.constant 0 : i32
    %dma_wait3A_1027 = tpu.memref_slice %arg8[%dma_wait3A_1026] : memref<4112xf32, #tpu.memory_space<vmem>> -> memref<4096xf32, #tpu.memory_space<vmem>>
    %dma_wait3A_1028 = arith.constant 0 : i32
    %dma_wait3A_1029 = tpu.memref_slice %arg4[%sub3A_1025, %dma_wait3A_1028] : memref<1024x4096xf32, #tpu.memory_space<hbm>> -> memref<1x4096xf32, #tpu.memory_space<hbm>>
    %dma_wait3A_1030 = tpu.memref_squeeze %dma_wait3A_1029 : memref<1x4096xf32, #tpu.memory_space<hbm>> -> memref<4096xf32, #tpu.memory_space<hbm>>
    %dma_wait3A_1031 = arith.constant 0 : i32
    %dma_wait3A_1032 = tpu.memref_slice %arg4[%sub3A_1025, %dma_wait3A_1031] : memref<1024x4096xf32, #tpu.memory_space<hbm>> -> memref<1x4096xf32, #tpu.memory_space<hbm>>
    %dma_wait3A_1033 = tpu.memref_squeeze %dma_wait3A_1032 : memref<1x4096xf32, #tpu.memory_space<hbm>> -> memref<4096xf32, #tpu.memory_space<hbm>>
    %dma_wait3A_1034 = arith.constant 0 : i32
    %dma_wait3A_1035 = tpu.memref_slice %arg8[%dma_wait3A_1034] : memref<4112xf32, #tpu.memory_space<vmem>> -> memref<4096xf32, #tpu.memory_space<vmem>>
    tpu.wait_dma2 semaphore(%arg10 : memref<!tpu.dma_semaphore, #tpu.memory_space<semaphore_mem>>) src(%dma_wait3A_1035 : memref<4096xf32, #tpu.memory_space<vmem>>) dst(%dma_wait3A_1033 : memref<4096xf32, #tpu.memory_space<hbm>>)
    %get3A_1036 = arith.constant 1360 : index
    %get3A_1037 = tpu.vector_load %arg6[%get3A_1036] {strides = array<i32>} : memref<2560xi32, #tpu.memory_space<vmem>>, vector<16xi32>,
    tpu.vector_store_idx %arg8[%get3A_1037], %broadcast_in_dim3A_7 : memref<4112xf32, #tpu.memory_space<vmem>>[vector<16xi32>], vector<16xf32>,
    %get3A_1038 = arith.constant 1376 : index
    %get3A_1039 = tpu.vector_load %arg6[%get3A_1038] {strides = array<i32>} : memref<2560xi32, #tpu.memory_space<vmem>>, vector<16xi32>,
    tpu.vector_store_idx %arg8[%get3A_1039], %broadcast_in_dim3A_7 : memref<4112xf32, #tpu.memory_space<vmem>>[vector<16xi32>], vector<16xf32>,
    %get3A_1040 = arith.constant 1392 : index
    %get3A_1041 = tpu.vector_load %arg6[%get3A_1040] {strides = array<i32>} : memref<2560xi32, #tpu.memory_space<vmem>>, vector<16xi32>,
    tpu.vector_store_idx %arg8[%get3A_1041], %broadcast_in_dim3A_7 : memref<4112xf32, #tpu.memory_space<vmem>>[vector<16xi32>], vector<16xf32>,
    %get3A_1042 = arith.constant 1408 : index
    %get3A_1043 = tpu.vector_load %arg6[%get3A_1042] {strides = array<i32>} : memref<2560xi32, #tpu.memory_space<vmem>>, vector<16xi32>,
    tpu.vector_store_idx %arg8[%get3A_1043], %broadcast_in_dim3A_7 : memref<4112xf32, #tpu.memory_space<vmem>>[vector<16xi32>], vector<16xf32>,
    %get3A_1044 = arith.constant 1424 : index
    %get3A_1045 = tpu.vector_load %arg6[%get3A_1044] {strides = array<i32>} : memref<2560xi32, #tpu.memory_space<vmem>>, vector<16xi32>,
    tpu.vector_store_idx %arg8[%get3A_1045], %broadcast_in_dim3A_7 : memref<4112xf32, #tpu.memory_space<vmem>>[vector<16xi32>], vector<16xf32>,
    %get3A_1046 = arith.constant 1520 : index
    %get3A_1047 = tpu.vector_load %arg5[%get3A_1046] {strides = array<i32>} : memref<2560xf32, #tpu.memory_space<vmem>>, vector<16xf32>,
    %get3A_1048 = arith.constant 1520 : index
    %get3A_1049 = tpu.vector_load %arg6[%get3A_1048] {strides = array<i32>} : memref<2560xi32, #tpu.memory_space<vmem>>, vector<16xi32>,
    tpu.vector_store_idx %arg8[%get3A_1049], %get3A_1047 : memref<4112xf32, #tpu.memory_space<vmem>>[vector<16xi32>], vector<16xf32>,
    %get3A_1050 = arith.constant 1536 : index
    %get3A_1051 = tpu.vector_load %arg5[%get3A_1050] {strides = array<i32>} : memref<2560xf32, #tpu.memory_space<vmem>>, vector<16xf32>,
    %get3A_1052 = arith.constant 1536 : index
    %get3A_1053 = tpu.vector_load %arg6[%get3A_1052] {strides = array<i32>} : memref<2560xi32, #tpu.memory_space<vmem>>, vector<16xi32>,
    tpu.vector_store_idx %arg8[%get3A_1053], %get3A_1051 : memref<4112xf32, #tpu.memory_space<vmem>>[vector<16xi32>], vector<16xf32>,
    %get3A_1054 = arith.constant 1552 : index
    %get3A_1055 = tpu.vector_load %arg5[%get3A_1054] {strides = array<i32>} : memref<2560xf32, #tpu.memory_space<vmem>>, vector<16xf32>,
    %get3A_1056 = arith.constant 1552 : index
    %get3A_1057 = tpu.vector_load %arg6[%get3A_1056] {strides = array<i32>} : memref<2560xi32, #tpu.memory_space<vmem>>, vector<16xi32>,
    tpu.vector_store_idx %arg8[%get3A_1057], %get3A_1055 : memref<4112xf32, #tpu.memory_space<vmem>>[vector<16xi32>], vector<16xf32>,
    %get3A_1058 = arith.constant 1568 : index
    %get3A_1059 = tpu.vector_load %arg5[%get3A_1058] {strides = array<i32>} : memref<2560xf32, #tpu.memory_space<vmem>>, vector<16xf32>,
    %get3A_1060 = arith.constant 1568 : index
    %get3A_1061 = tpu.vector_load %arg6[%get3A_1060] {strides = array<i32>} : memref<2560xi32, #tpu.memory_space<vmem>>, vector<16xi32>,
    tpu.vector_store_idx %arg8[%get3A_1061], %get3A_1059 : memref<4112xf32, #tpu.memory_space<vmem>>[vector<16xi32>], vector<16xf32>,
    %get3A_1062 = arith.constant 1584 : index
    %get3A_1063 = tpu.vector_load %arg5[%get3A_1062] {strides = array<i32>} : memref<2560xf32, #tpu.memory_space<vmem>>, vector<16xf32>,
    %get3A_1064 = arith.constant 1584 : index
    %get3A_1065 = tpu.vector_load %arg6[%get3A_1064] {strides = array<i32>} : memref<2560xi32, #tpu.memory_space<vmem>>, vector<16xi32>,
    tpu.vector_store_idx %arg8[%get3A_1065], %get3A_1063 : memref<4112xf32, #tpu.memory_space<vmem>>[vector<16xi32>], vector<16xf32>,
    %add3A_1066 = arith.constant 19 : i32
    %add3A_1067 = arith.addi %mul3A_2, %add3A_1066 : i32
    %dma_start3A_1068 = arith.constant 0 : i32
    %dma_start3A_1069 = tpu.memref_slice %arg8[%dma_start3A_1068] : memref<4112xf32, #tpu.memory_space<vmem>> -> memref<4096xf32, #tpu.memory_space<vmem>>
    %dma_start3A_1070 = arith.constant 0 : i32
    %dma_start3A_1071 = tpu.memref_slice %arg4[%add3A_1067, %dma_start3A_1070] : memref<1024x4096xf32, #tpu.memory_space<hbm>> -> memref<1x4096xf32, #tpu.memory_space<hbm>>
    %dma_start3A_1072 = tpu.memref_squeeze %dma_start3A_1071 : memref<1x4096xf32, #tpu.memory_space<hbm>> -> memref<4096xf32, #tpu.memory_space<hbm>>
    %dma_start3A_1073 = arith.constant 0 : i32
    %dma_start3A_1074 = tpu.memref_slice %arg4[%add3A_1067, %dma_start3A_1073] : memref<1024x4096xf32, #tpu.memory_space<hbm>> -> memref<1x4096xf32, #tpu.memory_space<hbm>>
    %dma_start3A_1075 = tpu.memref_squeeze %dma_start3A_1074 : memref<1x4096xf32, #tpu.memory_space<hbm>> -> memref<4096xf32, #tpu.memory_space<hbm>>
    %dma_start3A_1076 = arith.constant 0 : i32
    %dma_start3A_1077 = tpu.memref_slice %arg8[%dma_start3A_1076] : memref<4112xf32, #tpu.memory_space<vmem>> -> memref<4096xf32, #tpu.memory_space<vmem>>
    tpu.enqueue_dma source(%dma_start3A_1077 : memref<4096xf32, #tpu.memory_space<vmem>>) target(%dma_start3A_1075 : memref<4096xf32, #tpu.memory_space<hbm>>) target_semaphore(%arg10 : memref<!tpu.dma_semaphore, #tpu.memory_space<semaphore_mem>>)
    %add3A_1078 = arith.constant 20 : i32
    %add3A_1079 = arith.addi %mul3A_2, %add3A_1078 : i32
    %sub3A_1080 = arith.constant 2 : i32
    %sub3A_1081 = arith.subi %add3A_1079, %sub3A_1080 : i32
    %dma_wait3A_1082 = arith.constant 0 : i32
    %dma_wait3A_1083 = tpu.memref_slice %arg7[%dma_wait3A_1082] : memref<4112xf32, #tpu.memory_space<vmem>> -> memref<4096xf32, #tpu.memory_space<vmem>>
    %dma_wait3A_1084 = arith.constant 0 : i32
    %dma_wait3A_1085 = tpu.memref_slice %arg4[%sub3A_1081, %dma_wait3A_1084] : memref<1024x4096xf32, #tpu.memory_space<hbm>> -> memref<1x4096xf32, #tpu.memory_space<hbm>>
    %dma_wait3A_1086 = tpu.memref_squeeze %dma_wait3A_1085 : memref<1x4096xf32, #tpu.memory_space<hbm>> -> memref<4096xf32, #tpu.memory_space<hbm>>
    %dma_wait3A_1087 = arith.constant 0 : i32
    %dma_wait3A_1088 = tpu.memref_slice %arg4[%sub3A_1081, %dma_wait3A_1087] : memref<1024x4096xf32, #tpu.memory_space<hbm>> -> memref<1x4096xf32, #tpu.memory_space<hbm>>
    %dma_wait3A_1089 = tpu.memref_squeeze %dma_wait3A_1088 : memref<1x4096xf32, #tpu.memory_space<hbm>> -> memref<4096xf32, #tpu.memory_space<hbm>>
    %dma_wait3A_1090 = arith.constant 0 : i32
    %dma_wait3A_1091 = tpu.memref_slice %arg7[%dma_wait3A_1090] : memref<4112xf32, #tpu.memory_space<vmem>> -> memref<4096xf32, #tpu.memory_space<vmem>>
    tpu.wait_dma2 semaphore(%arg9 : memref<!tpu.dma_semaphore, #tpu.memory_space<semaphore_mem>>) src(%dma_wait3A_1091 : memref<4096xf32, #tpu.memory_space<vmem>>) dst(%dma_wait3A_1089 : memref<4096xf32, #tpu.memory_space<hbm>>)
    %get3A_1092 = arith.constant 1440 : index
    %get3A_1093 = tpu.vector_load %arg6[%get3A_1092] {strides = array<i32>} : memref<2560xi32, #tpu.memory_space<vmem>>, vector<16xi32>,
    tpu.vector_store_idx %arg7[%get3A_1093], %broadcast_in_dim3A_7 : memref<4112xf32, #tpu.memory_space<vmem>>[vector<16xi32>], vector<16xf32>,
    %get3A_1094 = arith.constant 1456 : index
    %get3A_1095 = tpu.vector_load %arg6[%get3A_1094] {strides = array<i32>} : memref<2560xi32, #tpu.memory_space<vmem>>, vector<16xi32>,
    tpu.vector_store_idx %arg7[%get3A_1095], %broadcast_in_dim3A_7 : memref<4112xf32, #tpu.memory_space<vmem>>[vector<16xi32>], vector<16xf32>,
    %get3A_1096 = arith.constant 1472 : index
    %get3A_1097 = tpu.vector_load %arg6[%get3A_1096] {strides = array<i32>} : memref<2560xi32, #tpu.memory_space<vmem>>, vector<16xi32>,
    tpu.vector_store_idx %arg7[%get3A_1097], %broadcast_in_dim3A_7 : memref<4112xf32, #tpu.memory_space<vmem>>[vector<16xi32>], vector<16xf32>,
    %get3A_1098 = arith.constant 1488 : index
    %get3A_1099 = tpu.vector_load %arg6[%get3A_1098] {strides = array<i32>} : memref<2560xi32, #tpu.memory_space<vmem>>, vector<16xi32>,
    tpu.vector_store_idx %arg7[%get3A_1099], %broadcast_in_dim3A_7 : memref<4112xf32, #tpu.memory_space<vmem>>[vector<16xi32>], vector<16xf32>,
    %get3A_1100 = arith.constant 1504 : index
    %get3A_1101 = tpu.vector_load %arg6[%get3A_1100] {strides = array<i32>} : memref<2560xi32, #tpu.memory_space<vmem>>, vector<16xi32>,
    tpu.vector_store_idx %arg7[%get3A_1101], %broadcast_in_dim3A_7 : memref<4112xf32, #tpu.memory_space<vmem>>[vector<16xi32>], vector<16xf32>,
    %get3A_1102 = arith.constant 1600 : index
    %get3A_1103 = tpu.vector_load %arg5[%get3A_1102] {strides = array<i32>} : memref<2560xf32, #tpu.memory_space<vmem>>, vector<16xf32>,
    %get3A_1104 = arith.constant 1600 : index
    %get3A_1105 = tpu.vector_load %arg6[%get3A_1104] {strides = array<i32>} : memref<2560xi32, #tpu.memory_space<vmem>>, vector<16xi32>,
    tpu.vector_store_idx %arg7[%get3A_1105], %get3A_1103 : memref<4112xf32, #tpu.memory_space<vmem>>[vector<16xi32>], vector<16xf32>,
    %get3A_1106 = arith.constant 1616 : index
    %get3A_1107 = tpu.vector_load %arg5[%get3A_1106] {strides = array<i32>} : memref<2560xf32, #tpu.memory_space<vmem>>, vector<16xf32>,
    %get3A_1108 = arith.constant 1616 : index
    %get3A_1109 = tpu.vector_load %arg6[%get3A_1108] {strides = array<i32>} : memref<2560xi32, #tpu.memory_space<vmem>>, vector<16xi32>,
    tpu.vector_store_idx %arg7[%get3A_1109], %get3A_1107 : memref<4112xf32, #tpu.memory_space<vmem>>[vector<16xi32>], vector<16xf32>,
    %get3A_1110 = arith.constant 1632 : index
    %get3A_1111 = tpu.vector_load %arg5[%get3A_1110] {strides = array<i32>} : memref<2560xf32, #tpu.memory_space<vmem>>, vector<16xf32>,
    %get3A_1112 = arith.constant 1632 : index
    %get3A_1113 = tpu.vector_load %arg6[%get3A_1112] {strides = array<i32>} : memref<2560xi32, #tpu.memory_space<vmem>>, vector<16xi32>,
    tpu.vector_store_idx %arg7[%get3A_1113], %get3A_1111 : memref<4112xf32, #tpu.memory_space<vmem>>[vector<16xi32>], vector<16xf32>,
    %get3A_1114 = arith.constant 1648 : index
    %get3A_1115 = tpu.vector_load %arg5[%get3A_1114] {strides = array<i32>} : memref<2560xf32, #tpu.memory_space<vmem>>, vector<16xf32>,
    %get3A_1116 = arith.constant 1648 : index
    %get3A_1117 = tpu.vector_load %arg6[%get3A_1116] {strides = array<i32>} : memref<2560xi32, #tpu.memory_space<vmem>>, vector<16xi32>,
    tpu.vector_store_idx %arg7[%get3A_1117], %get3A_1115 : memref<4112xf32, #tpu.memory_space<vmem>>[vector<16xi32>], vector<16xf32>,
    %get3A_1118 = arith.constant 1664 : index
    %get3A_1119 = tpu.vector_load %arg5[%get3A_1118] {strides = array<i32>} : memref<2560xf32, #tpu.memory_space<vmem>>, vector<16xf32>,
    %get3A_1120 = arith.constant 1664 : index
    %get3A_1121 = tpu.vector_load %arg6[%get3A_1120] {strides = array<i32>} : memref<2560xi32, #tpu.memory_space<vmem>>, vector<16xi32>,
    tpu.vector_store_idx %arg7[%get3A_1121], %get3A_1119 : memref<4112xf32, #tpu.memory_space<vmem>>[vector<16xi32>], vector<16xf32>,
    %add3A_1122 = arith.constant 20 : i32
    %add3A_1123 = arith.addi %mul3A_2, %add3A_1122 : i32
    %dma_start3A_1124 = arith.constant 0 : i32
    %dma_start3A_1125 = tpu.memref_slice %arg7[%dma_start3A_1124] : memref<4112xf32, #tpu.memory_space<vmem>> -> memref<4096xf32, #tpu.memory_space<vmem>>
    %dma_start3A_1126 = arith.constant 0 : i32
    %dma_start3A_1127 = tpu.memref_slice %arg4[%add3A_1123, %dma_start3A_1126] : memref<1024x4096xf32, #tpu.memory_space<hbm>> -> memref<1x4096xf32, #tpu.memory_space<hbm>>
    %dma_start3A_1128 = tpu.memref_squeeze %dma_start3A_1127 : memref<1x4096xf32, #tpu.memory_space<hbm>> -> memref<4096xf32, #tpu.memory_space<hbm>>
    %dma_start3A_1129 = arith.constant 0 : i32
    %dma_start3A_1130 = tpu.memref_slice %arg4[%add3A_1123, %dma_start3A_1129] : memref<1024x4096xf32, #tpu.memory_space<hbm>> -> memref<1x4096xf32, #tpu.memory_space<hbm>>
    %dma_start3A_1131 = tpu.memref_squeeze %dma_start3A_1130 : memref<1x4096xf32, #tpu.memory_space<hbm>> -> memref<4096xf32, #tpu.memory_space<hbm>>
    %dma_start3A_1132 = arith.constant 0 : i32
    %dma_start3A_1133 = tpu.memref_slice %arg7[%dma_start3A_1132] : memref<4112xf32, #tpu.memory_space<vmem>> -> memref<4096xf32, #tpu.memory_space<vmem>>
    tpu.enqueue_dma source(%dma_start3A_1133 : memref<4096xf32, #tpu.memory_space<vmem>>) target(%dma_start3A_1131 : memref<4096xf32, #tpu.memory_space<hbm>>) target_semaphore(%arg9 : memref<!tpu.dma_semaphore, #tpu.memory_space<semaphore_mem>>)
    %add3A_1134 = arith.constant 21 : i32
    %add3A_1135 = arith.addi %mul3A_2, %add3A_1134 : i32
    %sub3A_1136 = arith.constant 2 : i32
    %sub3A_1137 = arith.subi %add3A_1135, %sub3A_1136 : i32
    %dma_wait3A_1138 = arith.constant 0 : i32
    %dma_wait3A_1139 = tpu.memref_slice %arg8[%dma_wait3A_1138] : memref<4112xf32, #tpu.memory_space<vmem>> -> memref<4096xf32, #tpu.memory_space<vmem>>
    %dma_wait3A_1140 = arith.constant 0 : i32
    %dma_wait3A_1141 = tpu.memref_slice %arg4[%sub3A_1137, %dma_wait3A_1140] : memref<1024x4096xf32, #tpu.memory_space<hbm>> -> memref<1x4096xf32, #tpu.memory_space<hbm>>
    %dma_wait3A_1142 = tpu.memref_squeeze %dma_wait3A_1141 : memref<1x4096xf32, #tpu.memory_space<hbm>> -> memref<4096xf32, #tpu.memory_space<hbm>>
    %dma_wait3A_1143 = arith.constant 0 : i32
    %dma_wait3A_1144 = tpu.memref_slice %arg4[%sub3A_1137, %dma_wait3A_1143] : memref<1024x4096xf32, #tpu.memory_space<hbm>> -> memref<1x4096xf32, #tpu.memory_space<hbm>>
    %dma_wait3A_1145 = tpu.memref_squeeze %dma_wait3A_1144 : memref<1x4096xf32, #tpu.memory_space<hbm>> -> memref<4096xf32, #tpu.memory_space<hbm>>
    %dma_wait3A_1146 = arith.constant 0 : i32
    %dma_wait3A_1147 = tpu.memref_slice %arg8[%dma_wait3A_1146] : memref<4112xf32, #tpu.memory_space<vmem>> -> memref<4096xf32, #tpu.memory_space<vmem>>
    tpu.wait_dma2 semaphore(%arg10 : memref<!tpu.dma_semaphore, #tpu.memory_space<semaphore_mem>>) src(%dma_wait3A_1147 : memref<4096xf32, #tpu.memory_space<vmem>>) dst(%dma_wait3A_1145 : memref<4096xf32, #tpu.memory_space<hbm>>)
    %get3A_1148 = arith.constant 1520 : index
    %get3A_1149 = tpu.vector_load %arg6[%get3A_1148] {strides = array<i32>} : memref<2560xi32, #tpu.memory_space<vmem>>, vector<16xi32>,
    tpu.vector_store_idx %arg8[%get3A_1149], %broadcast_in_dim3A_7 : memref<4112xf32, #tpu.memory_space<vmem>>[vector<16xi32>], vector<16xf32>,
    %get3A_1150 = arith.constant 1536 : index
    %get3A_1151 = tpu.vector_load %arg6[%get3A_1150] {strides = array<i32>} : memref<2560xi32, #tpu.memory_space<vmem>>, vector<16xi32>,
    tpu.vector_store_idx %arg8[%get3A_1151], %broadcast_in_dim3A_7 : memref<4112xf32, #tpu.memory_space<vmem>>[vector<16xi32>], vector<16xf32>,
    %get3A_1152 = arith.constant 1552 : index
    %get3A_1153 = tpu.vector_load %arg6[%get3A_1152] {strides = array<i32>} : memref<2560xi32, #tpu.memory_space<vmem>>, vector<16xi32>,
    tpu.vector_store_idx %arg8[%get3A_1153], %broadcast_in_dim3A_7 : memref<4112xf32, #tpu.memory_space<vmem>>[vector<16xi32>], vector<16xf32>,
    %get3A_1154 = arith.constant 1568 : index
    %get3A_1155 = tpu.vector_load %arg6[%get3A_1154] {strides = array<i32>} : memref<2560xi32, #tpu.memory_space<vmem>>, vector<16xi32>,
    tpu.vector_store_idx %arg8[%get3A_1155], %broadcast_in_dim3A_7 : memref<4112xf32, #tpu.memory_space<vmem>>[vector<16xi32>], vector<16xf32>,
    %get3A_1156 = arith.constant 1584 : index
    %get3A_1157 = tpu.vector_load %arg6[%get3A_1156] {strides = array<i32>} : memref<2560xi32, #tpu.memory_space<vmem>>, vector<16xi32>,
    tpu.vector_store_idx %arg8[%get3A_1157], %broadcast_in_dim3A_7 : memref<4112xf32, #tpu.memory_space<vmem>>[vector<16xi32>], vector<16xf32>,
    %get3A_1158 = arith.constant 1680 : index
    %get3A_1159 = tpu.vector_load %arg5[%get3A_1158] {strides = array<i32>} : memref<2560xf32, #tpu.memory_space<vmem>>, vector<16xf32>,
    %get3A_1160 = arith.constant 1680 : index
    %get3A_1161 = tpu.vector_load %arg6[%get3A_1160] {strides = array<i32>} : memref<2560xi32, #tpu.memory_space<vmem>>, vector<16xi32>,
    tpu.vector_store_idx %arg8[%get3A_1161], %get3A_1159 : memref<4112xf32, #tpu.memory_space<vmem>>[vector<16xi32>], vector<16xf32>,
    %get3A_1162 = arith.constant 1696 : index
    %get3A_1163 = tpu.vector_load %arg5[%get3A_1162] {strides = array<i32>} : memref<2560xf32, #tpu.memory_space<vmem>>, vector<16xf32>,
    %get3A_1164 = arith.constant 1696 : index
    %get3A_1165 = tpu.vector_load %arg6[%get3A_1164] {strides = array<i32>} : memref<2560xi32, #tpu.memory_space<vmem>>, vector<16xi32>,
    tpu.vector_store_idx %arg8[%get3A_1165], %get3A_1163 : memref<4112xf32, #tpu.memory_space<vmem>>[vector<16xi32>], vector<16xf32>,
    %get3A_1166 = arith.constant 1712 : index
    %get3A_1167 = tpu.vector_load %arg5[%get3A_1166] {strides = array<i32>} : memref<2560xf32, #tpu.memory_space<vmem>>, vector<16xf32>,
    %get3A_1168 = arith.constant 1712 : index
    %get3A_1169 = tpu.vector_load %arg6[%get3A_1168] {strides = array<i32>} : memref<2560xi32, #tpu.memory_space<vmem>>, vector<16xi32>,
    tpu.vector_store_idx %arg8[%get3A_1169], %get3A_1167 : memref<4112xf32, #tpu.memory_space<vmem>>[vector<16xi32>], vector<16xf32>,
    %get3A_1170 = arith.constant 1728 : index
    %get3A_1171 = tpu.vector_load %arg5[%get3A_1170] {strides = array<i32>} : memref<2560xf32, #tpu.memory_space<vmem>>, vector<16xf32>,
    %get3A_1172 = arith.constant 1728 : index
    %get3A_1173 = tpu.vector_load %arg6[%get3A_1172] {strides = array<i32>} : memref<2560xi32, #tpu.memory_space<vmem>>, vector<16xi32>,
    tpu.vector_store_idx %arg8[%get3A_1173], %get3A_1171 : memref<4112xf32, #tpu.memory_space<vmem>>[vector<16xi32>], vector<16xf32>,
    %get3A_1174 = arith.constant 1744 : index
    %get3A_1175 = tpu.vector_load %arg5[%get3A_1174] {strides = array<i32>} : memref<2560xf32, #tpu.memory_space<vmem>>, vector<16xf32>,
    %get3A_1176 = arith.constant 1744 : index
    %get3A_1177 = tpu.vector_load %arg6[%get3A_1176] {strides = array<i32>} : memref<2560xi32, #tpu.memory_space<vmem>>, vector<16xi32>,
    tpu.vector_store_idx %arg8[%get3A_1177], %get3A_1175 : memref<4112xf32, #tpu.memory_space<vmem>>[vector<16xi32>], vector<16xf32>,
    %add3A_1178 = arith.constant 21 : i32
    %add3A_1179 = arith.addi %mul3A_2, %add3A_1178 : i32
    %dma_start3A_1180 = arith.constant 0 : i32
    %dma_start3A_1181 = tpu.memref_slice %arg8[%dma_start3A_1180] : memref<4112xf32, #tpu.memory_space<vmem>> -> memref<4096xf32, #tpu.memory_space<vmem>>
    %dma_start3A_1182 = arith.constant 0 : i32
    %dma_start3A_1183 = tpu.memref_slice %arg4[%add3A_1179, %dma_start3A_1182] : memref<1024x4096xf32, #tpu.memory_space<hbm>> -> memref<1x4096xf32, #tpu.memory_space<hbm>>
    %dma_start3A_1184 = tpu.memref_squeeze %dma_start3A_1183 : memref<1x4096xf32, #tpu.memory_space<hbm>> -> memref<4096xf32, #tpu.memory_space<hbm>>
    %dma_start3A_1185 = arith.constant 0 : i32
    %dma_start3A_1186 = tpu.memref_slice %arg4[%add3A_1179, %dma_start3A_1185] : memref<1024x4096xf32, #tpu.memory_space<hbm>> -> memref<1x4096xf32, #tpu.memory_space<hbm>>
    %dma_start3A_1187 = tpu.memref_squeeze %dma_start3A_1186 : memref<1x4096xf32, #tpu.memory_space<hbm>> -> memref<4096xf32, #tpu.memory_space<hbm>>
    %dma_start3A_1188 = arith.constant 0 : i32
    %dma_start3A_1189 = tpu.memref_slice %arg8[%dma_start3A_1188] : memref<4112xf32, #tpu.memory_space<vmem>> -> memref<4096xf32, #tpu.memory_space<vmem>>
    tpu.enqueue_dma source(%dma_start3A_1189 : memref<4096xf32, #tpu.memory_space<vmem>>) target(%dma_start3A_1187 : memref<4096xf32, #tpu.memory_space<hbm>>) target_semaphore(%arg10 : memref<!tpu.dma_semaphore, #tpu.memory_space<semaphore_mem>>)
    %add3A_1190 = arith.constant 22 : i32
    %add3A_1191 = arith.addi %mul3A_2, %add3A_1190 : i32
    %sub3A_1192 = arith.constant 2 : i32
    %sub3A_1193 = arith.subi %add3A_1191, %sub3A_1192 : i32
    %dma_wait3A_1194 = arith.constant 0 : i32
    %dma_wait3A_1195 = tpu.memref_slice %arg7[%dma_wait3A_1194] : memref<4112xf32, #tpu.memory_space<vmem>> -> memref<4096xf32, #tpu.memory_space<vmem>>
    %dma_wait3A_1196 = arith.constant 0 : i32
    %dma_wait3A_1197 = tpu.memref_slice %arg4[%sub3A_1193, %dma_wait3A_1196] : memref<1024x4096xf32, #tpu.memory_space<hbm>> -> memref<1x4096xf32, #tpu.memory_space<hbm>>
    %dma_wait3A_1198 = tpu.memref_squeeze %dma_wait3A_1197 : memref<1x4096xf32, #tpu.memory_space<hbm>> -> memref<4096xf32, #tpu.memory_space<hbm>>
    %dma_wait3A_1199 = arith.constant 0 : i32
    %dma_wait3A_1200 = tpu.memref_slice %arg4[%sub3A_1193, %dma_wait3A_1199] : memref<1024x4096xf32, #tpu.memory_space<hbm>> -> memref<1x4096xf32, #tpu.memory_space<hbm>>
    %dma_wait3A_1201 = tpu.memref_squeeze %dma_wait3A_1200 : memref<1x4096xf32, #tpu.memory_space<hbm>> -> memref<4096xf32, #tpu.memory_space<hbm>>
    %dma_wait3A_1202 = arith.constant 0 : i32
    %dma_wait3A_1203 = tpu.memref_slice %arg7[%dma_wait3A_1202] : memref<4112xf32, #tpu.memory_space<vmem>> -> memref<4096xf32, #tpu.memory_space<vmem>>
    tpu.wait_dma2 semaphore(%arg9 : memref<!tpu.dma_semaphore, #tpu.memory_space<semaphore_mem>>) src(%dma_wait3A_1203 : memref<4096xf32, #tpu.memory_space<vmem>>) dst(%dma_wait3A_1201 : memref<4096xf32, #tpu.memory_space<hbm>>)
    %get3A_1204 = arith.constant 1600 : index
    %get3A_1205 = tpu.vector_load %arg6[%get3A_1204] {strides = array<i32>} : memref<2560xi32, #tpu.memory_space<vmem>>, vector<16xi32>,
    tpu.vector_store_idx %arg7[%get3A_1205], %broadcast_in_dim3A_7 : memref<4112xf32, #tpu.memory_space<vmem>>[vector<16xi32>], vector<16xf32>,
    %get3A_1206 = arith.constant 1616 : index
    %get3A_1207 = tpu.vector_load %arg6[%get3A_1206] {strides = array<i32>} : memref<2560xi32, #tpu.memory_space<vmem>>, vector<16xi32>,
    tpu.vector_store_idx %arg7[%get3A_1207], %broadcast_in_dim3A_7 : memref<4112xf32, #tpu.memory_space<vmem>>[vector<16xi32>], vector<16xf32>,
    %get3A_1208 = arith.constant 1632 : index
    %get3A_1209 = tpu.vector_load %arg6[%get3A_1208] {strides = array<i32>} : memref<2560xi32, #tpu.memory_space<vmem>>, vector<16xi32>,
    tpu.vector_store_idx %arg7[%get3A_1209], %broadcast_in_dim3A_7 : memref<4112xf32, #tpu.memory_space<vmem>>[vector<16xi32>], vector<16xf32>,
    %get3A_1210 = arith.constant 1648 : index
    %get3A_1211 = tpu.vector_load %arg6[%get3A_1210] {strides = array<i32>} : memref<2560xi32, #tpu.memory_space<vmem>>, vector<16xi32>,
    tpu.vector_store_idx %arg7[%get3A_1211], %broadcast_in_dim3A_7 : memref<4112xf32, #tpu.memory_space<vmem>>[vector<16xi32>], vector<16xf32>,
    %get3A_1212 = arith.constant 1664 : index
    %get3A_1213 = tpu.vector_load %arg6[%get3A_1212] {strides = array<i32>} : memref<2560xi32, #tpu.memory_space<vmem>>, vector<16xi32>,
    tpu.vector_store_idx %arg7[%get3A_1213], %broadcast_in_dim3A_7 : memref<4112xf32, #tpu.memory_space<vmem>>[vector<16xi32>], vector<16xf32>,
    %get3A_1214 = arith.constant 1760 : index
    %get3A_1215 = tpu.vector_load %arg5[%get3A_1214] {strides = array<i32>} : memref<2560xf32, #tpu.memory_space<vmem>>, vector<16xf32>,
    %get3A_1216 = arith.constant 1760 : index
    %get3A_1217 = tpu.vector_load %arg6[%get3A_1216] {strides = array<i32>} : memref<2560xi32, #tpu.memory_space<vmem>>, vector<16xi32>,
    tpu.vector_store_idx %arg7[%get3A_1217], %get3A_1215 : memref<4112xf32, #tpu.memory_space<vmem>>[vector<16xi32>], vector<16xf32>,
    %get3A_1218 = arith.constant 1776 : index
    %get3A_1219 = tpu.vector_load %arg5[%get3A_1218] {strides = array<i32>} : memref<2560xf32, #tpu.memory_space<vmem>>, vector<16xf32>,
    %get3A_1220 = arith.constant 1776 : index
    %get3A_1221 = tpu.vector_load %arg6[%get3A_1220] {strides = array<i32>} : memref<2560xi32, #tpu.memory_space<vmem>>, vector<16xi32>,
    tpu.vector_store_idx %arg7[%get3A_1221], %get3A_1219 : memref<4112xf32, #tpu.memory_space<vmem>>[vector<16xi32>], vector<16xf32>,
    %get3A_1222 = arith.constant 1792 : index
    %get3A_1223 = tpu.vector_load %arg5[%get3A_1222] {strides = array<i32>} : memref<2560xf32, #tpu.memory_space<vmem>>, vector<16xf32>,
    %get3A_1224 = arith.constant 1792 : index
    %get3A_1225 = tpu.vector_load %arg6[%get3A_1224] {strides = array<i32>} : memref<2560xi32, #tpu.memory_space<vmem>>, vector<16xi32>,
    tpu.vector_store_idx %arg7[%get3A_1225], %get3A_1223 : memref<4112xf32, #tpu.memory_space<vmem>>[vector<16xi32>], vector<16xf32>,
    %get3A_1226 = arith.constant 1808 : index
    %get3A_1227 = tpu.vector_load %arg5[%get3A_1226] {strides = array<i32>} : memref<2560xf32, #tpu.memory_space<vmem>>, vector<16xf32>,
    %get3A_1228 = arith.constant 1808 : index
    %get3A_1229 = tpu.vector_load %arg6[%get3A_1228] {strides = array<i32>} : memref<2560xi32, #tpu.memory_space<vmem>>, vector<16xi32>,
    tpu.vector_store_idx %arg7[%get3A_1229], %get3A_1227 : memref<4112xf32, #tpu.memory_space<vmem>>[vector<16xi32>], vector<16xf32>,
    %get3A_1230 = arith.constant 1824 : index
    %get3A_1231 = tpu.vector_load %arg5[%get3A_1230] {strides = array<i32>} : memref<2560xf32, #tpu.memory_space<vmem>>, vector<16xf32>,
    %get3A_1232 = arith.constant 1824 : index
    %get3A_1233 = tpu.vector_load %arg6[%get3A_1232] {strides = array<i32>} : memref<2560xi32, #tpu.memory_space<vmem>>, vector<16xi32>,
    tpu.vector_store_idx %arg7[%get3A_1233], %get3A_1231 : memref<4112xf32, #tpu.memory_space<vmem>>[vector<16xi32>], vector<16xf32>,
    %add3A_1234 = arith.constant 22 : i32
    %add3A_1235 = arith.addi %mul3A_2, %add3A_1234 : i32
    %dma_start3A_1236 = arith.constant 0 : i32
    %dma_start3A_1237 = tpu.memref_slice %arg7[%dma_start3A_1236] : memref<4112xf32, #tpu.memory_space<vmem>> -> memref<4096xf32, #tpu.memory_space<vmem>>
    %dma_start3A_1238 = arith.constant 0 : i32
    %dma_start3A_1239 = tpu.memref_slice %arg4[%add3A_1235, %dma_start3A_1238] : memref<1024x4096xf32, #tpu.memory_space<hbm>> -> memref<1x4096xf32, #tpu.memory_space<hbm>>
    %dma_start3A_1240 = tpu.memref_squeeze %dma_start3A_1239 : memref<1x4096xf32, #tpu.memory_space<hbm>> -> memref<4096xf32, #tpu.memory_space<hbm>>
    %dma_start3A_1241 = arith.constant 0 : i32
    %dma_start3A_1242 = tpu.memref_slice %arg4[%add3A_1235, %dma_start3A_1241] : memref<1024x4096xf32, #tpu.memory_space<hbm>> -> memref<1x4096xf32, #tpu.memory_space<hbm>>
    %dma_start3A_1243 = tpu.memref_squeeze %dma_start3A_1242 : memref<1x4096xf32, #tpu.memory_space<hbm>> -> memref<4096xf32, #tpu.memory_space<hbm>>
    %dma_start3A_1244 = arith.constant 0 : i32
    %dma_start3A_1245 = tpu.memref_slice %arg7[%dma_start3A_1244] : memref<4112xf32, #tpu.memory_space<vmem>> -> memref<4096xf32, #tpu.memory_space<vmem>>
    tpu.enqueue_dma source(%dma_start3A_1245 : memref<4096xf32, #tpu.memory_space<vmem>>) target(%dma_start3A_1243 : memref<4096xf32, #tpu.memory_space<hbm>>) target_semaphore(%arg9 : memref<!tpu.dma_semaphore, #tpu.memory_space<semaphore_mem>>)
    %add3A_1246 = arith.constant 23 : i32
    %add3A_1247 = arith.addi %mul3A_2, %add3A_1246 : i32
    %sub3A_1248 = arith.constant 2 : i32
    %sub3A_1249 = arith.subi %add3A_1247, %sub3A_1248 : i32
    %dma_wait3A_1250 = arith.constant 0 : i32
    %dma_wait3A_1251 = tpu.memref_slice %arg8[%dma_wait3A_1250] : memref<4112xf32, #tpu.memory_space<vmem>> -> memref<4096xf32, #tpu.memory_space<vmem>>
    %dma_wait3A_1252 = arith.constant 0 : i32
    %dma_wait3A_1253 = tpu.memref_slice %arg4[%sub3A_1249, %dma_wait3A_1252] : memref<1024x4096xf32, #tpu.memory_space<hbm>> -> memref<1x4096xf32, #tpu.memory_space<hbm>>
    %dma_wait3A_1254 = tpu.memref_squeeze %dma_wait3A_1253 : memref<1x4096xf32, #tpu.memory_space<hbm>> -> memref<4096xf32, #tpu.memory_space<hbm>>
    %dma_wait3A_1255 = arith.constant 0 : i32
    %dma_wait3A_1256 = tpu.memref_slice %arg4[%sub3A_1249, %dma_wait3A_1255] : memref<1024x4096xf32, #tpu.memory_space<hbm>> -> memref<1x4096xf32, #tpu.memory_space<hbm>>
    %dma_wait3A_1257 = tpu.memref_squeeze %dma_wait3A_1256 : memref<1x4096xf32, #tpu.memory_space<hbm>> -> memref<4096xf32, #tpu.memory_space<hbm>>
    %dma_wait3A_1258 = arith.constant 0 : i32
    %dma_wait3A_1259 = tpu.memref_slice %arg8[%dma_wait3A_1258] : memref<4112xf32, #tpu.memory_space<vmem>> -> memref<4096xf32, #tpu.memory_space<vmem>>
    tpu.wait_dma2 semaphore(%arg10 : memref<!tpu.dma_semaphore, #tpu.memory_space<semaphore_mem>>) src(%dma_wait3A_1259 : memref<4096xf32, #tpu.memory_space<vmem>>) dst(%dma_wait3A_1257 : memref<4096xf32, #tpu.memory_space<hbm>>)
    %get3A_1260 = arith.constant 1680 : index
    %get3A_1261 = tpu.vector_load %arg6[%get3A_1260] {strides = array<i32>} : memref<2560xi32, #tpu.memory_space<vmem>>, vector<16xi32>,
    tpu.vector_store_idx %arg8[%get3A_1261], %broadcast_in_dim3A_7 : memref<4112xf32, #tpu.memory_space<vmem>>[vector<16xi32>], vector<16xf32>,
    %get3A_1262 = arith.constant 1696 : index
    %get3A_1263 = tpu.vector_load %arg6[%get3A_1262] {strides = array<i32>} : memref<2560xi32, #tpu.memory_space<vmem>>, vector<16xi32>,
    tpu.vector_store_idx %arg8[%get3A_1263], %broadcast_in_dim3A_7 : memref<4112xf32, #tpu.memory_space<vmem>>[vector<16xi32>], vector<16xf32>,
    %get3A_1264 = arith.constant 1712 : index
    %get3A_1265 = tpu.vector_load %arg6[%get3A_1264] {strides = array<i32>} : memref<2560xi32, #tpu.memory_space<vmem>>, vector<16xi32>,
    tpu.vector_store_idx %arg8[%get3A_1265], %broadcast_in_dim3A_7 : memref<4112xf32, #tpu.memory_space<vmem>>[vector<16xi32>], vector<16xf32>,
    %get3A_1266 = arith.constant 1728 : index
    %get3A_1267 = tpu.vector_load %arg6[%get3A_1266] {strides = array<i32>} : memref<2560xi32, #tpu.memory_space<vmem>>, vector<16xi32>,
    tpu.vector_store_idx %arg8[%get3A_1267], %broadcast_in_dim3A_7 : memref<4112xf32, #tpu.memory_space<vmem>>[vector<16xi32>], vector<16xf32>,
    %get3A_1268 = arith.constant 1744 : index
    %get3A_1269 = tpu.vector_load %arg6[%get3A_1268] {strides = array<i32>} : memref<2560xi32, #tpu.memory_space<vmem>>, vector<16xi32>,
    tpu.vector_store_idx %arg8[%get3A_1269], %broadcast_in_dim3A_7 : memref<4112xf32, #tpu.memory_space<vmem>>[vector<16xi32>], vector<16xf32>,
    %get3A_1270 = arith.constant 1840 : index
    %get3A_1271 = tpu.vector_load %arg5[%get3A_1270] {strides = array<i32>} : memref<2560xf32, #tpu.memory_space<vmem>>, vector<16xf32>,
    %get3A_1272 = arith.constant 1840 : index
    %get3A_1273 = tpu.vector_load %arg6[%get3A_1272] {strides = array<i32>} : memref<2560xi32, #tpu.memory_space<vmem>>, vector<16xi32>,
    tpu.vector_store_idx %arg8[%get3A_1273], %get3A_1271 : memref<4112xf32, #tpu.memory_space<vmem>>[vector<16xi32>], vector<16xf32>,
    %get3A_1274 = arith.constant 1856 : index
    %get3A_1275 = tpu.vector_load %arg5[%get3A_1274] {strides = array<i32>} : memref<2560xf32, #tpu.memory_space<vmem>>, vector<16xf32>,
    %get3A_1276 = arith.constant 1856 : index
    %get3A_1277 = tpu.vector_load %arg6[%get3A_1276] {strides = array<i32>} : memref<2560xi32, #tpu.memory_space<vmem>>, vector<16xi32>,
    tpu.vector_store_idx %arg8[%get3A_1277], %get3A_1275 : memref<4112xf32, #tpu.memory_space<vmem>>[vector<16xi32>], vector<16xf32>,
    %get3A_1278 = arith.constant 1872 : index
    %get3A_1279 = tpu.vector_load %arg5[%get3A_1278] {strides = array<i32>} : memref<2560xf32, #tpu.memory_space<vmem>>, vector<16xf32>,
    %get3A_1280 = arith.constant 1872 : index
    %get3A_1281 = tpu.vector_load %arg6[%get3A_1280] {strides = array<i32>} : memref<2560xi32, #tpu.memory_space<vmem>>, vector<16xi32>,
    tpu.vector_store_idx %arg8[%get3A_1281], %get3A_1279 : memref<4112xf32, #tpu.memory_space<vmem>>[vector<16xi32>], vector<16xf32>,
    %get3A_1282 = arith.constant 1888 : index
    %get3A_1283 = tpu.vector_load %arg5[%get3A_1282] {strides = array<i32>} : memref<2560xf32, #tpu.memory_space<vmem>>, vector<16xf32>,
    %get3A_1284 = arith.constant 1888 : index
    %get3A_1285 = tpu.vector_load %arg6[%get3A_1284] {strides = array<i32>} : memref<2560xi32, #tpu.memory_space<vmem>>, vector<16xi32>,
    tpu.vector_store_idx %arg8[%get3A_1285], %get3A_1283 : memref<4112xf32, #tpu.memory_space<vmem>>[vector<16xi32>], vector<16xf32>,
    %get3A_1286 = arith.constant 1904 : index
    %get3A_1287 = tpu.vector_load %arg5[%get3A_1286] {strides = array<i32>} : memref<2560xf32, #tpu.memory_space<vmem>>, vector<16xf32>,
    %get3A_1288 = arith.constant 1904 : index
    %get3A_1289 = tpu.vector_load %arg6[%get3A_1288] {strides = array<i32>} : memref<2560xi32, #tpu.memory_space<vmem>>, vector<16xi32>,
    tpu.vector_store_idx %arg8[%get3A_1289], %get3A_1287 : memref<4112xf32, #tpu.memory_space<vmem>>[vector<16xi32>], vector<16xf32>,
    %add3A_1290 = arith.constant 23 : i32
    %add3A_1291 = arith.addi %mul3A_2, %add3A_1290 : i32
    %dma_start3A_1292 = arith.constant 0 : i32
    %dma_start3A_1293 = tpu.memref_slice %arg8[%dma_start3A_1292] : memref<4112xf32, #tpu.memory_space<vmem>> -> memref<4096xf32, #tpu.memory_space<vmem>>
    %dma_start3A_1294 = arith.constant 0 : i32
    %dma_start3A_1295 = tpu.memref_slice %arg4[%add3A_1291, %dma_start3A_1294] : memref<1024x4096xf32, #tpu.memory_space<hbm>> -> memref<1x4096xf32, #tpu.memory_space<hbm>>
    %dma_start3A_1296 = tpu.memref_squeeze %dma_start3A_1295 : memref<1x4096xf32, #tpu.memory_space<hbm>> -> memref<4096xf32, #tpu.memory_space<hbm>>
    %dma_start3A_1297 = arith.constant 0 : i32
    %dma_start3A_1298 = tpu.memref_slice %arg4[%add3A_1291, %dma_start3A_1297] : memref<1024x4096xf32, #tpu.memory_space<hbm>> -> memref<1x4096xf32, #tpu.memory_space<hbm>>
    %dma_start3A_1299 = tpu.memref_squeeze %dma_start3A_1298 : memref<1x4096xf32, #tpu.memory_space<hbm>> -> memref<4096xf32, #tpu.memory_space<hbm>>
    %dma_start3A_1300 = arith.constant 0 : i32
    %dma_start3A_1301 = tpu.memref_slice %arg8[%dma_start3A_1300] : memref<4112xf32, #tpu.memory_space<vmem>> -> memref<4096xf32, #tpu.memory_space<vmem>>
    tpu.enqueue_dma source(%dma_start3A_1301 : memref<4096xf32, #tpu.memory_space<vmem>>) target(%dma_start3A_1299 : memref<4096xf32, #tpu.memory_space<hbm>>) target_semaphore(%arg10 : memref<!tpu.dma_semaphore, #tpu.memory_space<semaphore_mem>>)
    %add3A_1302 = arith.constant 24 : i32
    %add3A_1303 = arith.addi %mul3A_2, %add3A_1302 : i32
    %sub3A_1304 = arith.constant 2 : i32
    %sub3A_1305 = arith.subi %add3A_1303, %sub3A_1304 : i32
    %dma_wait3A_1306 = arith.constant 0 : i32
    %dma_wait3A_1307 = tpu.memref_slice %arg7[%dma_wait3A_1306] : memref<4112xf32, #tpu.memory_space<vmem>> -> memref<4096xf32, #tpu.memory_space<vmem>>
    %dma_wait3A_1308 = arith.constant 0 : i32
    %dma_wait3A_1309 = tpu.memref_slice %arg4[%sub3A_1305, %dma_wait3A_1308] : memref<1024x4096xf32, #tpu.memory_space<hbm>> -> memref<1x4096xf32, #tpu.memory_space<hbm>>
    %dma_wait3A_1310 = tpu.memref_squeeze %dma_wait3A_1309 : memref<1x4096xf32, #tpu.memory_space<hbm>> -> memref<4096xf32, #tpu.memory_space<hbm>>
    %dma_wait3A_1311 = arith.constant 0 : i32
    %dma_wait3A_1312 = tpu.memref_slice %arg4[%sub3A_1305, %dma_wait3A_1311] : memref<1024x4096xf32, #tpu.memory_space<hbm>> -> memref<1x4096xf32, #tpu.memory_space<hbm>>
    %dma_wait3A_1313 = tpu.memref_squeeze %dma_wait3A_1312 : memref<1x4096xf32, #tpu.memory_space<hbm>> -> memref<4096xf32, #tpu.memory_space<hbm>>
    %dma_wait3A_1314 = arith.constant 0 : i32
    %dma_wait3A_1315 = tpu.memref_slice %arg7[%dma_wait3A_1314] : memref<4112xf32, #tpu.memory_space<vmem>> -> memref<4096xf32, #tpu.memory_space<vmem>>
    tpu.wait_dma2 semaphore(%arg9 : memref<!tpu.dma_semaphore, #tpu.memory_space<semaphore_mem>>) src(%dma_wait3A_1315 : memref<4096xf32, #tpu.memory_space<vmem>>) dst(%dma_wait3A_1313 : memref<4096xf32, #tpu.memory_space<hbm>>)
    %get3A_1316 = arith.constant 1760 : index
    %get3A_1317 = tpu.vector_load %arg6[%get3A_1316] {strides = array<i32>} : memref<2560xi32, #tpu.memory_space<vmem>>, vector<16xi32>,
    tpu.vector_store_idx %arg7[%get3A_1317], %broadcast_in_dim3A_7 : memref<4112xf32, #tpu.memory_space<vmem>>[vector<16xi32>], vector<16xf32>,
    %get3A_1318 = arith.constant 1776 : index
    %get3A_1319 = tpu.vector_load %arg6[%get3A_1318] {strides = array<i32>} : memref<2560xi32, #tpu.memory_space<vmem>>, vector<16xi32>,
    tpu.vector_store_idx %arg7[%get3A_1319], %broadcast_in_dim3A_7 : memref<4112xf32, #tpu.memory_space<vmem>>[vector<16xi32>], vector<16xf32>,
    %get3A_1320 = arith.constant 1792 : index
    %get3A_1321 = tpu.vector_load %arg6[%get3A_1320] {strides = array<i32>} : memref<2560xi32, #tpu.memory_space<vmem>>, vector<16xi32>,
    tpu.vector_store_idx %arg7[%get3A_1321], %broadcast_in_dim3A_7 : memref<4112xf32, #tpu.memory_space<vmem>>[vector<16xi32>], vector<16xf32>,
    %get3A_1322 = arith.constant 1808 : index
    %get3A_1323 = tpu.vector_load %arg6[%get3A_1322] {strides = array<i32>} : memref<2560xi32, #tpu.memory_space<vmem>>, vector<16xi32>,
    tpu.vector_store_idx %arg7[%get3A_1323], %broadcast_in_dim3A_7 : memref<4112xf32, #tpu.memory_space<vmem>>[vector<16xi32>], vector<16xf32>,
    %get3A_1324 = arith.constant 1824 : index
    %get3A_1325 = tpu.vector_load %arg6[%get3A_1324] {strides = array<i32>} : memref<2560xi32, #tpu.memory_space<vmem>>, vector<16xi32>,
    tpu.vector_store_idx %arg7[%get3A_1325], %broadcast_in_dim3A_7 : memref<4112xf32, #tpu.memory_space<vmem>>[vector<16xi32>], vector<16xf32>,
    %get3A_1326 = arith.constant 1920 : index
    %get3A_1327 = tpu.vector_load %arg5[%get3A_1326] {strides = array<i32>} : memref<2560xf32, #tpu.memory_space<vmem>>, vector<16xf32>,
    %get3A_1328 = arith.constant 1920 : index
    %get3A_1329 = tpu.vector_load %arg6[%get3A_1328] {strides = array<i32>} : memref<2560xi32, #tpu.memory_space<vmem>>, vector<16xi32>,
    tpu.vector_store_idx %arg7[%get3A_1329], %get3A_1327 : memref<4112xf32, #tpu.memory_space<vmem>>[vector<16xi32>], vector<16xf32>,
    %get3A_1330 = arith.constant 1936 : index
    %get3A_1331 = tpu.vector_load %arg5[%get3A_1330] {strides = array<i32>} : memref<2560xf32, #tpu.memory_space<vmem>>, vector<16xf32>,
    %get3A_1332 = arith.constant 1936 : index
    %get3A_1333 = tpu.vector_load %arg6[%get3A_1332] {strides = array<i32>} : memref<2560xi32, #tpu.memory_space<vmem>>, vector<16xi32>,
    tpu.vector_store_idx %arg7[%get3A_1333], %get3A_1331 : memref<4112xf32, #tpu.memory_space<vmem>>[vector<16xi32>], vector<16xf32>,
    %get3A_1334 = arith.constant 1952 : index
    %get3A_1335 = tpu.vector_load %arg5[%get3A_1334] {strides = array<i32>} : memref<2560xf32, #tpu.memory_space<vmem>>, vector<16xf32>,
    %get3A_1336 = arith.constant 1952 : index
    %get3A_1337 = tpu.vector_load %arg6[%get3A_1336] {strides = array<i32>} : memref<2560xi32, #tpu.memory_space<vmem>>, vector<16xi32>,
    tpu.vector_store_idx %arg7[%get3A_1337], %get3A_1335 : memref<4112xf32, #tpu.memory_space<vmem>>[vector<16xi32>], vector<16xf32>,
    %get3A_1338 = arith.constant 1968 : index
    %get3A_1339 = tpu.vector_load %arg5[%get3A_1338] {strides = array<i32>} : memref<2560xf32, #tpu.memory_space<vmem>>, vector<16xf32>,
    %get3A_1340 = arith.constant 1968 : index
    %get3A_1341 = tpu.vector_load %arg6[%get3A_1340] {strides = array<i32>} : memref<2560xi32, #tpu.memory_space<vmem>>, vector<16xi32>,
    tpu.vector_store_idx %arg7[%get3A_1341], %get3A_1339 : memref<4112xf32, #tpu.memory_space<vmem>>[vector<16xi32>], vector<16xf32>,
    %get3A_1342 = arith.constant 1984 : index
    %get3A_1343 = tpu.vector_load %arg5[%get3A_1342] {strides = array<i32>} : memref<2560xf32, #tpu.memory_space<vmem>>, vector<16xf32>,
    %get3A_1344 = arith.constant 1984 : index
    %get3A_1345 = tpu.vector_load %arg6[%get3A_1344] {strides = array<i32>} : memref<2560xi32, #tpu.memory_space<vmem>>, vector<16xi32>,
    tpu.vector_store_idx %arg7[%get3A_1345], %get3A_1343 : memref<4112xf32, #tpu.memory_space<vmem>>[vector<16xi32>], vector<16xf32>,
    %add3A_1346 = arith.constant 24 : i32
    %add3A_1347 = arith.addi %mul3A_2, %add3A_1346 : i32
    %dma_start3A_1348 = arith.constant 0 : i32
    %dma_start3A_1349 = tpu.memref_slice %arg7[%dma_start3A_1348] : memref<4112xf32, #tpu.memory_space<vmem>> -> memref<4096xf32, #tpu.memory_space<vmem>>
    %dma_start3A_1350 = arith.constant 0 : i32
    %dma_start3A_1351 = tpu.memref_slice %arg4[%add3A_1347, %dma_start3A_1350] : memref<1024x4096xf32, #tpu.memory_space<hbm>> -> memref<1x4096xf32, #tpu.memory_space<hbm>>
    %dma_start3A_1352 = tpu.memref_squeeze %dma_start3A_1351 : memref<1x4096xf32, #tpu.memory_space<hbm>> -> memref<4096xf32, #tpu.memory_space<hbm>>
    %dma_start3A_1353 = arith.constant 0 : i32
    %dma_start3A_1354 = tpu.memref_slice %arg4[%add3A_1347, %dma_start3A_1353] : memref<1024x4096xf32, #tpu.memory_space<hbm>> -> memref<1x4096xf32, #tpu.memory_space<hbm>>
    %dma_start3A_1355 = tpu.memref_squeeze %dma_start3A_1354 : memref<1x4096xf32, #tpu.memory_space<hbm>> -> memref<4096xf32, #tpu.memory_space<hbm>>
    %dma_start3A_1356 = arith.constant 0 : i32
    %dma_start3A_1357 = tpu.memref_slice %arg7[%dma_start3A_1356] : memref<4112xf32, #tpu.memory_space<vmem>> -> memref<4096xf32, #tpu.memory_space<vmem>>
    tpu.enqueue_dma source(%dma_start3A_1357 : memref<4096xf32, #tpu.memory_space<vmem>>) target(%dma_start3A_1355 : memref<4096xf32, #tpu.memory_space<hbm>>) target_semaphore(%arg9 : memref<!tpu.dma_semaphore, #tpu.memory_space<semaphore_mem>>)
    %add3A_1358 = arith.constant 25 : i32
    %add3A_1359 = arith.addi %mul3A_2, %add3A_1358 : i32
    %sub3A_1360 = arith.constant 2 : i32
    %sub3A_1361 = arith.subi %add3A_1359, %sub3A_1360 : i32
    %dma_wait3A_1362 = arith.constant 0 : i32
    %dma_wait3A_1363 = tpu.memref_slice %arg8[%dma_wait3A_1362] : memref<4112xf32, #tpu.memory_space<vmem>> -> memref<4096xf32, #tpu.memory_space<vmem>>
    %dma_wait3A_1364 = arith.constant 0 : i32
    %dma_wait3A_1365 = tpu.memref_slice %arg4[%sub3A_1361, %dma_wait3A_1364] : memref<1024x4096xf32, #tpu.memory_space<hbm>> -> memref<1x4096xf32, #tpu.memory_space<hbm>>
    %dma_wait3A_1366 = tpu.memref_squeeze %dma_wait3A_1365 : memref<1x4096xf32, #tpu.memory_space<hbm>> -> memref<4096xf32, #tpu.memory_space<hbm>>
    %dma_wait3A_1367 = arith.constant 0 : i32
    %dma_wait3A_1368 = tpu.memref_slice %arg4[%sub3A_1361, %dma_wait3A_1367] : memref<1024x4096xf32, #tpu.memory_space<hbm>> -> memref<1x4096xf32, #tpu.memory_space<hbm>>
    %dma_wait3A_1369 = tpu.memref_squeeze %dma_wait3A_1368 : memref<1x4096xf32, #tpu.memory_space<hbm>> -> memref<4096xf32, #tpu.memory_space<hbm>>
    %dma_wait3A_1370 = arith.constant 0 : i32
    %dma_wait3A_1371 = tpu.memref_slice %arg8[%dma_wait3A_1370] : memref<4112xf32, #tpu.memory_space<vmem>> -> memref<4096xf32, #tpu.memory_space<vmem>>
    tpu.wait_dma2 semaphore(%arg10 : memref<!tpu.dma_semaphore, #tpu.memory_space<semaphore_mem>>) src(%dma_wait3A_1371 : memref<4096xf32, #tpu.memory_space<vmem>>) dst(%dma_wait3A_1369 : memref<4096xf32, #tpu.memory_space<hbm>>)
    %get3A_1372 = arith.constant 1840 : index
    %get3A_1373 = tpu.vector_load %arg6[%get3A_1372] {strides = array<i32>} : memref<2560xi32, #tpu.memory_space<vmem>>, vector<16xi32>,
    tpu.vector_store_idx %arg8[%get3A_1373], %broadcast_in_dim3A_7 : memref<4112xf32, #tpu.memory_space<vmem>>[vector<16xi32>], vector<16xf32>,
    %get3A_1374 = arith.constant 1856 : index
    %get3A_1375 = tpu.vector_load %arg6[%get3A_1374] {strides = array<i32>} : memref<2560xi32, #tpu.memory_space<vmem>>, vector<16xi32>,
    tpu.vector_store_idx %arg8[%get3A_1375], %broadcast_in_dim3A_7 : memref<4112xf32, #tpu.memory_space<vmem>>[vector<16xi32>], vector<16xf32>,
    %get3A_1376 = arith.constant 1872 : index
    %get3A_1377 = tpu.vector_load %arg6[%get3A_1376] {strides = array<i32>} : memref<2560xi32, #tpu.memory_space<vmem>>, vector<16xi32>,
    tpu.vector_store_idx %arg8[%get3A_1377], %broadcast_in_dim3A_7 : memref<4112xf32, #tpu.memory_space<vmem>>[vector<16xi32>], vector<16xf32>,
    %get3A_1378 = arith.constant 1888 : index
    %get3A_1379 = tpu.vector_load %arg6[%get3A_1378] {strides = array<i32>} : memref<2560xi32, #tpu.memory_space<vmem>>, vector<16xi32>,
    tpu.vector_store_idx %arg8[%get3A_1379], %broadcast_in_dim3A_7 : memref<4112xf32, #tpu.memory_space<vmem>>[vector<16xi32>], vector<16xf32>,
    %get3A_1380 = arith.constant 1904 : index
    %get3A_1381 = tpu.vector_load %arg6[%get3A_1380] {strides = array<i32>} : memref<2560xi32, #tpu.memory_space<vmem>>, vector<16xi32>,
    tpu.vector_store_idx %arg8[%get3A_1381], %broadcast_in_dim3A_7 : memref<4112xf32, #tpu.memory_space<vmem>>[vector<16xi32>], vector<16xf32>,
    %get3A_1382 = arith.constant 2000 : index
    %get3A_1383 = tpu.vector_load %arg5[%get3A_1382] {strides = array<i32>} : memref<2560xf32, #tpu.memory_space<vmem>>, vector<16xf32>,
    %get3A_1384 = arith.constant 2000 : index
    %get3A_1385 = tpu.vector_load %arg6[%get3A_1384] {strides = array<i32>} : memref<2560xi32, #tpu.memory_space<vmem>>, vector<16xi32>,
    tpu.vector_store_idx %arg8[%get3A_1385], %get3A_1383 : memref<4112xf32, #tpu.memory_space<vmem>>[vector<16xi32>], vector<16xf32>,
    %get3A_1386 = arith.constant 2016 : index
    %get3A_1387 = tpu.vector_load %arg5[%get3A_1386] {strides = array<i32>} : memref<2560xf32, #tpu.memory_space<vmem>>, vector<16xf32>,
    %get3A_1388 = arith.constant 2016 : index
    %get3A_1389 = tpu.vector_load %arg6[%get3A_1388] {strides = array<i32>} : memref<2560xi32, #tpu.memory_space<vmem>>, vector<16xi32>,
    tpu.vector_store_idx %arg8[%get3A_1389], %get3A_1387 : memref<4112xf32, #tpu.memory_space<vmem>>[vector<16xi32>], vector<16xf32>,
    %get3A_1390 = arith.constant 2032 : index
    %get3A_1391 = tpu.vector_load %arg5[%get3A_1390] {strides = array<i32>} : memref<2560xf32, #tpu.memory_space<vmem>>, vector<16xf32>,
    %get3A_1392 = arith.constant 2032 : index
    %get3A_1393 = tpu.vector_load %arg6[%get3A_1392] {strides = array<i32>} : memref<2560xi32, #tpu.memory_space<vmem>>, vector<16xi32>,
    tpu.vector_store_idx %arg8[%get3A_1393], %get3A_1391 : memref<4112xf32, #tpu.memory_space<vmem>>[vector<16xi32>], vector<16xf32>,
    %get3A_1394 = arith.constant 2048 : index
    %get3A_1395 = tpu.vector_load %arg5[%get3A_1394] {strides = array<i32>} : memref<2560xf32, #tpu.memory_space<vmem>>, vector<16xf32>,
    %get3A_1396 = arith.constant 2048 : index
    %get3A_1397 = tpu.vector_load %arg6[%get3A_1396] {strides = array<i32>} : memref<2560xi32, #tpu.memory_space<vmem>>, vector<16xi32>,
    tpu.vector_store_idx %arg8[%get3A_1397], %get3A_1395 : memref<4112xf32, #tpu.memory_space<vmem>>[vector<16xi32>], vector<16xf32>,
    %get3A_1398 = arith.constant 2064 : index
    %get3A_1399 = tpu.vector_load %arg5[%get3A_1398] {strides = array<i32>} : memref<2560xf32, #tpu.memory_space<vmem>>, vector<16xf32>,
    %get3A_1400 = arith.constant 2064 : index
    %get3A_1401 = tpu.vector_load %arg6[%get3A_1400] {strides = array<i32>} : memref<2560xi32, #tpu.memory_space<vmem>>, vector<16xi32>,
    tpu.vector_store_idx %arg8[%get3A_1401], %get3A_1399 : memref<4112xf32, #tpu.memory_space<vmem>>[vector<16xi32>], vector<16xf32>,
    %add3A_1402 = arith.constant 25 : i32
    %add3A_1403 = arith.addi %mul3A_2, %add3A_1402 : i32
    %dma_start3A_1404 = arith.constant 0 : i32
    %dma_start3A_1405 = tpu.memref_slice %arg8[%dma_start3A_1404] : memref<4112xf32, #tpu.memory_space<vmem>> -> memref<4096xf32, #tpu.memory_space<vmem>>
    %dma_start3A_1406 = arith.constant 0 : i32
    %dma_start3A_1407 = tpu.memref_slice %arg4[%add3A_1403, %dma_start3A_1406] : memref<1024x4096xf32, #tpu.memory_space<hbm>> -> memref<1x4096xf32, #tpu.memory_space<hbm>>
    %dma_start3A_1408 = tpu.memref_squeeze %dma_start3A_1407 : memref<1x4096xf32, #tpu.memory_space<hbm>> -> memref<4096xf32, #tpu.memory_space<hbm>>
    %dma_start3A_1409 = arith.constant 0 : i32
    %dma_start3A_1410 = tpu.memref_slice %arg4[%add3A_1403, %dma_start3A_1409] : memref<1024x4096xf32, #tpu.memory_space<hbm>> -> memref<1x4096xf32, #tpu.memory_space<hbm>>
    %dma_start3A_1411 = tpu.memref_squeeze %dma_start3A_1410 : memref<1x4096xf32, #tpu.memory_space<hbm>> -> memref<4096xf32, #tpu.memory_space<hbm>>
    %dma_start3A_1412 = arith.constant 0 : i32
    %dma_start3A_1413 = tpu.memref_slice %arg8[%dma_start3A_1412] : memref<4112xf32, #tpu.memory_space<vmem>> -> memref<4096xf32, #tpu.memory_space<vmem>>
    tpu.enqueue_dma source(%dma_start3A_1413 : memref<4096xf32, #tpu.memory_space<vmem>>) target(%dma_start3A_1411 : memref<4096xf32, #tpu.memory_space<hbm>>) target_semaphore(%arg10 : memref<!tpu.dma_semaphore, #tpu.memory_space<semaphore_mem>>)
    %add3A_1414 = arith.constant 26 : i32
    %add3A_1415 = arith.addi %mul3A_2, %add3A_1414 : i32
    %sub3A_1416 = arith.constant 2 : i32
    %sub3A_1417 = arith.subi %add3A_1415, %sub3A_1416 : i32
    %dma_wait3A_1418 = arith.constant 0 : i32
    %dma_wait3A_1419 = tpu.memref_slice %arg7[%dma_wait3A_1418] : memref<4112xf32, #tpu.memory_space<vmem>> -> memref<4096xf32, #tpu.memory_space<vmem>>
    %dma_wait3A_1420 = arith.constant 0 : i32
    %dma_wait3A_1421 = tpu.memref_slice %arg4[%sub3A_1417, %dma_wait3A_1420] : memref<1024x4096xf32, #tpu.memory_space<hbm>> -> memref<1x4096xf32, #tpu.memory_space<hbm>>
    %dma_wait3A_1422 = tpu.memref_squeeze %dma_wait3A_1421 : memref<1x4096xf32, #tpu.memory_space<hbm>> -> memref<4096xf32, #tpu.memory_space<hbm>>
    %dma_wait3A_1423 = arith.constant 0 : i32
    %dma_wait3A_1424 = tpu.memref_slice %arg4[%sub3A_1417, %dma_wait3A_1423] : memref<1024x4096xf32, #tpu.memory_space<hbm>> -> memref<1x4096xf32, #tpu.memory_space<hbm>>
    %dma_wait3A_1425 = tpu.memref_squeeze %dma_wait3A_1424 : memref<1x4096xf32, #tpu.memory_space<hbm>> -> memref<4096xf32, #tpu.memory_space<hbm>>
    %dma_wait3A_1426 = arith.constant 0 : i32
    %dma_wait3A_1427 = tpu.memref_slice %arg7[%dma_wait3A_1426] : memref<4112xf32, #tpu.memory_space<vmem>> -> memref<4096xf32, #tpu.memory_space<vmem>>
    tpu.wait_dma2 semaphore(%arg9 : memref<!tpu.dma_semaphore, #tpu.memory_space<semaphore_mem>>) src(%dma_wait3A_1427 : memref<4096xf32, #tpu.memory_space<vmem>>) dst(%dma_wait3A_1425 : memref<4096xf32, #tpu.memory_space<hbm>>)
    %get3A_1428 = arith.constant 1920 : index
    %get3A_1429 = tpu.vector_load %arg6[%get3A_1428] {strides = array<i32>} : memref<2560xi32, #tpu.memory_space<vmem>>, vector<16xi32>,
    tpu.vector_store_idx %arg7[%get3A_1429], %broadcast_in_dim3A_7 : memref<4112xf32, #tpu.memory_space<vmem>>[vector<16xi32>], vector<16xf32>,
    %get3A_1430 = arith.constant 1936 : index
    %get3A_1431 = tpu.vector_load %arg6[%get3A_1430] {strides = array<i32>} : memref<2560xi32, #tpu.memory_space<vmem>>, vector<16xi32>,
    tpu.vector_store_idx %arg7[%get3A_1431], %broadcast_in_dim3A_7 : memref<4112xf32, #tpu.memory_space<vmem>>[vector<16xi32>], vector<16xf32>,
    %get3A_1432 = arith.constant 1952 : index
    %get3A_1433 = tpu.vector_load %arg6[%get3A_1432] {strides = array<i32>} : memref<2560xi32, #tpu.memory_space<vmem>>, vector<16xi32>,
    tpu.vector_store_idx %arg7[%get3A_1433], %broadcast_in_dim3A_7 : memref<4112xf32, #tpu.memory_space<vmem>>[vector<16xi32>], vector<16xf32>,
    %get3A_1434 = arith.constant 1968 : index
    %get3A_1435 = tpu.vector_load %arg6[%get3A_1434] {strides = array<i32>} : memref<2560xi32, #tpu.memory_space<vmem>>, vector<16xi32>,
    tpu.vector_store_idx %arg7[%get3A_1435], %broadcast_in_dim3A_7 : memref<4112xf32, #tpu.memory_space<vmem>>[vector<16xi32>], vector<16xf32>,
    %get3A_1436 = arith.constant 1984 : index
    %get3A_1437 = tpu.vector_load %arg6[%get3A_1436] {strides = array<i32>} : memref<2560xi32, #tpu.memory_space<vmem>>, vector<16xi32>,
    tpu.vector_store_idx %arg7[%get3A_1437], %broadcast_in_dim3A_7 : memref<4112xf32, #tpu.memory_space<vmem>>[vector<16xi32>], vector<16xf32>,
    %get3A_1438 = arith.constant 2080 : index
    %get3A_1439 = tpu.vector_load %arg5[%get3A_1438] {strides = array<i32>} : memref<2560xf32, #tpu.memory_space<vmem>>, vector<16xf32>,
    %get3A_1440 = arith.constant 2080 : index
    %get3A_1441 = tpu.vector_load %arg6[%get3A_1440] {strides = array<i32>} : memref<2560xi32, #tpu.memory_space<vmem>>, vector<16xi32>,
    tpu.vector_store_idx %arg7[%get3A_1441], %get3A_1439 : memref<4112xf32, #tpu.memory_space<vmem>>[vector<16xi32>], vector<16xf32>,
    %get3A_1442 = arith.constant 2096 : index
    %get3A_1443 = tpu.vector_load %arg5[%get3A_1442] {strides = array<i32>} : memref<2560xf32, #tpu.memory_space<vmem>>, vector<16xf32>,
    %get3A_1444 = arith.constant 2096 : index
    %get3A_1445 = tpu.vector_load %arg6[%get3A_1444] {strides = array<i32>} : memref<2560xi32, #tpu.memory_space<vmem>>, vector<16xi32>,
    tpu.vector_store_idx %arg7[%get3A_1445], %get3A_1443 : memref<4112xf32, #tpu.memory_space<vmem>>[vector<16xi32>], vector<16xf32>,
    %get3A_1446 = arith.constant 2112 : index
    %get3A_1447 = tpu.vector_load %arg5[%get3A_1446] {strides = array<i32>} : memref<2560xf32, #tpu.memory_space<vmem>>, vector<16xf32>,
    %get3A_1448 = arith.constant 2112 : index
    %get3A_1449 = tpu.vector_load %arg6[%get3A_1448] {strides = array<i32>} : memref<2560xi32, #tpu.memory_space<vmem>>, vector<16xi32>,
    tpu.vector_store_idx %arg7[%get3A_1449], %get3A_1447 : memref<4112xf32, #tpu.memory_space<vmem>>[vector<16xi32>], vector<16xf32>,
    %get3A_1450 = arith.constant 2128 : index
    %get3A_1451 = tpu.vector_load %arg5[%get3A_1450] {strides = array<i32>} : memref<2560xf32, #tpu.memory_space<vmem>>, vector<16xf32>,
    %get3A_1452 = arith.constant 2128 : index
    %get3A_1453 = tpu.vector_load %arg6[%get3A_1452] {strides = array<i32>} : memref<2560xi32, #tpu.memory_space<vmem>>, vector<16xi32>,
    tpu.vector_store_idx %arg7[%get3A_1453], %get3A_1451 : memref<4112xf32, #tpu.memory_space<vmem>>[vector<16xi32>], vector<16xf32>,
    %get3A_1454 = arith.constant 2144 : index
    %get3A_1455 = tpu.vector_load %arg5[%get3A_1454] {strides = array<i32>} : memref<2560xf32, #tpu.memory_space<vmem>>, vector<16xf32>,
    %get3A_1456 = arith.constant 2144 : index
    %get3A_1457 = tpu.vector_load %arg6[%get3A_1456] {strides = array<i32>} : memref<2560xi32, #tpu.memory_space<vmem>>, vector<16xi32>,
    tpu.vector_store_idx %arg7[%get3A_1457], %get3A_1455 : memref<4112xf32, #tpu.memory_space<vmem>>[vector<16xi32>], vector<16xf32>,
    %add3A_1458 = arith.constant 26 : i32
    %add3A_1459 = arith.addi %mul3A_2, %add3A_1458 : i32
    %dma_start3A_1460 = arith.constant 0 : i32
    %dma_start3A_1461 = tpu.memref_slice %arg7[%dma_start3A_1460] : memref<4112xf32, #tpu.memory_space<vmem>> -> memref<4096xf32, #tpu.memory_space<vmem>>
    %dma_start3A_1462 = arith.constant 0 : i32
    %dma_start3A_1463 = tpu.memref_slice %arg4[%add3A_1459, %dma_start3A_1462] : memref<1024x4096xf32, #tpu.memory_space<hbm>> -> memref<1x4096xf32, #tpu.memory_space<hbm>>
    %dma_start3A_1464 = tpu.memref_squeeze %dma_start3A_1463 : memref<1x4096xf32, #tpu.memory_space<hbm>> -> memref<4096xf32, #tpu.memory_space<hbm>>
    %dma_start3A_1465 = arith.constant 0 : i32
    %dma_start3A_1466 = tpu.memref_slice %arg4[%add3A_1459, %dma_start3A_1465] : memref<1024x4096xf32, #tpu.memory_space<hbm>> -> memref<1x4096xf32, #tpu.memory_space<hbm>>
    %dma_start3A_1467 = tpu.memref_squeeze %dma_start3A_1466 : memref<1x4096xf32, #tpu.memory_space<hbm>> -> memref<4096xf32, #tpu.memory_space<hbm>>
    %dma_start3A_1468 = arith.constant 0 : i32
    %dma_start3A_1469 = tpu.memref_slice %arg7[%dma_start3A_1468] : memref<4112xf32, #tpu.memory_space<vmem>> -> memref<4096xf32, #tpu.memory_space<vmem>>
    tpu.enqueue_dma source(%dma_start3A_1469 : memref<4096xf32, #tpu.memory_space<vmem>>) target(%dma_start3A_1467 : memref<4096xf32, #tpu.memory_space<hbm>>) target_semaphore(%arg9 : memref<!tpu.dma_semaphore, #tpu.memory_space<semaphore_mem>>)
    %add3A_1470 = arith.constant 27 : i32
    %add3A_1471 = arith.addi %mul3A_2, %add3A_1470 : i32
    %sub3A_1472 = arith.constant 2 : i32
    %sub3A_1473 = arith.subi %add3A_1471, %sub3A_1472 : i32
    %dma_wait3A_1474 = arith.constant 0 : i32
    %dma_wait3A_1475 = tpu.memref_slice %arg8[%dma_wait3A_1474] : memref<4112xf32, #tpu.memory_space<vmem>> -> memref<4096xf32, #tpu.memory_space<vmem>>
    %dma_wait3A_1476 = arith.constant 0 : i32
    %dma_wait3A_1477 = tpu.memref_slice %arg4[%sub3A_1473, %dma_wait3A_1476] : memref<1024x4096xf32, #tpu.memory_space<hbm>> -> memref<1x4096xf32, #tpu.memory_space<hbm>>
    %dma_wait3A_1478 = tpu.memref_squeeze %dma_wait3A_1477 : memref<1x4096xf32, #tpu.memory_space<hbm>> -> memref<4096xf32, #tpu.memory_space<hbm>>
    %dma_wait3A_1479 = arith.constant 0 : i32
    %dma_wait3A_1480 = tpu.memref_slice %arg4[%sub3A_1473, %dma_wait3A_1479] : memref<1024x4096xf32, #tpu.memory_space<hbm>> -> memref<1x4096xf32, #tpu.memory_space<hbm>>
    %dma_wait3A_1481 = tpu.memref_squeeze %dma_wait3A_1480 : memref<1x4096xf32, #tpu.memory_space<hbm>> -> memref<4096xf32, #tpu.memory_space<hbm>>
    %dma_wait3A_1482 = arith.constant 0 : i32
    %dma_wait3A_1483 = tpu.memref_slice %arg8[%dma_wait3A_1482] : memref<4112xf32, #tpu.memory_space<vmem>> -> memref<4096xf32, #tpu.memory_space<vmem>>
    tpu.wait_dma2 semaphore(%arg10 : memref<!tpu.dma_semaphore, #tpu.memory_space<semaphore_mem>>) src(%dma_wait3A_1483 : memref<4096xf32, #tpu.memory_space<vmem>>) dst(%dma_wait3A_1481 : memref<4096xf32, #tpu.memory_space<hbm>>)
    %get3A_1484 = arith.constant 2000 : index
    %get3A_1485 = tpu.vector_load %arg6[%get3A_1484] {strides = array<i32>} : memref<2560xi32, #tpu.memory_space<vmem>>, vector<16xi32>,
    tpu.vector_store_idx %arg8[%get3A_1485], %broadcast_in_dim3A_7 : memref<4112xf32, #tpu.memory_space<vmem>>[vector<16xi32>], vector<16xf32>,
    %get3A_1486 = arith.constant 2016 : index
    %get3A_1487 = tpu.vector_load %arg6[%get3A_1486] {strides = array<i32>} : memref<2560xi32, #tpu.memory_space<vmem>>, vector<16xi32>,
    tpu.vector_store_idx %arg8[%get3A_1487], %broadcast_in_dim3A_7 : memref<4112xf32, #tpu.memory_space<vmem>>[vector<16xi32>], vector<16xf32>,
    %get3A_1488 = arith.constant 2032 : index
    %get3A_1489 = tpu.vector_load %arg6[%get3A_1488] {strides = array<i32>} : memref<2560xi32, #tpu.memory_space<vmem>>, vector<16xi32>,
    tpu.vector_store_idx %arg8[%get3A_1489], %broadcast_in_dim3A_7 : memref<4112xf32, #tpu.memory_space<vmem>>[vector<16xi32>], vector<16xf32>,
    %get3A_1490 = arith.constant 2048 : index
    %get3A_1491 = tpu.vector_load %arg6[%get3A_1490] {strides = array<i32>} : memref<2560xi32, #tpu.memory_space<vmem>>, vector<16xi32>,
    tpu.vector_store_idx %arg8[%get3A_1491], %broadcast_in_dim3A_7 : memref<4112xf32, #tpu.memory_space<vmem>>[vector<16xi32>], vector<16xf32>,
    %get3A_1492 = arith.constant 2064 : index
    %get3A_1493 = tpu.vector_load %arg6[%get3A_1492] {strides = array<i32>} : memref<2560xi32, #tpu.memory_space<vmem>>, vector<16xi32>,
    tpu.vector_store_idx %arg8[%get3A_1493], %broadcast_in_dim3A_7 : memref<4112xf32, #tpu.memory_space<vmem>>[vector<16xi32>], vector<16xf32>,
    %get3A_1494 = arith.constant 2160 : index
    %get3A_1495 = tpu.vector_load %arg5[%get3A_1494] {strides = array<i32>} : memref<2560xf32, #tpu.memory_space<vmem>>, vector<16xf32>,
    %get3A_1496 = arith.constant 2160 : index
    %get3A_1497 = tpu.vector_load %arg6[%get3A_1496] {strides = array<i32>} : memref<2560xi32, #tpu.memory_space<vmem>>, vector<16xi32>,
    tpu.vector_store_idx %arg8[%get3A_1497], %get3A_1495 : memref<4112xf32, #tpu.memory_space<vmem>>[vector<16xi32>], vector<16xf32>,
    %get3A_1498 = arith.constant 2176 : index
    %get3A_1499 = tpu.vector_load %arg5[%get3A_1498] {strides = array<i32>} : memref<2560xf32, #tpu.memory_space<vmem>>, vector<16xf32>,
    %get3A_1500 = arith.constant 2176 : index
    %get3A_1501 = tpu.vector_load %arg6[%get3A_1500] {strides = array<i32>} : memref<2560xi32, #tpu.memory_space<vmem>>, vector<16xi32>,
    tpu.vector_store_idx %arg8[%get3A_1501], %get3A_1499 : memref<4112xf32, #tpu.memory_space<vmem>>[vector<16xi32>], vector<16xf32>,
    %get3A_1502 = arith.constant 2192 : index
    %get3A_1503 = tpu.vector_load %arg5[%get3A_1502] {strides = array<i32>} : memref<2560xf32, #tpu.memory_space<vmem>>, vector<16xf32>,
    %get3A_1504 = arith.constant 2192 : index
    %get3A_1505 = tpu.vector_load %arg6[%get3A_1504] {strides = array<i32>} : memref<2560xi32, #tpu.memory_space<vmem>>, vector<16xi32>,
    tpu.vector_store_idx %arg8[%get3A_1505], %get3A_1503 : memref<4112xf32, #tpu.memory_space<vmem>>[vector<16xi32>], vector<16xf32>,
    %get3A_1506 = arith.constant 2208 : index
    %get3A_1507 = tpu.vector_load %arg5[%get3A_1506] {strides = array<i32>} : memref<2560xf32, #tpu.memory_space<vmem>>, vector<16xf32>,
    %get3A_1508 = arith.constant 2208 : index
    %get3A_1509 = tpu.vector_load %arg6[%get3A_1508] {strides = array<i32>} : memref<2560xi32, #tpu.memory_space<vmem>>, vector<16xi32>,
    tpu.vector_store_idx %arg8[%get3A_1509], %get3A_1507 : memref<4112xf32, #tpu.memory_space<vmem>>[vector<16xi32>], vector<16xf32>,
    %get3A_1510 = arith.constant 2224 : index
    %get3A_1511 = tpu.vector_load %arg5[%get3A_1510] {strides = array<i32>} : memref<2560xf32, #tpu.memory_space<vmem>>, vector<16xf32>,
    %get3A_1512 = arith.constant 2224 : index
    %get3A_1513 = tpu.vector_load %arg6[%get3A_1512] {strides = array<i32>} : memref<2560xi32, #tpu.memory_space<vmem>>, vector<16xi32>,
    tpu.vector_store_idx %arg8[%get3A_1513], %get3A_1511 : memref<4112xf32, #tpu.memory_space<vmem>>[vector<16xi32>], vector<16xf32>,
    %add3A_1514 = arith.constant 27 : i32
    %add3A_1515 = arith.addi %mul3A_2, %add3A_1514 : i32
    %dma_start3A_1516 = arith.constant 0 : i32
    %dma_start3A_1517 = tpu.memref_slice %arg8[%dma_start3A_1516] : memref<4112xf32, #tpu.memory_space<vmem>> -> memref<4096xf32, #tpu.memory_space<vmem>>
    %dma_start3A_1518 = arith.constant 0 : i32
    %dma_start3A_1519 = tpu.memref_slice %arg4[%add3A_1515, %dma_start3A_1518] : memref<1024x4096xf32, #tpu.memory_space<hbm>> -> memref<1x4096xf32, #tpu.memory_space<hbm>>
    %dma_start3A_1520 = tpu.memref_squeeze %dma_start3A_1519 : memref<1x4096xf32, #tpu.memory_space<hbm>> -> memref<4096xf32, #tpu.memory_space<hbm>>
    %dma_start3A_1521 = arith.constant 0 : i32
    %dma_start3A_1522 = tpu.memref_slice %arg4[%add3A_1515, %dma_start3A_1521] : memref<1024x4096xf32, #tpu.memory_space<hbm>> -> memref<1x4096xf32, #tpu.memory_space<hbm>>
    %dma_start3A_1523 = tpu.memref_squeeze %dma_start3A_1522 : memref<1x4096xf32, #tpu.memory_space<hbm>> -> memref<4096xf32, #tpu.memory_space<hbm>>
    %dma_start3A_1524 = arith.constant 0 : i32
    %dma_start3A_1525 = tpu.memref_slice %arg8[%dma_start3A_1524] : memref<4112xf32, #tpu.memory_space<vmem>> -> memref<4096xf32, #tpu.memory_space<vmem>>
    tpu.enqueue_dma source(%dma_start3A_1525 : memref<4096xf32, #tpu.memory_space<vmem>>) target(%dma_start3A_1523 : memref<4096xf32, #tpu.memory_space<hbm>>) target_semaphore(%arg10 : memref<!tpu.dma_semaphore, #tpu.memory_space<semaphore_mem>>)
    %add3A_1526 = arith.constant 28 : i32
    %add3A_1527 = arith.addi %mul3A_2, %add3A_1526 : i32
    %sub3A_1528 = arith.constant 2 : i32
    %sub3A_1529 = arith.subi %add3A_1527, %sub3A_1528 : i32
    %dma_wait3A_1530 = arith.constant 0 : i32
    %dma_wait3A_1531 = tpu.memref_slice %arg7[%dma_wait3A_1530] : memref<4112xf32, #tpu.memory_space<vmem>> -> memref<4096xf32, #tpu.memory_space<vmem>>
    %dma_wait3A_1532 = arith.constant 0 : i32
    %dma_wait3A_1533 = tpu.memref_slice %arg4[%sub3A_1529, %dma_wait3A_1532] : memref<1024x4096xf32, #tpu.memory_space<hbm>> -> memref<1x4096xf32, #tpu.memory_space<hbm>>
    %dma_wait3A_1534 = tpu.memref_squeeze %dma_wait3A_1533 : memref<1x4096xf32, #tpu.memory_space<hbm>> -> memref<4096xf32, #tpu.memory_space<hbm>>
    %dma_wait3A_1535 = arith.constant 0 : i32
    %dma_wait3A_1536 = tpu.memref_slice %arg4[%sub3A_1529, %dma_wait3A_1535] : memref<1024x4096xf32, #tpu.memory_space<hbm>> -> memref<1x4096xf32, #tpu.memory_space<hbm>>
    %dma_wait3A_1537 = tpu.memref_squeeze %dma_wait3A_1536 : memref<1x4096xf32, #tpu.memory_space<hbm>> -> memref<4096xf32, #tpu.memory_space<hbm>>
    %dma_wait3A_1538 = arith.constant 0 : i32
    %dma_wait3A_1539 = tpu.memref_slice %arg7[%dma_wait3A_1538] : memref<4112xf32, #tpu.memory_space<vmem>> -> memref<4096xf32, #tpu.memory_space<vmem>>
    tpu.wait_dma2 semaphore(%arg9 : memref<!tpu.dma_semaphore, #tpu.memory_space<semaphore_mem>>) src(%dma_wait3A_1539 : memref<4096xf32, #tpu.memory_space<vmem>>) dst(%dma_wait3A_1537 : memref<4096xf32, #tpu.memory_space<hbm>>)
    %get3A_1540 = arith.constant 2080 : index
    %get3A_1541 = tpu.vector_load %arg6[%get3A_1540] {strides = array<i32>} : memref<2560xi32, #tpu.memory_space<vmem>>, vector<16xi32>,
    tpu.vector_store_idx %arg7[%get3A_1541], %broadcast_in_dim3A_7 : memref<4112xf32, #tpu.memory_space<vmem>>[vector<16xi32>], vector<16xf32>,
    %get3A_1542 = arith.constant 2096 : index
    %get3A_1543 = tpu.vector_load %arg6[%get3A_1542] {strides = array<i32>} : memref<2560xi32, #tpu.memory_space<vmem>>, vector<16xi32>,
    tpu.vector_store_idx %arg7[%get3A_1543], %broadcast_in_dim3A_7 : memref<4112xf32, #tpu.memory_space<vmem>>[vector<16xi32>], vector<16xf32>,
    %get3A_1544 = arith.constant 2112 : index
    %get3A_1545 = tpu.vector_load %arg6[%get3A_1544] {strides = array<i32>} : memref<2560xi32, #tpu.memory_space<vmem>>, vector<16xi32>,
    tpu.vector_store_idx %arg7[%get3A_1545], %broadcast_in_dim3A_7 : memref<4112xf32, #tpu.memory_space<vmem>>[vector<16xi32>], vector<16xf32>,
    %get3A_1546 = arith.constant 2128 : index
    %get3A_1547 = tpu.vector_load %arg6[%get3A_1546] {strides = array<i32>} : memref<2560xi32, #tpu.memory_space<vmem>>, vector<16xi32>,
    tpu.vector_store_idx %arg7[%get3A_1547], %broadcast_in_dim3A_7 : memref<4112xf32, #tpu.memory_space<vmem>>[vector<16xi32>], vector<16xf32>,
    %get3A_1548 = arith.constant 2144 : index
    %get3A_1549 = tpu.vector_load %arg6[%get3A_1548] {strides = array<i32>} : memref<2560xi32, #tpu.memory_space<vmem>>, vector<16xi32>,
    tpu.vector_store_idx %arg7[%get3A_1549], %broadcast_in_dim3A_7 : memref<4112xf32, #tpu.memory_space<vmem>>[vector<16xi32>], vector<16xf32>,
    %get3A_1550 = arith.constant 2240 : index
    %get3A_1551 = tpu.vector_load %arg5[%get3A_1550] {strides = array<i32>} : memref<2560xf32, #tpu.memory_space<vmem>>, vector<16xf32>,
    %get3A_1552 = arith.constant 2240 : index
    %get3A_1553 = tpu.vector_load %arg6[%get3A_1552] {strides = array<i32>} : memref<2560xi32, #tpu.memory_space<vmem>>, vector<16xi32>,
    tpu.vector_store_idx %arg7[%get3A_1553], %get3A_1551 : memref<4112xf32, #tpu.memory_space<vmem>>[vector<16xi32>], vector<16xf32>,
    %get3A_1554 = arith.constant 2256 : index
    %get3A_1555 = tpu.vector_load %arg5[%get3A_1554] {strides = array<i32>} : memref<2560xf32, #tpu.memory_space<vmem>>, vector<16xf32>,
    %get3A_1556 = arith.constant 2256 : index
    %get3A_1557 = tpu.vector_load %arg6[%get3A_1556] {strides = array<i32>} : memref<2560xi32, #tpu.memory_space<vmem>>, vector<16xi32>,
    tpu.vector_store_idx %arg7[%get3A_1557], %get3A_1555 : memref<4112xf32, #tpu.memory_space<vmem>>[vector<16xi32>], vector<16xf32>,
    %get3A_1558 = arith.constant 2272 : index
    %get3A_1559 = tpu.vector_load %arg5[%get3A_1558] {strides = array<i32>} : memref<2560xf32, #tpu.memory_space<vmem>>, vector<16xf32>,
    %get3A_1560 = arith.constant 2272 : index
    %get3A_1561 = tpu.vector_load %arg6[%get3A_1560] {strides = array<i32>} : memref<2560xi32, #tpu.memory_space<vmem>>, vector<16xi32>,
    tpu.vector_store_idx %arg7[%get3A_1561], %get3A_1559 : memref<4112xf32, #tpu.memory_space<vmem>>[vector<16xi32>], vector<16xf32>,
    %get3A_1562 = arith.constant 2288 : index
    %get3A_1563 = tpu.vector_load %arg5[%get3A_1562] {strides = array<i32>} : memref<2560xf32, #tpu.memory_space<vmem>>, vector<16xf32>,
    %get3A_1564 = arith.constant 2288 : index
    %get3A_1565 = tpu.vector_load %arg6[%get3A_1564] {strides = array<i32>} : memref<2560xi32, #tpu.memory_space<vmem>>, vector<16xi32>,
    tpu.vector_store_idx %arg7[%get3A_1565], %get3A_1563 : memref<4112xf32, #tpu.memory_space<vmem>>[vector<16xi32>], vector<16xf32>,
    %get3A_1566 = arith.constant 2304 : index
    %get3A_1567 = tpu.vector_load %arg5[%get3A_1566] {strides = array<i32>} : memref<2560xf32, #tpu.memory_space<vmem>>, vector<16xf32>,
    %get3A_1568 = arith.constant 2304 : index
    %get3A_1569 = tpu.vector_load %arg6[%get3A_1568] {strides = array<i32>} : memref<2560xi32, #tpu.memory_space<vmem>>, vector<16xi32>,
    tpu.vector_store_idx %arg7[%get3A_1569], %get3A_1567 : memref<4112xf32, #tpu.memory_space<vmem>>[vector<16xi32>], vector<16xf32>,
    %add3A_1570 = arith.constant 28 : i32
    %add3A_1571 = arith.addi %mul3A_2, %add3A_1570 : i32
    %dma_start3A_1572 = arith.constant 0 : i32
    %dma_start3A_1573 = tpu.memref_slice %arg7[%dma_start3A_1572] : memref<4112xf32, #tpu.memory_space<vmem>> -> memref<4096xf32, #tpu.memory_space<vmem>>
    %dma_start3A_1574 = arith.constant 0 : i32
    %dma_start3A_1575 = tpu.memref_slice %arg4[%add3A_1571, %dma_start3A_1574] : memref<1024x4096xf32, #tpu.memory_space<hbm>> -> memref<1x4096xf32, #tpu.memory_space<hbm>>
    %dma_start3A_1576 = tpu.memref_squeeze %dma_start3A_1575 : memref<1x4096xf32, #tpu.memory_space<hbm>> -> memref<4096xf32, #tpu.memory_space<hbm>>
    %dma_start3A_1577 = arith.constant 0 : i32
    %dma_start3A_1578 = tpu.memref_slice %arg4[%add3A_1571, %dma_start3A_1577] : memref<1024x4096xf32, #tpu.memory_space<hbm>> -> memref<1x4096xf32, #tpu.memory_space<hbm>>
    %dma_start3A_1579 = tpu.memref_squeeze %dma_start3A_1578 : memref<1x4096xf32, #tpu.memory_space<hbm>> -> memref<4096xf32, #tpu.memory_space<hbm>>
    %dma_start3A_1580 = arith.constant 0 : i32
    %dma_start3A_1581 = tpu.memref_slice %arg7[%dma_start3A_1580] : memref<4112xf32, #tpu.memory_space<vmem>> -> memref<4096xf32, #tpu.memory_space<vmem>>
    tpu.enqueue_dma source(%dma_start3A_1581 : memref<4096xf32, #tpu.memory_space<vmem>>) target(%dma_start3A_1579 : memref<4096xf32, #tpu.memory_space<hbm>>) target_semaphore(%arg9 : memref<!tpu.dma_semaphore, #tpu.memory_space<semaphore_mem>>)
    %add3A_1582 = arith.constant 29 : i32
    %add3A_1583 = arith.addi %mul3A_2, %add3A_1582 : i32
    %sub3A_1584 = arith.constant 2 : i32
    %sub3A_1585 = arith.subi %add3A_1583, %sub3A_1584 : i32
    %dma_wait3A_1586 = arith.constant 0 : i32
    %dma_wait3A_1587 = tpu.memref_slice %arg8[%dma_wait3A_1586] : memref<4112xf32, #tpu.memory_space<vmem>> -> memref<4096xf32, #tpu.memory_space<vmem>>
    %dma_wait3A_1588 = arith.constant 0 : i32
    %dma_wait3A_1589 = tpu.memref_slice %arg4[%sub3A_1585, %dma_wait3A_1588] : memref<1024x4096xf32, #tpu.memory_space<hbm>> -> memref<1x4096xf32, #tpu.memory_space<hbm>>
    %dma_wait3A_1590 = tpu.memref_squeeze %dma_wait3A_1589 : memref<1x4096xf32, #tpu.memory_space<hbm>> -> memref<4096xf32, #tpu.memory_space<hbm>>
    %dma_wait3A_1591 = arith.constant 0 : i32
    %dma_wait3A_1592 = tpu.memref_slice %arg4[%sub3A_1585, %dma_wait3A_1591] : memref<1024x4096xf32, #tpu.memory_space<hbm>> -> memref<1x4096xf32, #tpu.memory_space<hbm>>
    %dma_wait3A_1593 = tpu.memref_squeeze %dma_wait3A_1592 : memref<1x4096xf32, #tpu.memory_space<hbm>> -> memref<4096xf32, #tpu.memory_space<hbm>>
    %dma_wait3A_1594 = arith.constant 0 : i32
    %dma_wait3A_1595 = tpu.memref_slice %arg8[%dma_wait3A_1594] : memref<4112xf32, #tpu.memory_space<vmem>> -> memref<4096xf32, #tpu.memory_space<vmem>>
    tpu.wait_dma2 semaphore(%arg10 : memref<!tpu.dma_semaphore, #tpu.memory_space<semaphore_mem>>) src(%dma_wait3A_1595 : memref<4096xf32, #tpu.memory_space<vmem>>) dst(%dma_wait3A_1593 : memref<4096xf32, #tpu.memory_space<hbm>>)
    %get3A_1596 = arith.constant 2160 : index
    %get3A_1597 = tpu.vector_load %arg6[%get3A_1596] {strides = array<i32>} : memref<2560xi32, #tpu.memory_space<vmem>>, vector<16xi32>,
    tpu.vector_store_idx %arg8[%get3A_1597], %broadcast_in_dim3A_7 : memref<4112xf32, #tpu.memory_space<vmem>>[vector<16xi32>], vector<16xf32>,
    %get3A_1598 = arith.constant 2176 : index
    %get3A_1599 = tpu.vector_load %arg6[%get3A_1598] {strides = array<i32>} : memref<2560xi32, #tpu.memory_space<vmem>>, vector<16xi32>,
    tpu.vector_store_idx %arg8[%get3A_1599], %broadcast_in_dim3A_7 : memref<4112xf32, #tpu.memory_space<vmem>>[vector<16xi32>], vector<16xf32>,
    %get3A_1600 = arith.constant 2192 : index
    %get3A_1601 = tpu.vector_load %arg6[%get3A_1600] {strides = array<i32>} : memref<2560xi32, #tpu.memory_space<vmem>>, vector<16xi32>,
    tpu.vector_store_idx %arg8[%get3A_1601], %broadcast_in_dim3A_7 : memref<4112xf32, #tpu.memory_space<vmem>>[vector<16xi32>], vector<16xf32>,
    %get3A_1602 = arith.constant 2208 : index
    %get3A_1603 = tpu.vector_load %arg6[%get3A_1602] {strides = array<i32>} : memref<2560xi32, #tpu.memory_space<vmem>>, vector<16xi32>,
    tpu.vector_store_idx %arg8[%get3A_1603], %broadcast_in_dim3A_7 : memref<4112xf32, #tpu.memory_space<vmem>>[vector<16xi32>], vector<16xf32>,
    %get3A_1604 = arith.constant 2224 : index
    %get3A_1605 = tpu.vector_load %arg6[%get3A_1604] {strides = array<i32>} : memref<2560xi32, #tpu.memory_space<vmem>>, vector<16xi32>,
    tpu.vector_store_idx %arg8[%get3A_1605], %broadcast_in_dim3A_7 : memref<4112xf32, #tpu.memory_space<vmem>>[vector<16xi32>], vector<16xf32>,
    %get3A_1606 = arith.constant 2320 : index
    %get3A_1607 = tpu.vector_load %arg5[%get3A_1606] {strides = array<i32>} : memref<2560xf32, #tpu.memory_space<vmem>>, vector<16xf32>,
    %get3A_1608 = arith.constant 2320 : index
    %get3A_1609 = tpu.vector_load %arg6[%get3A_1608] {strides = array<i32>} : memref<2560xi32, #tpu.memory_space<vmem>>, vector<16xi32>,
    tpu.vector_store_idx %arg8[%get3A_1609], %get3A_1607 : memref<4112xf32, #tpu.memory_space<vmem>>[vector<16xi32>], vector<16xf32>,
    %get3A_1610 = arith.constant 2336 : index
    %get3A_1611 = tpu.vector_load %arg5[%get3A_1610] {strides = array<i32>} : memref<2560xf32, #tpu.memory_space<vmem>>, vector<16xf32>,
    %get3A_1612 = arith.constant 2336 : index
    %get3A_1613 = tpu.vector_load %arg6[%get3A_1612] {strides = array<i32>} : memref<2560xi32, #tpu.memory_space<vmem>>, vector<16xi32>,
    tpu.vector_store_idx %arg8[%get3A_1613], %get3A_1611 : memref<4112xf32, #tpu.memory_space<vmem>>[vector<16xi32>], vector<16xf32>,
    %get3A_1614 = arith.constant 2352 : index
    %get3A_1615 = tpu.vector_load %arg5[%get3A_1614] {strides = array<i32>} : memref<2560xf32, #tpu.memory_space<vmem>>, vector<16xf32>,
    %get3A_1616 = arith.constant 2352 : index
    %get3A_1617 = tpu.vector_load %arg6[%get3A_1616] {strides = array<i32>} : memref<2560xi32, #tpu.memory_space<vmem>>, vector<16xi32>,
    tpu.vector_store_idx %arg8[%get3A_1617], %get3A_1615 : memref<4112xf32, #tpu.memory_space<vmem>>[vector<16xi32>], vector<16xf32>,
    %get3A_1618 = arith.constant 2368 : index
    %get3A_1619 = tpu.vector_load %arg5[%get3A_1618] {strides = array<i32>} : memref<2560xf32, #tpu.memory_space<vmem>>, vector<16xf32>,
    %get3A_1620 = arith.constant 2368 : index
    %get3A_1621 = tpu.vector_load %arg6[%get3A_1620] {strides = array<i32>} : memref<2560xi32, #tpu.memory_space<vmem>>, vector<16xi32>,
    tpu.vector_store_idx %arg8[%get3A_1621], %get3A_1619 : memref<4112xf32, #tpu.memory_space<vmem>>[vector<16xi32>], vector<16xf32>,
    %get3A_1622 = arith.constant 2384 : index
    %get3A_1623 = tpu.vector_load %arg5[%get3A_1622] {strides = array<i32>} : memref<2560xf32, #tpu.memory_space<vmem>>, vector<16xf32>,
    %get3A_1624 = arith.constant 2384 : index
    %get3A_1625 = tpu.vector_load %arg6[%get3A_1624] {strides = array<i32>} : memref<2560xi32, #tpu.memory_space<vmem>>, vector<16xi32>,
    tpu.vector_store_idx %arg8[%get3A_1625], %get3A_1623 : memref<4112xf32, #tpu.memory_space<vmem>>[vector<16xi32>], vector<16xf32>,
    %add3A_1626 = arith.constant 29 : i32
    %add3A_1627 = arith.addi %mul3A_2, %add3A_1626 : i32
    %dma_start3A_1628 = arith.constant 0 : i32
    %dma_start3A_1629 = tpu.memref_slice %arg8[%dma_start3A_1628] : memref<4112xf32, #tpu.memory_space<vmem>> -> memref<4096xf32, #tpu.memory_space<vmem>>
    %dma_start3A_1630 = arith.constant 0 : i32
    %dma_start3A_1631 = tpu.memref_slice %arg4[%add3A_1627, %dma_start3A_1630] : memref<1024x4096xf32, #tpu.memory_space<hbm>> -> memref<1x4096xf32, #tpu.memory_space<hbm>>
    %dma_start3A_1632 = tpu.memref_squeeze %dma_start3A_1631 : memref<1x4096xf32, #tpu.memory_space<hbm>> -> memref<4096xf32, #tpu.memory_space<hbm>>
    %dma_start3A_1633 = arith.constant 0 : i32
    %dma_start3A_1634 = tpu.memref_slice %arg4[%add3A_1627, %dma_start3A_1633] : memref<1024x4096xf32, #tpu.memory_space<hbm>> -> memref<1x4096xf32, #tpu.memory_space<hbm>>
    %dma_start3A_1635 = tpu.memref_squeeze %dma_start3A_1634 : memref<1x4096xf32, #tpu.memory_space<hbm>> -> memref<4096xf32, #tpu.memory_space<hbm>>
    %dma_start3A_1636 = arith.constant 0 : i32
    %dma_start3A_1637 = tpu.memref_slice %arg8[%dma_start3A_1636] : memref<4112xf32, #tpu.memory_space<vmem>> -> memref<4096xf32, #tpu.memory_space<vmem>>
    tpu.enqueue_dma source(%dma_start3A_1637 : memref<4096xf32, #tpu.memory_space<vmem>>) target(%dma_start3A_1635 : memref<4096xf32, #tpu.memory_space<hbm>>) target_semaphore(%arg10 : memref<!tpu.dma_semaphore, #tpu.memory_space<semaphore_mem>>)
    %add3A_1638 = arith.constant 30 : i32
    %add3A_1639 = arith.addi %mul3A_2, %add3A_1638 : i32
    %sub3A_1640 = arith.constant 2 : i32
    %sub3A_1641 = arith.subi %add3A_1639, %sub3A_1640 : i32
    %dma_wait3A_1642 = arith.constant 0 : i32
    %dma_wait3A_1643 = tpu.memref_slice %arg7[%dma_wait3A_1642] : memref<4112xf32, #tpu.memory_space<vmem>> -> memref<4096xf32, #tpu.memory_space<vmem>>
    %dma_wait3A_1644 = arith.constant 0 : i32
    %dma_wait3A_1645 = tpu.memref_slice %arg4[%sub3A_1641, %dma_wait3A_1644] : memref<1024x4096xf32, #tpu.memory_space<hbm>> -> memref<1x4096xf32, #tpu.memory_space<hbm>>
    %dma_wait3A_1646 = tpu.memref_squeeze %dma_wait3A_1645 : memref<1x4096xf32, #tpu.memory_space<hbm>> -> memref<4096xf32, #tpu.memory_space<hbm>>
    %dma_wait3A_1647 = arith.constant 0 : i32
    %dma_wait3A_1648 = tpu.memref_slice %arg4[%sub3A_1641, %dma_wait3A_1647] : memref<1024x4096xf32, #tpu.memory_space<hbm>> -> memref<1x4096xf32, #tpu.memory_space<hbm>>
    %dma_wait3A_1649 = tpu.memref_squeeze %dma_wait3A_1648 : memref<1x4096xf32, #tpu.memory_space<hbm>> -> memref<4096xf32, #tpu.memory_space<hbm>>
    %dma_wait3A_1650 = arith.constant 0 : i32
    %dma_wait3A_1651 = tpu.memref_slice %arg7[%dma_wait3A_1650] : memref<4112xf32, #tpu.memory_space<vmem>> -> memref<4096xf32, #tpu.memory_space<vmem>>
    tpu.wait_dma2 semaphore(%arg9 : memref<!tpu.dma_semaphore, #tpu.memory_space<semaphore_mem>>) src(%dma_wait3A_1651 : memref<4096xf32, #tpu.memory_space<vmem>>) dst(%dma_wait3A_1649 : memref<4096xf32, #tpu.memory_space<hbm>>)
    %get3A_1652 = arith.constant 2240 : index
    %get3A_1653 = tpu.vector_load %arg6[%get3A_1652] {strides = array<i32>} : memref<2560xi32, #tpu.memory_space<vmem>>, vector<16xi32>,
    tpu.vector_store_idx %arg7[%get3A_1653], %broadcast_in_dim3A_7 : memref<4112xf32, #tpu.memory_space<vmem>>[vector<16xi32>], vector<16xf32>,
    %get3A_1654 = arith.constant 2256 : index
    %get3A_1655 = tpu.vector_load %arg6[%get3A_1654] {strides = array<i32>} : memref<2560xi32, #tpu.memory_space<vmem>>, vector<16xi32>,
    tpu.vector_store_idx %arg7[%get3A_1655], %broadcast_in_dim3A_7 : memref<4112xf32, #tpu.memory_space<vmem>>[vector<16xi32>], vector<16xf32>,
    %get3A_1656 = arith.constant 2272 : index
    %get3A_1657 = tpu.vector_load %arg6[%get3A_1656] {strides = array<i32>} : memref<2560xi32, #tpu.memory_space<vmem>>, vector<16xi32>,
    tpu.vector_store_idx %arg7[%get3A_1657], %broadcast_in_dim3A_7 : memref<4112xf32, #tpu.memory_space<vmem>>[vector<16xi32>], vector<16xf32>,
    %get3A_1658 = arith.constant 2288 : index
    %get3A_1659 = tpu.vector_load %arg6[%get3A_1658] {strides = array<i32>} : memref<2560xi32, #tpu.memory_space<vmem>>, vector<16xi32>,
    tpu.vector_store_idx %arg7[%get3A_1659], %broadcast_in_dim3A_7 : memref<4112xf32, #tpu.memory_space<vmem>>[vector<16xi32>], vector<16xf32>,
    %get3A_1660 = arith.constant 2304 : index
    %get3A_1661 = tpu.vector_load %arg6[%get3A_1660] {strides = array<i32>} : memref<2560xi32, #tpu.memory_space<vmem>>, vector<16xi32>,
    tpu.vector_store_idx %arg7[%get3A_1661], %broadcast_in_dim3A_7 : memref<4112xf32, #tpu.memory_space<vmem>>[vector<16xi32>], vector<16xf32>,
    %get3A_1662 = arith.constant 2400 : index
    %get3A_1663 = tpu.vector_load %arg5[%get3A_1662] {strides = array<i32>} : memref<2560xf32, #tpu.memory_space<vmem>>, vector<16xf32>,
    %get3A_1664 = arith.constant 2400 : index
    %get3A_1665 = tpu.vector_load %arg6[%get3A_1664] {strides = array<i32>} : memref<2560xi32, #tpu.memory_space<vmem>>, vector<16xi32>,
    tpu.vector_store_idx %arg7[%get3A_1665], %get3A_1663 : memref<4112xf32, #tpu.memory_space<vmem>>[vector<16xi32>], vector<16xf32>,
    %get3A_1666 = arith.constant 2416 : index
    %get3A_1667 = tpu.vector_load %arg5[%get3A_1666] {strides = array<i32>} : memref<2560xf32, #tpu.memory_space<vmem>>, vector<16xf32>,
    %get3A_1668 = arith.constant 2416 : index
    %get3A_1669 = tpu.vector_load %arg6[%get3A_1668] {strides = array<i32>} : memref<2560xi32, #tpu.memory_space<vmem>>, vector<16xi32>,
    tpu.vector_store_idx %arg7[%get3A_1669], %get3A_1667 : memref<4112xf32, #tpu.memory_space<vmem>>[vector<16xi32>], vector<16xf32>,
    %get3A_1670 = arith.constant 2432 : index
    %get3A_1671 = tpu.vector_load %arg5[%get3A_1670] {strides = array<i32>} : memref<2560xf32, #tpu.memory_space<vmem>>, vector<16xf32>,
    %get3A_1672 = arith.constant 2432 : index
    %get3A_1673 = tpu.vector_load %arg6[%get3A_1672] {strides = array<i32>} : memref<2560xi32, #tpu.memory_space<vmem>>, vector<16xi32>,
    tpu.vector_store_idx %arg7[%get3A_1673], %get3A_1671 : memref<4112xf32, #tpu.memory_space<vmem>>[vector<16xi32>], vector<16xf32>,
    %get3A_1674 = arith.constant 2448 : index
    %get3A_1675 = tpu.vector_load %arg5[%get3A_1674] {strides = array<i32>} : memref<2560xf32, #tpu.memory_space<vmem>>, vector<16xf32>,
    %get3A_1676 = arith.constant 2448 : index
    %get3A_1677 = tpu.vector_load %arg6[%get3A_1676] {strides = array<i32>} : memref<2560xi32, #tpu.memory_space<vmem>>, vector<16xi32>,
    tpu.vector_store_idx %arg7[%get3A_1677], %get3A_1675 : memref<4112xf32, #tpu.memory_space<vmem>>[vector<16xi32>], vector<16xf32>,
    %get3A_1678 = arith.constant 2464 : index
    %get3A_1679 = tpu.vector_load %arg5[%get3A_1678] {strides = array<i32>} : memref<2560xf32, #tpu.memory_space<vmem>>, vector<16xf32>,
    %get3A_1680 = arith.constant 2464 : index
    %get3A_1681 = tpu.vector_load %arg6[%get3A_1680] {strides = array<i32>} : memref<2560xi32, #tpu.memory_space<vmem>>, vector<16xi32>,
    tpu.vector_store_idx %arg7[%get3A_1681], %get3A_1679 : memref<4112xf32, #tpu.memory_space<vmem>>[vector<16xi32>], vector<16xf32>,
    %add3A_1682 = arith.constant 30 : i32
    %add3A_1683 = arith.addi %mul3A_2, %add3A_1682 : i32
    %dma_start3A_1684 = arith.constant 0 : i32
    %dma_start3A_1685 = tpu.memref_slice %arg7[%dma_start3A_1684] : memref<4112xf32, #tpu.memory_space<vmem>> -> memref<4096xf32, #tpu.memory_space<vmem>>
    %dma_start3A_1686 = arith.constant 0 : i32
    %dma_start3A_1687 = tpu.memref_slice %arg4[%add3A_1683, %dma_start3A_1686] : memref<1024x4096xf32, #tpu.memory_space<hbm>> -> memref<1x4096xf32, #tpu.memory_space<hbm>>
    %dma_start3A_1688 = tpu.memref_squeeze %dma_start3A_1687 : memref<1x4096xf32, #tpu.memory_space<hbm>> -> memref<4096xf32, #tpu.memory_space<hbm>>
    %dma_start3A_1689 = arith.constant 0 : i32
    %dma_start3A_1690 = tpu.memref_slice %arg4[%add3A_1683, %dma_start3A_1689] : memref<1024x4096xf32, #tpu.memory_space<hbm>> -> memref<1x4096xf32, #tpu.memory_space<hbm>>
    %dma_start3A_1691 = tpu.memref_squeeze %dma_start3A_1690 : memref<1x4096xf32, #tpu.memory_space<hbm>> -> memref<4096xf32, #tpu.memory_space<hbm>>
    %dma_start3A_1692 = arith.constant 0 : i32
    %dma_start3A_1693 = tpu.memref_slice %arg7[%dma_start3A_1692] : memref<4112xf32, #tpu.memory_space<vmem>> -> memref<4096xf32, #tpu.memory_space<vmem>>
    tpu.enqueue_dma source(%dma_start3A_1693 : memref<4096xf32, #tpu.memory_space<vmem>>) target(%dma_start3A_1691 : memref<4096xf32, #tpu.memory_space<hbm>>) target_semaphore(%arg9 : memref<!tpu.dma_semaphore, #tpu.memory_space<semaphore_mem>>)
    %add3A_1694 = arith.constant 31 : i32
    %add3A_1695 = arith.addi %mul3A_2, %add3A_1694 : i32
    %sub3A_1696 = arith.constant 2 : i32
    %sub3A_1697 = arith.subi %add3A_1695, %sub3A_1696 : i32
    %dma_wait3A_1698 = arith.constant 0 : i32
    %dma_wait3A_1699 = tpu.memref_slice %arg8[%dma_wait3A_1698] : memref<4112xf32, #tpu.memory_space<vmem>> -> memref<4096xf32, #tpu.memory_space<vmem>>
    %dma_wait3A_1700 = arith.constant 0 : i32
    %dma_wait3A_1701 = tpu.memref_slice %arg4[%sub3A_1697, %dma_wait3A_1700] : memref<1024x4096xf32, #tpu.memory_space<hbm>> -> memref<1x4096xf32, #tpu.memory_space<hbm>>
    %dma_wait3A_1702 = tpu.memref_squeeze %dma_wait3A_1701 : memref<1x4096xf32, #tpu.memory_space<hbm>> -> memref<4096xf32, #tpu.memory_space<hbm>>
    %dma_wait3A_1703 = arith.constant 0 : i32
    %dma_wait3A_1704 = tpu.memref_slice %arg4[%sub3A_1697, %dma_wait3A_1703] : memref<1024x4096xf32, #tpu.memory_space<hbm>> -> memref<1x4096xf32, #tpu.memory_space<hbm>>
    %dma_wait3A_1705 = tpu.memref_squeeze %dma_wait3A_1704 : memref<1x4096xf32, #tpu.memory_space<hbm>> -> memref<4096xf32, #tpu.memory_space<hbm>>
    %dma_wait3A_1706 = arith.constant 0 : i32
    %dma_wait3A_1707 = tpu.memref_slice %arg8[%dma_wait3A_1706] : memref<4112xf32, #tpu.memory_space<vmem>> -> memref<4096xf32, #tpu.memory_space<vmem>>
    tpu.wait_dma2 semaphore(%arg10 : memref<!tpu.dma_semaphore, #tpu.memory_space<semaphore_mem>>) src(%dma_wait3A_1707 : memref<4096xf32, #tpu.memory_space<vmem>>) dst(%dma_wait3A_1705 : memref<4096xf32, #tpu.memory_space<hbm>>)
    %get3A_1708 = arith.constant 2320 : index
    %get3A_1709 = tpu.vector_load %arg6[%get3A_1708] {strides = array<i32>} : memref<2560xi32, #tpu.memory_space<vmem>>, vector<16xi32>,
    tpu.vector_store_idx %arg8[%get3A_1709], %broadcast_in_dim3A_7 : memref<4112xf32, #tpu.memory_space<vmem>>[vector<16xi32>], vector<16xf32>,
    %get3A_1710 = arith.constant 2336 : index
    %get3A_1711 = tpu.vector_load %arg6[%get3A_1710] {strides = array<i32>} : memref<2560xi32, #tpu.memory_space<vmem>>, vector<16xi32>,
    tpu.vector_store_idx %arg8[%get3A_1711], %broadcast_in_dim3A_7 : memref<4112xf32, #tpu.memory_space<vmem>>[vector<16xi32>], vector<16xf32>,
    %get3A_1712 = arith.constant 2352 : index
    %get3A_1713 = tpu.vector_load %arg6[%get3A_1712] {strides = array<i32>} : memref<2560xi32, #tpu.memory_space<vmem>>, vector<16xi32>,
    tpu.vector_store_idx %arg8[%get3A_1713], %broadcast_in_dim3A_7 : memref<4112xf32, #tpu.memory_space<vmem>>[vector<16xi32>], vector<16xf32>,
    %get3A_1714 = arith.constant 2368 : index
    %get3A_1715 = tpu.vector_load %arg6[%get3A_1714] {strides = array<i32>} : memref<2560xi32, #tpu.memory_space<vmem>>, vector<16xi32>,
    tpu.vector_store_idx %arg8[%get3A_1715], %broadcast_in_dim3A_7 : memref<4112xf32, #tpu.memory_space<vmem>>[vector<16xi32>], vector<16xf32>,
    %get3A_1716 = arith.constant 2384 : index
    %get3A_1717 = tpu.vector_load %arg6[%get3A_1716] {strides = array<i32>} : memref<2560xi32, #tpu.memory_space<vmem>>, vector<16xi32>,
    tpu.vector_store_idx %arg8[%get3A_1717], %broadcast_in_dim3A_7 : memref<4112xf32, #tpu.memory_space<vmem>>[vector<16xi32>], vector<16xf32>,
    %get3A_1718 = arith.constant 2480 : index
    %get3A_1719 = tpu.vector_load %arg5[%get3A_1718] {strides = array<i32>} : memref<2560xf32, #tpu.memory_space<vmem>>, vector<16xf32>,
    %get3A_1720 = arith.constant 2480 : index
    %get3A_1721 = tpu.vector_load %arg6[%get3A_1720] {strides = array<i32>} : memref<2560xi32, #tpu.memory_space<vmem>>, vector<16xi32>,
    tpu.vector_store_idx %arg8[%get3A_1721], %get3A_1719 : memref<4112xf32, #tpu.memory_space<vmem>>[vector<16xi32>], vector<16xf32>,
    %get3A_1722 = arith.constant 2496 : index
    %get3A_1723 = tpu.vector_load %arg5[%get3A_1722] {strides = array<i32>} : memref<2560xf32, #tpu.memory_space<vmem>>, vector<16xf32>,
    %get3A_1724 = arith.constant 2496 : index
    %get3A_1725 = tpu.vector_load %arg6[%get3A_1724] {strides = array<i32>} : memref<2560xi32, #tpu.memory_space<vmem>>, vector<16xi32>,
    tpu.vector_store_idx %arg8[%get3A_1725], %get3A_1723 : memref<4112xf32, #tpu.memory_space<vmem>>[vector<16xi32>], vector<16xf32>,
    %get3A_1726 = arith.constant 2512 : index
    %get3A_1727 = tpu.vector_load %arg5[%get3A_1726] {strides = array<i32>} : memref<2560xf32, #tpu.memory_space<vmem>>, vector<16xf32>,
    %get3A_1728 = arith.constant 2512 : index
    %get3A_1729 = tpu.vector_load %arg6[%get3A_1728] {strides = array<i32>} : memref<2560xi32, #tpu.memory_space<vmem>>, vector<16xi32>,
    tpu.vector_store_idx %arg8[%get3A_1729], %get3A_1727 : memref<4112xf32, #tpu.memory_space<vmem>>[vector<16xi32>], vector<16xf32>,
    %get3A_1730 = arith.constant 2528 : index
    %get3A_1731 = tpu.vector_load %arg5[%get3A_1730] {strides = array<i32>} : memref<2560xf32, #tpu.memory_space<vmem>>, vector<16xf32>,
    %get3A_1732 = arith.constant 2528 : index
    %get3A_1733 = tpu.vector_load %arg6[%get3A_1732] {strides = array<i32>} : memref<2560xi32, #tpu.memory_space<vmem>>, vector<16xi32>,
    tpu.vector_store_idx %arg8[%get3A_1733], %get3A_1731 : memref<4112xf32, #tpu.memory_space<vmem>>[vector<16xi32>], vector<16xf32>,
    %get3A_1734 = arith.constant 2544 : index
    %get3A_1735 = tpu.vector_load %arg5[%get3A_1734] {strides = array<i32>} : memref<2560xf32, #tpu.memory_space<vmem>>, vector<16xf32>,
    %get3A_1736 = arith.constant 2544 : index
    %get3A_1737 = tpu.vector_load %arg6[%get3A_1736] {strides = array<i32>} : memref<2560xi32, #tpu.memory_space<vmem>>, vector<16xi32>,
    tpu.vector_store_idx %arg8[%get3A_1737], %get3A_1735 : memref<4112xf32, #tpu.memory_space<vmem>>[vector<16xi32>], vector<16xf32>,
    %add3A_1738 = arith.constant 31 : i32
    %add3A_1739 = arith.addi %mul3A_2, %add3A_1738 : i32
    %dma_start3A_1740 = arith.constant 0 : i32
    %dma_start3A_1741 = tpu.memref_slice %arg8[%dma_start3A_1740] : memref<4112xf32, #tpu.memory_space<vmem>> -> memref<4096xf32, #tpu.memory_space<vmem>>
    %dma_start3A_1742 = arith.constant 0 : i32
    %dma_start3A_1743 = tpu.memref_slice %arg4[%add3A_1739, %dma_start3A_1742] : memref<1024x4096xf32, #tpu.memory_space<hbm>> -> memref<1x4096xf32, #tpu.memory_space<hbm>>
    %dma_start3A_1744 = tpu.memref_squeeze %dma_start3A_1743 : memref<1x4096xf32, #tpu.memory_space<hbm>> -> memref<4096xf32, #tpu.memory_space<hbm>>
    %dma_start3A_1745 = arith.constant 0 : i32
    %dma_start3A_1746 = tpu.memref_slice %arg4[%add3A_1739, %dma_start3A_1745] : memref<1024x4096xf32, #tpu.memory_space<hbm>> -> memref<1x4096xf32, #tpu.memory_space<hbm>>
    %dma_start3A_1747 = tpu.memref_squeeze %dma_start3A_1746 : memref<1x4096xf32, #tpu.memory_space<hbm>> -> memref<4096xf32, #tpu.memory_space<hbm>>
    %dma_start3A_1748 = arith.constant 0 : i32
    %dma_start3A_1749 = tpu.memref_slice %arg8[%dma_start3A_1748] : memref<4112xf32, #tpu.memory_space<vmem>> -> memref<4096xf32, #tpu.memory_space<vmem>>
    tpu.enqueue_dma source(%dma_start3A_1749 : memref<4096xf32, #tpu.memory_space<vmem>>) target(%dma_start3A_1747 : memref<4096xf32, #tpu.memory_space<hbm>>) target_semaphore(%arg10 : memref<!tpu.dma_semaphore, #tpu.memory_space<semaphore_mem>>)
    %add3A_1750 = arith.constant 30 : i32
    %add3A_1751 = arith.addi %mul3A_2, %add3A_1750 : i32
    %dma_wait3A_1752 = arith.constant 0 : i32
    %dma_wait3A_1753 = tpu.memref_slice %arg7[%dma_wait3A_1752] : memref<4112xf32, #tpu.memory_space<vmem>> -> memref<4096xf32, #tpu.memory_space<vmem>>
    %dma_wait3A_1754 = arith.constant 0 : i32
    %dma_wait3A_1755 = tpu.memref_slice %arg4[%add3A_1751, %dma_wait3A_1754] : memref<1024x4096xf32, #tpu.memory_space<hbm>> -> memref<1x4096xf32, #tpu.memory_space<hbm>>
    %dma_wait3A_1756 = tpu.memref_squeeze %dma_wait3A_1755 : memref<1x4096xf32, #tpu.memory_space<hbm>> -> memref<4096xf32, #tpu.memory_space<hbm>>
    %dma_wait3A_1757 = arith.constant 0 : i32
    %dma_wait3A_1758 = tpu.memref_slice %arg4[%add3A_1751, %dma_wait3A_1757] : memref<1024x4096xf32, #tpu.memory_space<hbm>> -> memref<1x4096xf32, #tpu.memory_space<hbm>>
    %dma_wait3A_1759 = tpu.memref_squeeze %dma_wait3A_1758 : memref<1x4096xf32, #tpu.memory_space<hbm>> -> memref<4096xf32, #tpu.memory_space<hbm>>
    %dma_wait3A_1760 = arith.constant 0 : i32
    %dma_wait3A_1761 = tpu.memref_slice %arg7[%dma_wait3A_1760] : memref<4112xf32, #tpu.memory_space<vmem>> -> memref<4096xf32, #tpu.memory_space<vmem>>
    tpu.wait_dma2 semaphore(%arg9 : memref<!tpu.dma_semaphore, #tpu.memory_space<semaphore_mem>>) src(%dma_wait3A_1761 : memref<4096xf32, #tpu.memory_space<vmem>>) dst(%dma_wait3A_1759 : memref<4096xf32, #tpu.memory_space<hbm>>)
    %add3A_1762 = arith.constant 31 : i32
    %add3A_1763 = arith.addi %mul3A_2, %add3A_1762 : i32
    %dma_wait3A_1764 = arith.constant 0 : i32
    %dma_wait3A_1765 = tpu.memref_slice %arg8[%dma_wait3A_1764] : memref<4112xf32, #tpu.memory_space<vmem>> -> memref<4096xf32, #tpu.memory_space<vmem>>
    %dma_wait3A_1766 = arith.constant 0 : i32
    %dma_wait3A_1767 = tpu.memref_slice %arg4[%add3A_1763, %dma_wait3A_1766] : memref<1024x4096xf32, #tpu.memory_space<hbm>> -> memref<1x4096xf32, #tpu.memory_space<hbm>>
    %dma_wait3A_1768 = tpu.memref_squeeze %dma_wait3A_1767 : memref<1x4096xf32, #tpu.memory_space<hbm>> -> memref<4096xf32, #tpu.memory_space<hbm>>
    %dma_wait3A_1769 = arith.constant 0 : i32
    %dma_wait3A_1770 = tpu.memref_slice %arg4[%add3A_1763, %dma_wait3A_1769] : memref<1024x4096xf32, #tpu.memory_space<hbm>> -> memref<1x4096xf32, #tpu.memory_space<hbm>>
    %dma_wait3A_1771 = tpu.memref_squeeze %dma_wait3A_1770 : memref<1x4096xf32, #tpu.memory_space<hbm>> -> memref<4096xf32, #tpu.memory_space<hbm>>
    %dma_wait3A_1772 = arith.constant 0 : i32
    %dma_wait3A_1773 = tpu.memref_slice %arg8[%dma_wait3A_1772] : memref<4112xf32, #tpu.memory_space<vmem>> -> memref<4096xf32, #tpu.memory_space<vmem>>
    tpu.wait_dma2 semaphore(%arg10 : memref<!tpu.dma_semaphore, #tpu.memory_space<semaphore_mem>>) src(%dma_wait3A_1773 : memref<4096xf32, #tpu.memory_space<vmem>>) dst(%dma_wait3A_1771 : memref<4096xf32, #tpu.memory_space<hbm>>)
    return
  }
}

#map = affine_map<(d0, d1) -> (0, 0)>
#map1 = affine_map<(d0, d1) -> (0)>
module attributes {stable_mosaic.version = 14 : i64} {
  func.func @_stage_b_body(%arg0: i32, %arg1: i32, %arg2: memref<1024x4096xf32, #tpu.memory_space<hbm>>, %arg3: memref<1024x4096xi32, #tpu.memory_space<hbm>>, %arg4: memref<98304xf32, #tpu.memory_space<hbm>>, %arg5: memref<98304xi32, #tpu.memory_space<hbm>>, %arg6: memref<8x4096xf32, #tpu.memory_space<vmem>>, %arg7: memref<8x4096xi32, #tpu.memory_space<vmem>>, %arg8: memref<3088xf32, #tpu.memory_space<vmem>>, %arg9: memref<3088xi32, #tpu.memory_space<vmem>>) attributes {dimension_semantics = [#tpu.dimension_semantics<core_parallel>, #tpu.dimension_semantics<subcore_parallel>], iteration_bounds = array<i64: 2, 16>, scalar_prefetch = 0 : i64, scratch_operands = 4 : i64, tpu.core_type = #tpu.core_type<sc_vector_subcore>, window_params = [{transform_indices = #map}, {transform_indices = #map}, {transform_indices = #map1}, {transform_indices = #map1}]} {
    %mul3A = arith.constant 2 : i32
    %mul3A_0 = arith.muli %arg1, %mul3A : i32
    %add3A = arith.addi %mul3A_0, %arg0 : i32
    %mul3A_1 = arith.constant 32 : i32
    %mul3A_2 = arith.muli %add3A, %mul3A_1 : i32
    %broadcast_in_dim3A = arith.constant 2.000000e+00 : f32
    %broadcast_in_dim3A_3 = vector.broadcast %broadcast_in_dim3A : f32 to vector<16xf32>
    %broadcast_in_dim3A_4 = arith.constant 0 : i32
    %broadcast_in_dim3A_5 = vector.broadcast %broadcast_in_dim3A_4 : i32 to vector<16xi32>
    %parallel_loop3A = arith.constant 0 : i32
    %parallel_loop3A_6 = arith.constant 193 : i32
    %parallel_loop3A_7 = arith.constant 1 : i32
    scf.for %parallel_loop3A_40 = %parallel_loop3A to %parallel_loop3A_6 step %parallel_loop3A_7  : i32 {
      %parallel_loop3A_41 = arith.constant 16 : i32
      %parallel_loop3A_42 = arith.muli %parallel_loop3A_40, %parallel_loop3A_41 : i32
      %parallel_loop3A_43 = arith.index_cast %parallel_loop3A_42 : i32 to index
      %parallel_loop3A_44 = tpu.vector_load %arg8[%parallel_loop3A_43] {strides = array<i32>} : memref<3088xf32, #tpu.memory_space<vmem>>, vector<16xf32>,
      tpu.vector_store %arg8[%parallel_loop3A_43], %broadcast_in_dim3A_3 {strides = array<i32>} : memref<3088xf32, #tpu.memory_space<vmem>>, vector<16xf32>,
      %parallel_loop3A_45 = arith.constant 16 : i32
      %parallel_loop3A_46 = arith.muli %parallel_loop3A_40, %parallel_loop3A_45 : i32
      %parallel_loop3A_47 = arith.index_cast %parallel_loop3A_46 : i32 to index
      %parallel_loop3A_48 = tpu.vector_load %arg9[%parallel_loop3A_47] {strides = array<i32>} : memref<3088xi32, #tpu.memory_space<vmem>>, vector<16xi32>,
      tpu.vector_store %arg9[%parallel_loop3A_47], %broadcast_in_dim3A_5 {strides = array<i32>} : memref<3088xi32, #tpu.memory_space<vmem>>, vector<16xi32>,
    } {sc.loop_unroll_factor = 8 : i64, sc.parallel_access}
    %add3A_8 = arith.constant 0 : i32
    %add3A_9 = arith.addi %mul3A_2, %add3A_8 : i32
    "tpu.region"() ({
      %run_scoped3A = tpu.sem_alloc : memref<!tpu.dma_semaphore, #tpu.memory_space<semaphore_mem>>
      %dma_start3A = arith.constant 0 : i32
      %dma_start3A_40 = tpu.memref_slice %arg2[%add3A_9, %dma_start3A] : memref<1024x4096xf32, #tpu.memory_space<hbm>> -> memref<8x4096xf32, #tpu.memory_space<hbm>>
      %dma_start3A_41 = arith.constant 0 : i32
      %dma_start3A_42 = tpu.memref_slice %arg2[%add3A_9, %dma_start3A_41] : memref<1024x4096xf32, #tpu.memory_space<hbm>> -> memref<8x4096xf32, #tpu.memory_space<hbm>>
      tpu.enqueue_dma source(%dma_start3A_42 : memref<8x4096xf32, #tpu.memory_space<hbm>>) target(%arg6 : memref<8x4096xf32, #tpu.memory_space<vmem>>) target_semaphore(%run_scoped3A : memref<!tpu.dma_semaphore, #tpu.memory_space<semaphore_mem>>)
      %dma_wait3A = arith.constant 0 : i32
      %dma_wait3A_43 = tpu.memref_slice %arg2[%add3A_9, %dma_wait3A] : memref<1024x4096xf32, #tpu.memory_space<hbm>> -> memref<8x4096xf32, #tpu.memory_space<hbm>>
      %dma_wait3A_44 = arith.constant 0 : i32
      %dma_wait3A_45 = tpu.memref_slice %arg2[%add3A_9, %dma_wait3A_44] : memref<1024x4096xf32, #tpu.memory_space<hbm>> -> memref<8x4096xf32, #tpu.memory_space<hbm>>
      tpu.wait_dma2 semaphore(%run_scoped3A : memref<!tpu.dma_semaphore, #tpu.memory_space<semaphore_mem>>) src(%dma_wait3A_45 : memref<8x4096xf32, #tpu.memory_space<hbm>>) dst(%arg6 : memref<8x4096xf32, #tpu.memory_space<vmem>>)
      tpu.yield
    }) : () -> ()
    %add3A_10 = arith.constant 0 : i32
    %add3A_11 = arith.addi %mul3A_2, %add3A_10 : i32
    "tpu.region"() ({
      %run_scoped3A = tpu.sem_alloc : memref<!tpu.dma_semaphore, #tpu.memory_space<semaphore_mem>>
      %dma_start3A = arith.constant 0 : i32
      %dma_start3A_40 = tpu.memref_slice %arg3[%add3A_11, %dma_start3A] : memref<1024x4096xi32, #tpu.memory_space<hbm>> -> memref<8x4096xi32, #tpu.memory_space<hbm>>
      %dma_start3A_41 = arith.constant 0 : i32
      %dma_start3A_42 = tpu.memref_slice %arg3[%add3A_11, %dma_start3A_41] : memref<1024x4096xi32, #tpu.memory_space<hbm>> -> memref<8x4096xi32, #tpu.memory_space<hbm>>
      tpu.enqueue_dma source(%dma_start3A_42 : memref<8x4096xi32, #tpu.memory_space<hbm>>) target(%arg7 : memref<8x4096xi32, #tpu.memory_space<vmem>>) target_semaphore(%run_scoped3A : memref<!tpu.dma_semaphore, #tpu.memory_space<semaphore_mem>>)
      %dma_wait3A = arith.constant 0 : i32
      %dma_wait3A_43 = tpu.memref_slice %arg3[%add3A_11, %dma_wait3A] : memref<1024x4096xi32, #tpu.memory_space<hbm>> -> memref<8x4096xi32, #tpu.memory_space<hbm>>
      %dma_wait3A_44 = arith.constant 0 : i32
      %dma_wait3A_45 = tpu.memref_slice %arg3[%add3A_11, %dma_wait3A_44] : memref<1024x4096xi32, #tpu.memory_space<hbm>> -> memref<8x4096xi32, #tpu.memory_space<hbm>>
      tpu.wait_dma2 semaphore(%run_scoped3A : memref<!tpu.dma_semaphore, #tpu.memory_space<semaphore_mem>>) src(%dma_wait3A_45 : memref<8x4096xi32, #tpu.memory_space<hbm>>) dst(%arg7 : memref<8x4096xi32, #tpu.memory_space<vmem>>)
      tpu.yield
    }) : () -> ()
    %parallel_loop3A_12 = arith.constant 0 : i32
    %parallel_loop3A_13 = arith.constant 2048 : i32
    %parallel_loop3A_14 = arith.constant 1 : i32
    scf.for %parallel_loop3A_40 = %parallel_loop3A_12 to %parallel_loop3A_13 step %parallel_loop3A_14  : i32 {
      %parallel_loop3A_41 = arith.constant 256 : i32
      %parallel_loop3A_42 = arith.divsi %parallel_loop3A_40, %parallel_loop3A_41 : i32
      %parallel_loop3A_43 = arith.constant 0 : i32
      %parallel_loop3A_44 = arith.cmpi sgt, %parallel_loop3A_40, %parallel_loop3A_43 : i32
      %parallel_loop3A_45 = arith.extui %parallel_loop3A_44 : i1 to i32
      %parallel_loop3A_46 = arith.constant 0 : i32
      %parallel_loop3A_47 = arith.cmpi slt, %parallel_loop3A_40, %parallel_loop3A_46 : i32
      %parallel_loop3A_48 = arith.extui %parallel_loop3A_47 : i1 to i32
      %parallel_loop3A_49 = arith.subi %parallel_loop3A_45, %parallel_loop3A_48 : i32
      %parallel_loop3A_50 = arith.constant 0 : i32
      %parallel_loop3A_51 = arith.cmpi sgt, %parallel_loop3A_41, %parallel_loop3A_50 : i32
      %parallel_loop3A_52 = arith.extui %parallel_loop3A_51 : i1 to i32
      %parallel_loop3A_53 = arith.constant 0 : i32
      %parallel_loop3A_54 = arith.cmpi slt, %parallel_loop3A_41, %parallel_loop3A_53 : i32
      %parallel_loop3A_55 = arith.extui %parallel_loop3A_54 : i1 to i32
      %parallel_loop3A_56 = arith.subi %parallel_loop3A_52, %parallel_loop3A_55 : i32
      %parallel_loop3A_57 = arith.cmpi ne, %parallel_loop3A_49, %parallel_loop3A_56 : i32
      %parallel_loop3A_58 = arith.remsi %parallel_loop3A_40, %parallel_loop3A_41 : i32
      %parallel_loop3A_59 = arith.constant 0 : i32
      %parallel_loop3A_60 = arith.cmpi ne, %parallel_loop3A_58, %parallel_loop3A_59 : i32
      %parallel_loop3A_61 = arith.andi %parallel_loop3A_57, %parallel_loop3A_60 : i1
      %parallel_loop3A_62 = arith.constant 1 : i32
      %parallel_loop3A_63 = arith.subi %parallel_loop3A_42, %parallel_loop3A_62 : i32
      %parallel_loop3A_64 = arith.select %parallel_loop3A_61, %parallel_loop3A_63, %parallel_loop3A_42 : i32
      %parallel_loop3A_65 = arith.constant 256 : i32
      %parallel_loop3A_66 = arith.remsi %parallel_loop3A_40, %parallel_loop3A_65 : i32
      %parallel_loop3A_67 = arith.constant 16 : i32
      %parallel_loop3A_68 = arith.muli %parallel_loop3A_66, %parallel_loop3A_67 : i32
      %parallel_loop3A_69 = arith.index_cast %parallel_loop3A_64 : i32 to index
      %parallel_loop3A_70 = arith.index_cast %parallel_loop3A_68 : i32 to index
      %parallel_loop3A_71 = tpu.vector_load %arg6[%parallel_loop3A_69, %parallel_loop3A_70] {strides = array<i32>} : memref<8x4096xf32, #tpu.memory_space<vmem>>, vector<16xf32>,
      %parallel_loop3A_72 = arith.constant 16 : i32
      %parallel_loop3A_73 = arith.muli %parallel_loop3A_66, %parallel_loop3A_72 : i32
      %parallel_loop3A_74 = arith.index_cast %parallel_loop3A_64 : i32 to index
      %parallel_loop3A_75 = arith.index_cast %parallel_loop3A_73 : i32 to index
      %parallel_loop3A_76 = tpu.vector_load %arg7[%parallel_loop3A_74, %parallel_loop3A_75] {strides = array<i32>} : memref<8x4096xi32, #tpu.memory_space<vmem>>, vector<16xi32>,
      %parallel_loop3A_77 = tpu.iota {dimensions = array<i32: 0>} : vector<16xi32>
      %parallel_loop3A_78 = arith.constant 16 : i32
      %parallel_loop3A_79 = arith.muli %parallel_loop3A_66, %parallel_loop3A_78 : i32
      %parallel_loop3A_80 = vector.broadcast %parallel_loop3A_79 : i32 to vector<16xi32>
      %parallel_loop3A_81 = arith.addi %parallel_loop3A_77, %parallel_loop3A_80 : vector<16xi32>
      tpu.vector_store_idx %arg8[%parallel_loop3A_76], %parallel_loop3A_71 : memref<3088xf32, #tpu.memory_space<vmem>>[vector<16xi32>], vector<16xf32>,
      tpu.vector_store_idx %arg9[%parallel_loop3A_76], %parallel_loop3A_81 : memref<3088xi32, #tpu.memory_space<vmem>>[vector<16xi32>], vector<16xi32>,
    } {sc.loop_unroll_factor = 8 : i64, sc.parallel_access}
    %add3A_15 = arith.constant 8 : i32
    %add3A_16 = arith.addi %mul3A_2, %add3A_15 : i32
    "tpu.region"() ({
      %run_scoped3A = tpu.sem_alloc : memref<!tpu.dma_semaphore, #tpu.memory_space<semaphore_mem>>
      %dma_start3A = arith.constant 0 : i32
      %dma_start3A_40 = tpu.memref_slice %arg2[%add3A_16, %dma_start3A] : memref<1024x4096xf32, #tpu.memory_space<hbm>> -> memref<8x4096xf32, #tpu.memory_space<hbm>>
      %dma_start3A_41 = arith.constant 0 : i32
      %dma_start3A_42 = tpu.memref_slice %arg2[%add3A_16, %dma_start3A_41] : memref<1024x4096xf32, #tpu.memory_space<hbm>> -> memref<8x4096xf32, #tpu.memory_space<hbm>>
      tpu.enqueue_dma source(%dma_start3A_42 : memref<8x4096xf32, #tpu.memory_space<hbm>>) target(%arg6 : memref<8x4096xf32, #tpu.memory_space<vmem>>) target_semaphore(%run_scoped3A : memref<!tpu.dma_semaphore, #tpu.memory_space<semaphore_mem>>)
      %dma_wait3A = arith.constant 0 : i32
      %dma_wait3A_43 = tpu.memref_slice %arg2[%add3A_16, %dma_wait3A] : memref<1024x4096xf32, #tpu.memory_space<hbm>> -> memref<8x4096xf32, #tpu.memory_space<hbm>>
      %dma_wait3A_44 = arith.constant 0 : i32
      %dma_wait3A_45 = tpu.memref_slice %arg2[%add3A_16, %dma_wait3A_44] : memref<1024x4096xf32, #tpu.memory_space<hbm>> -> memref<8x4096xf32, #tpu.memory_space<hbm>>
      tpu.wait_dma2 semaphore(%run_scoped3A : memref<!tpu.dma_semaphore, #tpu.memory_space<semaphore_mem>>) src(%dma_wait3A_45 : memref<8x4096xf32, #tpu.memory_space<hbm>>) dst(%arg6 : memref<8x4096xf32, #tpu.memory_space<vmem>>)
      tpu.yield
    }) : () -> ()
    %add3A_17 = arith.constant 8 : i32
    %add3A_18 = arith.addi %mul3A_2, %add3A_17 : i32
    "tpu.region"() ({
      %run_scoped3A = tpu.sem_alloc : memref<!tpu.dma_semaphore, #tpu.memory_space<semaphore_mem>>
      %dma_start3A = arith.constant 0 : i32
      %dma_start3A_40 = tpu.memref_slice %arg3[%add3A_18, %dma_start3A] : memref<1024x4096xi32, #tpu.memory_space<hbm>> -> memref<8x4096xi32, #tpu.memory_space<hbm>>
      %dma_start3A_41 = arith.constant 0 : i32
      %dma_start3A_42 = tpu.memref_slice %arg3[%add3A_18, %dma_start3A_41] : memref<1024x4096xi32, #tpu.memory_space<hbm>> -> memref<8x4096xi32, #tpu.memory_space<hbm>>
      tpu.enqueue_dma source(%dma_start3A_42 : memref<8x4096xi32, #tpu.memory_space<hbm>>) target(%arg7 : memref<8x4096xi32, #tpu.memory_space<vmem>>) target_semaphore(%run_scoped3A : memref<!tpu.dma_semaphore, #tpu.memory_space<semaphore_mem>>)
      %dma_wait3A = arith.constant 0 : i32
      %dma_wait3A_43 = tpu.memref_slice %arg3[%add3A_18, %dma_wait3A] : memref<1024x4096xi32, #tpu.memory_space<hbm>> -> memref<8x4096xi32, #tpu.memory_space<hbm>>
      %dma_wait3A_44 = arith.constant 0 : i32
      %dma_wait3A_45 = tpu.memref_slice %arg3[%add3A_18, %dma_wait3A_44] : memref<1024x4096xi32, #tpu.memory_space<hbm>> -> memref<8x4096xi32, #tpu.memory_space<hbm>>
      tpu.wait_dma2 semaphore(%run_scoped3A : memref<!tpu.dma_semaphore, #tpu.memory_space<semaphore_mem>>) src(%dma_wait3A_45 : memref<8x4096xi32, #tpu.memory_space<hbm>>) dst(%arg7 : memref<8x4096xi32, #tpu.memory_space<vmem>>)
      tpu.yield
    }) : () -> ()
    %parallel_loop3A_19 = arith.constant 0 : i32
    %parallel_loop3A_20 = arith.constant 2048 : i32
    %parallel_loop3A_21 = arith.constant 1 : i32
    scf.for %parallel_loop3A_40 = %parallel_loop3A_19 to %parallel_loop3A_20 step %parallel_loop3A_21  : i32 {
      %parallel_loop3A_41 = arith.constant 256 : i32
      %parallel_loop3A_42 = arith.divsi %parallel_loop3A_40, %parallel_loop3A_41 : i32
      %parallel_loop3A_43 = arith.constant 0 : i32
      %parallel_loop3A_44 = arith.cmpi sgt, %parallel_loop3A_40, %parallel_loop3A_43 : i32
      %parallel_loop3A_45 = arith.extui %parallel_loop3A_44 : i1 to i32
      %parallel_loop3A_46 = arith.constant 0 : i32
      %parallel_loop3A_47 = arith.cmpi slt, %parallel_loop3A_40, %parallel_loop3A_46 : i32
      %parallel_loop3A_48 = arith.extui %parallel_loop3A_47 : i1 to i32
      %parallel_loop3A_49 = arith.subi %parallel_loop3A_45, %parallel_loop3A_48 : i32
      %parallel_loop3A_50 = arith.constant 0 : i32
      %parallel_loop3A_51 = arith.cmpi sgt, %parallel_loop3A_41, %parallel_loop3A_50 : i32
      %parallel_loop3A_52 = arith.extui %parallel_loop3A_51 : i1 to i32
      %parallel_loop3A_53 = arith.constant 0 : i32
      %parallel_loop3A_54 = arith.cmpi slt, %parallel_loop3A_41, %parallel_loop3A_53 : i32
      %parallel_loop3A_55 = arith.extui %parallel_loop3A_54 : i1 to i32
      %parallel_loop3A_56 = arith.subi %parallel_loop3A_52, %parallel_loop3A_55 : i32
      %parallel_loop3A_57 = arith.cmpi ne, %parallel_loop3A_49, %parallel_loop3A_56 : i32
      %parallel_loop3A_58 = arith.remsi %parallel_loop3A_40, %parallel_loop3A_41 : i32
      %parallel_loop3A_59 = arith.constant 0 : i32
      %parallel_loop3A_60 = arith.cmpi ne, %parallel_loop3A_58, %parallel_loop3A_59 : i32
      %parallel_loop3A_61 = arith.andi %parallel_loop3A_57, %parallel_loop3A_60 : i1
      %parallel_loop3A_62 = arith.constant 1 : i32
      %parallel_loop3A_63 = arith.subi %parallel_loop3A_42, %parallel_loop3A_62 : i32
      %parallel_loop3A_64 = arith.select %parallel_loop3A_61, %parallel_loop3A_63, %parallel_loop3A_42 : i32
      %parallel_loop3A_65 = arith.constant 256 : i32
      %parallel_loop3A_66 = arith.remsi %parallel_loop3A_40, %parallel_loop3A_65 : i32
      %parallel_loop3A_67 = arith.constant 16 : i32
      %parallel_loop3A_68 = arith.muli %parallel_loop3A_66, %parallel_loop3A_67 : i32
      %parallel_loop3A_69 = arith.index_cast %parallel_loop3A_64 : i32 to index
      %parallel_loop3A_70 = arith.index_cast %parallel_loop3A_68 : i32 to index
      %parallel_loop3A_71 = tpu.vector_load %arg6[%parallel_loop3A_69, %parallel_loop3A_70] {strides = array<i32>} : memref<8x4096xf32, #tpu.memory_space<vmem>>, vector<16xf32>,
      %parallel_loop3A_72 = arith.constant 16 : i32
      %parallel_loop3A_73 = arith.muli %parallel_loop3A_66, %parallel_loop3A_72 : i32
      %parallel_loop3A_74 = arith.index_cast %parallel_loop3A_64 : i32 to index
      %parallel_loop3A_75 = arith.index_cast %parallel_loop3A_73 : i32 to index
      %parallel_loop3A_76 = tpu.vector_load %arg7[%parallel_loop3A_74, %parallel_loop3A_75] {strides = array<i32>} : memref<8x4096xi32, #tpu.memory_space<vmem>>, vector<16xi32>,
      %parallel_loop3A_77 = tpu.iota {dimensions = array<i32: 0>} : vector<16xi32>
      %parallel_loop3A_78 = arith.constant 16 : i32
      %parallel_loop3A_79 = arith.muli %parallel_loop3A_66, %parallel_loop3A_78 : i32
      %parallel_loop3A_80 = vector.broadcast %parallel_loop3A_79 : i32 to vector<16xi32>
      %parallel_loop3A_81 = arith.addi %parallel_loop3A_77, %parallel_loop3A_80 : vector<16xi32>
      tpu.vector_store_idx %arg8[%parallel_loop3A_76], %parallel_loop3A_71 : memref<3088xf32, #tpu.memory_space<vmem>>[vector<16xi32>], vector<16xf32>,
      tpu.vector_store_idx %arg9[%parallel_loop3A_76], %parallel_loop3A_81 : memref<3088xi32, #tpu.memory_space<vmem>>[vector<16xi32>], vector<16xi32>,
    } {sc.loop_unroll_factor = 8 : i64, sc.parallel_access}
    %add3A_22 = arith.constant 16 : i32
    %add3A_23 = arith.addi %mul3A_2, %add3A_22 : i32
    "tpu.region"() ({
      %run_scoped3A = tpu.sem_alloc : memref<!tpu.dma_semaphore, #tpu.memory_space<semaphore_mem>>
      %dma_start3A = arith.constant 0 : i32
      %dma_start3A_40 = tpu.memref_slice %arg2[%add3A_23, %dma_start3A] : memref<1024x4096xf32, #tpu.memory_space<hbm>> -> memref<8x4096xf32, #tpu.memory_space<hbm>>
      %dma_start3A_41 = arith.constant 0 : i32
      %dma_start3A_42 = tpu.memref_slice %arg2[%add3A_23, %dma_start3A_41] : memref<1024x4096xf32, #tpu.memory_space<hbm>> -> memref<8x4096xf32, #tpu.memory_space<hbm>>
      tpu.enqueue_dma source(%dma_start3A_42 : memref<8x4096xf32, #tpu.memory_space<hbm>>) target(%arg6 : memref<8x4096xf32, #tpu.memory_space<vmem>>) target_semaphore(%run_scoped3A : memref<!tpu.dma_semaphore, #tpu.memory_space<semaphore_mem>>)
      %dma_wait3A = arith.constant 0 : i32
      %dma_wait3A_43 = tpu.memref_slice %arg2[%add3A_23, %dma_wait3A] : memref<1024x4096xf32, #tpu.memory_space<hbm>> -> memref<8x4096xf32, #tpu.memory_space<hbm>>
      %dma_wait3A_44 = arith.constant 0 : i32
      %dma_wait3A_45 = tpu.memref_slice %arg2[%add3A_23, %dma_wait3A_44] : memref<1024x4096xf32, #tpu.memory_space<hbm>> -> memref<8x4096xf32, #tpu.memory_space<hbm>>
      tpu.wait_dma2 semaphore(%run_scoped3A : memref<!tpu.dma_semaphore, #tpu.memory_space<semaphore_mem>>) src(%dma_wait3A_45 : memref<8x4096xf32, #tpu.memory_space<hbm>>) dst(%arg6 : memref<8x4096xf32, #tpu.memory_space<vmem>>)
      tpu.yield
    }) : () -> ()
    %add3A_24 = arith.constant 16 : i32
    %add3A_25 = arith.addi %mul3A_2, %add3A_24 : i32
    "tpu.region"() ({
      %run_scoped3A = tpu.sem_alloc : memref<!tpu.dma_semaphore, #tpu.memory_space<semaphore_mem>>
      %dma_start3A = arith.constant 0 : i32
      %dma_start3A_40 = tpu.memref_slice %arg3[%add3A_25, %dma_start3A] : memref<1024x4096xi32, #tpu.memory_space<hbm>> -> memref<8x4096xi32, #tpu.memory_space<hbm>>
      %dma_start3A_41 = arith.constant 0 : i32
      %dma_start3A_42 = tpu.memref_slice %arg3[%add3A_25, %dma_start3A_41] : memref<1024x4096xi32, #tpu.memory_space<hbm>> -> memref<8x4096xi32, #tpu.memory_space<hbm>>
      tpu.enqueue_dma source(%dma_start3A_42 : memref<8x4096xi32, #tpu.memory_space<hbm>>) target(%arg7 : memref<8x4096xi32, #tpu.memory_space<vmem>>) target_semaphore(%run_scoped3A : memref<!tpu.dma_semaphore, #tpu.memory_space<semaphore_mem>>)
      %dma_wait3A = arith.constant 0 : i32
      %dma_wait3A_43 = tpu.memref_slice %arg3[%add3A_25, %dma_wait3A] : memref<1024x4096xi32, #tpu.memory_space<hbm>> -> memref<8x4096xi32, #tpu.memory_space<hbm>>
      %dma_wait3A_44 = arith.constant 0 : i32
      %dma_wait3A_45 = tpu.memref_slice %arg3[%add3A_25, %dma_wait3A_44] : memref<1024x4096xi32, #tpu.memory_space<hbm>> -> memref<8x4096xi32, #tpu.memory_space<hbm>>
      tpu.wait_dma2 semaphore(%run_scoped3A : memref<!tpu.dma_semaphore, #tpu.memory_space<semaphore_mem>>) src(%dma_wait3A_45 : memref<8x4096xi32, #tpu.memory_space<hbm>>) dst(%arg7 : memref<8x4096xi32, #tpu.memory_space<vmem>>)
      tpu.yield
    }) : () -> ()
    %parallel_loop3A_26 = arith.constant 0 : i32
    %parallel_loop3A_27 = arith.constant 2048 : i32
    %parallel_loop3A_28 = arith.constant 1 : i32
    scf.for %parallel_loop3A_40 = %parallel_loop3A_26 to %parallel_loop3A_27 step %parallel_loop3A_28  : i32 {
      %parallel_loop3A_41 = arith.constant 256 : i32
      %parallel_loop3A_42 = arith.divsi %parallel_loop3A_40, %parallel_loop3A_41 : i32
      %parallel_loop3A_43 = arith.constant 0 : i32
      %parallel_loop3A_44 = arith.cmpi sgt, %parallel_loop3A_40, %parallel_loop3A_43 : i32
      %parallel_loop3A_45 = arith.extui %parallel_loop3A_44 : i1 to i32
      %parallel_loop3A_46 = arith.constant 0 : i32
      %parallel_loop3A_47 = arith.cmpi slt, %parallel_loop3A_40, %parallel_loop3A_46 : i32
      %parallel_loop3A_48 = arith.extui %parallel_loop3A_47 : i1 to i32
      %parallel_loop3A_49 = arith.subi %parallel_loop3A_45, %parallel_loop3A_48 : i32
      %parallel_loop3A_50 = arith.constant 0 : i32
      %parallel_loop3A_51 = arith.cmpi sgt, %parallel_loop3A_41, %parallel_loop3A_50 : i32
      %parallel_loop3A_52 = arith.extui %parallel_loop3A_51 : i1 to i32
      %parallel_loop3A_53 = arith.constant 0 : i32
      %parallel_loop3A_54 = arith.cmpi slt, %parallel_loop3A_41, %parallel_loop3A_53 : i32
      %parallel_loop3A_55 = arith.extui %parallel_loop3A_54 : i1 to i32
      %parallel_loop3A_56 = arith.subi %parallel_loop3A_52, %parallel_loop3A_55 : i32
      %parallel_loop3A_57 = arith.cmpi ne, %parallel_loop3A_49, %parallel_loop3A_56 : i32
      %parallel_loop3A_58 = arith.remsi %parallel_loop3A_40, %parallel_loop3A_41 : i32
      %parallel_loop3A_59 = arith.constant 0 : i32
      %parallel_loop3A_60 = arith.cmpi ne, %parallel_loop3A_58, %parallel_loop3A_59 : i32
      %parallel_loop3A_61 = arith.andi %parallel_loop3A_57, %parallel_loop3A_60 : i1
      %parallel_loop3A_62 = arith.constant 1 : i32
      %parallel_loop3A_63 = arith.subi %parallel_loop3A_42, %parallel_loop3A_62 : i32
      %parallel_loop3A_64 = arith.select %parallel_loop3A_61, %parallel_loop3A_63, %parallel_loop3A_42 : i32
      %parallel_loop3A_65 = arith.constant 256 : i32
      %parallel_loop3A_66 = arith.remsi %parallel_loop3A_40, %parallel_loop3A_65 : i32
      %parallel_loop3A_67 = arith.constant 16 : i32
      %parallel_loop3A_68 = arith.muli %parallel_loop3A_66, %parallel_loop3A_67 : i32
      %parallel_loop3A_69 = arith.index_cast %parallel_loop3A_64 : i32 to index
      %parallel_loop3A_70 = arith.index_cast %parallel_loop3A_68 : i32 to index
      %parallel_loop3A_71 = tpu.vector_load %arg6[%parallel_loop3A_69, %parallel_loop3A_70] {strides = array<i32>} : memref<8x4096xf32, #tpu.memory_space<vmem>>, vector<16xf32>,
      %parallel_loop3A_72 = arith.constant 16 : i32
      %parallel_loop3A_73 = arith.muli %parallel_loop3A_66, %parallel_loop3A_72 : i32
      %parallel_loop3A_74 = arith.index_cast %parallel_loop3A_64 : i32 to index
      %parallel_loop3A_75 = arith.index_cast %parallel_loop3A_73 : i32 to index
      %parallel_loop3A_76 = tpu.vector_load %arg7[%parallel_loop3A_74, %parallel_loop3A_75] {strides = array<i32>} : memref<8x4096xi32, #tpu.memory_space<vmem>>, vector<16xi32>,
      %parallel_loop3A_77 = tpu.iota {dimensions = array<i32: 0>} : vector<16xi32>
      %parallel_loop3A_78 = arith.constant 16 : i32
      %parallel_loop3A_79 = arith.muli %parallel_loop3A_66, %parallel_loop3A_78 : i32
      %parallel_loop3A_80 = vector.broadcast %parallel_loop3A_79 : i32 to vector<16xi32>
      %parallel_loop3A_81 = arith.addi %parallel_loop3A_77, %parallel_loop3A_80 : vector<16xi32>
      tpu.vector_store_idx %arg8[%parallel_loop3A_76], %parallel_loop3A_71 : memref<3088xf32, #tpu.memory_space<vmem>>[vector<16xi32>], vector<16xf32>,
      tpu.vector_store_idx %arg9[%parallel_loop3A_76], %parallel_loop3A_81 : memref<3088xi32, #tpu.memory_space<vmem>>[vector<16xi32>], vector<16xi32>,
    } {sc.loop_unroll_factor = 8 : i64, sc.parallel_access}
    %add3A_29 = arith.constant 24 : i32
    %add3A_30 = arith.addi %mul3A_2, %add3A_29 : i32
    "tpu.region"() ({
      %run_scoped3A = tpu.sem_alloc : memref<!tpu.dma_semaphore, #tpu.memory_space<semaphore_mem>>
      %dma_start3A = arith.constant 0 : i32
      %dma_start3A_40 = tpu.memref_slice %arg2[%add3A_30, %dma_start3A] : memref<1024x4096xf32, #tpu.memory_space<hbm>> -> memref<8x4096xf32, #tpu.memory_space<hbm>>
      %dma_start3A_41 = arith.constant 0 : i32
      %dma_start3A_42 = tpu.memref_slice %arg2[%add3A_30, %dma_start3A_41] : memref<1024x4096xf32, #tpu.memory_space<hbm>> -> memref<8x4096xf32, #tpu.memory_space<hbm>>
      tpu.enqueue_dma source(%dma_start3A_42 : memref<8x4096xf32, #tpu.memory_space<hbm>>) target(%arg6 : memref<8x4096xf32, #tpu.memory_space<vmem>>) target_semaphore(%run_scoped3A : memref<!tpu.dma_semaphore, #tpu.memory_space<semaphore_mem>>)
      %dma_wait3A = arith.constant 0 : i32
      %dma_wait3A_43 = tpu.memref_slice %arg2[%add3A_30, %dma_wait3A] : memref<1024x4096xf32, #tpu.memory_space<hbm>> -> memref<8x4096xf32, #tpu.memory_space<hbm>>
      %dma_wait3A_44 = arith.constant 0 : i32
      %dma_wait3A_45 = tpu.memref_slice %arg2[%add3A_30, %dma_wait3A_44] : memref<1024x4096xf32, #tpu.memory_space<hbm>> -> memref<8x4096xf32, #tpu.memory_space<hbm>>
      tpu.wait_dma2 semaphore(%run_scoped3A : memref<!tpu.dma_semaphore, #tpu.memory_space<semaphore_mem>>) src(%dma_wait3A_45 : memref<8x4096xf32, #tpu.memory_space<hbm>>) dst(%arg6 : memref<8x4096xf32, #tpu.memory_space<vmem>>)
      tpu.yield
    }) : () -> ()
    %add3A_31 = arith.constant 24 : i32
    %add3A_32 = arith.addi %mul3A_2, %add3A_31 : i32
    "tpu.region"() ({
      %run_scoped3A = tpu.sem_alloc : memref<!tpu.dma_semaphore, #tpu.memory_space<semaphore_mem>>
      %dma_start3A = arith.constant 0 : i32
      %dma_start3A_40 = tpu.memref_slice %arg3[%add3A_32, %dma_start3A] : memref<1024x4096xi32, #tpu.memory_space<hbm>> -> memref<8x4096xi32, #tpu.memory_space<hbm>>
      %dma_start3A_41 = arith.constant 0 : i32
      %dma_start3A_42 = tpu.memref_slice %arg3[%add3A_32, %dma_start3A_41] : memref<1024x4096xi32, #tpu.memory_space<hbm>> -> memref<8x4096xi32, #tpu.memory_space<hbm>>
      tpu.enqueue_dma source(%dma_start3A_42 : memref<8x4096xi32, #tpu.memory_space<hbm>>) target(%arg7 : memref<8x4096xi32, #tpu.memory_space<vmem>>) target_semaphore(%run_scoped3A : memref<!tpu.dma_semaphore, #tpu.memory_space<semaphore_mem>>)
      %dma_wait3A = arith.constant 0 : i32
      %dma_wait3A_43 = tpu.memref_slice %arg3[%add3A_32, %dma_wait3A] : memref<1024x4096xi32, #tpu.memory_space<hbm>> -> memref<8x4096xi32, #tpu.memory_space<hbm>>
      %dma_wait3A_44 = arith.constant 0 : i32
      %dma_wait3A_45 = tpu.memref_slice %arg3[%add3A_32, %dma_wait3A_44] : memref<1024x4096xi32, #tpu.memory_space<hbm>> -> memref<8x4096xi32, #tpu.memory_space<hbm>>
      tpu.wait_dma2 semaphore(%run_scoped3A : memref<!tpu.dma_semaphore, #tpu.memory_space<semaphore_mem>>) src(%dma_wait3A_45 : memref<8x4096xi32, #tpu.memory_space<hbm>>) dst(%arg7 : memref<8x4096xi32, #tpu.memory_space<vmem>>)
      tpu.yield
    }) : () -> ()
    %parallel_loop3A_33 = arith.constant 0 : i32
    %parallel_loop3A_34 = arith.constant 2048 : i32
    %parallel_loop3A_35 = arith.constant 1 : i32
    scf.for %parallel_loop3A_40 = %parallel_loop3A_33 to %parallel_loop3A_34 step %parallel_loop3A_35  : i32 {
      %parallel_loop3A_41 = arith.constant 256 : i32
      %parallel_loop3A_42 = arith.divsi %parallel_loop3A_40, %parallel_loop3A_41 : i32
      %parallel_loop3A_43 = arith.constant 0 : i32
      %parallel_loop3A_44 = arith.cmpi sgt, %parallel_loop3A_40, %parallel_loop3A_43 : i32
      %parallel_loop3A_45 = arith.extui %parallel_loop3A_44 : i1 to i32
      %parallel_loop3A_46 = arith.constant 0 : i32
      %parallel_loop3A_47 = arith.cmpi slt, %parallel_loop3A_40, %parallel_loop3A_46 : i32
      %parallel_loop3A_48 = arith.extui %parallel_loop3A_47 : i1 to i32
      %parallel_loop3A_49 = arith.subi %parallel_loop3A_45, %parallel_loop3A_48 : i32
      %parallel_loop3A_50 = arith.constant 0 : i32
      %parallel_loop3A_51 = arith.cmpi sgt, %parallel_loop3A_41, %parallel_loop3A_50 : i32
      %parallel_loop3A_52 = arith.extui %parallel_loop3A_51 : i1 to i32
      %parallel_loop3A_53 = arith.constant 0 : i32
      %parallel_loop3A_54 = arith.cmpi slt, %parallel_loop3A_41, %parallel_loop3A_53 : i32
      %parallel_loop3A_55 = arith.extui %parallel_loop3A_54 : i1 to i32
      %parallel_loop3A_56 = arith.subi %parallel_loop3A_52, %parallel_loop3A_55 : i32
      %parallel_loop3A_57 = arith.cmpi ne, %parallel_loop3A_49, %parallel_loop3A_56 : i32
      %parallel_loop3A_58 = arith.remsi %parallel_loop3A_40, %parallel_loop3A_41 : i32
      %parallel_loop3A_59 = arith.constant 0 : i32
      %parallel_loop3A_60 = arith.cmpi ne, %parallel_loop3A_58, %parallel_loop3A_59 : i32
      %parallel_loop3A_61 = arith.andi %parallel_loop3A_57, %parallel_loop3A_60 : i1
      %parallel_loop3A_62 = arith.constant 1 : i32
      %parallel_loop3A_63 = arith.subi %parallel_loop3A_42, %parallel_loop3A_62 : i32
      %parallel_loop3A_64 = arith.select %parallel_loop3A_61, %parallel_loop3A_63, %parallel_loop3A_42 : i32
      %parallel_loop3A_65 = arith.constant 256 : i32
      %parallel_loop3A_66 = arith.remsi %parallel_loop3A_40, %parallel_loop3A_65 : i32
      %parallel_loop3A_67 = arith.constant 16 : i32
      %parallel_loop3A_68 = arith.muli %parallel_loop3A_66, %parallel_loop3A_67 : i32
      %parallel_loop3A_69 = arith.index_cast %parallel_loop3A_64 : i32 to index
      %parallel_loop3A_70 = arith.index_cast %parallel_loop3A_68 : i32 to index
      %parallel_loop3A_71 = tpu.vector_load %arg6[%parallel_loop3A_69, %parallel_loop3A_70] {strides = array<i32>} : memref<8x4096xf32, #tpu.memory_space<vmem>>, vector<16xf32>,
      %parallel_loop3A_72 = arith.constant 16 : i32
      %parallel_loop3A_73 = arith.muli %parallel_loop3A_66, %parallel_loop3A_72 : i32
      %parallel_loop3A_74 = arith.index_cast %parallel_loop3A_64 : i32 to index
      %parallel_loop3A_75 = arith.index_cast %parallel_loop3A_73 : i32 to index
      %parallel_loop3A_76 = tpu.vector_load %arg7[%parallel_loop3A_74, %parallel_loop3A_75] {strides = array<i32>} : memref<8x4096xi32, #tpu.memory_space<vmem>>, vector<16xi32>,
      %parallel_loop3A_77 = tpu.iota {dimensions = array<i32: 0>} : vector<16xi32>
      %parallel_loop3A_78 = arith.constant 16 : i32
      %parallel_loop3A_79 = arith.muli %parallel_loop3A_66, %parallel_loop3A_78 : i32
      %parallel_loop3A_80 = vector.broadcast %parallel_loop3A_79 : i32 to vector<16xi32>
      %parallel_loop3A_81 = arith.addi %parallel_loop3A_77, %parallel_loop3A_80 : vector<16xi32>
      tpu.vector_store_idx %arg8[%parallel_loop3A_76], %parallel_loop3A_71 : memref<3088xf32, #tpu.memory_space<vmem>>[vector<16xi32>], vector<16xf32>,
      tpu.vector_store_idx %arg9[%parallel_loop3A_76], %parallel_loop3A_81 : memref<3088xi32, #tpu.memory_space<vmem>>[vector<16xi32>], vector<16xi32>,
    } {sc.loop_unroll_factor = 8 : i64, sc.parallel_access}
    %mul3A_36 = arith.constant 96 : i32
    %mul3A_37 = arith.muli %mul3A_2, %mul3A_36 : i32
    "tpu.region"() ({
      %run_scoped3A = tpu.sem_alloc : memref<!tpu.dma_semaphore, #tpu.memory_space<semaphore_mem>>
      %dma_start3A = arith.constant 0 : i32
      %dma_start3A_40 = tpu.memref_slice %arg8[%dma_start3A] : memref<3088xf32, #tpu.memory_space<vmem>> -> memref<3072xf32, #tpu.memory_space<vmem>>
      %dma_start3A_41 = tpu.memref_slice %arg4[%mul3A_37] : memref<98304xf32, #tpu.memory_space<hbm>> -> memref<3072xf32, #tpu.memory_space<hbm>>
      %dma_start3A_42 = tpu.memref_slice %arg4[%mul3A_37] : memref<98304xf32, #tpu.memory_space<hbm>> -> memref<3072xf32, #tpu.memory_space<hbm>>
      %dma_start3A_43 = arith.constant 0 : i32
      %dma_start3A_44 = tpu.memref_slice %arg8[%dma_start3A_43] : memref<3088xf32, #tpu.memory_space<vmem>> -> memref<3072xf32, #tpu.memory_space<vmem>>
      tpu.enqueue_dma source(%dma_start3A_44 : memref<3072xf32, #tpu.memory_space<vmem>>) target(%dma_start3A_42 : memref<3072xf32, #tpu.memory_space<hbm>>) target_semaphore(%run_scoped3A : memref<!tpu.dma_semaphore, #tpu.memory_space<semaphore_mem>>)
      %dma_wait3A = arith.constant 0 : i32
      %dma_wait3A_45 = tpu.memref_slice %arg8[%dma_wait3A] : memref<3088xf32, #tpu.memory_space<vmem>> -> memref<3072xf32, #tpu.memory_space<vmem>>
      %dma_wait3A_46 = tpu.memref_slice %arg4[%mul3A_37] : memref<98304xf32, #tpu.memory_space<hbm>> -> memref<3072xf32, #tpu.memory_space<hbm>>
      %dma_wait3A_47 = tpu.memref_slice %arg4[%mul3A_37] : memref<98304xf32, #tpu.memory_space<hbm>> -> memref<3072xf32, #tpu.memory_space<hbm>>
      %dma_wait3A_48 = arith.constant 0 : i32
      %dma_wait3A_49 = tpu.memref_slice %arg8[%dma_wait3A_48] : memref<3088xf32, #tpu.memory_space<vmem>> -> memref<3072xf32, #tpu.memory_space<vmem>>
      tpu.wait_dma2 semaphore(%run_scoped3A : memref<!tpu.dma_semaphore, #tpu.memory_space<semaphore_mem>>) src(%dma_wait3A_49 : memref<3072xf32, #tpu.memory_space<vmem>>) dst(%dma_wait3A_47 : memref<3072xf32, #tpu.memory_space<hbm>>)
      tpu.yield
    }) : () -> ()
    %mul3A_38 = arith.constant 96 : i32
    %mul3A_39 = arith.muli %mul3A_2, %mul3A_38 : i32
    "tpu.region"() ({
      %run_scoped3A = tpu.sem_alloc : memref<!tpu.dma_semaphore, #tpu.memory_space<semaphore_mem>>
      %dma_start3A = arith.constant 0 : i32
      %dma_start3A_40 = tpu.memref_slice %arg9[%dma_start3A] : memref<3088xi32, #tpu.memory_space<vmem>> -> memref<3072xi32, #tpu.memory_space<vmem>>
      %dma_start3A_41 = tpu.memref_slice %arg5[%mul3A_39] : memref<98304xi32, #tpu.memory_space<hbm>> -> memref<3072xi32, #tpu.memory_space<hbm>>
      %dma_start3A_42 = tpu.memref_slice %arg5[%mul3A_39] : memref<98304xi32, #tpu.memory_space<hbm>> -> memref<3072xi32, #tpu.memory_space<hbm>>
      %dma_start3A_43 = arith.constant 0 : i32
      %dma_start3A_44 = tpu.memref_slice %arg9[%dma_start3A_43] : memref<3088xi32, #tpu.memory_space<vmem>> -> memref<3072xi32, #tpu.memory_space<vmem>>
      tpu.enqueue_dma source(%dma_start3A_44 : memref<3072xi32, #tpu.memory_space<vmem>>) target(%dma_start3A_42 : memref<3072xi32, #tpu.memory_space<hbm>>) target_semaphore(%run_scoped3A : memref<!tpu.dma_semaphore, #tpu.memory_space<semaphore_mem>>)
      %dma_wait3A = arith.constant 0 : i32
      %dma_wait3A_45 = tpu.memref_slice %arg9[%dma_wait3A] : memref<3088xi32, #tpu.memory_space<vmem>> -> memref<3072xi32, #tpu.memory_space<vmem>>
      %dma_wait3A_46 = tpu.memref_slice %arg5[%mul3A_39] : memref<98304xi32, #tpu.memory_space<hbm>> -> memref<3072xi32, #tpu.memory_space<hbm>>
      %dma_wait3A_47 = tpu.memref_slice %arg5[%mul3A_39] : memref<98304xi32, #tpu.memory_space<hbm>> -> memref<3072xi32, #tpu.memory_space<hbm>>
      %dma_wait3A_48 = arith.constant 0 : i32
      %dma_wait3A_49 = tpu.memref_slice %arg9[%dma_wait3A_48] : memref<3088xi32, #tpu.memory_space<vmem>> -> memref<3072xi32, #tpu.memory_space<vmem>>
      tpu.wait_dma2 semaphore(%run_scoped3A : memref<!tpu.dma_semaphore, #tpu.memory_space<semaphore_mem>>) src(%dma_wait3A_49 : memref<3072xi32, #tpu.memory_space<vmem>>) dst(%dma_wait3A_47 : memref<3072xi32, #tpu.memory_space<hbm>>)
      tpu.yield
    }) : () -> ()
    return
  }
}

module attributes {stable_mosaic.version = 14 : i64} {
  func.func @_stage_a_body(%arg0: i32, %arg1: memref<64x4096xf32, #tpu.memory_space<vmem>>, %arg2: memref<64x4xf32, #tpu.memory_space<vmem>>, %arg3: memref<64x4096xf32, #tpu.memory_space<vmem>>, %arg4: memref<64x4x4096xf32, #tpu.memory_space<vmem>>, %arg5: memref<64x4096xf32, #tpu.memory_space<vmem>>, %arg6: memref<64x4096xi32, #tpu.memory_space<vmem>>) attributes {dimension_semantics = [#tpu.dimension_semantics<arbitrary>], iteration_bounds = array<i64: 16>, scalar_prefetch = 0 : i64, scratch_operands = 0 : i64, tpu.core_type = #tpu.core_type<tc>, window_params = [{transform_indices = @transform_0, window_bounds = array<i64: 64, 4096>}, {transform_indices = @transform_1, window_bounds = array<i64: 64, 4>}, {transform_indices = @transform_2, window_bounds = array<i64: 64, 4096>}, {transform_indices = @transform_3, window_bounds = array<i64: 64, 4, 4096>}, {transform_indices = @transform_4, window_bounds = array<i64: 64, 4096>}, {transform_indices = @transform_5, window_bounds = array<i64: 64, 4096>}]} {
    %get3A = arith.constant 0 : index
    %get3A_0 = arith.constant 0 : index
    %get3A_1 = vector.load %arg1[%get3A, %get3A_0] : memref<64x4096xf32, #tpu.memory_space<vmem>>, vector<64x4096xf32>
    %get3A_2 = arith.constant 0 : index
    %get3A_3 = arith.constant 0 : index
    %get3A_4 = vector.load %arg3[%get3A_2, %get3A_3] : memref<64x4096xf32, #tpu.memory_space<vmem>>, vector<64x4096xf32>
    %get3A_5 = arith.constant 0 : index
    %get3A_6 = arith.constant 0 : index
    %get3A_7 = vector.load %arg2[%get3A_5, %get3A_6] : memref<64x4xf32, #tpu.memory_space<vmem>>, vector<64x4xf32>
    %get3A_8 = arith.constant 0 : index
    %get3A_9 = arith.constant 0 : index
    %get3A_10 = arith.constant 0 : index
    %get3A_11 = vector.load %arg4[%get3A_8, %get3A_9, %get3A_10] : memref<64x4x4096xf32, #tpu.memory_space<vmem>>, vector<64x4x4096xf32>
    %add3A = arith.addf %get3A_1, %get3A_4 : vector<64x4096xf32>
    %mul3A = arith.mulf %get3A_1, %get3A_4 : vector<64x4096xf32>
    %sub3A = arith.subf %add3A, %mul3A : vector<64x4096xf32>
    %broadcast_in_dim3A = arith.constant 1.000000e+00 : f32
    %broadcast_in_dim3A_12 = vector.broadcast %broadcast_in_dim3A : f32 to vector<64x4096xf32>
    %slice3A = vector.extract_strided_slice %get3A_11 {offsets = [0, 0, 0], sizes = [64, 1, 4096], strides = [1, 1, 1]} : vector<64x4x4096xf32> to vector<64x1x4096xf32>
    %squeeze3A = vector.shape_cast %slice3A : vector<64x1x4096xf32> to vector<64x4096xf32>
    %slice3A_13 = vector.extract_strided_slice %get3A_7 {offsets = [0, 0], sizes = [64, 1], strides = [1, 1]} : vector<64x4xf32> to vector<64x1xf32>
    %squeeze3A_14 = vector.shape_cast %slice3A_13 : vector<64x1xf32> to vector<64xf32>
    %broadcast_in_dim3A_15 = vector.shape_cast %squeeze3A_14 : vector<64xf32> to vector<64x1xf32>
    %mul3A_16 = vector.broadcast %broadcast_in_dim3A_15 : vector<64x1xf32> to vector<64x4096xf32>
    %mul3A_17 = arith.mulf %squeeze3A, %mul3A_16 : vector<64x4096xf32>
    %sub3A_18 = arith.constant 1.000000e+00 : f32
    %sub3A_19 = vector.broadcast %sub3A_18 : f32 to vector<64x4096xf32>
    %sub3A_20 = arith.subf %sub3A_19, %mul3A_17 : vector<64x4096xf32>
    %mul3A_21 = arith.mulf %broadcast_in_dim3A_12, %sub3A_20 : vector<64x4096xf32>
    %slice3A_22 = vector.extract_strided_slice %get3A_11 {offsets = [0, 1, 0], sizes = [64, 1, 4096], strides = [1, 1, 1]} : vector<64x4x4096xf32> to vector<64x1x4096xf32>
    %squeeze3A_23 = vector.shape_cast %slice3A_22 : vector<64x1x4096xf32> to vector<64x4096xf32>
    %slice3A_24 = vector.extract_strided_slice %get3A_7 {offsets = [0, 1], sizes = [64, 1], strides = [1, 1]} : vector<64x4xf32> to vector<64x1xf32>
    %squeeze3A_25 = vector.shape_cast %slice3A_24 : vector<64x1xf32> to vector<64xf32>
    %broadcast_in_dim3A_26 = vector.shape_cast %squeeze3A_25 : vector<64xf32> to vector<64x1xf32>
    %mul3A_27 = vector.broadcast %broadcast_in_dim3A_26 : vector<64x1xf32> to vector<64x4096xf32>
    %mul3A_28 = arith.mulf %squeeze3A_23, %mul3A_27 : vector<64x4096xf32>
    %sub3A_29 = arith.constant 1.000000e+00 : f32
    %sub3A_30 = vector.broadcast %sub3A_29 : f32 to vector<64x4096xf32>
    %sub3A_31 = arith.subf %sub3A_30, %mul3A_28 : vector<64x4096xf32>
    %mul3A_32 = arith.mulf %mul3A_21, %sub3A_31 : vector<64x4096xf32>
    %slice3A_33 = vector.extract_strided_slice %get3A_11 {offsets = [0, 2, 0], sizes = [64, 1, 4096], strides = [1, 1, 1]} : vector<64x4x4096xf32> to vector<64x1x4096xf32>
    %squeeze3A_34 = vector.shape_cast %slice3A_33 : vector<64x1x4096xf32> to vector<64x4096xf32>
    %slice3A_35 = vector.extract_strided_slice %get3A_7 {offsets = [0, 2], sizes = [64, 1], strides = [1, 1]} : vector<64x4xf32> to vector<64x1xf32>
    %squeeze3A_36 = vector.shape_cast %slice3A_35 : vector<64x1xf32> to vector<64xf32>
    %broadcast_in_dim3A_37 = vector.shape_cast %squeeze3A_36 : vector<64xf32> to vector<64x1xf32>
    %mul3A_38 = vector.broadcast %broadcast_in_dim3A_37 : vector<64x1xf32> to vector<64x4096xf32>
    %mul3A_39 = arith.mulf %squeeze3A_34, %mul3A_38 : vector<64x4096xf32>
    %sub3A_40 = arith.constant 1.000000e+00 : f32
    %sub3A_41 = vector.broadcast %sub3A_40 : f32 to vector<64x4096xf32>
    %sub3A_42 = arith.subf %sub3A_41, %mul3A_39 : vector<64x4096xf32>
    %mul3A_43 = arith.mulf %mul3A_32, %sub3A_42 : vector<64x4096xf32>
    %slice3A_44 = vector.extract_strided_slice %get3A_11 {offsets = [0, 3, 0], sizes = [64, 1, 4096], strides = [1, 1, 1]} : vector<64x4x4096xf32> to vector<64x1x4096xf32>
    %squeeze3A_45 = vector.shape_cast %slice3A_44 : vector<64x1x4096xf32> to vector<64x4096xf32>
    %slice3A_46 = vector.extract_strided_slice %get3A_7 {offsets = [0, 3], sizes = [64, 1], strides = [1, 1]} : vector<64x4xf32> to vector<64x1xf32>
    %squeeze3A_47 = vector.shape_cast %slice3A_46 : vector<64x1xf32> to vector<64xf32>
    %broadcast_in_dim3A_48 = vector.shape_cast %squeeze3A_47 : vector<64xf32> to vector<64x1xf32>
    %mul3A_49 = vector.broadcast %broadcast_in_dim3A_48 : vector<64x1xf32> to vector<64x4096xf32>
    %mul3A_50 = arith.mulf %squeeze3A_45, %mul3A_49 : vector<64x4096xf32>
    %sub3A_51 = arith.constant 1.000000e+00 : f32
    %sub3A_52 = vector.broadcast %sub3A_51 : f32 to vector<64x4096xf32>
    %sub3A_53 = arith.subf %sub3A_52, %mul3A_50 : vector<64x4096xf32>
    %mul3A_54 = arith.mulf %mul3A_43, %sub3A_53 : vector<64x4096xf32>
    %mul3A_55 = arith.mulf %sub3A, %mul3A_54 : vector<64x4096xf32>
    %swap3A = arith.constant 0 : index
    %swap3A_56 = arith.constant 0 : index
    %swap3A_57 = vector.load %arg5[%swap3A, %swap3A_56] : memref<64x4096xf32, #tpu.memory_space<vmem>>, vector<64x4096xf32>
    tpu.vector_store %arg5[%swap3A, %swap3A_56], %mul3A_55 {strides = array<i32>} : memref<64x4096xf32, #tpu.memory_space<vmem>>, vector<64x4096xf32>,
    %broadcast_in_dim3A_58 = arith.constant 1.000000e+00 : f32
    %broadcast_in_dim3A_59 = vector.broadcast %broadcast_in_dim3A_58 : f32 to vector<4096x1xf32>
    %broadcast_in_dim3A_60 = arith.constant 0.000000e+00 : f32
    %broadcast_in_dim3A_61 = vector.broadcast %broadcast_in_dim3A_60 : f32 to vector<64x1xf32>
    %broadcast_in_dim3A_62 = arith.constant 1.000000e+00 : f32
    %broadcast_in_dim3A_63 = vector.broadcast %broadcast_in_dim3A_62 : f32 to vector<64x1xf32>
    %broadcast_in_dim3A_64 = arith.constant 1.000000e+00 : f32
    %broadcast_in_dim3A_65 = vector.broadcast %broadcast_in_dim3A_64 : f32 to vector<64x1xf32>
    %broadcast_in_dim3A_66 = arith.constant false
    %broadcast_in_dim3A_67 = vector.broadcast %broadcast_in_dim3A_66 : i1 to vector<64x1xi1>
    %add3A_68 = arith.addf %broadcast_in_dim3A_61, %broadcast_in_dim3A_63 : vector<64x1xf32>
    %mul3A_69 = arith.constant 5.000000e-01 : f32
    %mul3A_70 = vector.broadcast %mul3A_69 : f32 to vector<64x1xf32>
    %mul3A_71 = arith.mulf %mul3A_70, %add3A_68 : vector<64x1xf32>
    %le3A = vector.broadcast %mul3A_71 : vector<64x1xf32> to vector<64x4096xf32>
    %le3A_72 = arith.cmpf ole, %mul3A_55, %le3A : vector<64x4096xf32>
    %jit3A = arith.constant 1.000000e+00 : f32
    %jit3A_73 = arith.constant 0.000000e+00 : f32
    %broadcast_in_dim3A_74 = vector.broadcast %jit3A : f32 to vector<64x4096xf32>
    %broadcast_in_dim3A_75 = vector.broadcast %jit3A_73 : f32 to vector<64x4096xf32>
    %select_n3A = arith.select %le3A_72, %broadcast_in_dim3A_74, %broadcast_in_dim3A_75 : vector<64x4096xi1>, vector<64x4096xf32>
    %dot_general3A = arith.constant dense<0.000000e+00> : vector<64x1xf32>
    %dot_general3A_76 = tpu.matmul %select_n3A, %broadcast_in_dim3A_59, %dot_general3A {dimension_numbers = #tpu.dot_dimension_numbers<[1], [0], [0], [1], [0, 0, 1, 1], [], []>, transpose_lhs_hint = false} : vector<64x4096xf32>, vector<4096x1xf32>, vector<64x1xf32> -> vector<64x1xf32>
    %ge3A = arith.constant 5.600000e+01 : f32
    %ge3A_77 = vector.broadcast %ge3A : f32 to vector<64x1xf32>
    %ge3A_78 = arith.cmpf oge, %dot_general3A_76, %ge3A_77 : vector<64x1xf32>
    %le3A_79 = arith.constant 8.000000e+01 : f32
    %le3A_80 = vector.broadcast %le3A_79 : f32 to vector<64x1xf32>
    %le3A_81 = arith.cmpf ole, %dot_general3A_76, %le3A_80 : vector<64x1xf32>
    %and3A = arith.andi %ge3A_78, %le3A_81 : vector<64x1xi1>
    %not3A = arith.constant dense<true> : vector<64x1xi1>
    %not3A_82 = arith.xori %broadcast_in_dim3A_67, %not3A : vector<64x1xi1>
    %and3A_83 = arith.andi %and3A, %not3A_82 : vector<64x1xi1>
    %select_n3A_84 = arith.select %and3A_83, %mul3A_71, %broadcast_in_dim3A_65 : vector<64x1xi1>, vector<64x1xf32>
    %or3A = arith.ori %broadcast_in_dim3A_67, %and3A : vector<64x1xi1>
    %lt3A = arith.constant 5.600000e+01 : f32
    %lt3A_85 = vector.broadcast %lt3A : f32 to vector<64x1xf32>
    %lt3A_86 = arith.cmpf olt, %dot_general3A_76, %lt3A_85 : vector<64x1xf32>
    %select_n3A_87 = arith.select %lt3A_86, %mul3A_71, %broadcast_in_dim3A_61 : vector<64x1xi1>, vector<64x1xf32>
    %gt3A = arith.constant 8.000000e+01 : f32
    %gt3A_88 = vector.broadcast %gt3A : f32 to vector<64x1xf32>
    %gt3A_89 = arith.cmpf ogt, %dot_general3A_76, %gt3A_88 : vector<64x1xf32>
    %select_n3A_90 = arith.select %gt3A_89, %mul3A_71, %broadcast_in_dim3A_63 : vector<64x1xi1>, vector<64x1xf32>
    %add3A_91 = arith.addf %select_n3A_87, %select_n3A_90 : vector<64x1xf32>
    %mul3A_92 = arith.constant 5.000000e-01 : f32
    %mul3A_93 = vector.broadcast %mul3A_92 : f32 to vector<64x1xf32>
    %mul3A_94 = arith.mulf %mul3A_93, %add3A_91 : vector<64x1xf32>
    %le3A_95 = vector.broadcast %mul3A_94 : vector<64x1xf32> to vector<64x4096xf32>
    %le3A_96 = arith.cmpf ole, %mul3A_55, %le3A_95 : vector<64x4096xf32>
    %jit3A_97 = arith.constant 1.000000e+00 : f32
    %jit3A_98 = arith.constant 0.000000e+00 : f32
    %broadcast_in_dim3A_99 = vector.broadcast %jit3A_97 : f32 to vector<64x4096xf32>
    %broadcast_in_dim3A_100 = vector.broadcast %jit3A_98 : f32 to vector<64x4096xf32>
    %select_n3A_101 = arith.select %le3A_96, %broadcast_in_dim3A_99, %broadcast_in_dim3A_100 : vector<64x4096xi1>, vector<64x4096xf32>
    %dot_general3A_102 = arith.constant dense<0.000000e+00> : vector<64x1xf32>
    %dot_general3A_103 = tpu.matmul %select_n3A_101, %broadcast_in_dim3A_59, %dot_general3A_102 {dimension_numbers = #tpu.dot_dimension_numbers<[1], [0], [0], [1], [0, 0, 1, 1], [], []>, transpose_lhs_hint = false} : vector<64x4096xf32>, vector<4096x1xf32>, vector<64x1xf32> -> vector<64x1xf32>
    %ge3A_104 = arith.constant 5.600000e+01 : f32
    %ge3A_105 = vector.broadcast %ge3A_104 : f32 to vector<64x1xf32>
    %ge3A_106 = arith.cmpf oge, %dot_general3A_103, %ge3A_105 : vector<64x1xf32>
    %le3A_107 = arith.constant 8.000000e+01 : f32
    %le3A_108 = vector.broadcast %le3A_107 : f32 to vector<64x1xf32>
    %le3A_109 = arith.cmpf ole, %dot_general3A_103, %le3A_108 : vector<64x1xf32>
    %and3A_110 = arith.andi %ge3A_106, %le3A_109 : vector<64x1xi1>
    %not3A_111 = arith.constant dense<true> : vector<64x1xi1>
    %not3A_112 = arith.xori %or3A, %not3A_111 : vector<64x1xi1>
    %and3A_113 = arith.andi %and3A_110, %not3A_112 : vector<64x1xi1>
    %select_n3A_114 = arith.select %and3A_113, %mul3A_94, %select_n3A_84 : vector<64x1xi1>, vector<64x1xf32>
    %or3A_115 = arith.ori %or3A, %and3A_110 : vector<64x1xi1>
    %lt3A_116 = arith.constant 5.600000e+01 : f32
    %lt3A_117 = vector.broadcast %lt3A_116 : f32 to vector<64x1xf32>
    %lt3A_118 = arith.cmpf olt, %dot_general3A_103, %lt3A_117 : vector<64x1xf32>
    %select_n3A_119 = arith.select %lt3A_118, %mul3A_94, %select_n3A_87 : vector<64x1xi1>, vector<64x1xf32>
    %gt3A_120 = arith.constant 8.000000e+01 : f32
    %gt3A_121 = vector.broadcast %gt3A_120 : f32 to vector<64x1xf32>
    %gt3A_122 = arith.cmpf ogt, %dot_general3A_103, %gt3A_121 : vector<64x1xf32>
    %select_n3A_123 = arith.select %gt3A_122, %mul3A_94, %select_n3A_90 : vector<64x1xi1>, vector<64x1xf32>
    %add3A_124 = arith.addf %select_n3A_119, %select_n3A_123 : vector<64x1xf32>
    %mul3A_125 = arith.constant 5.000000e-01 : f32
    %mul3A_126 = vector.broadcast %mul3A_125 : f32 to vector<64x1xf32>
    %mul3A_127 = arith.mulf %mul3A_126, %add3A_124 : vector<64x1xf32>
    %le3A_128 = vector.broadcast %mul3A_127 : vector<64x1xf32> to vector<64x4096xf32>
    %le3A_129 = arith.cmpf ole, %mul3A_55, %le3A_128 : vector<64x4096xf32>
    %jit3A_130 = arith.constant 1.000000e+00 : f32
    %jit3A_131 = arith.constant 0.000000e+00 : f32
    %broadcast_in_dim3A_132 = vector.broadcast %jit3A_130 : f32 to vector<64x4096xf32>
    %broadcast_in_dim3A_133 = vector.broadcast %jit3A_131 : f32 to vector<64x4096xf32>
    %select_n3A_134 = arith.select %le3A_129, %broadcast_in_dim3A_132, %broadcast_in_dim3A_133 : vector<64x4096xi1>, vector<64x4096xf32>
    %dot_general3A_135 = arith.constant dense<0.000000e+00> : vector<64x1xf32>
    %dot_general3A_136 = tpu.matmul %select_n3A_134, %broadcast_in_dim3A_59, %dot_general3A_135 {dimension_numbers = #tpu.dot_dimension_numbers<[1], [0], [0], [1], [0, 0, 1, 1], [], []>, transpose_lhs_hint = false} : vector<64x4096xf32>, vector<4096x1xf32>, vector<64x1xf32> -> vector<64x1xf32>
    %ge3A_137 = arith.constant 5.600000e+01 : f32
    %ge3A_138 = vector.broadcast %ge3A_137 : f32 to vector<64x1xf32>
    %ge3A_139 = arith.cmpf oge, %dot_general3A_136, %ge3A_138 : vector<64x1xf32>
    %le3A_140 = arith.constant 8.000000e+01 : f32
    %le3A_141 = vector.broadcast %le3A_140 : f32 to vector<64x1xf32>
    %le3A_142 = arith.cmpf ole, %dot_general3A_136, %le3A_141 : vector<64x1xf32>
    %and3A_143 = arith.andi %ge3A_139, %le3A_142 : vector<64x1xi1>
    %not3A_144 = arith.constant dense<true> : vector<64x1xi1>
    %not3A_145 = arith.xori %or3A_115, %not3A_144 : vector<64x1xi1>
    %and3A_146 = arith.andi %and3A_143, %not3A_145 : vector<64x1xi1>
    %select_n3A_147 = arith.select %and3A_146, %mul3A_127, %select_n3A_114 : vector<64x1xi1>, vector<64x1xf32>
    %or3A_148 = arith.ori %or3A_115, %and3A_143 : vector<64x1xi1>
    %lt3A_149 = arith.constant 5.600000e+01 : f32
    %lt3A_150 = vector.broadcast %lt3A_149 : f32 to vector<64x1xf32>
    %lt3A_151 = arith.cmpf olt, %dot_general3A_136, %lt3A_150 : vector<64x1xf32>
    %select_n3A_152 = arith.select %lt3A_151, %mul3A_127, %select_n3A_119 : vector<64x1xi1>, vector<64x1xf32>
    %gt3A_153 = arith.constant 8.000000e+01 : f32
    %gt3A_154 = vector.broadcast %gt3A_153 : f32 to vector<64x1xf32>
    %gt3A_155 = arith.cmpf ogt, %dot_general3A_136, %gt3A_154 : vector<64x1xf32>
    %select_n3A_156 = arith.select %gt3A_155, %mul3A_127, %select_n3A_123 : vector<64x1xi1>, vector<64x1xf32>
    %add3A_157 = arith.addf %select_n3A_152, %select_n3A_156 : vector<64x1xf32>
    %mul3A_158 = arith.constant 5.000000e-01 : f32
    %mul3A_159 = vector.broadcast %mul3A_158 : f32 to vector<64x1xf32>
    %mul3A_160 = arith.mulf %mul3A_159, %add3A_157 : vector<64x1xf32>
    %le3A_161 = vector.broadcast %mul3A_160 : vector<64x1xf32> to vector<64x4096xf32>
    %le3A_162 = arith.cmpf ole, %mul3A_55, %le3A_161 : vector<64x4096xf32>
    %jit3A_163 = arith.constant 1.000000e+00 : f32
    %jit3A_164 = arith.constant 0.000000e+00 : f32
    %broadcast_in_dim3A_165 = vector.broadcast %jit3A_163 : f32 to vector<64x4096xf32>
    %broadcast_in_dim3A_166 = vector.broadcast %jit3A_164 : f32 to vector<64x4096xf32>
    %select_n3A_167 = arith.select %le3A_162, %broadcast_in_dim3A_165, %broadcast_in_dim3A_166 : vector<64x4096xi1>, vector<64x4096xf32>
    %dot_general3A_168 = arith.constant dense<0.000000e+00> : vector<64x1xf32>
    %dot_general3A_169 = tpu.matmul %select_n3A_167, %broadcast_in_dim3A_59, %dot_general3A_168 {dimension_numbers = #tpu.dot_dimension_numbers<[1], [0], [0], [1], [0, 0, 1, 1], [], []>, transpose_lhs_hint = false} : vector<64x4096xf32>, vector<4096x1xf32>, vector<64x1xf32> -> vector<64x1xf32>
    %ge3A_170 = arith.constant 5.600000e+01 : f32
    %ge3A_171 = vector.broadcast %ge3A_170 : f32 to vector<64x1xf32>
    %ge3A_172 = arith.cmpf oge, %dot_general3A_169, %ge3A_171 : vector<64x1xf32>
    %le3A_173 = arith.constant 8.000000e+01 : f32
    %le3A_174 = vector.broadcast %le3A_173 : f32 to vector<64x1xf32>
    %le3A_175 = arith.cmpf ole, %dot_general3A_169, %le3A_174 : vector<64x1xf32>
    %and3A_176 = arith.andi %ge3A_172, %le3A_175 : vector<64x1xi1>
    %not3A_177 = arith.constant dense<true> : vector<64x1xi1>
    %not3A_178 = arith.xori %or3A_148, %not3A_177 : vector<64x1xi1>
    %and3A_179 = arith.andi %and3A_176, %not3A_178 : vector<64x1xi1>
    %select_n3A_180 = arith.select %and3A_179, %mul3A_160, %select_n3A_147 : vector<64x1xi1>, vector<64x1xf32>
    %or3A_181 = arith.ori %or3A_148, %and3A_176 : vector<64x1xi1>
    %lt3A_182 = arith.constant 5.600000e+01 : f32
    %lt3A_183 = vector.broadcast %lt3A_182 : f32 to vector<64x1xf32>
    %lt3A_184 = arith.cmpf olt, %dot_general3A_169, %lt3A_183 : vector<64x1xf32>
    %select_n3A_185 = arith.select %lt3A_184, %mul3A_160, %select_n3A_152 : vector<64x1xi1>, vector<64x1xf32>
    %gt3A_186 = arith.constant 8.000000e+01 : f32
    %gt3A_187 = vector.broadcast %gt3A_186 : f32 to vector<64x1xf32>
    %gt3A_188 = arith.cmpf ogt, %dot_general3A_169, %gt3A_187 : vector<64x1xf32>
    %select_n3A_189 = arith.select %gt3A_188, %mul3A_160, %select_n3A_156 : vector<64x1xi1>, vector<64x1xf32>
    %add3A_190 = arith.addf %select_n3A_185, %select_n3A_189 : vector<64x1xf32>
    %mul3A_191 = arith.constant 5.000000e-01 : f32
    %mul3A_192 = vector.broadcast %mul3A_191 : f32 to vector<64x1xf32>
    %mul3A_193 = arith.mulf %mul3A_192, %add3A_190 : vector<64x1xf32>
    %le3A_194 = vector.broadcast %mul3A_193 : vector<64x1xf32> to vector<64x4096xf32>
    %le3A_195 = arith.cmpf ole, %mul3A_55, %le3A_194 : vector<64x4096xf32>
    %jit3A_196 = arith.constant 1.000000e+00 : f32
    %jit3A_197 = arith.constant 0.000000e+00 : f32
    %broadcast_in_dim3A_198 = vector.broadcast %jit3A_196 : f32 to vector<64x4096xf32>
    %broadcast_in_dim3A_199 = vector.broadcast %jit3A_197 : f32 to vector<64x4096xf32>
    %select_n3A_200 = arith.select %le3A_195, %broadcast_in_dim3A_198, %broadcast_in_dim3A_199 : vector<64x4096xi1>, vector<64x4096xf32>
    %dot_general3A_201 = arith.constant dense<0.000000e+00> : vector<64x1xf32>
    %dot_general3A_202 = tpu.matmul %select_n3A_200, %broadcast_in_dim3A_59, %dot_general3A_201 {dimension_numbers = #tpu.dot_dimension_numbers<[1], [0], [0], [1], [0, 0, 1, 1], [], []>, transpose_lhs_hint = false} : vector<64x4096xf32>, vector<4096x1xf32>, vector<64x1xf32> -> vector<64x1xf32>
    %ge3A_203 = arith.constant 5.600000e+01 : f32
    %ge3A_204 = vector.broadcast %ge3A_203 : f32 to vector<64x1xf32>
    %ge3A_205 = arith.cmpf oge, %dot_general3A_202, %ge3A_204 : vector<64x1xf32>
    %le3A_206 = arith.constant 8.000000e+01 : f32
    %le3A_207 = vector.broadcast %le3A_206 : f32 to vector<64x1xf32>
    %le3A_208 = arith.cmpf ole, %dot_general3A_202, %le3A_207 : vector<64x1xf32>
    %and3A_209 = arith.andi %ge3A_205, %le3A_208 : vector<64x1xi1>
    %not3A_210 = arith.constant dense<true> : vector<64x1xi1>
    %not3A_211 = arith.xori %or3A_181, %not3A_210 : vector<64x1xi1>
    %and3A_212 = arith.andi %and3A_209, %not3A_211 : vector<64x1xi1>
    %select_n3A_213 = arith.select %and3A_212, %mul3A_193, %select_n3A_180 : vector<64x1xi1>, vector<64x1xf32>
    %or3A_214 = arith.ori %or3A_181, %and3A_209 : vector<64x1xi1>
    %lt3A_215 = arith.constant 5.600000e+01 : f32
    %lt3A_216 = vector.broadcast %lt3A_215 : f32 to vector<64x1xf32>
    %lt3A_217 = arith.cmpf olt, %dot_general3A_202, %lt3A_216 : vector<64x1xf32>
    %select_n3A_218 = arith.select %lt3A_217, %mul3A_193, %select_n3A_185 : vector<64x1xi1>, vector<64x1xf32>
    %gt3A_219 = arith.constant 8.000000e+01 : f32
    %gt3A_220 = vector.broadcast %gt3A_219 : f32 to vector<64x1xf32>
    %gt3A_221 = arith.cmpf ogt, %dot_general3A_202, %gt3A_220 : vector<64x1xf32>
    %select_n3A_222 = arith.select %gt3A_221, %mul3A_193, %select_n3A_189 : vector<64x1xi1>, vector<64x1xf32>
    %add3A_223 = arith.addf %select_n3A_218, %select_n3A_222 : vector<64x1xf32>
    %mul3A_224 = arith.constant 5.000000e-01 : f32
    %mul3A_225 = vector.broadcast %mul3A_224 : f32 to vector<64x1xf32>
    %mul3A_226 = arith.mulf %mul3A_225, %add3A_223 : vector<64x1xf32>
    %le3A_227 = vector.broadcast %mul3A_226 : vector<64x1xf32> to vector<64x4096xf32>
    %le3A_228 = arith.cmpf ole, %mul3A_55, %le3A_227 : vector<64x4096xf32>
    %jit3A_229 = arith.constant 1.000000e+00 : f32
    %jit3A_230 = arith.constant 0.000000e+00 : f32
    %broadcast_in_dim3A_231 = vector.broadcast %jit3A_229 : f32 to vector<64x4096xf32>
    %broadcast_in_dim3A_232 = vector.broadcast %jit3A_230 : f32 to vector<64x4096xf32>
    %select_n3A_233 = arith.select %le3A_228, %broadcast_in_dim3A_231, %broadcast_in_dim3A_232 : vector<64x4096xi1>, vector<64x4096xf32>
    %dot_general3A_234 = arith.constant dense<0.000000e+00> : vector<64x1xf32>
    %dot_general3A_235 = tpu.matmul %select_n3A_233, %broadcast_in_dim3A_59, %dot_general3A_234 {dimension_numbers = #tpu.dot_dimension_numbers<[1], [0], [0], [1], [0, 0, 1, 1], [], []>, transpose_lhs_hint = false} : vector<64x4096xf32>, vector<4096x1xf32>, vector<64x1xf32> -> vector<64x1xf32>
    %ge3A_236 = arith.constant 5.600000e+01 : f32
    %ge3A_237 = vector.broadcast %ge3A_236 : f32 to vector<64x1xf32>
    %ge3A_238 = arith.cmpf oge, %dot_general3A_235, %ge3A_237 : vector<64x1xf32>
    %le3A_239 = arith.constant 8.000000e+01 : f32
    %le3A_240 = vector.broadcast %le3A_239 : f32 to vector<64x1xf32>
    %le3A_241 = arith.cmpf ole, %dot_general3A_235, %le3A_240 : vector<64x1xf32>
    %and3A_242 = arith.andi %ge3A_238, %le3A_241 : vector<64x1xi1>
    %not3A_243 = arith.constant dense<true> : vector<64x1xi1>
    %not3A_244 = arith.xori %or3A_214, %not3A_243 : vector<64x1xi1>
    %and3A_245 = arith.andi %and3A_242, %not3A_244 : vector<64x1xi1>
    %select_n3A_246 = arith.select %and3A_245, %mul3A_226, %select_n3A_213 : vector<64x1xi1>, vector<64x1xf32>
    %or3A_247 = arith.ori %or3A_214, %and3A_242 : vector<64x1xi1>
    %lt3A_248 = arith.constant 5.600000e+01 : f32
    %lt3A_249 = vector.broadcast %lt3A_248 : f32 to vector<64x1xf32>
    %lt3A_250 = arith.cmpf olt, %dot_general3A_235, %lt3A_249 : vector<64x1xf32>
    %select_n3A_251 = arith.select %lt3A_250, %mul3A_226, %select_n3A_218 : vector<64x1xi1>, vector<64x1xf32>
    %gt3A_252 = arith.constant 8.000000e+01 : f32
    %gt3A_253 = vector.broadcast %gt3A_252 : f32 to vector<64x1xf32>
    %gt3A_254 = arith.cmpf ogt, %dot_general3A_235, %gt3A_253 : vector<64x1xf32>
    %select_n3A_255 = arith.select %gt3A_254, %mul3A_226, %select_n3A_222 : vector<64x1xi1>, vector<64x1xf32>
    %add3A_256 = arith.addf %select_n3A_251, %select_n3A_255 : vector<64x1xf32>
    %mul3A_257 = arith.constant 5.000000e-01 : f32
    %mul3A_258 = vector.broadcast %mul3A_257 : f32 to vector<64x1xf32>
    %mul3A_259 = arith.mulf %mul3A_258, %add3A_256 : vector<64x1xf32>
    %le3A_260 = vector.broadcast %mul3A_259 : vector<64x1xf32> to vector<64x4096xf32>
    %le3A_261 = arith.cmpf ole, %mul3A_55, %le3A_260 : vector<64x4096xf32>
    %jit3A_262 = arith.constant 1.000000e+00 : f32
    %jit3A_263 = arith.constant 0.000000e+00 : f32
    %broadcast_in_dim3A_264 = vector.broadcast %jit3A_262 : f32 to vector<64x4096xf32>
    %broadcast_in_dim3A_265 = vector.broadcast %jit3A_263 : f32 to vector<64x4096xf32>
    %select_n3A_266 = arith.select %le3A_261, %broadcast_in_dim3A_264, %broadcast_in_dim3A_265 : vector<64x4096xi1>, vector<64x4096xf32>
    %dot_general3A_267 = arith.constant dense<0.000000e+00> : vector<64x1xf32>
    %dot_general3A_268 = tpu.matmul %select_n3A_266, %broadcast_in_dim3A_59, %dot_general3A_267 {dimension_numbers = #tpu.dot_dimension_numbers<[1], [0], [0], [1], [0, 0, 1, 1], [], []>, transpose_lhs_hint = false} : vector<64x4096xf32>, vector<4096x1xf32>, vector<64x1xf32> -> vector<64x1xf32>
    %ge3A_269 = arith.constant 5.600000e+01 : f32
    %ge3A_270 = vector.broadcast %ge3A_269 : f32 to vector<64x1xf32>
    %ge3A_271 = arith.cmpf oge, %dot_general3A_268, %ge3A_270 : vector<64x1xf32>
    %le3A_272 = arith.constant 8.000000e+01 : f32
    %le3A_273 = vector.broadcast %le3A_272 : f32 to vector<64x1xf32>
    %le3A_274 = arith.cmpf ole, %dot_general3A_268, %le3A_273 : vector<64x1xf32>
    %and3A_275 = arith.andi %ge3A_271, %le3A_274 : vector<64x1xi1>
    %not3A_276 = arith.constant dense<true> : vector<64x1xi1>
    %not3A_277 = arith.xori %or3A_247, %not3A_276 : vector<64x1xi1>
    %and3A_278 = arith.andi %and3A_275, %not3A_277 : vector<64x1xi1>
    %select_n3A_279 = arith.select %and3A_278, %mul3A_259, %select_n3A_246 : vector<64x1xi1>, vector<64x1xf32>
    %or3A_280 = arith.ori %or3A_247, %and3A_275 : vector<64x1xi1>
    %lt3A_281 = arith.constant 5.600000e+01 : f32
    %lt3A_282 = vector.broadcast %lt3A_281 : f32 to vector<64x1xf32>
    %lt3A_283 = arith.cmpf olt, %dot_general3A_268, %lt3A_282 : vector<64x1xf32>
    %select_n3A_284 = arith.select %lt3A_283, %mul3A_259, %select_n3A_251 : vector<64x1xi1>, vector<64x1xf32>
    %gt3A_285 = arith.constant 8.000000e+01 : f32
    %gt3A_286 = vector.broadcast %gt3A_285 : f32 to vector<64x1xf32>
    %gt3A_287 = arith.cmpf ogt, %dot_general3A_268, %gt3A_286 : vector<64x1xf32>
    %select_n3A_288 = arith.select %gt3A_287, %mul3A_259, %select_n3A_255 : vector<64x1xi1>, vector<64x1xf32>
    %add3A_289 = arith.addf %select_n3A_284, %select_n3A_288 : vector<64x1xf32>
    %mul3A_290 = arith.constant 5.000000e-01 : f32
    %mul3A_291 = vector.broadcast %mul3A_290 : f32 to vector<64x1xf32>
    %mul3A_292 = arith.mulf %mul3A_291, %add3A_289 : vector<64x1xf32>
    %le3A_293 = vector.broadcast %mul3A_292 : vector<64x1xf32> to vector<64x4096xf32>
    %le3A_294 = arith.cmpf ole, %mul3A_55, %le3A_293 : vector<64x4096xf32>
    %jit3A_295 = arith.constant 1.000000e+00 : f32
    %jit3A_296 = arith.constant 0.000000e+00 : f32
    %broadcast_in_dim3A_297 = vector.broadcast %jit3A_295 : f32 to vector<64x4096xf32>
    %broadcast_in_dim3A_298 = vector.broadcast %jit3A_296 : f32 to vector<64x4096xf32>
    %select_n3A_299 = arith.select %le3A_294, %broadcast_in_dim3A_297, %broadcast_in_dim3A_298 : vector<64x4096xi1>, vector<64x4096xf32>
    %dot_general3A_300 = arith.constant dense<0.000000e+00> : vector<64x1xf32>
    %dot_general3A_301 = tpu.matmul %select_n3A_299, %broadcast_in_dim3A_59, %dot_general3A_300 {dimension_numbers = #tpu.dot_dimension_numbers<[1], [0], [0], [1], [0, 0, 1, 1], [], []>, transpose_lhs_hint = false} : vector<64x4096xf32>, vector<4096x1xf32>, vector<64x1xf32> -> vector<64x1xf32>
    %ge3A_302 = arith.constant 5.600000e+01 : f32
    %ge3A_303 = vector.broadcast %ge3A_302 : f32 to vector<64x1xf32>
    %ge3A_304 = arith.cmpf oge, %dot_general3A_301, %ge3A_303 : vector<64x1xf32>
    %le3A_305 = arith.constant 8.000000e+01 : f32
    %le3A_306 = vector.broadcast %le3A_305 : f32 to vector<64x1xf32>
    %le3A_307 = arith.cmpf ole, %dot_general3A_301, %le3A_306 : vector<64x1xf32>
    %and3A_308 = arith.andi %ge3A_304, %le3A_307 : vector<64x1xi1>
    %not3A_309 = arith.constant dense<true> : vector<64x1xi1>
    %not3A_310 = arith.xori %or3A_280, %not3A_309 : vector<64x1xi1>
    %and3A_311 = arith.andi %and3A_308, %not3A_310 : vector<64x1xi1>
    %select_n3A_312 = arith.select %and3A_311, %mul3A_292, %select_n3A_279 : vector<64x1xi1>, vector<64x1xf32>
    %or3A_313 = arith.ori %or3A_280, %and3A_308 : vector<64x1xi1>
    %lt3A_314 = arith.constant 5.600000e+01 : f32
    %lt3A_315 = vector.broadcast %lt3A_314 : f32 to vector<64x1xf32>
    %lt3A_316 = arith.cmpf olt, %dot_general3A_301, %lt3A_315 : vector<64x1xf32>
    %select_n3A_317 = arith.select %lt3A_316, %mul3A_292, %select_n3A_284 : vector<64x1xi1>, vector<64x1xf32>
    %gt3A_318 = arith.constant 8.000000e+01 : f32
    %gt3A_319 = vector.broadcast %gt3A_318 : f32 to vector<64x1xf32>
    %gt3A_320 = arith.cmpf ogt, %dot_general3A_301, %gt3A_319 : vector<64x1xf32>
    %select_n3A_321 = arith.select %gt3A_320, %mul3A_292, %select_n3A_288 : vector<64x1xi1>, vector<64x1xf32>
    %add3A_322 = arith.addf %select_n3A_317, %select_n3A_321 : vector<64x1xf32>
    %mul3A_323 = arith.constant 5.000000e-01 : f32
    %mul3A_324 = vector.broadcast %mul3A_323 : f32 to vector<64x1xf32>
    %mul3A_325 = arith.mulf %mul3A_324, %add3A_322 : vector<64x1xf32>
    %le3A_326 = vector.broadcast %mul3A_325 : vector<64x1xf32> to vector<64x4096xf32>
    %le3A_327 = arith.cmpf ole, %mul3A_55, %le3A_326 : vector<64x4096xf32>
    %jit3A_328 = arith.constant 1.000000e+00 : f32
    %jit3A_329 = arith.constant 0.000000e+00 : f32
    %broadcast_in_dim3A_330 = vector.broadcast %jit3A_328 : f32 to vector<64x4096xf32>
    %broadcast_in_dim3A_331 = vector.broadcast %jit3A_329 : f32 to vector<64x4096xf32>
    %select_n3A_332 = arith.select %le3A_327, %broadcast_in_dim3A_330, %broadcast_in_dim3A_331 : vector<64x4096xi1>, vector<64x4096xf32>
    %dot_general3A_333 = arith.constant dense<0.000000e+00> : vector<64x1xf32>
    %dot_general3A_334 = tpu.matmul %select_n3A_332, %broadcast_in_dim3A_59, %dot_general3A_333 {dimension_numbers = #tpu.dot_dimension_numbers<[1], [0], [0], [1], [0, 0, 1, 1], [], []>, transpose_lhs_hint = false} : vector<64x4096xf32>, vector<4096x1xf32>, vector<64x1xf32> -> vector<64x1xf32>
    %ge3A_335 = arith.constant 5.600000e+01 : f32
    %ge3A_336 = vector.broadcast %ge3A_335 : f32 to vector<64x1xf32>
    %ge3A_337 = arith.cmpf oge, %dot_general3A_334, %ge3A_336 : vector<64x1xf32>
    %le3A_338 = arith.constant 8.000000e+01 : f32
    %le3A_339 = vector.broadcast %le3A_338 : f32 to vector<64x1xf32>
    %le3A_340 = arith.cmpf ole, %dot_general3A_334, %le3A_339 : vector<64x1xf32>
    %and3A_341 = arith.andi %ge3A_337, %le3A_340 : vector<64x1xi1>
    %not3A_342 = arith.constant dense<true> : vector<64x1xi1>
    %not3A_343 = arith.xori %or3A_313, %not3A_342 : vector<64x1xi1>
    %and3A_344 = arith.andi %and3A_341, %not3A_343 : vector<64x1xi1>
    %select_n3A_345 = arith.select %and3A_344, %mul3A_325, %select_n3A_312 : vector<64x1xi1>, vector<64x1xf32>
    %or3A_346 = arith.ori %or3A_313, %and3A_341 : vector<64x1xi1>
    %lt3A_347 = arith.constant 5.600000e+01 : f32
    %lt3A_348 = vector.broadcast %lt3A_347 : f32 to vector<64x1xf32>
    %lt3A_349 = arith.cmpf olt, %dot_general3A_334, %lt3A_348 : vector<64x1xf32>
    %select_n3A_350 = arith.select %lt3A_349, %mul3A_325, %select_n3A_317 : vector<64x1xi1>, vector<64x1xf32>
    %gt3A_351 = arith.constant 8.000000e+01 : f32
    %gt3A_352 = vector.broadcast %gt3A_351 : f32 to vector<64x1xf32>
    %gt3A_353 = arith.cmpf ogt, %dot_general3A_334, %gt3A_352 : vector<64x1xf32>
    %select_n3A_354 = arith.select %gt3A_353, %mul3A_325, %select_n3A_321 : vector<64x1xi1>, vector<64x1xf32>
    %add3A_355 = arith.addf %select_n3A_350, %select_n3A_354 : vector<64x1xf32>
    %mul3A_356 = arith.constant 5.000000e-01 : f32
    %mul3A_357 = vector.broadcast %mul3A_356 : f32 to vector<64x1xf32>
    %mul3A_358 = arith.mulf %mul3A_357, %add3A_355 : vector<64x1xf32>
    %le3A_359 = vector.broadcast %mul3A_358 : vector<64x1xf32> to vector<64x4096xf32>
    %le3A_360 = arith.cmpf ole, %mul3A_55, %le3A_359 : vector<64x4096xf32>
    %jit3A_361 = arith.constant 1.000000e+00 : f32
    %jit3A_362 = arith.constant 0.000000e+00 : f32
    %broadcast_in_dim3A_363 = vector.broadcast %jit3A_361 : f32 to vector<64x4096xf32>
    %broadcast_in_dim3A_364 = vector.broadcast %jit3A_362 : f32 to vector<64x4096xf32>
    %select_n3A_365 = arith.select %le3A_360, %broadcast_in_dim3A_363, %broadcast_in_dim3A_364 : vector<64x4096xi1>, vector<64x4096xf32>
    %dot_general3A_366 = arith.constant dense<0.000000e+00> : vector<64x1xf32>
    %dot_general3A_367 = tpu.matmul %select_n3A_365, %broadcast_in_dim3A_59, %dot_general3A_366 {dimension_numbers = #tpu.dot_dimension_numbers<[1], [0], [0], [1], [0, 0, 1, 1], [], []>, transpose_lhs_hint = false} : vector<64x4096xf32>, vector<4096x1xf32>, vector<64x1xf32> -> vector<64x1xf32>
    %ge3A_368 = arith.constant 5.600000e+01 : f32
    %ge3A_369 = vector.broadcast %ge3A_368 : f32 to vector<64x1xf32>
    %ge3A_370 = arith.cmpf oge, %dot_general3A_367, %ge3A_369 : vector<64x1xf32>
    %le3A_371 = arith.constant 8.000000e+01 : f32
    %le3A_372 = vector.broadcast %le3A_371 : f32 to vector<64x1xf32>
    %le3A_373 = arith.cmpf ole, %dot_general3A_367, %le3A_372 : vector<64x1xf32>
    %and3A_374 = arith.andi %ge3A_370, %le3A_373 : vector<64x1xi1>
    %not3A_375 = arith.constant dense<true> : vector<64x1xi1>
    %not3A_376 = arith.xori %or3A_346, %not3A_375 : vector<64x1xi1>
    %and3A_377 = arith.andi %and3A_374, %not3A_376 : vector<64x1xi1>
    %select_n3A_378 = arith.select %and3A_377, %mul3A_358, %select_n3A_345 : vector<64x1xi1>, vector<64x1xf32>
    %or3A_379 = arith.ori %or3A_346, %and3A_374 : vector<64x1xi1>
    %lt3A_380 = arith.constant 5.600000e+01 : f32
    %lt3A_381 = vector.broadcast %lt3A_380 : f32 to vector<64x1xf32>
    %lt3A_382 = arith.cmpf olt, %dot_general3A_367, %lt3A_381 : vector<64x1xf32>
    %select_n3A_383 = arith.select %lt3A_382, %mul3A_358, %select_n3A_350 : vector<64x1xi1>, vector<64x1xf32>
    %gt3A_384 = arith.constant 8.000000e+01 : f32
    %gt3A_385 = vector.broadcast %gt3A_384 : f32 to vector<64x1xf32>
    %gt3A_386 = arith.cmpf ogt, %dot_general3A_367, %gt3A_385 : vector<64x1xf32>
    %select_n3A_387 = arith.select %gt3A_386, %mul3A_358, %select_n3A_354 : vector<64x1xi1>, vector<64x1xf32>
    %add3A_388 = arith.addf %select_n3A_383, %select_n3A_387 : vector<64x1xf32>
    %mul3A_389 = arith.constant 5.000000e-01 : f32
    %mul3A_390 = vector.broadcast %mul3A_389 : f32 to vector<64x1xf32>
    %mul3A_391 = arith.mulf %mul3A_390, %add3A_388 : vector<64x1xf32>
    %le3A_392 = vector.broadcast %mul3A_391 : vector<64x1xf32> to vector<64x4096xf32>
    %le3A_393 = arith.cmpf ole, %mul3A_55, %le3A_392 : vector<64x4096xf32>
    %jit3A_394 = arith.constant 1.000000e+00 : f32
    %jit3A_395 = arith.constant 0.000000e+00 : f32
    %broadcast_in_dim3A_396 = vector.broadcast %jit3A_394 : f32 to vector<64x4096xf32>
    %broadcast_in_dim3A_397 = vector.broadcast %jit3A_395 : f32 to vector<64x4096xf32>
    %select_n3A_398 = arith.select %le3A_393, %broadcast_in_dim3A_396, %broadcast_in_dim3A_397 : vector<64x4096xi1>, vector<64x4096xf32>
    %dot_general3A_399 = arith.constant dense<0.000000e+00> : vector<64x1xf32>
    %dot_general3A_400 = tpu.matmul %select_n3A_398, %broadcast_in_dim3A_59, %dot_general3A_399 {dimension_numbers = #tpu.dot_dimension_numbers<[1], [0], [0], [1], [0, 0, 1, 1], [], []>, transpose_lhs_hint = false} : vector<64x4096xf32>, vector<4096x1xf32>, vector<64x1xf32> -> vector<64x1xf32>
    %ge3A_401 = arith.constant 5.600000e+01 : f32
    %ge3A_402 = vector.broadcast %ge3A_401 : f32 to vector<64x1xf32>
    %ge3A_403 = arith.cmpf oge, %dot_general3A_400, %ge3A_402 : vector<64x1xf32>
    %le3A_404 = arith.constant 8.000000e+01 : f32
    %le3A_405 = vector.broadcast %le3A_404 : f32 to vector<64x1xf32>
    %le3A_406 = arith.cmpf ole, %dot_general3A_400, %le3A_405 : vector<64x1xf32>
    %and3A_407 = arith.andi %ge3A_403, %le3A_406 : vector<64x1xi1>
    %not3A_408 = arith.constant dense<true> : vector<64x1xi1>
    %not3A_409 = arith.xori %or3A_379, %not3A_408 : vector<64x1xi1>
    %and3A_410 = arith.andi %and3A_407, %not3A_409 : vector<64x1xi1>
    %select_n3A_411 = arith.select %and3A_410, %mul3A_391, %select_n3A_378 : vector<64x1xi1>, vector<64x1xf32>
    %or3A_412 = arith.ori %or3A_379, %and3A_407 : vector<64x1xi1>
    %lt3A_413 = arith.constant 5.600000e+01 : f32
    %lt3A_414 = vector.broadcast %lt3A_413 : f32 to vector<64x1xf32>
    %lt3A_415 = arith.cmpf olt, %dot_general3A_400, %lt3A_414 : vector<64x1xf32>
    %select_n3A_416 = arith.select %lt3A_415, %mul3A_391, %select_n3A_383 : vector<64x1xi1>, vector<64x1xf32>
    %gt3A_417 = arith.constant 8.000000e+01 : f32
    %gt3A_418 = vector.broadcast %gt3A_417 : f32 to vector<64x1xf32>
    %gt3A_419 = arith.cmpf ogt, %dot_general3A_400, %gt3A_418 : vector<64x1xf32>
    %select_n3A_420 = arith.select %gt3A_419, %mul3A_391, %select_n3A_387 : vector<64x1xi1>, vector<64x1xf32>
    %add3A_421 = arith.addf %select_n3A_416, %select_n3A_420 : vector<64x1xf32>
    %mul3A_422 = arith.constant 5.000000e-01 : f32
    %mul3A_423 = vector.broadcast %mul3A_422 : f32 to vector<64x1xf32>
    %mul3A_424 = arith.mulf %mul3A_423, %add3A_421 : vector<64x1xf32>
    %le3A_425 = vector.broadcast %mul3A_424 : vector<64x1xf32> to vector<64x4096xf32>
    %le3A_426 = arith.cmpf ole, %mul3A_55, %le3A_425 : vector<64x4096xf32>
    %jit3A_427 = arith.constant 1.000000e+00 : f32
    %jit3A_428 = arith.constant 0.000000e+00 : f32
    %broadcast_in_dim3A_429 = vector.broadcast %jit3A_427 : f32 to vector<64x4096xf32>
    %broadcast_in_dim3A_430 = vector.broadcast %jit3A_428 : f32 to vector<64x4096xf32>
    %select_n3A_431 = arith.select %le3A_426, %broadcast_in_dim3A_429, %broadcast_in_dim3A_430 : vector<64x4096xi1>, vector<64x4096xf32>
    %dot_general3A_432 = arith.constant dense<0.000000e+00> : vector<64x1xf32>
    %dot_general3A_433 = tpu.matmul %select_n3A_431, %broadcast_in_dim3A_59, %dot_general3A_432 {dimension_numbers = #tpu.dot_dimension_numbers<[1], [0], [0], [1], [0, 0, 1, 1], [], []>, transpose_lhs_hint = false} : vector<64x4096xf32>, vector<4096x1xf32>, vector<64x1xf32> -> vector<64x1xf32>
    %ge3A_434 = arith.constant 5.600000e+01 : f32
    %ge3A_435 = vector.broadcast %ge3A_434 : f32 to vector<64x1xf32>
    %ge3A_436 = arith.cmpf oge, %dot_general3A_433, %ge3A_435 : vector<64x1xf32>
    %le3A_437 = arith.constant 8.000000e+01 : f32
    %le3A_438 = vector.broadcast %le3A_437 : f32 to vector<64x1xf32>
    %le3A_439 = arith.cmpf ole, %dot_general3A_433, %le3A_438 : vector<64x1xf32>
    %and3A_440 = arith.andi %ge3A_436, %le3A_439 : vector<64x1xi1>
    %not3A_441 = arith.constant dense<true> : vector<64x1xi1>
    %not3A_442 = arith.xori %or3A_412, %not3A_441 : vector<64x1xi1>
    %and3A_443 = arith.andi %and3A_440, %not3A_442 : vector<64x1xi1>
    %select_n3A_444 = arith.select %and3A_443, %mul3A_424, %select_n3A_411 : vector<64x1xi1>, vector<64x1xf32>
    %or3A_445 = arith.ori %or3A_412, %and3A_440 : vector<64x1xi1>
    %lt3A_446 = arith.constant 5.600000e+01 : f32
    %lt3A_447 = vector.broadcast %lt3A_446 : f32 to vector<64x1xf32>
    %lt3A_448 = arith.cmpf olt, %dot_general3A_433, %lt3A_447 : vector<64x1xf32>
    %select_n3A_449 = arith.select %lt3A_448, %mul3A_424, %select_n3A_416 : vector<64x1xi1>, vector<64x1xf32>
    %gt3A_450 = arith.constant 8.000000e+01 : f32
    %gt3A_451 = vector.broadcast %gt3A_450 : f32 to vector<64x1xf32>
    %gt3A_452 = arith.cmpf ogt, %dot_general3A_433, %gt3A_451 : vector<64x1xf32>
    %select_n3A_453 = arith.select %gt3A_452, %mul3A_424, %select_n3A_420 : vector<64x1xi1>, vector<64x1xf32>
    %add3A_454 = arith.addf %select_n3A_449, %select_n3A_453 : vector<64x1xf32>
    %mul3A_455 = arith.constant 5.000000e-01 : f32
    %mul3A_456 = vector.broadcast %mul3A_455 : f32 to vector<64x1xf32>
    %mul3A_457 = arith.mulf %mul3A_456, %add3A_454 : vector<64x1xf32>
    %le3A_458 = vector.broadcast %mul3A_457 : vector<64x1xf32> to vector<64x4096xf32>
    %le3A_459 = arith.cmpf ole, %mul3A_55, %le3A_458 : vector<64x4096xf32>
    %jit3A_460 = arith.constant 1.000000e+00 : f32
    %jit3A_461 = arith.constant 0.000000e+00 : f32
    %broadcast_in_dim3A_462 = vector.broadcast %jit3A_460 : f32 to vector<64x4096xf32>
    %broadcast_in_dim3A_463 = vector.broadcast %jit3A_461 : f32 to vector<64x4096xf32>
    %select_n3A_464 = arith.select %le3A_459, %broadcast_in_dim3A_462, %broadcast_in_dim3A_463 : vector<64x4096xi1>, vector<64x4096xf32>
    %dot_general3A_465 = arith.constant dense<0.000000e+00> : vector<64x1xf32>
    %dot_general3A_466 = tpu.matmul %select_n3A_464, %broadcast_in_dim3A_59, %dot_general3A_465 {dimension_numbers = #tpu.dot_dimension_numbers<[1], [0], [0], [1], [0, 0, 1, 1], [], []>, transpose_lhs_hint = false} : vector<64x4096xf32>, vector<4096x1xf32>, vector<64x1xf32> -> vector<64x1xf32>
    %ge3A_467 = arith.constant 5.600000e+01 : f32
    %ge3A_468 = vector.broadcast %ge3A_467 : f32 to vector<64x1xf32>
    %ge3A_469 = arith.cmpf oge, %dot_general3A_466, %ge3A_468 : vector<64x1xf32>
    %le3A_470 = arith.constant 8.000000e+01 : f32
    %le3A_471 = vector.broadcast %le3A_470 : f32 to vector<64x1xf32>
    %le3A_472 = arith.cmpf ole, %dot_general3A_466, %le3A_471 : vector<64x1xf32>
    %and3A_473 = arith.andi %ge3A_469, %le3A_472 : vector<64x1xi1>
    %not3A_474 = arith.constant dense<true> : vector<64x1xi1>
    %not3A_475 = arith.xori %or3A_445, %not3A_474 : vector<64x1xi1>
    %and3A_476 = arith.andi %and3A_473, %not3A_475 : vector<64x1xi1>
    %select_n3A_477 = arith.select %and3A_476, %mul3A_457, %select_n3A_444 : vector<64x1xi1>, vector<64x1xf32>
    %or3A_478 = arith.ori %or3A_445, %and3A_473 : vector<64x1xi1>
    %lt3A_479 = arith.constant 5.600000e+01 : f32
    %lt3A_480 = vector.broadcast %lt3A_479 : f32 to vector<64x1xf32>
    %lt3A_481 = arith.cmpf olt, %dot_general3A_466, %lt3A_480 : vector<64x1xf32>
    %select_n3A_482 = arith.select %lt3A_481, %mul3A_457, %select_n3A_449 : vector<64x1xi1>, vector<64x1xf32>
    %gt3A_483 = arith.constant 8.000000e+01 : f32
    %gt3A_484 = vector.broadcast %gt3A_483 : f32 to vector<64x1xf32>
    %gt3A_485 = arith.cmpf ogt, %dot_general3A_466, %gt3A_484 : vector<64x1xf32>
    %select_n3A_486 = arith.select %gt3A_485, %mul3A_457, %select_n3A_453 : vector<64x1xi1>, vector<64x1xf32>
    %add3A_487 = arith.addf %select_n3A_482, %select_n3A_486 : vector<64x1xf32>
    %mul3A_488 = arith.constant 5.000000e-01 : f32
    %mul3A_489 = vector.broadcast %mul3A_488 : f32 to vector<64x1xf32>
    %mul3A_490 = arith.mulf %mul3A_489, %add3A_487 : vector<64x1xf32>
    %le3A_491 = vector.broadcast %mul3A_490 : vector<64x1xf32> to vector<64x4096xf32>
    %le3A_492 = arith.cmpf ole, %mul3A_55, %le3A_491 : vector<64x4096xf32>
    %jit3A_493 = arith.constant 1.000000e+00 : f32
    %jit3A_494 = arith.constant 0.000000e+00 : f32
    %broadcast_in_dim3A_495 = vector.broadcast %jit3A_493 : f32 to vector<64x4096xf32>
    %broadcast_in_dim3A_496 = vector.broadcast %jit3A_494 : f32 to vector<64x4096xf32>
    %select_n3A_497 = arith.select %le3A_492, %broadcast_in_dim3A_495, %broadcast_in_dim3A_496 : vector<64x4096xi1>, vector<64x4096xf32>
    %dot_general3A_498 = arith.constant dense<0.000000e+00> : vector<64x1xf32>
    %dot_general3A_499 = tpu.matmul %select_n3A_497, %broadcast_in_dim3A_59, %dot_general3A_498 {dimension_numbers = #tpu.dot_dimension_numbers<[1], [0], [0], [1], [0, 0, 1, 1], [], []>, transpose_lhs_hint = false} : vector<64x4096xf32>, vector<4096x1xf32>, vector<64x1xf32> -> vector<64x1xf32>
    %ge3A_500 = arith.constant 5.600000e+01 : f32
    %ge3A_501 = vector.broadcast %ge3A_500 : f32 to vector<64x1xf32>
    %ge3A_502 = arith.cmpf oge, %dot_general3A_499, %ge3A_501 : vector<64x1xf32>
    %le3A_503 = arith.constant 8.000000e+01 : f32
    %le3A_504 = vector.broadcast %le3A_503 : f32 to vector<64x1xf32>
    %le3A_505 = arith.cmpf ole, %dot_general3A_499, %le3A_504 : vector<64x1xf32>
    %and3A_506 = arith.andi %ge3A_502, %le3A_505 : vector<64x1xi1>
    %not3A_507 = arith.constant dense<true> : vector<64x1xi1>
    %not3A_508 = arith.xori %or3A_478, %not3A_507 : vector<64x1xi1>
    %and3A_509 = arith.andi %and3A_506, %not3A_508 : vector<64x1xi1>
    %select_n3A_510 = arith.select %and3A_509, %mul3A_490, %select_n3A_477 : vector<64x1xi1>, vector<64x1xf32>
    %or3A_511 = arith.ori %or3A_478, %and3A_506 : vector<64x1xi1>
    %lt3A_512 = arith.constant 5.600000e+01 : f32
    %lt3A_513 = vector.broadcast %lt3A_512 : f32 to vector<64x1xf32>
    %lt3A_514 = arith.cmpf olt, %dot_general3A_499, %lt3A_513 : vector<64x1xf32>
    %select_n3A_515 = arith.select %lt3A_514, %mul3A_490, %select_n3A_482 : vector<64x1xi1>, vector<64x1xf32>
    %select_n3A_516 = arith.select %or3A_511, %select_n3A_510, %select_n3A_515 : vector<64x1xi1>, vector<64x1xf32>
    %le3A_517 = vector.broadcast %select_n3A_516 : vector<64x1xf32> to vector<64x4096xf32>
    %le3A_518 = arith.cmpf ole, %mul3A_55, %le3A_517 : vector<64x4096xf32>
    %jit3A_519 = arith.constant 1.000000e+00 : f32
    %jit3A_520 = arith.constant 0.000000e+00 : f32
    %broadcast_in_dim3A_521 = vector.broadcast %jit3A_519 : f32 to vector<64x4096xf32>
    %broadcast_in_dim3A_522 = vector.broadcast %jit3A_520 : f32 to vector<64x4096xf32>
    %select_n3A_523 = arith.select %le3A_518, %broadcast_in_dim3A_521, %broadcast_in_dim3A_522 : vector<64x4096xi1>, vector<64x4096xf32>
    %iota3A = tpu.iota {dimensions = array<i32: 0>} : vector<128x128xi32>
    %iota3A_524 = tpu.iota {dimensions = array<i32: 1>} : vector<128x128xi32>
    %le3A_525 = arith.cmpi sle, %iota3A, %iota3A_524 : vector<128x128xi32>
    %jit3A_526 = arith.constant 1.000000e+00 : f32
    %jit3A_527 = arith.constant 0.000000e+00 : f32
    %broadcast_in_dim3A_528 = vector.broadcast %jit3A_526 : f32 to vector<128x128xf32>
    %broadcast_in_dim3A_529 = vector.broadcast %jit3A_527 : f32 to vector<128x128xf32>
    %select_n3A_530 = arith.select %le3A_525, %broadcast_in_dim3A_528, %broadcast_in_dim3A_529 : vector<128x128xi1>, vector<128x128xf32>
    %reshape3A = vector.shape_cast %select_n3A_523 : vector<64x4096xf32> to vector<2048x128xf32>
    %dot_general3A_531 = arith.constant dense<0.000000e+00> : vector<2048x128xf32>
    %dot_general3A_532 = tpu.matmul %reshape3A, %select_n3A_530, %dot_general3A_531 {dimension_numbers = #tpu.dot_dimension_numbers<[1], [0], [0], [1], [0, 0, 1, 1], [], []>, transpose_lhs_hint = false} : vector<2048x128xf32>, vector<128x128xf32>, vector<2048x128xf32> -> vector<2048x128xf32>
    %reshape3A_533 = vector.shape_cast %dot_general3A_532 : vector<2048x128xf32> to vector<64x32x128xf32>
    %slice3A_534 = vector.extract_strided_slice %reshape3A_533 {offsets = [0, 0, 127], sizes = [64, 32, 1], strides = [1, 1, 1]} : vector<64x32x128xf32> to vector<64x32x1xf32>
    %squeeze3A_535 = vector.shape_cast %slice3A_534 : vector<64x32x1xf32> to vector<64x32xf32>
    %iota3A_536 = tpu.iota {dimensions = array<i32: 0>} : vector<32x32xi32>
    %iota3A_537 = tpu.iota {dimensions = array<i32: 1>} : vector<32x32xi32>
    %lt3A_538 = arith.cmpi slt, %iota3A_536, %iota3A_537 : vector<32x32xi32>
    %jit3A_539 = arith.constant 1.000000e+00 : f32
    %jit3A_540 = arith.constant 0.000000e+00 : f32
    %broadcast_in_dim3A_541 = vector.broadcast %jit3A_539 : f32 to vector<32x32xf32>
    %broadcast_in_dim3A_542 = vector.broadcast %jit3A_540 : f32 to vector<32x32xf32>
    %select_n3A_543 = arith.select %lt3A_538, %broadcast_in_dim3A_541, %broadcast_in_dim3A_542 : vector<32x32xi1>, vector<32x32xf32>
    %dot_general3A_544 = arith.constant dense<0.000000e+00> : vector<64x32xf32>
    %dot_general3A_545 = tpu.matmul %squeeze3A_535, %select_n3A_543, %dot_general3A_544 {dimension_numbers = #tpu.dot_dimension_numbers<[1], [0], [0], [1], [0, 0, 1, 1], [], []>, transpose_lhs_hint = false} : vector<64x32xf32>, vector<32x32xf32>, vector<64x32xf32> -> vector<64x32xf32>
    %broadcast_in_dim3A_546 = vector.shape_cast %dot_general3A_545 : vector<64x32xf32> to vector<64x32x1xf32>
    %add3A_547 = vector.broadcast %broadcast_in_dim3A_546 : vector<64x32x1xf32> to vector<64x32x128xf32>
    %add3A_548 = arith.addf %reshape3A_533, %add3A_547 : vector<64x32x128xf32>
    %reshape3A_549 = vector.shape_cast %add3A_548 : vector<64x32x128xf32> to vector<64x4096xf32>
    %sub3A_550 = arith.subf %reshape3A_549, %select_n3A_523 : vector<64x4096xf32>
    %convert_element_type3A = arith.fptosi %sub3A_550 : vector<64x4096xf32> to vector<64x4096xi32>
    %mul3A_551 = arith.constant 64 : i32
    %mul3A_552 = arith.muli %arg0, %mul3A_551 : i32
    %iota3A_553 = tpu.iota {dimensions = array<i32: 0>} : vector<64x4096xi32>
    %add3A_554 = vector.broadcast %mul3A_552 : i32 to vector<64x4096xi32>
    %add3A_555 = arith.addi %add3A_554, %iota3A_553 : vector<64x4096xi32>
    %rem3A = arith.constant 32 : i32
    %rem3A_556 = vector.broadcast %rem3A : i32 to vector<64x4096xi32>
    %rem3A_557 = arith.remsi %add3A_555, %rem3A_556 : vector<64x4096xi32>
    %iota3A_558 = tpu.iota {dimensions = array<i32: 1>} : vector<64x4096xi32>
    %rem3A_559 = arith.constant 16 : i32
    %rem3A_560 = vector.broadcast %rem3A_559 : i32 to vector<64x4096xi32>
    %rem3A_561 = arith.remsi %iota3A_558, %rem3A_560 : vector<64x4096xi32>
    %mul3A_562 = arith.constant 96 : i32
    %mul3A_563 = vector.broadcast %mul3A_562 : i32 to vector<64x4096xi32>
    %mul3A_564 = arith.muli %rem3A_557, %mul3A_563 : vector<64x4096xi32>
    %add3A_565 = arith.addi %mul3A_564, %convert_element_type3A : vector<64x4096xi32>
    %add3A_566 = arith.constant 3072 : i32
    %add3A_567 = vector.broadcast %add3A_566 : i32 to vector<64x4096xi32>
    %add3A_568 = arith.addi %add3A_567, %rem3A_561 : vector<64x4096xi32>
    %select_n3A_569 = arith.select %le3A_518, %add3A_565, %add3A_568 : vector<64x4096xi1>, vector<64x4096xi32>
    %swap3A_570 = arith.constant 0 : index
    %swap3A_571 = arith.constant 0 : index
    %swap3A_572 = vector.load %arg6[%swap3A_570, %swap3A_571] : memref<64x4096xi32, #tpu.memory_space<vmem>>, vector<64x4096xi32>
    tpu.vector_store %arg6[%swap3A_570, %swap3A_571], %select_n3A_569 {strides = array<i32>} : memref<64x4096xi32, #tpu.memory_space<vmem>>, vector<64x4096xi32>,
    return
  }
  func.func @transform_0(%arg0: i32) -> (i32, i32) {
    %c0_i32 = arith.constant 0 : i32
    %c0_i32_0 = arith.constant 0 : i32
    return %arg0, %c0_i32 : i32, i32
  }
  func.func @transform_1(%arg0: i32) -> (i32, i32) {
    %c0_i32 = arith.constant 0 : i32
    %c0_i32_0 = arith.constant 0 : i32
    return %arg0, %c0_i32 : i32, i32
  }
  func.func @transform_2(%arg0: i32) -> (i32, i32) {
    %c0_i32 = arith.constant 0 : i32
    %c0_i32_0 = arith.constant 0 : i32
    return %arg0, %c0_i32 : i32, i32
  }
  func.func @transform_3(%arg0: i32) -> (i32, i32, i32) {
    %c0_i32 = arith.constant 0 : i32
    %c0_i32_0 = arith.constant 0 : i32
    %c0_i32_1 = arith.constant 0 : i32
    return %arg0, %c0_i32, %c0_i32_0 : i32, i32, i32
  }
  func.func @transform_4(%arg0: i32) -> (i32, i32) {
    %c0_i32 = arith.constant 0 : i32
    %c0_i32_0 = arith.constant 0 : i32
    return %arg0, %c0_i32 : i32, i32
  }
  func.func @transform_5(%arg0: i32) -> (i32, i32) {
    %c0_i32 = arith.constant 0 : i32
    %c0_i32_0 = arith.constant 0 : i32
    return %arg0, %c0_i32 : i32, i32
  }
}

module attributes {stable_mosaic.version = 14 : i64} {
  func.func @_stage_c_body(%arg0: i32, %arg1: memref<16x96xf32, #tpu.memory_space<vmem>>, %arg2: memref<16x96xi32, #tpu.memory_space<vmem>>, %arg3: memref<16x80xf32, #tpu.memory_space<vmem>>, %arg4: memref<16x80xi32, #tpu.memory_space<vmem>>) attributes {dimension_semantics = [#tpu.dimension_semantics<arbitrary>], iteration_bounds = array<i64: 64>, scalar_prefetch = 0 : i64, scratch_operands = 0 : i64, tpu.core_type = #tpu.core_type<tc>, window_params = [{transform_indices = @transform_0, window_bounds = array<i64: 16, 96>}, {transform_indices = @transform_1, window_bounds = array<i64: 16, 96>}, {transform_indices = @transform_2, window_bounds = array<i64: 16, 80>}, {transform_indices = @transform_3, window_bounds = array<i64: 16, 80>}]} {
    %get3A = arith.constant 0 : index
    %get3A_0 = arith.constant 0 : index
    %get3A_1 = vector.load %arg1[%get3A, %get3A_0] : memref<16x96xf32, #tpu.memory_space<vmem>>, vector<16x96xf32>
    %slice3A = vector.extract_strided_slice %get3A_1 {offsets = [0, 0], sizes = [16, 80], strides = [1, 1]} : vector<16x96xf32> to vector<16x80xf32>
    %get3A_2 = arith.constant 0 : index
    %get3A_3 = arith.constant 0 : index
    %get3A_4 = vector.load %arg2[%get3A_2, %get3A_3] : memref<16x96xi32, #tpu.memory_space<vmem>>, vector<16x96xi32>
    %slice3A_5 = vector.extract_strided_slice %get3A_4 {offsets = [0, 0], sizes = [16, 80], strides = [1, 1]} : vector<16x96xi32> to vector<16x80xi32>
    %broadcast_in_dim3A = vector.shape_cast %slice3A : vector<16x80xf32> to vector<16x80x1xf32>
    %broadcast_in_dim3A_6 = vector.shape_cast %slice3A : vector<16x80xf32> to vector<16x1x80xf32>
    %broadcast_in_dim3A_7 = vector.shape_cast %slice3A_5 : vector<16x80xi32> to vector<16x80x1xi32>
    %broadcast_in_dim3A_8 = vector.shape_cast %slice3A_5 : vector<16x80xi32> to vector<16x1x80xi32>
    %lt3A = vector.broadcast %broadcast_in_dim3A_6 : vector<16x1x80xf32> to vector<16x80x80xf32>
    %lt3A_9 = vector.broadcast %broadcast_in_dim3A : vector<16x80x1xf32> to vector<16x80x80xf32>
    %lt3A_10 = arith.cmpf olt, %lt3A, %lt3A_9 : vector<16x80x80xf32>
    %eq3A = vector.broadcast %broadcast_in_dim3A_6 : vector<16x1x80xf32> to vector<16x80x80xf32>
    %eq3A_11 = vector.broadcast %broadcast_in_dim3A : vector<16x80x1xf32> to vector<16x80x80xf32>
    %eq3A_12 = arith.cmpf oeq, %eq3A, %eq3A_11 : vector<16x80x80xf32>
    %lt3A_13 = vector.broadcast %broadcast_in_dim3A_8 : vector<16x1x80xi32> to vector<16x80x80xi32>
    %lt3A_14 = vector.broadcast %broadcast_in_dim3A_7 : vector<16x80x1xi32> to vector<16x80x80xi32>
    %lt3A_15 = arith.cmpi slt, %lt3A_13, %lt3A_14 : vector<16x80x80xi32>
    %and3A = arith.andi %eq3A_12, %lt3A_15 : vector<16x80x80xi1>
    %or3A = arith.ori %lt3A_10, %and3A : vector<16x80x80xi1>
    %max3A = arith.constant 9.99999935E-39 : f32
    %max3A_16 = vector.broadcast %max3A : f32 to vector<16x80xf32>
    %max3A_17 = arith.maximumf %slice3A, %max3A_16 : vector<16x80xf32>
    %log3A = math.log %max3A_17 : vector<16x80xf32>
    %jit3A = arith.constant 1.000000e+00 : f32
    %jit3A_18 = arith.constant 0.000000e+00 : f32
    %broadcast_in_dim3A_19 = vector.broadcast %jit3A : f32 to vector<16x80x80xf32>
    %broadcast_in_dim3A_20 = vector.broadcast %jit3A_18 : f32 to vector<16x80x80xf32>
    %select_n3A = arith.select %or3A, %broadcast_in_dim3A_19, %broadcast_in_dim3A_20 : vector<16x80x80xi1>, vector<16x80x80xf32>
    %dot_general3A = arith.constant dense<0.000000e+00> : vector<16x80xf32>
    %dot_general3A_21 = tpu.matmul %select_n3A, %log3A, %dot_general3A {dimension_numbers = #tpu.dot_dimension_numbers<[2], [1], [1], [], [0, 0, 0, 1], [0], [0]>, transpose_lhs_hint = false} : vector<16x80x80xf32>, vector<16x80xf32>, vector<16x80xf32> -> vector<16x80xf32>
    %exp3A = math.exp %dot_general3A_21 : vector<16x80xf32>
    %sub3A = arith.constant 1.000000e+00 : f32
    %sub3A_22 = vector.broadcast %sub3A : f32 to vector<16x80xf32>
    %sub3A_23 = arith.subf %sub3A_22, %slice3A : vector<16x80xf32>
    %mul3A = arith.mulf %sub3A_23, %exp3A : vector<16x80xf32>
    %gt3A = arith.constant 1.500000e+00 : f32
    %gt3A_24 = vector.broadcast %gt3A : f32 to vector<16x80xf32>
    %gt3A_25 = arith.cmpf ogt, %slice3A, %gt3A_24 : vector<16x80xf32>
    %jit3A_26 = arith.constant 0.000000e+00 : f32
    %broadcast_in_dim3A_27 = vector.broadcast %jit3A_26 : f32 to vector<16x80xf32>
    %select_n3A_28 = arith.select %gt3A_25, %broadcast_in_dim3A_27, %mul3A : vector<16x80xi1>, vector<16x80xf32>
    %iota3A = tpu.iota {dimensions = array<i32: 1>} : vector<16x80xi32>
    %rem3A = arith.constant 16 : i32
    %rem3A_29 = vector.broadcast %rem3A : i32 to vector<16x80xi32>
    %rem3A_30 = arith.remsi %iota3A, %rem3A_29 : vector<16x80xi32>
    %add3A = arith.constant 4096 : i32
    %add3A_31 = vector.broadcast %add3A : i32 to vector<16x80xi32>
    %add3A_32 = arith.addi %add3A_31, %rem3A_30 : vector<16x80xi32>
    %select_n3A_33 = arith.select %gt3A_25, %add3A_32, %slice3A_5 : vector<16x80xi1>, vector<16x80xi32>
    %swap3A = arith.constant 0 : index
    %swap3A_34 = arith.constant 0 : index
    %swap3A_35 = vector.load %arg3[%swap3A, %swap3A_34] : memref<16x80xf32, #tpu.memory_space<vmem>>, vector<16x80xf32>
    tpu.vector_store %arg3[%swap3A, %swap3A_34], %select_n3A_28 {strides = array<i32>} : memref<16x80xf32, #tpu.memory_space<vmem>>, vector<16x80xf32>,
    %swap3A_36 = arith.constant 0 : index
    %swap3A_37 = arith.constant 0 : index
    %swap3A_38 = vector.load %arg4[%swap3A_36, %swap3A_37] : memref<16x80xi32, #tpu.memory_space<vmem>>, vector<16x80xi32>
    tpu.vector_store %arg4[%swap3A_36, %swap3A_37], %select_n3A_33 {strides = array<i32>} : memref<16x80xi32, #tpu.memory_space<vmem>>, vector<16x80xi32>,
    return
  }
  func.func @transform_0(%arg0: i32) -> (i32, i32) {
    %c0_i32 = arith.constant 0 : i32
    %c0_i32_0 = arith.constant 0 : i32
    return %arg0, %c0_i32 : i32, i32
  }
  func.func @transform_1(%arg0: i32) -> (i32, i32) {
    %c0_i32 = arith.constant 0 : i32
    %c0_i32_0 = arith.constant 0 : i32
    return %arg0, %c0_i32 : i32, i32
  }
  func.func @transform_2(%arg0: i32) -> (i32, i32) {
    %c0_i32 = arith.constant 0 : i32
    %c0_i32_0 = arith.constant 0 : i32
    return %arg0, %c0_i32 : i32, i32
  }
  func.func @transform_3(%arg0: i32) -> (i32, i32) {
    %c0_i32 = arith.constant 0 : i32
    %c0_i32_0 = arith.constant 0 : i32
    return %arg0, %c0_i32 : i32, i32
  }
}

</mosaic_0001>

<sc_bundles>
// kernel: kernel.6.cloned.1.call-start
scs
__scs_entry_jumppad:
0x0: {  	(pc) =	sbr.rel $0x88, $3  }
0x1: {  	(tag) =	ssettag $0x0;
	lr =	simm.s32 $0x1  }
0x2: {  	[smem:$0x3F9D] =	sst lr;
	_ =	strace $0xD0000000  }
0x3: {  	_ = 	snop  }
0x4: {  	_ = 	snop  }
0x5: {  	_ = 	snop  }
0x6: {  	_ = 	snop  }
0x7: {  	_ = 	snop  }
__scs_overlays_trampoline_lowered:
0x8: {  	[smem:$0x3FAC] =	sst s0  }
0x9: {  	[smem:$0x3FAD] =	sst s1  }
0xa: {  	[smem:$0x3FAE] =	sst s2  }
0xb: {  	[smem:$0x3FAF] =	sst s3  }
0xc: {  	[smem:$0x3FB0] =	sst s4  }
0xd: {  	[smem:$0x3FB1] =	sst s5  }
0xe: {  	[smem:$0x3FB2] =	sst s6  }
0xf: {  	[smem:$0x3FB3] =	sst s7  }
0x10: {  	[smem:$0x3FB4] =	sst s8  }
0x11: {  	[smem:$0x3FB5] =	sst s9;
	s0 =	simm.s32 @!p0 $0x0  }
0x12: {  	s1 =	sld [smem:$0x3F9B];
	s0 =	simm.s32 @p0 $0x1  }
0x13: {  	[smem:$0x3FB6] =	sst s0;
	s0 =	simm.s32 @!p1 $0x0  }
0x14: {  	s2 =	sld [smem:$0x3F9A];
	s0 =	simm.s32 @p1 $0x1  }
0x15: {  	[smem:$0x3FB7] =	sst s0;
	s0 =	simm.s32 @!p2 $0x0  }
0x16: {  	s3 =	sld [smem:$0x3FDB];
	s0 =	simm.s32 @p2 $0x1  }
0x17: {  	s4 =	simm.s32 $0x1BF5;
	[smem:$0x3FB9] =	sst s0  }
0x18: {  	s0 =	sld [smem:$0x3F9C];
	_ =	swait.ge [sflag:s4], $0x0  }
0x19: {  	s7 =	sld [smem:$0x3F9D]  }
0x1a: {  	s8 =	sadd.s32 $0xFFFFE003, lr  }
0x1b: {  	s9 =	sadd.s32 $0xFFFFFEF7, lr;
	s5 =	simm.s32 $0xFFFFFFFF;
	p2 =	slt.u32 s8, $0xFFFFF086  }
0x1c: {  	p1 =	slt.u32 s9, $0xF7A;
	s5 =	simm.s32 @!p2 $0x0  }
0x1d: {  	s5 =	simm.s32 @p1 $0x1;
	p0 =	seq.s32 s7, s2  }
0x1e: {  	s7 =	smul.u32 @!p0 $0xF7A, s2;
	p2 =	seq.s32 @!p0 s5, $0x0  }
0x1f: {  	s9 =	smul.u32 $0xF7A, s1;
	s8 =	simm.s32 @!p0 $0x1BF5;
	p2 =	por !p2, p0  }
0x20: {  	[sflag:s8] =	ssyncset.s32 @!p0 $0xFFFFF086;
	s6 =	sadd.s32 @!p0 s3, s7;
	s7 =	simm.s32 @!p0 $0x108  }
0x21: {  	s3 =	sadd.s32 s3, s9;
	s6 =	sadd.s32 @!p0 $0x88, s6;
	s7 =	simm.s32 @p2 $0x1082  }
0x22: {  	[simem:s7], [sflag:s8] =	dma.local @!p0 [hbm:s6], $0xF7A  }
0x23: {  	s9 =	sor.u32 $0xD0000000, s2;
	s6 =	simm.s32 $0x108;
	_ =	swait.ge @!p0 [sflag:s8], $0x0  }
0x24: {  	s3 =	sadd.s32 $0x88, s3;
	s6 =	simm.s32 @!p1 $0x1082;
	[sflag:s4] =	ssyncset.s32 $0xFFFFF086  }
0x25: {  	[simem:s6], [sflag:s4] =	dma.local [hbm:s3], $0xF7A  }
0x26: {  	[smem:$0x3F9D] =	sst s1;
	(tag) =	ssettag s2;
	_ =	strace s9  }
0x27: {  	s1 =	sld [smem:$0x3FAD]  }
0x28: {  	s2 =	sld [smem:$0x3FAE]  }
0x29: {  	s4 =	sld [smem:$0x3FB0]  }
0x2a: {  	p0 =	seq.s32 s5, $0x0;
	s5 =	sld [smem:$0x3FB1]  }
0x2b: {  	s6 =	sld [smem:$0x3FB2]  }
0x2c: {  	s7 =	sld [smem:$0x3FB3]  }
0x2d: {  	s3 =	simm.s32 $0x108;
	s8 =	sld [smem:$0x3FB4]  }
0x2e: {  	s3 =	simm.s32 @!p0 $0x1082;
	s9 =	sld [smem:$0x3FB5]  }
0x2f: {  	lr =	sadd.s32 s0, s3;
	s0 =	sld [smem:$0x3FAC]  }
0x30: {  	s3 =	sld [smem:$0x3FAF]  }
0x31: {  	[smem:$0x3FB8] =	sst s10  }
0x32: {  	s10 =	sld [smem:$0x3FB6];
	_ =	sdelay $0x3  }
0x33: {  	p0 =	seq.s32 s10, $0x1;
	s10 =	sld [smem:$0x3FB8];
	_ =	sdelay $0x3  }
0x34: {  	[smem:$0x3FB8] =	sst s10  }
0x35: {  	s10 =	sld [smem:$0x3FB7];
	_ =	sdelay $0x3  }
0x36: {  	p1 =	seq.s32 s10, $0x1;
	s10 =	sld [smem:$0x3FB8];
	_ =	sdelay $0x3  }
0x37: {  	[smem:$0x3FB8] =	sst s10  }
0x38: {  	s10 =	sld [smem:$0x3FB9]  }
0x39: {  	_ = 	snop;
	(pc) =	sbr.ind lr, $3  }
0x3a: {  	_ = 	snop  }
0x3b: {  	_ = 	snop  }
0x3c: {  	p2 =	seq.s32 s10, $0x1;
	s10 =	sld [smem:$0x3FB8]  }
0x3d: {  	_ =	shalt  }
0x3e: {  	_ =	shalt  }
0x3f: {  	_ =	shalt  }
0x40: {  	_ =	shalt  }
0x41: {  	_ =	shalt  }
0x42: {  	_ =	shalt  }
0x43: {  	_ =	shalt  }
0x44: {  	_ =	shalt  }
0x45: {  	_ =	shalt  }
0x46: {  	_ =	shalt  }
0x47: {  	_ =	shalt  }
0x48: {  	_ =	shalt  }
0x49: {  	_ =	shalt  }
0x4a: {  	_ =	shalt  }
0x4b: {  	_ =	shalt  }
0x4c: {  	_ =	shalt  }
0x4d: {  	_ =	shalt  }
0x4e: {  	_ =	shalt  }
0x4f: {  	_ =	shalt  }
0x50: {  	_ =	shalt  }
0x51: {  	_ =	shalt  }
0x52: {  	_ =	shalt  }
0x53: {  	_ =	shalt  }
0x54: {  	_ =	shalt  }
0x55: {  	_ =	shalt  }
0x56: {  	_ =	shalt  }
0x57: {  	_ =	shalt  }
0x58: {  	_ =	shalt  }
0x59: {  	_ =	shalt  }
0x5a: {  	_ =	shalt  }
0x5b: {  	_ =	shalt  }
0x5c: {  	_ =	shalt  }
0x5d: {  	_ =	shalt  }
0x5e: {  	_ =	shalt  }
0x5f: {  	_ =	shalt  }
0x60: {  	_ =	shalt  }
0x61: {  	_ =	shalt  }
0x62: {  	_ =	shalt  }
0x63: {  	_ =	shalt  }
0x64: {  	_ =	shalt  }
0x65: {  	_ =	shalt  }
0x66: {  	_ =	shalt  }
0x67: {  	_ =	shalt  }
0x68: {  	_ =	shalt  }
0x69: {  	_ =	shalt  }
0x6a: {  	_ =	shalt  }
0x6b: {  	_ =	shalt  }
0x6c: {  	_ =	shalt  }
0x6d: {  	_ =	shalt  }
0x6e: {  	_ =	shalt  }
0x6f: {  	_ =	shalt  }
0x70: {  	_ =	shalt  }
0x71: {  	_ =	shalt  }
0x72: {  	_ =	shalt  }
0x73: {  	_ =	shalt  }
0x74: {  	_ =	shalt  }
0x75: {  	_ =	shalt  }
0x76: {  	_ =	shalt  }
0x77: {  	_ =	shalt  }
0x78: {  	_ =	shalt  }
0x79: {  	_ =	shalt  }
0x7a: {  	_ =	shalt  }
0x7b: {  	_ =	shalt  }
0x7c: {  	_ =	shalt  }
0x7d: {  	_ =	shalt  }
0x7e: {  	_ =	shalt  }
0x7f: {  	_ =	shalt  }
0x80: {  	_ =	shalt  }
0x81: {  	_ =	shalt  }
0x82: {  	_ =	shalt  }
0x83: {  	_ =	shalt  }
0x84: {  	_ =	shalt  }
0x85: {  	_ =	shalt  }
0x86: {  	_ =	shalt  }
0x87: {  	_ =	shalt  }
.Lfunc_end0:
.L_simem_size_0:
called_computation_lowered:
.L_overlay_start_0:
0x88: {  	s2 =	sld [smem:$0x3FD9]  }
0x89: {  	s3 =	sld [smem:$0x3FFE];
	_ =	sdelay $0x1  }
0x8a: {  	s1 =	srdreg.scid  }
0x8b: {  	s0 =	sand.u32 $0x1, s1  }
0x8c: {  	s14 =	sshll.u32 s0, $0xA;
	s2 =	sadd.s32 s3, s2  }
0x8d: {  	s2 =	sadd.s32 s2, s14  }
0x8e: {  	[smem:$0x3FC4] =	sst s2  }
0x8f: {  	_ = 	snop  }
0x90: {  	s2 =	sld [smem:$0x3FD0];
	_ =	sdelay $0x2  }
0x91: {  	s15 =	simm.s32 $0xA;
	s4 =	simm.s32 $0x10  }
0x92: {  	[smem:s4], [sflag:s15] =	dma.local [hbm:s2], $0x1  }
0x93: {  	_ =	swait.eq [sflag:s15], $0x1  }
0x94: {  	[sflag:s15] =	ssyncset.done $0x0  }
0x95: {  	s16 =	sld [smem:$0x10];
	[sflag:s15] =	ssyncadd.s32 $0xFFFFFFFF  }
0x96: {  	s17 =	sld [smem:$0x11];
	(tm) =	ssettm $0x1  }
0x97: {  	s18 =	sld [smem:$0x3FFB];
	_ =	sdelay $0x3  }
0x98: {  	_ =	strace s18  }
0x99: {  	s4 =	sld [smem:$0x3FFC];
	_ =	sdelay $0x3  }
0x9a: {  	_ =	strace s4  }
0x9b: {  	s4 =	sld [smem:$0x3FFD];
	_ =	sdelay $0x3  }
0x9c: {  	_ =	strace s4  }
0x9d: {  	_ =	strace $0x8FFFFFFF  }
0x9e: {  	s19 =	sld [smem:$0x3FDB];
	_ =	sdelay $0x1  }
0x9f: {  	s5 =	simm.s32 $_scs_section_size  }
0xa0: {  	s6 =	simm.s32 $_size__tile_overlayer_lowered;
	s7 =	simm.s32 $_tile_overlayer_lowered  }
0xa1: {  	s22 =	simm.s32 $0x1BFF;
	s21 =	sshll.u32 s7, $0x1;
	s4 =	sadd.s32 s5, s19  }
0xa2: {  	s8 =	simm.s32 $0x0;
	s20 =	sshll.u32 s6, $0x1;
	s6 =	sadd.s32 s21, s4  }
0xa3: {  	[timem:s8], [sflag:s22] =	dma.local [hbm:s6], s20  }
0xa4: {  	_ =	swait.ge [sflag:s22], s20  }
0xa5: {  	s5 =	ssub.s32 $0x0, s20;
	[sflag:s22] =	ssyncset.done $0x0  }
0xa6: {  	[sflag:s22] =	ssyncadd.s32 s5;
	_ =	sdelay $0x1  }
0xa7: {  	s23 =	simm.s32 $0x1B8B  }
0xa8: {  	_ =	swait.ge [sflag:s23], $0x1  }
0xa9: {  	[sflag:s23] =	ssyncset.done $0x0  }
0xaa: {  	s25 =	simm.s32 $0x1B8E;
	s24 =	sld [smem:$0x3FFE];
	[sflag:s23] =	ssyncadd.s32 $0xFFFFFFFF  }
0xab: {  	s26 =	simm.s32 $execute0_lowered;
	[smem:$0x3FD2] =	sst s25  }
0xac: {  	s6 =	sshll.u32 s26, $0x1;
	_ =	strace $0x80000046;
	[dreg:$0x1] =	wrdreg $0xFFFFFFFF  }
0xad: {  	s28 =	simm.s32 $_size_execute0_lowered;
	s4 =	sadd.s32 s4, s6;
	[dreg:$0x0] =	wrdreg $0x0  }
0xae: {  	s6 =	sshll.u32 s28, $0x1;
	[dreg:$0x2] =	wrdreg s4  }
0xaf: {  	[dreg:$0x3] =	wrdreg s6  }
0xb0: {  	[dreg:$0x4] =	wrdreg $0xC0  }
0xb1: {  	_ =	task [dreg:s8], $0x5FFFF  }
0xb2: {  	[dreg:$0x1] =	wrdreg $0xFFFFFFFF  }
0xb3: {  	[dreg:$0x0] =	wrdreg $0x60  }
0xb4: {  	[dreg:$0x2] =	wrdreg s17  }
0xb5: {  	[dreg:$0x3] =	wrdreg s16  }
0xb6: {  	[dreg:$0x4] =	wrdreg s24  }
0xb7: {  	[dreg:$0x5] =	wrdreg $0x9  }
0xb8: {  	_ =	task.clear_ibuf [dreg:s8], $0x6FFFF;
	_ =	strace $0x90000046  }
0xb9: {  	s29 =	simm.s32 $0x9;
	_ =	strace $0x80000048  }
0xba: {  	_ =	swait.ge [sflag:s29], $0x1  }
0xbb: {  	[sflag:s29] =	ssyncadd.s32 $0xFFFFFFFF  }
0xbc: {  	_ =	strace $0x90000048  }
0xbd: {  	_ =	sfence  }
0xbe: {  	s30 =	sld [smem:$0x0];
	_ =	sdelay $0x2  }
0xbf: {  	s31 =	sshll.u32 s1, $0xD;
	s1 =	sshrl.u32 s1, $0x2  }
0xc0: {  	s3 =	sand.u32 $0x4000, s31;
	s1 =	sadd.s32 s1, s30  }
0xc1: {  	s0 =	sor.u32 s3, s0;
	s1 =	sshll.u32 s1, $0x11  }
0xc2: {  	s0 =	sor.u32 s1, s0  }
0xc3: {  	s0 =	sadd.s32 $0x8F2B, s0  }
0xc4: {  	[sflag:s0] =	ssyncadd.remote.s32 $0x1  }
0xc5: {  	_ =	sfence.sel $0xFFFF  }
0xc6: {  	[dreg:$0x0] =	wrdreg $0xFFFFFFFF;
	(pc) =	sbr.abs _section_cstart, $3  }
0xc7: {  	[dreg:$0x1] =	wrdreg $0xFFFFFFFF  }
0xc8: {  	_ =	task.clear_ibuf [dreg:s8], $0x2FFFF;
	_ =	strace $0x9FFFFFFF  }
0xc9: {  	(tm) =	ssettm $0x7FFFFFFF  }
tec
execute0_lowered:
.L_overlay_start_1:
0x0: {  	(tag) =	ssettag $0x1  }
0x1: {  	s9 =	rddreg [dreg:$0x0]  }
0x2: {  	s10 =	rddreg [dreg:$0x1]  }
0x3: {  	s1 =	srdreg.scid;
	s0 =	stileid.u32  }
0x4: {  	s3 =	rddreg [dreg:$0x2];
	s29 =	simm.s32 $0x0;
	s15 =	simm.s32 $0x8000  }
0x5: {  	s16 =	simm.s32 $0x10000;
	s17 =	simm.s32 $0x10C80;
	s18 =	simm.s32 $0x0  }
0x6: {  	s4 =	sand.u32 $0x1, s1;
	s5 =	sshll.u32 s0, $0x1;
	[smem:$0x7FF] =	sst s29  }
0x7: {  	s5 =	sor.u32 s4, s5;
	s4 =	ssub.s32 $0x2, s4;
	_ =	strace $0x80000047  }
0x8: {  	s6 =	smul.u32 $0x180, s5;
	s7 =	sshrl.u32 s4, $0x1;
	s8 =	sshll.u32 s5, $0xE  }
0x9: {  	s13 =	ssub.s32 s4, s7;
	s30 =	sor.u32 $0x1000, s8;
	s31 =	sadd.s32 s9, s8  }
0xa: {  	s4 =	sadd.s32 s10, s8;
	s11 =	sor.u32 $0x2000, s8;
	s14 =	sor.u32 $0x3000, s8  }
0xb: {  	s12 =	sadd.s32 s6, s3;
	[dreg:$0x4] =	wrdreg s31;
	s5 =	sadd.s32 s9, s30  }
0xc: {  	s6 =	sadd.s32 s10, s30;
	s7 =	sadd.s32 s9, s11;
	s8 =	sadd.s32 s10, s11  }
0xd: {  	s9 =	sadd.s32 s9, s14;
	s10 =	sadd.s32 s10, s14;
	s13 =	smax.u32 s13, $0x1  }
0xe: {  	v0 =	vimm.f32 $2.000000000e+00;
	v1 =	vimm.s32 $0x0;
	v2 =	vlaneseq.u32;
	s14 =	simm.s32 $0x1;
	s11 =	sadd.s32 $0x1200, s12;
	s12 =	sadd.s32 $0x4200, s12  }
.LBB2_1:
0xf: {  	s19 =	simm.s32 $0x10040  }
0x10: {  	[tilespmem:s19+$0x30] =	vst v0  }
0x11: {  	[tilespmem:s19+$0xFFFFFFF0] =	vst v0  }
0x12: {  	[tilespmem:s19+$0xFFFFFFC0] =	vst v0  }
0x13: {  	[tilespmem:s19+$0xFFFFFFE0] =	vst v0  }
0x14: {  	[tilespmem:s19+$0x10] =	vst v0  }
0x15: {  	[tilespmem:s19+$0x20] =	vst v0  }
0x16: {  	[tilespmem:s19+$0x0] =	vst v0  }
0x17: {  	s20 =	simm.s32 $0x10CC0;
	[tilespmem:s19+$0xFFFFFFD0] =	vst v0  }
0x18: {  	[tilespmem:s20+$0xFFFFFFC0] =	vst v1  }
0x19: {  	[tilespmem:s20+$0x30] =	vst v1  }
0x1a: {  	[tilespmem:s20+$0x20] =	vst v1  }
0x1b: {  	[tilespmem:s20+$0x10] =	vst v1  }
0x1c: {  	[tilespmem:s20+$0xFFFFFFE0] =	vst v1  }
0x1d: {  	[tilespmem:s20+$0x0] =	vst v1  }
0x1e: {  	s21 =	simm.s32 $0x0;
	[tilespmem:s20+$0xFFFFFFF0] =	vst v1  }
.LBB2_2:
0x1f: {  	s21 =	sadd.s32 $0x8, s21;
	[tilespmem:s20+$0xFFFFFFD0] =	vst v1;
	s19 =	sadd.s32 $0x80, s19;
	s20 =	sadd.s32 $0x80, s20  }
0x20: {  	[tilespmem:s19+$0x30] =	vst v0;
	p0 =	slt.u32 s21, $0xB8  }
0x21: {  	[tilespmem:s19+$0xFFFFFFF0] =	vst v0  }
0x22: {  	[tilespmem:s19+$0xFFFFFFC0] =	vst v0  }
0x23: {  	[tilespmem:s20+$0xFFFFFFC0] =	vst v1  }
0x24: {  	[tilespmem:s20+$0x30] =	vst v1  }
0x25: {  	[tilespmem:s19+$0xFFFFFFE0] =	vst v0  }
0x26: {  	[tilespmem:s19+$0x10] =	vst v0  }
0x27: {  	[tilespmem:s19+$0x20] =	vst v0  }
0x28: {  	[tilespmem:s20+$0x20] =	vst v1  }
0x29: {  	[tilespmem:s20+$0x10] =	vst v1  }
.Ltmp0:
0x2a: {  	[tilespmem:s20+$0xFFFFFFE0] =	vst v1;
	(pc) =	sbr.rel @p0 .LBB2_2-.Ltmp0, $4  }
0x2b: {  	[tilespmem:s19+$0x0] =	vst v0  }
0x2c: {  	[tilespmem:s20+$0x0] =	vst v1  }
0x2d: {  	[tilespmem:s20+$0xFFFFFFF0] =	vst v1  }
0x2e: {  	[tilespmem:s19+$0xFFFFFFD0] =	vst v0  }
0x2f: {  	[tilespmem:s20+$0xFFFFFFD0] =	vst v1  }
0x30: {  	[tilespmem:$0x10C00] =	vst v0  }
0x31: {  	s20 =	simm.s32 $0x0;
	[tilespmem:$0x11880] =	vst v1;
	s0 =	rddreg [dreg:$0x4]  }
0x32: {  	[tilespmem:s20], [sflag:$0x1] =	stream.linear.gather [hbm4b:s0+s20], $0x8000, $0x38;
	[tilespmem:$0x11900] =	vst v63  }
0x33: {  	_ =	swait.ge [sflag:s14], $0x8000  }
0x34: {  	[sflag:s14] =	ssyncset.done $0x0  }
0x35: {  	s22 =	simm.s32 $0x0;
	[sflag:s14] =	ssyncadd.s32 $0xFFFF8000  }
0x36: {  	[tilespmem:s15], [sflag:$0x1] =	stream.linear.gather [hbm4b:s4+s20], $0x8000, $0x38;
	[tilespmem:$0x11900] =	vst v63  }
0x37: {  	s19 =	sand.u32 $0xF8, s22;
	_ =	swait.ge [sflag:s14], $0x8000  }
0x38: {  	s23 =	sand.u32 $0x380, s20;
	s21 =	sshll.u32 s19, $0x7;
	[sflag:s14] =	ssyncset.done $0x0  }
0x39: {  	s21 =	sor.u32 s23, s21;
	[sflag:s14] =	ssyncadd.s32 $0xFFFF8000  }
0x3a: {  	v13 =	vld [tilespmem:s21+$0x30]  }
0x3b: {  	v10 =	vld [tilespmem:s21+$0x50]  }
0x3c: {  	v9 =	vld [tilespmem:s21+$0x10]  }
0x3d: {  	v8 =	vld [tilespmem:s21+$0x8030]  }
0x3e: {  	v7 =	vld [tilespmem:s21+$0x8050]  }
0x3f: {  	v6 =	vld [tilespmem:s21+$0x8010]  }
0x40: {  	v4 =	vld [tilespmem:s21+$0x8020]  }
0x41: {  	v11 =	vld [tilespmem:s21+$0x8060]  }
0x42: {  	s19 =	sshll.u32 s19, $0x4;
	v3 =	vld [tilespmem:s21+$0x8070]  }
0x43: {  	s30 =	sor.u32 $0x30, s19;
	v5 =	vld [tilespmem:s21+$0x8040]  }
0x44: {  	s28 =	sor.u32 $0x50, s19;
	s29 =	sor.u32 $0x10, s19;
	s24 =	sor.u32 $0x40, s19;
	v12 =	vld [tilespmem:s21+$0x20]  }
0x45: {  	s25 =	sor.u32 $0x70, s19;
	s26 =	sor.u32 $0x20, s19;
	s23 =	sor.u32 $0x60, s19;
	[tilespmem:v8+s16+$0x0] =	vst.idx.msk $0xffff, v13;
	v13 =	vld [tilespmem:s21+$0x70]  }
.LBB2_4:
0x46: {  	s22 =	sadd.s32 $0x8, s22;
	v14 =	vld [tilespmem:s21+$0x8000];
	[tilespmem:v7+s16+$0x0] =	vst.idx.msk $0xffff, v10;
	s20 =	sadd.s32 $0x4, s20;
	v15 =	vmov v11  }
0x47: {  	s31 =	sand.u32 $0xF8, s22;
	p0 =	slt.u32 s22, $0x7F8;
	[tilespmem:v6+s16+$0x0] =	vst.idx.msk $0xffff, v9;
	v9 =	vor.u32 s30, v2;
	v11 =	vld [tilespmem:s21+$0x40]  }
0x48: {  	s0 =	sand.u32 $0x380, s20;
	s1 =	sshll.u32 s31, $0x4;
	s31 =	sshll.u32 s31, $0x7;
	v16 =	vld [tilespmem:s21+$0x0];
	[tilespmem:v8+s17+$0x0] =	vst.idx.msk $0xffff, v9;
	v8 =	vor.u32 s28, v2  }
0x49: {  	v9 =	vor.u32 s29, v2;
	s30 =	sor.u32 $0x30, s1;
	s28 =	sor.u32 $0x50, s1;
	[tilespmem:v7+s17+$0x0] =	vst.idx.msk $0xffff, v8;
	v17 =	vld [tilespmem:s21+$0x60];
	s21 =	sor.u32 s0, s31  }
0x4a: {  	s29 =	sor.u32 $0x10, s1;
	s0 =	sor.u32 $0x40, s1;
	s31 =	sor.u32 $0x70, s1;
	v18 =	vld [tilespmem:s21+$0x30];
	[tilespmem:v6+s17+$0x0] =	vst.idx.msk $0xffff, v9  }
0x4b: {  	s2 =	sor.u32 $0x20, s1;
	s3 =	sor.u32 $0x60, s1;
	v10 =	vld [tilespmem:s21+$0x50];
	[tilespmem:v4+s16+$0x0] =	vst.idx.msk $0xffff, v12  }
0x4c: {  	v9 =	vld [tilespmem:s21+$0x10];
	[tilespmem:v3+s16+$0x0] =	vst.idx.msk $0xffff, v13  }
0x4d: {  	v8 =	vld [tilespmem:s21+$0x8030];
	[tilespmem:v5+s16+$0x0] =	vst.idx.msk $0xffff, v11  }
0x4e: {  	v7 =	vld [tilespmem:s21+$0x8050];
	[tilespmem:v15+s16+$0x0] =	vst.idx.msk $0xffff, v17  }
0x4f: {  	v11 =	vor.u32 s24, v2;
	s24 =	smov.u32 s0;
	v6 =	vld [tilespmem:s21+$0x8010];
	[tilespmem:v14+s16+$0x0] =	vst.idx.msk $0xffff, v16  }
0x50: {  	v16 =	vld [tilespmem:s21+$0x8020];
	[tilespmem:v5+s17+$0x0] =	vst.idx.msk $0xffff, v11;
	v5 =	vor.u32 s25, v2;
	s25 =	smov.u32 s31  }
.Ltmp1:
0x51: {  	v12 =	vor.u32 s26, v2;
	s26 =	smov.u32 s2;
	v11 =	vld [tilespmem:s21+$0x8060];
	[tilespmem:v3+s17+$0x0] =	vst.idx.msk $0xffff, v5;
	(pc) =	sbr.rel @p0 .LBB2_4-.Ltmp1, $4  }
0x52: {  	v13 =	vor.u32 s19, v2;
	s19 =	smov.u32 s1;
	v3 =	vld [tilespmem:s21+$0x8070];
	[tilespmem:v4+s17+$0x0] =	vst.idx.msk $0xffff, v12;
	v4 =	vor.u32 s23, v2;
	s23 =	smov.u32 s3  }
0x53: {  	v5 =	vld [tilespmem:s21+$0x8040];
	[tilespmem:v15+s17+$0x0] =	vst.idx.msk $0xffff, v4  }
0x54: {  	v12 =	vld [tilespmem:s21+$0x20];
	[tilespmem:v14+s17+$0x0] =	vst.idx.msk $0xffff, v13  }
0x55: {  	[tilespmem:v8+s16+$0x0] =	vst.idx.msk $0xffff, v18;
	v13 =	vld [tilespmem:s21+$0x70];
	v4 =	vmov v16  }
0x56: {  	_ =	sdelay $0x3  }
0x57: {  	[tilespmem:v7+s16+$0x0] =	vst.idx.msk $0xffff, v10  }
0x58: {  	[tilespmem:v6+s16+$0x0] =	vst.idx.msk $0xffff, v9;
	v9 =	vor.u32 s30, v2  }
0x59: {  	v14 =	vld [tilespmem:s21+$0x40];
	[tilespmem:v8+s17+$0x0] =	vst.idx.msk $0xffff, v9;
	v8 =	vor.u32 s28, v2  }
0x5a: {  	v10 =	vld [tilespmem:s21+$0x8000];
	v9 =	vor.u32 s29, v2;
	[tilespmem:v7+s17+$0x0] =	vst.idx.msk $0xffff, v8  }
0x5b: {  	v7 =	vld [tilespmem:s21+$0x60];
	[tilespmem:v6+s17+$0x0] =	vst.idx.msk $0xffff, v9  }
0x5c: {  	[tilespmem:v4+s16+$0x0] =	vst.idx.msk $0xffff, v12  }
0x5d: {  	[tilespmem:v3+s16+$0x0] =	vst.idx.msk $0xffff, v13  }
0x5e: {  	v8 =	vld [tilespmem:s21+$0x0];
	v6 =	vor.u32 s24, v2;
	[tilespmem:v5+s16+$0x0] =	vst.idx.msk $0xffff, v14  }
0x5f: {  	[tilespmem:v5+s17+$0x0] =	vst.idx.msk $0xffff, v6  }
0x60: {  	v5 =	vor.u32 s25, v2;
	[tilespmem:v11+s16+$0x0] =	vst.idx.msk $0xffff, v7  }
0x61: {  	v6 =	vor.u32 s26, v2;
	[tilespmem:v3+s17+$0x0] =	vst.idx.msk $0xffff, v5  }
0x62: {  	[tilespmem:v4+s17+$0x0] =	vst.idx.msk $0xffff, v6  }
0x63: {  	v3 =	vor.u32 s23, v2;
	[tilespmem:v10+s16+$0x0] =	vst.idx.msk $0xffff, v8  }
0x64: {  	v4 =	vor.u32 s19, v2;
	[tilespmem:v11+s17+$0x0] =	vst.idx.msk $0xffff, v3  }
0x65: {  	s20 =	simm.s32 $0x0;
	[tilespmem:v10+s17+$0x0] =	vst.idx.msk $0xffff, v4  }
0x66: {  	[tilespmem:s20], [sflag:$0x1] =	stream.linear.gather [hbm4b:s5+s20], $0x8000, $0x38;
	[tilespmem:$0x11900] =	vst v63  }
0x67: {  	_ =	swait.ge [sflag:s14], $0x8000  }
0x68: {  	[sflag:s14] =	ssyncset.done $0x0  }
0x69: {  	s22 =	simm.s32 $0x0;
	[sflag:s14] =	ssyncadd.s32 $0xFFFF8000  }
0x6a: {  	[tilespmem:s15], [sflag:$0x1] =	stream.linear.gather [hbm4b:s6+s20], $0x8000, $0x38;
	[tilespmem:$0x11900] =	vst v63  }
0x6b: {  	s0 =	sand.u32 $0xF8, s22;
	_ =	swait.ge [sflag:s14], $0x8000  }
0x6c: {  	s2 =	sand.u32 $0x380, s20;
	s1 =	sshll.u32 s0, $0x7;
	[sflag:s14] =	ssyncset.done $0x0  }
0x6d: {  	s21 =	sor.u32 s2, s1;
	[sflag:s14] =	ssyncadd.s32 $0xFFFF8000  }
0x6e: {  	v13 =	vld [tilespmem:s21+$0x30]  }
0x6f: {  	v10 =	vld [tilespmem:s21+$0x50]  }
0x70: {  	v9 =	vld [tilespmem:s21+$0x10]  }
0x71: {  	v8 =	vld [tilespmem:s21+$0x8030]  }
0x72: {  	v7 =	vld [tilespmem:s21+$0x8050]  }
0x73: {  	v6 =	vld [tilespmem:s21+$0x8010]  }
0x74: {  	v4 =	vld [tilespmem:s21+$0x8020]  }
0x75: {  	v11 =	vld [tilespmem:s21+$0x8060]  }
0x76: {  	s19 =	sshll.u32 s0, $0x4;
	v3 =	vld [tilespmem:s21+$0x8070]  }
0x77: {  	s30 =	sor.u32 $0x30, s19;
	v5 =	vld [tilespmem:s21+$0x8040]  }
0x78: {  	s28 =	sor.u32 $0x50, s19;
	s29 =	sor.u32 $0x10, s19;
	s24 =	sor.u32 $0x40, s19;
	v12 =	vld [tilespmem:s21+$0x20]  }
0x79: {  	s25 =	sor.u32 $0x70, s19;
	s26 =	sor.u32 $0x20, s19;
	s23 =	sor.u32 $0x60, s19;
	[tilespmem:v8+s16+$0x0] =	vst.idx.msk $0xffff, v13;
	v13 =	vld [tilespmem:s21+$0x70]  }
.LBB2_6:
0x7a: {  	s22 =	sadd.s32 $0x8, s22;
	v14 =	vld [tilespmem:s21+$0x8000];
	[tilespmem:v7+s16+$0x0] =	vst.idx.msk $0xffff, v10;
	s20 =	sadd.s32 $0x4, s20;
	v15 =	vmov v11  }
0x7b: {  	s0 =	sand.u32 $0xF8, s22;
	p0 =	slt.u32 s22, $0x7F8;
	[tilespmem:v6+s16+$0x0] =	vst.idx.msk $0xffff, v9;
	v9 =	vor.u32 s30, v2;
	v11 =	vld [tilespmem:s21+$0x40]  }
0x7c: {  	s2 =	sand.u32 $0x380, s20;
	s1 =	sshll.u32 s0, $0x4;
	s0 =	sshll.u32 s0, $0x7;
	v16 =	vld [tilespmem:s21+$0x0];
	[tilespmem:v8+s17+$0x0] =	vst.idx.msk $0xffff, v9;
	v8 =	vor.u32 s28, v2  }
0x7d: {  	v9 =	vor.u32 s29, v2;
	s30 =	sor.u32 $0x30, s1;
	s28 =	sor.u32 $0x50, s1;
	[tilespmem:v7+s17+$0x0] =	vst.idx.msk $0xffff, v8;
	v17 =	vld [tilespmem:s21+$0x60];
	s21 =	sor.u32 s2, s0  }
0x7e: {  	s29 =	sor.u32 $0x10, s1;
	s0 =	sor.u32 $0x40, s1;
	s2 =	sor.u32 $0x70, s1;
	v18 =	vld [tilespmem:s21+$0x30];
	[tilespmem:v6+s17+$0x0] =	vst.idx.msk $0xffff, v9  }
0x7f: {  	s3 =	sor.u32 $0x20, s1;
	s31 =	sor.u32 $0x60, s1;
	v10 =	vld [tilespmem:s21+$0x50];
	[tilespmem:v4+s16+$0x0] =	vst.idx.msk $0xffff, v12  }
0x80: {  	v9 =	vld [tilespmem:s21+$0x10];
	[tilespmem:v3+s16+$0x0] =	vst.idx.msk $0xffff, v13  }
0x81: {  	v8 =	vld [tilespmem:s21+$0x8030];
	[tilespmem:v5+s16+$0x0] =	vst.idx.msk $0xffff, v11  }
0x82: {  	v7 =	vld [tilespmem:s21+$0x8050];
	[tilespmem:v15+s16+$0x0] =	vst.idx.msk $0xffff, v17  }
0x83: {  	v11 =	vor.u32 s24, v2;
	s24 =	smov.u32 s0;
	v6 =	vld [tilespmem:s21+$0x8010];
	[tilespmem:v14+s16+$0x0] =	vst.idx.msk $0xffff, v16  }
0x84: {  	v16 =	vld [tilespmem:s21+$0x8020];
	[tilespmem:v5+s17+$0x0] =	vst.idx.msk $0xffff, v11;
	v5 =	vor.u32 s25, v2;
	s25 =	smov.u32 s2  }
.Ltmp2:
0x85: {  	v12 =	vor.u32 s26, v2;
	s26 =	smov.u32 s3;
	v11 =	vld [tilespmem:s21+$0x8060];
	[tilespmem:v3+s17+$0x0] =	vst.idx.msk $0xffff, v5;
	(pc) =	sbr.rel @p0 .LBB2_6-.Ltmp2, $4  }
0x86: {  	v13 =	vor.u32 s19, v2;
	s19 =	smov.u32 s1;
	v3 =	vld [tilespmem:s21+$0x8070];
	[tilespmem:v4+s17+$0x0] =	vst.idx.msk $0xffff, v12;
	v4 =	vor.u32 s23, v2;
	s23 =	smov.u32 s31  }
0x87: {  	v5 =	vld [tilespmem:s21+$0x8040];
	[tilespmem:v15+s17+$0x0] =	vst.idx.msk $0xffff, v4  }
0x88: {  	v12 =	vld [tilespmem:s21+$0x20];
	[tilespmem:v14+s17+$0x0] =	vst.idx.msk $0xffff, v13  }
0x89: {  	[tilespmem:v8+s16+$0x0] =	vst.idx.msk $0xffff, v18;
	v13 =	vld [tilespmem:s21+$0x70];
	v4 =	vmov v16  }
0x8a: {  	_ =	sdelay $0x3  }
0x8b: {  	[tilespmem:v7+s16+$0x0] =	vst.idx.msk $0xffff, v10  }
0x8c: {  	[tilespmem:v6+s16+$0x0] =	vst.idx.msk $0xffff, v9;
	v9 =	vor.u32 s30, v2  }
0x8d: {  	v14 =	vld [tilespmem:s21+$0x40];
	[tilespmem:v8+s17+$0x0] =	vst.idx.msk $0xffff, v9;
	v8 =	vor.u32 s28, v2  }
0x8e: {  	v10 =	vld [tilespmem:s21+$0x8000];
	v9 =	vor.u32 s29, v2;
	[tilespmem:v7+s17+$0x0] =	vst.idx.msk $0xffff, v8  }
0x8f: {  	v7 =	vld [tilespmem:s21+$0x60];
	[tilespmem:v6+s17+$0x0] =	vst.idx.msk $0xffff, v9  }
0x90: {  	[tilespmem:v4+s16+$0x0] =	vst.idx.msk $0xffff, v12  }
0x91: {  	[tilespmem:v3+s16+$0x0] =	vst.idx.msk $0xffff, v13  }
0x92: {  	v8 =	vld [tilespmem:s21+$0x0];
	v6 =	vor.u32 s24, v2;
	[tilespmem:v5+s16+$0x0] =	vst.idx.msk $0xffff, v14  }
0x93: {  	[tilespmem:v5+s17+$0x0] =	vst.idx.msk $0xffff, v6  }
0x94: {  	v5 =	vor.u32 s25, v2;
	[tilespmem:v11+s16+$0x0] =	vst.idx.msk $0xffff, v7  }
0x95: {  	v6 =	vor.u32 s26, v2;
	[tilespmem:v3+s17+$0x0] =	vst.idx.msk $0xffff, v5  }
0x96: {  	[tilespmem:v4+s17+$0x0] =	vst.idx.msk $0xffff, v6  }
0x97: {  	v3 =	vor.u32 s23, v2;
	[tilespmem:v10+s16+$0x0] =	vst.idx.msk $0xffff, v8  }
0x98: {  	v4 =	vor.u32 s19, v2;
	[tilespmem:v11+s17+$0x0] =	vst.idx.msk $0xffff, v3  }
0x99: {  	s20 =	simm.s32 $0x0;
	[tilespmem:v10+s17+$0x0] =	vst.idx.msk $0xffff, v4  }
0x9a: {  	[tilespmem:s20], [sflag:$0x1] =	stream.linear.gather [hbm4b:s7+s20], $0x8000, $0x38;
	[tilespmem:$0x11900] =	vst v63  }
0x9b: {  	_ =	swait.ge [sflag:s14], $0x8000  }
0x9c: {  	[sflag:s14] =	ssyncset.done $0x0  }
0x9d: {  	s22 =	simm.s32 $0x0;
	[sflag:s14] =	ssyncadd.s32 $0xFFFF8000  }
0x9e: {  	[tilespmem:s15], [sflag:$0x1] =	stream.linear.gather [hbm4b:s8+s20], $0x8000, $0x38;
	[tilespmem:$0x11900] =	vst v63  }
0x9f: {  	s0 =	sand.u32 $0xF8, s22;
	_ =	swait.ge [sflag:s14], $0x8000  }
0xa0: {  	s2 =	sand.u32 $0x380, s20;
	s1 =	sshll.u32 s0, $0x7;
	[sflag:s14] =	ssyncset.done $0x0  }
0xa1: {  	s21 =	sor.u32 s2, s1;
	[sflag:s14] =	ssyncadd.s32 $0xFFFF8000  }
0xa2: {  	v13 =	vld [tilespmem:s21+$0x30]  }
0xa3: {  	v10 =	vld [tilespmem:s21+$0x50]  }
0xa4: {  	v9 =	vld [tilespmem:s21+$0x10]  }
0xa5: {  	v8 =	vld [tilespmem:s21+$0x8030]  }
0xa6: {  	v7 =	vld [tilespmem:s21+$0x8050]  }
0xa7: {  	v6 =	vld [tilespmem:s21+$0x8010]  }
0xa8: {  	v4 =	vld [tilespmem:s21+$0x8020]  }
0xa9: {  	v11 =	vld [tilespmem:s21+$0x8060]  }
0xaa: {  	s19 =	sshll.u32 s0, $0x4;
	v3 =	vld [tilespmem:s21+$0x8070]  }
0xab: {  	s30 =	sor.u32 $0x30, s19;
	v5 =	vld [tilespmem:s21+$0x8040]  }
0xac: {  	s28 =	sor.u32 $0x50, s19;
	s29 =	sor.u32 $0x10, s19;
	s24 =	sor.u32 $0x40, s19;
	v12 =	vld [tilespmem:s21+$0x20]  }
0xad: {  	s25 =	sor.u32 $0x70, s19;
	s26 =	sor.u32 $0x20, s19;
	s23 =	sor.u32 $0x60, s19;
	[tilespmem:v8+s16+$0x0] =	vst.idx.msk $0xffff, v13;
	v13 =	vld [tilespmem:s21+$0x70]  }
.LBB2_8:
0xae: {  	s22 =	sadd.s32 $0x8, s22;
	v14 =	vld [tilespmem:s21+$0x8000];
	[tilespmem:v7+s16+$0x0] =	vst.idx.msk $0xffff, v10;
	s20 =	sadd.s32 $0x4, s20;
	v15 =	vmov v11  }
0xaf: {  	s0 =	sand.u32 $0xF8, s22;
	p0 =	slt.u32 s22, $0x7F8;
	[tilespmem:v6+s16+$0x0] =	vst.idx.msk $0xffff, v9;
	v9 =	vor.u32 s30, v2;
	v11 =	vld [tilespmem:s21+$0x40]  }
0xb0: {  	s2 =	sand.u32 $0x380, s20;
	s1 =	sshll.u32 s0, $0x4;
	s0 =	sshll.u32 s0, $0x7;
	v16 =	vld [tilespmem:s21+$0x0];
	[tilespmem:v8+s17+$0x0] =	vst.idx.msk $0xffff, v9;
	v8 =	vor.u32 s28, v2  }
0xb1: {  	v9 =	vor.u32 s29, v2;
	s30 =	sor.u32 $0x30, s1;
	s28 =	sor.u32 $0x50, s1;
	[tilespmem:v7+s17+$0x0] =	vst.idx.msk $0xffff, v8;
	v17 =	vld [tilespmem:s21+$0x60];
	s21 =	sor.u32 s2, s0  }
0xb2: {  	s29 =	sor.u32 $0x10, s1;
	s0 =	sor.u32 $0x40, s1;
	s2 =	sor.u32 $0x70, s1;
	v18 =	vld [tilespmem:s21+$0x30];
	[tilespmem:v6+s17+$0x0] =	vst.idx.msk $0xffff, v9  }
0xb3: {  	s3 =	sor.u32 $0x20, s1;
	s31 =	sor.u32 $0x60, s1;
	v10 =	vld [tilespmem:s21+$0x50];
	[tilespmem:v4+s16+$0x0] =	vst.idx.msk $0xffff, v12  }
0xb4: {  	v9 =	vld [tilespmem:s21+$0x10];
	[tilespmem:v3+s16+$0x0] =	vst.idx.msk $0xffff, v13  }
0xb5: {  	v8 =	vld [tilespmem:s21+$0x8030];
	[tilespmem:v5+s16+$0x0] =	vst.idx.msk $0xffff, v11  }
0xb6: {  	v7 =	vld [tilespmem:s21+$0x8050];
	[tilespmem:v15+s16+$0x0] =	vst.idx.msk $0xffff, v17  }
0xb7: {  	v11 =	vor.u32 s24, v2;
	s24 =	smov.u32 s0;
	v6 =	vld [tilespmem:s21+$0x8010];
	[tilespmem:v14+s16+$0x0] =	vst.idx.msk $0xffff, v16  }
0xb8: {  	v16 =	vld [tilespmem:s21+$0x8020];
	[tilespmem:v5+s17+$0x0] =	vst.idx.msk $0xffff, v11;
	v5 =	vor.u32 s25, v2;
	s25 =	smov.u32 s2  }
.Ltmp3:
0xb9: {  	v12 =	vor.u32 s26, v2;
	s26 =	smov.u32 s3;
	v11 =	vld [tilespmem:s21+$0x8060];
	[tilespmem:v3+s17+$0x0] =	vst.idx.msk $0xffff, v5;
	(pc) =	sbr.rel @p0 .LBB2_8-.Ltmp3, $4  }
0xba: {  	v13 =	vor.u32 s19, v2;
	s19 =	smov.u32 s1;
	v3 =	vld [tilespmem:s21+$0x8070];
	[tilespmem:v4+s17+$0x0] =	vst.idx.msk $0xffff, v12;
	v4 =	vor.u32 s23, v2;
	s23 =	smov.u32 s31  }
0xbb: {  	v5 =	vld [tilespmem:s21+$0x8040];
	[tilespmem:v15+s17+$0x0] =	vst.idx.msk $0xffff, v4  }
0xbc: {  	v12 =	vld [tilespmem:s21+$0x20];
	[tilespmem:v14+s17+$0x0] =	vst.idx.msk $0xffff, v13  }
0xbd: {  	[tilespmem:v8+s16+$0x0] =	vst.idx.msk $0xffff, v18;
	v13 =	vld [tilespmem:s21+$0x70];
	v4 =	vmov v16  }
0xbe: {  	_ =	sdelay $0x3  }
0xbf: {  	[tilespmem:v7+s16+$0x0] =	vst.idx.msk $0xffff, v10  }
0xc0: {  	[tilespmem:v6+s16+$0x0] =	vst.idx.msk $0xffff, v9;
	v9 =	vor.u32 s30, v2  }
0xc1: {  	v14 =	vld [tilespmem:s21+$0x40];
	[tilespmem:v8+s17+$0x0] =	vst.idx.msk $0xffff, v9;
	v8 =	vor.u32 s28, v2  }
0xc2: {  	v10 =	vld [tilespmem:s21+$0x8000];
	v9 =	vor.u32 s29, v2;
	[tilespmem:v7+s17+$0x0] =	vst.idx.msk $0xffff, v8  }
0xc3: {  	v7 =	vld [tilespmem:s21+$0x60];
	[tilespmem:v6+s17+$0x0] =	vst.idx.msk $0xffff, v9  }
0xc4: {  	[tilespmem:v4+s16+$0x0] =	vst.idx.msk $0xffff, v12  }
0xc5: {  	[tilespmem:v3+s16+$0x0] =	vst.idx.msk $0xffff, v13  }
0xc6: {  	v8 =	vld [tilespmem:s21+$0x0];
	v6 =	vor.u32 s24, v2;
	[tilespmem:v5+s16+$0x0] =	vst.idx.msk $0xffff, v14  }
0xc7: {  	[tilespmem:v5+s17+$0x0] =	vst.idx.msk $0xffff, v6  }
0xc8: {  	v5 =	vor.u32 s25, v2;
	[tilespmem:v11+s16+$0x0] =	vst.idx.msk $0xffff, v7  }
0xc9: {  	v6 =	vor.u32 s26, v2;
	[tilespmem:v3+s17+$0x0] =	vst.idx.msk $0xffff, v5  }
0xca: {  	[tilespmem:v4+s17+$0x0] =	vst.idx.msk $0xffff, v6  }
0xcb: {  	v3 =	vor.u32 s23, v2;
	[tilespmem:v10+s16+$0x0] =	vst.idx.msk $0xffff, v8  }
0xcc: {  	v4 =	vor.u32 s19, v2;
	[tilespmem:v11+s17+$0x0] =	vst.idx.msk $0xffff, v3  }
0xcd: {  	s20 =	simm.s32 $0x0;
	[tilespmem:v10+s17+$0x0] =	vst.idx.msk $0xffff, v4  }
0xce: {  	[tilespmem:s20], [sflag:$0x1] =	stream.linear.gather [hbm4b:s9+s20], $0x8000, $0x38;
	[tilespmem:$0x11900] =	vst v63  }
0xcf: {  	_ =	swait.ge [sflag:s14], $0x8000  }
0xd0: {  	[sflag:s14] =	ssyncset.done $0x0  }
0xd1: {  	s22 =	simm.s32 $0x0;
	[sflag:s14] =	ssyncadd.s32 $0xFFFF8000  }
0xd2: {  	[tilespmem:s15], [sflag:$0x1] =	stream.linear.gather [hbm4b:s10+s20], $0x8000, $0x38;
	[tilespmem:$0x11900] =	vst v63  }
0xd3: {  	s0 =	sand.u32 $0xF8, s22;
	_ =	swait.ge [sflag:s14], $0x8000  }
0xd4: {  	s2 =	sand.u32 $0x380, s20;
	s1 =	sshll.u32 s0, $0x7;
	[sflag:s14] =	ssyncset.done $0x0  }
0xd5: {  	s21 =	sor.u32 s2, s1;
	[sflag:s14] =	ssyncadd.s32 $0xFFFF8000  }
0xd6: {  	v13 =	vld [tilespmem:s21+$0x30]  }
0xd7: {  	v10 =	vld [tilespmem:s21+$0x50]  }
0xd8: {  	v9 =	vld [tilespmem:s21+$0x10]  }
0xd9: {  	v8 =	vld [tilespmem:s21+$0x8030]  }
0xda: {  	v7 =	vld [tilespmem:s21+$0x8050]  }
0xdb: {  	v6 =	vld [tilespmem:s21+$0x8010]  }
0xdc: {  	v4 =	vld [tilespmem:s21+$0x8020]  }
0xdd: {  	v11 =	vld [tilespmem:s21+$0x8060]  }
0xde: {  	s19 =	sshll.u32 s0, $0x4;
	v3 =	vld [tilespmem:s21+$0x8070]  }
0xdf: {  	s30 =	sor.u32 $0x30, s19;
	v5 =	vld [tilespmem:s21+$0x8040]  }
0xe0: {  	s28 =	sor.u32 $0x50, s19;
	s29 =	sor.u32 $0x10, s19;
	s24 =	sor.u32 $0x40, s19;
	v12 =	vld [tilespmem:s21+$0x20]  }
0xe1: {  	s25 =	sor.u32 $0x70, s19;
	s26 =	sor.u32 $0x20, s19;
	s23 =	sor.u32 $0x60, s19;
	[tilespmem:v8+s16+$0x0] =	vst.idx.msk $0xffff, v13;
	v13 =	vld [tilespmem:s21+$0x70]  }
.LBB2_10:
0xe2: {  	s22 =	sadd.s32 $0x8, s22;
	v14 =	vld [tilespmem:s21+$0x8000];
	[tilespmem:v7+s16+$0x0] =	vst.idx.msk $0xffff, v10;
	s20 =	sadd.s32 $0x4, s20;
	v15 =	vmov v11  }
0xe3: {  	s0 =	sand.u32 $0xF8, s22;
	p0 =	slt.u32 s22, $0x7F8;
	[tilespmem:v6+s16+$0x0] =	vst.idx.msk $0xffff, v9;
	v9 =	vor.u32 s30, v2;
	v11 =	vld [tilespmem:s21+$0x40]  }
0xe4: {  	s2 =	sand.u32 $0x380, s20;
	s1 =	sshll.u32 s0, $0x4;
	s0 =	sshll.u32 s0, $0x7;
	v16 =	vld [tilespmem:s21+$0x0];
	[tilespmem:v8+s17+$0x0] =	vst.idx.msk $0xffff, v9;
	v8 =	vor.u32 s28, v2  }
0xe5: {  	v9 =	vor.u32 s29, v2;
	s30 =	sor.u32 $0x30, s1;
	s28 =	sor.u32 $0x50, s1;
	[tilespmem:v7+s17+$0x0] =	vst.idx.msk $0xffff, v8;
	v17 =	vld [tilespmem:s21+$0x60];
	s21 =	sor.u32 s2, s0  }
0xe6: {  	s29 =	sor.u32 $0x10, s1;
	s0 =	sor.u32 $0x40, s1;
	s2 =	sor.u32 $0x70, s1;
	v18 =	vld [tilespmem:s21+$0x30];
	[tilespmem:v6+s17+$0x0] =	vst.idx.msk $0xffff, v9  }
0xe7: {  	s3 =	sor.u32 $0x20, s1;
	s31 =	sor.u32 $0x60, s1;
	v10 =	vld [tilespmem:s21+$0x50];
	[tilespmem:v4+s16+$0x0] =	vst.idx.msk $0xffff, v12  }
0xe8: {  	v9 =	vld [tilespmem:s21+$0x10];
	[tilespmem:v3+s16+$0x0] =	vst.idx.msk $0xffff, v13  }
0xe9: {  	v8 =	vld [tilespmem:s21+$0x8030];
	[tilespmem:v5+s16+$0x0] =	vst.idx.msk $0xffff, v11  }
0xea: {  	v7 =	vld [tilespmem:s21+$0x8050];
	[tilespmem:v15+s16+$0x0] =	vst.idx.msk $0xffff, v17  }
0xeb: {  	v11 =	vor.u32 s24, v2;
	s24 =	smov.u32 s0;
	v6 =	vld [tilespmem:s21+$0x8010];
	[tilespmem:v14+s16+$0x0] =	vst.idx.msk $0xffff, v16  }
0xec: {  	v16 =	vld [tilespmem:s21+$0x8020];
	[tilespmem:v5+s17+$0x0] =	vst.idx.msk $0xffff, v11;
	v5 =	vor.u32 s25, v2;
	s25 =	smov.u32 s2  }
.Ltmp4:
0xed: {  	v12 =	vor.u32 s26, v2;
	s26 =	smov.u32 s3;
	v11 =	vld [tilespmem:s21+$0x8060];
	[tilespmem:v3+s17+$0x0] =	vst.idx.msk $0xffff, v5;
	(pc) =	sbr.rel @p0 .LBB2_10-.Ltmp4, $4  }
0xee: {  	v13 =	vor.u32 s19, v2;
	s19 =	smov.u32 s1;
	v3 =	vld [tilespmem:s21+$0x8070];
	[tilespmem:v4+s17+$0x0] =	vst.idx.msk $0xffff, v12;
	v4 =	vor.u32 s23, v2;
	s23 =	smov.u32 s31  }
0xef: {  	v5 =	vld [tilespmem:s21+$0x8040];
	[tilespmem:v15+s17+$0x0] =	vst.idx.msk $0xffff, v4  }
0xf0: {  	v12 =	vld [tilespmem:s21+$0x20];
	[tilespmem:v14+s17+$0x0] =	vst.idx.msk $0xffff, v13  }
0xf1: {  	[tilespmem:v8+s16+$0x0] =	vst.idx.msk $0xffff, v18;
	v13 =	vld [tilespmem:s21+$0x70];
	v4 =	vmov v16  }
0xf2: {  	_ =	sdelay $0x3  }
0xf3: {  	[tilespmem:v7+s16+$0x0] =	vst.idx.msk $0xffff, v10  }
0xf4: {  	[tilespmem:v6+s16+$0x0] =	vst.idx.msk $0xffff, v9;
	v55 =	vor.u32 s30, v2  }
0xf5: {  	v56 =	vor.u32 s28, v2;
	[tilespmem:v8+s17+$0x0] =	vst.idx.msk $0xffff, v55  }
0xf6: {  	v14 =	vld [tilespmem:s21+$0x40];
	v57 =	vor.u32 s29, v2;
	[tilespmem:v7+s17+$0x0] =	vst.idx.msk $0xffff, v56  }
0xf7: {  	v58 =	vld [tilespmem:s21+$0x60];
	[tilespmem:v6+s17+$0x0] =	vst.idx.msk $0xffff, v57  }
0xf8: {  	v54 =	vld [tilespmem:s21+$0x8000];
	[tilespmem:v4+s16+$0x0] =	vst.idx.msk $0xffff, v12  }
0xf9: {  	v62 =	vor.u32 s26, v2;
	[tilespmem:v3+s16+$0x0] =	vst.idx.msk $0xffff, v13  }
0xfa: {  	[tilespmem:v4+s17+$0x0] =	vst.idx.msk $0xffff, v62  }
0xfb: {  	v59 =	vld [tilespmem:s21+$0x0];
	[tilespmem:v5+s16+$0x0] =	vst.idx.msk $0xffff, v14  }
0xfc: {  	v61 =	vor.u32 s25, v2;
	[tilespmem:v11+s16+$0x0] =	vst.idx.msk $0xffff, v58  }
0xfd: {  	v60 =	vor.u32 s24, v2;
	[tilespmem:v3+s17+$0x0] =	vst.idx.msk $0xffff, v61  }
0xfe: {  	v3 =	vor.u32 s23, v2;
	[tilespmem:v5+s17+$0x0] =	vst.idx.msk $0xffff, v60  }
0xff: {  	[tilespmem:v11+s17+$0x0] =	vst.idx.msk $0xffff, v3  }
0x100: {  	v63 =	vor.u32 s19, v2;
	[tilespmem:v54+s16+$0x0] =	vst.idx.msk $0xffff, v59  }
0x101: {  	s0 =	simm.s32 $0x0;
	[tilespmem:v54+s17+$0x0] =	vst.idx.msk $0xffff, v63  }
0x102: {  	[hbm4b:s11+s0] =	stream.linear.scatter [tilespmem:s16], [sflag:$0x1], $0xC00, $0x38;
	[tilespmem:$0x11900] =	vst v63  }
0x103: {  	s18 =	sadd.s32 $0x1, s18;
	_ =	swait.ge [sflag:s14], $0xC00  }
0x104: {  	p0 =	sne.s32 s18, s13;
	[sflag:s14] =	ssyncset.done $0x0  }
.Ltmp5:
0x105: {  	[sflag:s14] =	ssyncadd.s32 $0xFFFFF400;
	(pc) =	sbr.rel @p0 .LBB2_1-.Ltmp5, $4  }
0x106: {  	[hbm4b:s12+s0] =	stream.linear.scatter [tilespmem:s17], [sflag:$0x1], $0xC00, $0x38;
	[tilespmem:$0x11900] =	vst v63  }
0x107: {  	_ =	swait.ge [sflag:s14], $0xC00  }
0x108: {  	[sflag:s14] =	ssyncset.done $0x0  }
0x109: {  	[sflag:s14] =	ssyncadd.s32 $0xFFFFF400  }
0x10a: {  	_ =	sfence.sel $0x180000  }
0x10b: {  	[bflag:$0x0] =	sbarrier.arrive $0xFFFF  }
0x10c: {  	_ =	strace $0x90000047  }
0x10d: {  	s0 =	stileid.u32;
	[bflag:$0x2] =	sbarrier.arrive $0xFFFF  }
0x10e: {  	p0 =	sne.s32 s0, $0x0;
	s0 =	rddreg [dreg:$0x3]  }
0x10f: {  	s0 =	sadd.s32 @!p0 $0x100000, s0  }
0x110: {  	[sflag:s0] =	ssyncadd.tile.s32 @!p0 $0x1;
	_ =	shalt  }
.Lfunc_end2:
_tile_overlayer_lowered:
.L_overlay_start_2:
0x111: {  	(tag) =	ssettag $0x2  }
0x112: {  	s0 =	rddreg [dreg:$0x0];
	s2 =	stileid.u32  }
0x113: {  	s1 =	rddreg [dreg:$0x1];
	p0 =	sne.s32 s2, $0x0  }
0x114: {  	s3 =	rddreg [dreg:$0x2];
	[bflag:$0x3] =	sbarrier.arrive $0xFFFF;
	s2 =	simm.s32 @!p0 $0x1C01  }
0x115: {  	[timem:s3], [sflag:s2] =	dma.local @!p0 [hbm:s0], s1  }
0x116: {  	s0 =	simm.s32 @!p0 $0x1  }
0x117: {  	_ =	swait.ge @!p0 [sflag:s0], s1  }
0x118: {  	s1 =	ssub.s32 @!p0 $0x0, s1;
	[sflag:s0] =	ssyncset.done @!p0 $0x0  }
0x119: {  	[sflag:s0] =	ssyncadd.s32 @!p0 s1  }
0x11a: {  	[bflag:$0x3] =	sbarrier.arrive $0xFFFF  }
0x11b: {  	_ =	shalt  }

// kernel: kernel.9.cloned.1.call-start
scs
__scs_entry_jumppad:
0x0: {  	(pc) =	sbr.rel $0x88, $3  }
0x1: {  	(tag) =	ssettag $0x0;
	lr =	simm.s32 $0x1  }
0x2: {  	[smem:$0x3F9D] =	sst lr;
	_ =	strace $0xD0000000  }
0x3: {  	_ = 	snop  }
0x4: {  	_ = 	snop  }
0x5: {  	_ = 	snop  }
0x6: {  	_ = 	snop  }
0x7: {  	_ = 	snop  }
__scs_overlays_trampoline_lowered:
0x8: {  	[smem:$0x3FAC] =	sst s0  }
0x9: {  	[smem:$0x3FAD] =	sst s1  }
0xa: {  	[smem:$0x3FAE] =	sst s2  }
0xb: {  	[smem:$0x3FAF] =	sst s3  }
0xc: {  	[smem:$0x3FB0] =	sst s4  }
0xd: {  	[smem:$0x3FB1] =	sst s5  }
0xe: {  	[smem:$0x3FB2] =	sst s6  }
0xf: {  	[smem:$0x3FB3] =	sst s7  }
0x10: {  	[smem:$0x3FB4] =	sst s8  }
0x11: {  	[smem:$0x3FB5] =	sst s9;
	s0 =	simm.s32 @!p0 $0x0  }
0x12: {  	s1 =	sld [smem:$0x3F9B];
	s0 =	simm.s32 @p0 $0x1  }
0x13: {  	[smem:$0x3FB6] =	sst s0;
	s0 =	simm.s32 @!p1 $0x0  }
0x14: {  	s2 =	sld [smem:$0x3F9A];
	s0 =	simm.s32 @p1 $0x1  }
0x15: {  	[smem:$0x3FB7] =	sst s0;
	s0 =	simm.s32 @!p2 $0x0  }
0x16: {  	s3 =	sld [smem:$0x3FDB];
	s0 =	simm.s32 @p2 $0x1  }
0x17: {  	s4 =	simm.s32 $0x1BF5;
	[smem:$0x3FB9] =	sst s0  }
0x18: {  	s0 =	sld [smem:$0x3F9C];
	_ =	swait.ge [sflag:s4], $0x0  }
0x19: {  	s7 =	sld [smem:$0x3F9D]  }
0x1a: {  	s8 =	sadd.s32 $0xFFFFE003, lr  }
0x1b: {  	s9 =	sadd.s32 $0xFFFFFEF7, lr;
	s5 =	simm.s32 $0xFFFFFFFF;
	p2 =	slt.u32 s8, $0xFFFFF086  }
0x1c: {  	p1 =	slt.u32 s9, $0xF7A;
	s5 =	simm.s32 @!p2 $0x0  }
0x1d: {  	s5 =	simm.s32 @p1 $0x1;
	p0 =	seq.s32 s7, s2  }
0x1e: {  	s7 =	smul.u32 @!p0 $0xF7A, s2;
	p2 =	seq.s32 @!p0 s5, $0x0  }
0x1f: {  	s9 =	smul.u32 $0xF7A, s1;
	s8 =	simm.s32 @!p0 $0x1BF5;
	p2 =	por !p2, p0  }
0x20: {  	[sflag:s8] =	ssyncset.s32 @!p0 $0xFFFFF086;
	s6 =	sadd.s32 @!p0 s3, s7;
	s7 =	simm.s32 @!p0 $0x108  }
0x21: {  	s3 =	sadd.s32 s3, s9;
	s6 =	sadd.s32 @!p0 $0x88, s6;
	s7 =	simm.s32 @p2 $0x1082  }
0x22: {  	[simem:s7], [sflag:s8] =	dma.local @!p0 [hbm:s6], $0xF7A  }
0x23: {  	s9 =	sor.u32 $0xD0000000, s2;
	s6 =	simm.s32 $0x108;
	_ =	swait.ge @!p0 [sflag:s8], $0x0  }
0x24: {  	s3 =	sadd.s32 $0x88, s3;
	s6 =	simm.s32 @!p1 $0x1082;
	[sflag:s4] =	ssyncset.s32 $0xFFFFF086  }
0x25: {  	[simem:s6], [sflag:s4] =	dma.local [hbm:s3], $0xF7A  }
0x26: {  	[smem:$0x3F9D] =	sst s1;
	(tag) =	ssettag s2;
	_ =	strace s9  }
0x27: {  	s1 =	sld [smem:$0x3FAD]  }
0x28: {  	s2 =	sld [smem:$0x3FAE]  }
0x29: {  	s4 =	sld [smem:$0x3FB0]  }
0x2a: {  	p0 =	seq.s32 s5, $0x0;
	s5 =	sld [smem:$0x3FB1]  }
0x2b: {  	s6 =	sld [smem:$0x3FB2]  }
0x2c: {  	s7 =	sld [smem:$0x3FB3]  }
0x2d: {  	s3 =	simm.s32 $0x108;
	s8 =	sld [smem:$0x3FB4]  }
0x2e: {  	s3 =	simm.s32 @!p0 $0x1082;
	s9 =	sld [smem:$0x3FB5]  }
0x2f: {  	lr =	sadd.s32 s0, s3;
	s0 =	sld [smem:$0x3FAC]  }
0x30: {  	s3 =	sld [smem:$0x3FAF]  }
0x31: {  	[smem:$0x3FB8] =	sst s10  }
0x32: {  	s10 =	sld [smem:$0x3FB6];
	_ =	sdelay $0x3  }
0x33: {  	p0 =	seq.s32 s10, $0x1;
	s10 =	sld [smem:$0x3FB8];
	_ =	sdelay $0x3  }
0x34: {  	[smem:$0x3FB8] =	sst s10  }
0x35: {  	s10 =	sld [smem:$0x3FB7];
	_ =	sdelay $0x3  }
0x36: {  	p1 =	seq.s32 s10, $0x1;
	s10 =	sld [smem:$0x3FB8];
	_ =	sdelay $0x3  }
0x37: {  	[smem:$0x3FB8] =	sst s10  }
0x38: {  	s10 =	sld [smem:$0x3FB9]  }
0x39: {  	_ = 	snop;
	(pc) =	sbr.ind lr, $3  }
0x3a: {  	_ = 	snop  }
0x3b: {  	_ = 	snop  }
0x3c: {  	p2 =	seq.s32 s10, $0x1;
	s10 =	sld [smem:$0x3FB8]  }
0x3d: {  	_ =	shalt  }
0x3e: {  	_ =	shalt  }
0x3f: {  	_ =	shalt  }
0x40: {  	_ =	shalt  }
0x41: {  	_ =	shalt  }
0x42: {  	_ =	shalt  }
0x43: {  	_ =	shalt  }
0x44: {  	_ =	shalt  }
0x45: {  	_ =	shalt  }
0x46: {  	_ =	shalt  }
0x47: {  	_ =	shalt  }
0x48: {  	_ =	shalt  }
0x49: {  	_ =	shalt  }
0x4a: {  	_ =	shalt  }
0x4b: {  	_ =	shalt  }
0x4c: {  	_ =	shalt  }
0x4d: {  	_ =	shalt  }
0x4e: {  	_ =	shalt  }
0x4f: {  	_ =	shalt  }
0x50: {  	_ =	shalt  }
0x51: {  	_ =	shalt  }
0x52: {  	_ =	shalt  }
0x53: {  	_ =	shalt  }
0x54: {  	_ =	shalt  }
0x55: {  	_ =	shalt  }
0x56: {  	_ =	shalt  }
0x57: {  	_ =	shalt  }
0x58: {  	_ =	shalt  }
0x59: {  	_ =	shalt  }
0x5a: {  	_ =	shalt  }
0x5b: {  	_ =	shalt  }
0x5c: {  	_ =	shalt  }
0x5d: {  	_ =	shalt  }
0x5e: {  	_ =	shalt  }
0x5f: {  	_ =	shalt  }
0x60: {  	_ =	shalt  }
0x61: {  	_ =	shalt  }
0x62: {  	_ =	shalt  }
0x63: {  	_ =	shalt  }
0x64: {  	_ =	shalt  }
0x65: {  	_ =	shalt  }
0x66: {  	_ =	shalt  }
0x67: {  	_ =	shalt  }
0x68: {  	_ =	shalt  }
0x69: {  	_ =	shalt  }
0x6a: {  	_ =	shalt  }
0x6b: {  	_ =	shalt  }
0x6c: {  	_ =	shalt  }
0x6d: {  	_ =	shalt  }
0x6e: {  	_ =	shalt  }
0x6f: {  	_ =	shalt  }
0x70: {  	_ =	shalt  }
0x71: {  	_ =	shalt  }
0x72: {  	_ =	shalt  }
0x73: {  	_ =	shalt  }
0x74: {  	_ =	shalt  }
0x75: {  	_ =	shalt  }
0x76: {  	_ =	shalt  }
0x77: {  	_ =	shalt  }
0x78: {  	_ =	shalt  }
0x79: {  	_ =	shalt  }
0x7a: {  	_ =	shalt  }
0x7b: {  	_ =	shalt  }
0x7c: {  	_ =	shalt  }
0x7d: {  	_ =	shalt  }
0x7e: {  	_ =	shalt  }
0x7f: {  	_ =	shalt  }
0x80: {  	_ =	shalt  }
0x81: {  	_ =	shalt  }
0x82: {  	_ =	shalt  }
0x83: {  	_ =	shalt  }
0x84: {  	_ =	shalt  }
0x85: {  	_ =	shalt  }
0x86: {  	_ =	shalt  }
0x87: {  	_ =	shalt  }
.Lfunc_end0:
.L_simem_size_0:
called_computation.1_lowered:
.L_overlay_start_0:
0x88: {  	s2 =	sld [smem:$0x3FD9]  }
0x89: {  	s3 =	sld [smem:$0x3FFE];
	_ =	sdelay $0x1  }
0x8a: {  	s1 =	srdreg.scid  }
0x8b: {  	s0 =	sand.u32 $0x1, s1  }
0x8c: {  	s14 =	sshll.u32 s0, $0xA;
	s2 =	sadd.s32 s3, s2  }
0x8d: {  	s2 =	sadd.s32 s2, s14  }
0x8e: {  	[smem:$0x3FC4] =	sst s2  }
0x8f: {  	_ = 	snop  }
0x90: {  	s2 =	sld [smem:$0x3FD0];
	_ =	sdelay $0x2  }
0x91: {  	s15 =	simm.s32 $0xA;
	s4 =	simm.s32 $0x10  }
0x92: {  	[smem:s4], [sflag:s15] =	dma.local [hbm:s2], $0x1  }
0x93: {  	_ =	swait.eq [sflag:s15], $0x1  }
0x94: {  	[sflag:s15] =	ssyncset.done $0x0  }
0x95: {  	[sflag:s15] =	ssyncadd.s32 $0xFFFFFFFF  }
0x96: {  	s16 =	sld [smem:$0x10];
	(tm) =	ssettm $0x1  }
0x97: {  	s17 =	sld [smem:$0x3FFB];
	_ =	sdelay $0x3  }
0x98: {  	_ =	strace s17  }
0x99: {  	s3 =	sld [smem:$0x3FFC];
	_ =	sdelay $0x3  }
0x9a: {  	_ =	strace s3  }
0x9b: {  	s3 =	sld [smem:$0x3FFD];
	_ =	sdelay $0x3  }
0x9c: {  	_ =	strace s3  }
0x9d: {  	_ =	strace $0x8FFFFFFF  }
0x9e: {  	s18 =	sld [smem:$0x3FDB];
	_ =	sdelay $0x1  }
0x9f: {  	s19 =	simm.s32 $_scs_section_size  }
0xa0: {  	s5 =	simm.s32 $_size__tile_overlayer_lowered;
	s6 =	simm.s32 $_tile_overlayer_lowered  }
0xa1: {  	s22 =	simm.s32 $0x1BFF;
	s21 =	sshll.u32 s6, $0x1;
	s3 =	sadd.s32 s19, s18  }
0xa2: {  	s7 =	simm.s32 $0x0;
	s20 =	sshll.u32 s5, $0x1;
	s5 =	sadd.s32 s21, s3  }
0xa3: {  	[timem:s7], [sflag:s22] =	dma.local [hbm:s5], s20  }
0xa4: {  	_ =	swait.ge [sflag:s22], s20  }
0xa5: {  	s4 =	ssub.s32 $0x0, s20;
	[sflag:s22] =	ssyncset.done $0x0  }
0xa6: {  	[sflag:s22] =	ssyncadd.s32 s4;
	_ =	sdelay $0x1  }
0xa7: {  	s23 =	simm.s32 $0x1B8B  }
0xa8: {  	_ =	swait.ge [sflag:s23], $0x1  }
0xa9: {  	[sflag:s23] =	ssyncset.done $0x0  }
0xaa: {  	s25 =	simm.s32 $0x1B8E;
	s24 =	sld [smem:$0x3FFE];
	[sflag:s23] =	ssyncadd.s32 $0xFFFFFFFF  }
0xab: {  	s26 =	simm.s32 $execute0_lowered;
	[smem:$0x3FD2] =	sst s25  }
0xac: {  	s5 =	sshll.u32 s26, $0x1;
	_ =	strace $0x80000049;
	[dreg:$0x1] =	wrdreg $0xFFFFFFFF  }
0xad: {  	s28 =	simm.s32 $_size_execute0_lowered;
	s3 =	sadd.s32 s3, s5;
	[dreg:$0x0] =	wrdreg $0x0  }
0xae: {  	s5 =	sshll.u32 s28, $0x1;
	[dreg:$0x2] =	wrdreg s3  }
0xaf: {  	[dreg:$0x3] =	wrdreg s5  }
0xb0: {  	[dreg:$0x4] =	wrdreg $0xC0  }
0xb1: {  	_ =	task [dreg:s7], $0x5FFFF  }
0xb2: {  	[dreg:$0x1] =	wrdreg $0xFFFFFFFF  }
0xb3: {  	[dreg:$0x0] =	wrdreg $0x60  }
0xb4: {  	[dreg:$0x2] =	wrdreg s24  }
0xb5: {  	[dreg:$0x3] =	wrdreg s16  }
0xb6: {  	[dreg:$0x4] =	wrdreg $0x9  }
0xb7: {  	_ =	task.clear_ibuf [dreg:s7], $0x5FFFF;
	_ =	strace $0x90000049  }
0xb8: {  	s29 =	simm.s32 $0x9;
	_ =	strace $0x8000004B  }
0xb9: {  	_ =	swait.ge [sflag:s29], $0x1  }
0xba: {  	[sflag:s29] =	ssyncadd.s32 $0xFFFFFFFF  }
0xbb: {  	_ =	strace $0x9000004B  }
0xbc: {  	_ =	sfence  }
0xbd: {  	s30 =	sld [smem:$0x0];
	_ =	sdelay $0x2  }
0xbe: {  	s31 =	sshll.u32 s1, $0xD;
	s1 =	sshrl.u32 s1, $0x2  }
0xbf: {  	s3 =	sand.u32 $0x4000, s31;
	s1 =	sadd.s32 s1, s30  }
0xc0: {  	s0 =	sor.u32 s3, s0;
	s1 =	sshll.u32 s1, $0x11  }
0xc1: {  	s0 =	sor.u32 s1, s0  }
0xc2: {  	s0 =	sadd.s32 $0x8F2B, s0  }
0xc3: {  	[sflag:s0] =	ssyncadd.remote.s32 $0x1  }
0xc4: {  	_ =	sfence.sel $0xFFFF  }
0xc5: {  	[dreg:$0x0] =	wrdreg $0xFFFFFFFF;
	(pc) =	sbr.abs _section_cstart, $3  }
0xc6: {  	[dreg:$0x1] =	wrdreg $0xFFFFFFFF  }
0xc7: {  	_ =	task.clear_ibuf [dreg:s7], $0x2FFFF;
	_ =	strace $0x9FFFFFFF  }
0xc8: {  	(tm) =	ssettm $0x7FFFFFFF  }
0xc9: {  	_ =	shalt  }
tec
execute0_lowered:
.L_overlay_start_1:
0x0: {  	(tag) =	ssettag $0x1  }
0x1: {  	s0 =	rddreg [dreg:$0x0];
	s1 =	srdreg.scid  }
0x2: {  	s3 =	stileid.u32;
	s2 =	rddreg [dreg:$0x1];
	s4 =	simm.s32 $0x0  }
0x3: {  	s8 =	simm.s32 $0x3;
	s1 =	sand.u32 $0x1, s1;
	s3 =	sshll.u32 s3, $0x1  }
0x4: {  	s9 =	simm.s32 $0x1400;
	s10 =	simm.s32 $0x80;
	s3 =	sor.u32 s1, s3  }
0x5: {  	s1 =	ssub.s32 $0x2, s1;
	s11 =	smul.u32 $0x140, s3;
	s3 =	sshll.u32 s3, $0xE  }
0x6: {  	[smem:$0x7FF] =	sst s4;
	s12 =	sshrl.u32 s1, $0x1;
	s4 =	sadd.s32 s2, s3  }
0x7: {  	_ =	strace $0x8000004A;
	s1 =	ssub.s32 s1, s12;
	s14 =	sadd.s32 $0x10, s4  }
0x8: {  	s12 =	simm.s32 $0x2480;
	s15 =	sadd.s32 $0x20, s4;
	[dreg:$0x5] =	wrdreg s14  }
0x9: {  	s0 =	sadd.s32 s11, s0;
	s16 =	sadd.s32 $0x30, s4;
	[dreg:$0x6] =	wrdreg s15  }
0xa: {  	s17 =	sadd.s32 $0x40, s4;
	s18 =	sadd.s32 $0x50, s4;
	[dreg:$0x7] =	wrdreg s16  }
0xb: {  	s19 =	sadd.s32 $0x60, s4;
	s20 =	sadd.s32 $0x70, s4;
	[dreg:$0x8] =	wrdreg s17  }
0xc: {  	s21 =	sadd.s32 $0x1000, s4;
	s22 =	sadd.s32 $0x1010, s4;
	[dreg:$0x9] =	wrdreg s18  }
0xd: {  	s23 =	sadd.s32 $0x1020, s4;
	s24 =	sadd.s32 $0x1030, s4;
	[dreg:$0xa] =	wrdreg s19  }
0xe: {  	s25 =	sadd.s32 $0x1040, s4;
	s26 =	sadd.s32 $0x1050, s4;
	[dreg:$0xb] =	wrdreg s20  }
0xf: {  	s28 =	sadd.s32 $0x2050, s4;
	s29 =	sadd.s32 $0x2060, s4;
	[dreg:$0xc] =	wrdreg s21  }
0x10: {  	s30 =	sadd.s32 $0x2070, s4;
	s31 =	sadd.s32 $0x3000, s4;
	[dreg:$0xd] =	wrdreg s22  }
0x11: {  	s2 =	sadd.s32 $0x3030, s4;
	s3 =	sadd.s32 $0x3040, s4;
	[dreg:$0xe] =	wrdreg s23  }
0x12: {  	s5 =	sadd.s32 $0x3050, s4;
	s6 =	sadd.s32 $0x3060, s4;
	[dreg:$0xf] =	wrdreg s24  }
0x13: {  	s7 =	sadd.s32 $0x3070, s4;
	s11 =	simm.s32 $0x400;
	[dreg:$0x10] =	wrdreg s25  }
0x14: {  	s13 =	sadd.s32 $0x1200, s0;
	s0 =	sadd.s32 $0x3A00, s0;
	[dreg:$0x11] =	wrdreg s26  }
0x15: {  	s19 =	sadd.s32 $0x1060, s4;
	s20 =	sadd.s32 $0x1070, s4;
	s21 =	sadd.s32 $0x2000, s4  }
0x16: {  	s22 =	sadd.s32 $0x2010, s4;
	s23 =	sadd.s32 $0x2020, s4;
	s24 =	sadd.s32 $0x2030, s4  }
0x17: {  	s25 =	smax.u32 s1, $0x1;
	s26 =	sadd.s32 $0x2040, s4;
	s1 =	sadd.s32 $0x3010, s4  }
0x18: {  	s14 =	simm.s32 $0x2;
	s15 =	simm.s32 $0x0;
	[dreg:$0x3] =	wrdreg s13  }
0x19: {  	v0 =	vimm.f32 $0.0e+00;
	[dreg:$0x4] =	wrdreg s0;
	s0 =	sadd.s32 $0x3020, s4;
	s13 =	simm.s32 $0x1  }
.LBB2_1:
0x1a: {  	s16 =	simm.s32 $0x0;
	s17 =	rddreg [dreg:$0x3]  }
0x1b: {  	[tilespmem:s16], [sflag:$0x3] =	stream.linear.gather [hbm4b:s17+s16], $0xA00, $0x38;
	[tilespmem:$0x3500] =	vst v63  }
0x1c: {  	_ =	swait.ge [sflag:s8], $0xA00  }
0x1d: {  	[sflag:s8] =	ssyncset.done $0x0  }
0x1e: {  	s18 =	simm.s32 $0xA00;
	s17 =	rddreg [dreg:$0x4];
	[sflag:s8] =	ssyncadd.s32 $0xFFFFF600  }
0x1f: {  	[tilespmem:s18], [sflag:$0x3] =	stream.linear.gather [hbm4b:s17+s16], $0xA00, $0x38;
	[tilespmem:$0x3500] =	vst v63  }
0x20: {  	_ =	swait.ge [sflag:s8], $0xA00  }
0x21: {  	[sflag:s8] =	ssyncset.done $0x0  }
0x22: {  	s16 =	simm.s32 $0x1440;
	[sflag:s8] =	ssyncadd.s32 $0xFFFFF600  }
0x23: {  	[tilespmem:s16+$0x30] =	vst v0  }
0x24: {  	[tilespmem:s16+$0xFFFFFFF0] =	vst v0  }
0x25: {  	[tilespmem:s16+$0xFFFFFFC0] =	vst v0  }
0x26: {  	[tilespmem:s16+$0xFFFFFFE0] =	vst v0  }
0x27: {  	[tilespmem:s16+$0x10] =	vst v0  }
0x28: {  	[tilespmem:s16+$0x20] =	vst v0  }
0x29: {  	[tilespmem:s16+$0x0] =	vst v0  }
0x2a: {  	s17 =	simm.s32 $0x24C0;
	[tilespmem:s16+$0xFFFFFFD0] =	vst v0  }
0x2b: {  	[tilespmem:s17+$0xFFFFFFC0] =	vst v0  }
0x2c: {  	[tilespmem:s17+$0x30] =	vst v0  }
0x2d: {  	[tilespmem:s17+$0x20] =	vst v0  }
0x2e: {  	[tilespmem:s17+$0x10] =	vst v0  }
0x2f: {  	[tilespmem:s17+$0xFFFFFFE0] =	vst v0  }
0x30: {  	[tilespmem:s17+$0x0] =	vst v0  }
0x31: {  	s18 =	simm.s32 $0x0;
	[tilespmem:s17+$0xFFFFFFF0] =	vst v0  }
.LBB2_2:
0x32: {  	s18 =	sadd.s32 $0x8, s18;
	[tilespmem:s17+$0xFFFFFFD0] =	vst v0;
	s16 =	sadd.s32 $0x80, s16;
	s17 =	sadd.s32 $0x80, s17  }
0x33: {  	[tilespmem:s16+$0x30] =	vst v0;
	p0 =	slt.u32 s18, $0xF8  }
0x34: {  	[tilespmem:s16+$0xFFFFFFF0] =	vst v0  }
0x35: {  	[tilespmem:s16+$0xFFFFFFC0] =	vst v0  }
0x36: {  	[tilespmem:s17+$0xFFFFFFC0] =	vst v0  }
0x37: {  	[tilespmem:s17+$0x30] =	vst v0  }
0x38: {  	[tilespmem:s16+$0xFFFFFFE0] =	vst v0  }
0x39: {  	[tilespmem:s16+$0x10] =	vst v0  }
0x3a: {  	[tilespmem:s16+$0x20] =	vst v0  }
0x3b: {  	[tilespmem:s17+$0x20] =	vst v0  }
0x3c: {  	[tilespmem:s17+$0x10] =	vst v0  }
.Ltmp0:
0x3d: {  	[tilespmem:s17+$0xFFFFFFE0] =	vst v0;
	(pc) =	sbr.rel @p0 .LBB2_2-.Ltmp0, $4  }
0x3e: {  	[tilespmem:s16+$0x0] =	vst v0  }
0x3f: {  	[tilespmem:s17+$0x0] =	vst v0  }
0x40: {  	[tilespmem:s17+$0xFFFFFFF0] =	vst v0  }
0x41: {  	[tilespmem:s16+$0xFFFFFFD0] =	vst v0  }
0x42: {  	[tilespmem:s17+$0xFFFFFFD0] =	vst v0  }
0x43: {  	v1 =	vld [tilespmem:$0xA00];
	_ =	sdelay $0x2  }
0x44: {  	v2 =	vld [tilespmem:$0x0];
	_ =	sdelay $0x2  }
0x45: {  	[tilespmem:$0x2400] =	vst v0  }
0x46: {  	[tilespmem:$0x3480] =	vst v0  }
0x47: {  	[tilespmem:v1+s9+$0x0] =	vst.idx.msk $0xffff, v2  }
0x48: {  	v1 =	vld [tilespmem:$0xA10];
	_ =	sdelay $0x2  }
0x49: {  	v2 =	vld [tilespmem:$0x10];
	_ =	sdelay $0x4  }
0x4a: {  	[tilespmem:v1+s9+$0x0] =	vst.idx.msk $0xffff, v2  }
0x4b: {  	v1 =	vld [tilespmem:$0xA20];
	_ =	sdelay $0x2  }
0x4c: {  	v2 =	vld [tilespmem:$0x20];
	_ =	sdelay $0x4  }
0x4d: {  	[tilespmem:v1+s9+$0x0] =	vst.idx.msk $0xffff, v2  }
0x4e: {  	v1 =	vld [tilespmem:$0xA30];
	_ =	sdelay $0x2  }
0x4f: {  	v2 =	vld [tilespmem:$0x30];
	_ =	sdelay $0x4  }
0x50: {  	[tilespmem:v1+s9+$0x0] =	vst.idx.msk $0xffff, v2  }
0x51: {  	v1 =	vld [tilespmem:$0xA40];
	_ =	sdelay $0x2  }
0x52: {  	v2 =	vld [tilespmem:$0x40];
	_ =	sdelay $0x4  }
0x53: {  	[tilespmem:v1+s9+$0x0] =	vst.idx.msk $0xffff, v2  }
0x54: {  	[hbm4b:s4+s10] =	stream.strided.scatter [tilespmem:s9], [sflag:$0x1], $0x1000, s11, s10, $0x38;
	[tilespmem:$0x3500] =	vst v63  }
0x55: {  	v1 =	vld [tilespmem:$0xA50];
	_ =	sdelay $0x2  }
0x56: {  	v2 =	vld [tilespmem:$0x50];
	_ =	sdelay $0x4  }
0x57: {  	[tilespmem:v1+s12+$0x0] =	vst.idx.msk $0xffff, v2  }
0x58: {  	v1 =	vld [tilespmem:$0xA60];
	_ =	sdelay $0x2  }
0x59: {  	v2 =	vld [tilespmem:$0x60];
	_ =	sdelay $0x4  }
0x5a: {  	[tilespmem:v1+s12+$0x0] =	vst.idx.msk $0xffff, v2  }
0x5b: {  	v1 =	vld [tilespmem:$0xA70];
	_ =	sdelay $0x2  }
0x5c: {  	v2 =	vld [tilespmem:$0x70];
	_ =	sdelay $0x4  }
0x5d: {  	[tilespmem:v1+s12+$0x0] =	vst.idx.msk $0xffff, v2  }
0x5e: {  	v1 =	vld [tilespmem:$0xA80];
	_ =	sdelay $0x2  }
0x5f: {  	v2 =	vld [tilespmem:$0x80];
	_ =	sdelay $0x4  }
0x60: {  	[tilespmem:v1+s12+$0x0] =	vst.idx.msk $0xffff, v2  }
0x61: {  	v1 =	vld [tilespmem:$0xA90];
	_ =	sdelay $0x2  }
0x62: {  	v2 =	vld [tilespmem:$0x90];
	_ =	sdelay $0x4  }
0x63: {  	s16 =	rddreg [dreg:$0x5];
	[tilespmem:v1+s12+$0x0] =	vst.idx.msk $0xffff, v2  }
0x64: {  	[hbm4b:s16+s10] =	stream.strided.scatter [tilespmem:s12], [sflag:$0x2], $0x1000, s11, s10, $0x38;
	[tilespmem:$0x3500] =	vst v63  }
0x65: {  	_ =	swait.ge [sflag:s13], $0x1000  }
0x66: {  	[sflag:s13] =	ssyncset.done $0x0  }
0x67: {  	[sflag:s13] =	ssyncadd.s32 $0xFFFFF000  }
0x68: {  	v1 =	vld [tilespmem:$0xA00];
	_ =	sdelay $0x7  }
0x69: {  	[tilespmem:v1+s9+$0x0] =	vst.idx.msk $0xffff, v0  }
0x6a: {  	v1 =	vld [tilespmem:$0xA10];
	_ =	sdelay $0x7  }
0x6b: {  	[tilespmem:v1+s9+$0x0] =	vst.idx.msk $0xffff, v0  }
0x6c: {  	v1 =	vld [tilespmem:$0xA20];
	_ =	sdelay $0x7  }
0x6d: {  	[tilespmem:v1+s9+$0x0] =	vst.idx.msk $0xffff, v0  }
0x6e: {  	v1 =	vld [tilespmem:$0xA30];
	_ =	sdelay $0x7  }
0x6f: {  	[tilespmem:v1+s9+$0x0] =	vst.idx.msk $0xffff, v0  }
0x70: {  	v1 =	vld [tilespmem:$0xA40];
	_ =	sdelay $0x7  }
0x71: {  	[tilespmem:v1+s9+$0x0] =	vst.idx.msk $0xffff, v0  }
0x72: {  	v1 =	vld [tilespmem:$0xAA0];
	_ =	sdelay $0x2  }
0x73: {  	v2 =	vld [tilespmem:$0xA0];
	_ =	sdelay $0x4  }
0x74: {  	[tilespmem:v1+s9+$0x0] =	vst.idx.msk $0xffff, v2  }
0x75: {  	v1 =	vld [tilespmem:$0xAB0];
	_ =	sdelay $0x2  }
0x76: {  	v2 =	vld [tilespmem:$0xB0];
	_ =	sdelay $0x4  }
0x77: {  	[tilespmem:v1+s9+$0x0] =	vst.idx.msk $0xffff, v2  }
0x78: {  	v1 =	vld [tilespmem:$0xAC0];
	_ =	sdelay $0x2  }
0x79: {  	v2 =	vld [tilespmem:$0xC0];
	_ =	sdelay $0x4  }
0x7a: {  	[tilespmem:v1+s9+$0x0] =	vst.idx.msk $0xffff, v2  }
0x7b: {  	v1 =	vld [tilespmem:$0xAD0];
	_ =	sdelay $0x2  }
0x7c: {  	v2 =	vld [tilespmem:$0xD0];
	_ =	sdelay $0x4  }
0x7d: {  	[tilespmem:v1+s9+$0x0] =	vst.idx.msk $0xffff, v2  }
0x7e: {  	v1 =	vld [tilespmem:$0xAE0];
	_ =	sdelay $0x2  }
0x7f: {  	v2 =	vld [tilespmem:$0xE0];
	_ =	sdelay $0x4  }
0x80: {  	s17 =	rddreg [dreg:$0x6];
	[tilespmem:v1+s9+$0x0] =	vst.idx.msk $0xffff, v2  }
0x81: {  	[hbm4b:s17+s10] =	stream.strided.scatter [tilespmem:s9], [sflag:$0x1], $0x1000, s11, s10, $0x38;
	[tilespmem:$0x3500] =	vst v63  }
0x82: {  	_ =	swait.ge [sflag:s14], $0x1000  }
0x83: {  	[sflag:s14] =	ssyncset.done $0x0  }
0x84: {  	[sflag:s14] =	ssyncadd.s32 $0xFFFFF000  }
0x85: {  	v1 =	vld [tilespmem:$0xA50];
	_ =	sdelay $0x7  }
0x86: {  	[tilespmem:v1+s12+$0x0] =	vst.idx.msk $0xffff, v0  }
0x87: {  	v1 =	vld [tilespmem:$0xA60];
	_ =	sdelay $0x7  }
0x88: {  	[tilespmem:v1+s12+$0x0] =	vst.idx.msk $0xffff, v0  }
0x89: {  	v1 =	vld [tilespmem:$0xA70];
	_ =	sdelay $0x7  }
0x8a: {  	[tilespmem:v1+s12+$0x0] =	vst.idx.msk $0xffff, v0  }
0x8b: {  	v1 =	vld [tilespmem:$0xA80];
	_ =	sdelay $0x7  }
0x8c: {  	[tilespmem:v1+s12+$0x0] =	vst.idx.msk $0xffff, v0  }
0x8d: {  	v1 =	vld [tilespmem:$0xA90];
	_ =	sdelay $0x7  }
0x8e: {  	[tilespmem:v1+s12+$0x0] =	vst.idx.msk $0xffff, v0  }
0x8f: {  	v1 =	vld [tilespmem:$0xAF0];
	_ =	sdelay $0x2  }
0x90: {  	v2 =	vld [tilespmem:$0xF0];
	_ =	sdelay $0x4  }
0x91: {  	[tilespmem:v1+s12+$0x0] =	vst.idx.msk $0xffff, v2  }
0x92: {  	v1 =	vld [tilespmem:$0xB00];
	_ =	sdelay $0x2  }
0x93: {  	v2 =	vld [tilespmem:$0x100];
	_ =	sdelay $0x4  }
0x94: {  	[tilespmem:v1+s12+$0x0] =	vst.idx.msk $0xffff, v2  }
0x95: {  	v1 =	vld [tilespmem:$0xB10];
	_ =	sdelay $0x2  }
0x96: {  	v2 =	vld [tilespmem:$0x110];
	_ =	sdelay $0x4  }
0x97: {  	[tilespmem:v1+s12+$0x0] =	vst.idx.msk $0xffff, v2  }
0x98: {  	v1 =	vld [tilespmem:$0xB20];
	_ =	sdelay $0x2  }
0x99: {  	v2 =	vld [tilespmem:$0x120];
	_ =	sdelay $0x4  }
0x9a: {  	[tilespmem:v1+s12+$0x0] =	vst.idx.msk $0xffff, v2  }
0x9b: {  	v1 =	vld [tilespmem:$0xB30];
	_ =	sdelay $0x2  }
0x9c: {  	v2 =	vld [tilespmem:$0x130];
	_ =	sdelay $0x4  }
0x9d: {  	s18 =	rddreg [dreg:$0x7];
	[tilespmem:v1+s12+$0x0] =	vst.idx.msk $0xffff, v2  }
0x9e: {  	[hbm4b:s18+s10] =	stream.strided.scatter [tilespmem:s12], [sflag:$0x2], $0x1000, s11, s10, $0x38;
	[tilespmem:$0x3500] =	vst v63  }
0x9f: {  	_ =	swait.ge [sflag:s13], $0x1000  }
0xa0: {  	[sflag:s13] =	ssyncset.done $0x0  }
0xa1: {  	[sflag:s13] =	ssyncadd.s32 $0xFFFFF000  }
0xa2: {  	v1 =	vld [tilespmem:$0xAA0];
	_ =	sdelay $0x7  }
0xa3: {  	[tilespmem:v1+s9+$0x0] =	vst.idx.msk $0xffff, v0  }
0xa4: {  	v1 =	vld [tilespmem:$0xAB0];
	_ =	sdelay $0x7  }
0xa5: {  	[tilespmem:v1+s9+$0x0] =	vst.idx.msk $0xffff, v0  }
0xa6: {  	v1 =	vld [tilespmem:$0xAC0];
	_ =	sdelay $0x7  }
0xa7: {  	[tilespmem:v1+s9+$0x0] =	vst.idx.msk $0xffff, v0  }
0xa8: {  	v1 =	vld [tilespmem:$0xAD0];
	_ =	sdelay $0x7  }
0xa9: {  	[tilespmem:v1+s9+$0x0] =	vst.idx.msk $0xffff, v0  }
0xaa: {  	v1 =	vld [tilespmem:$0xAE0];
	_ =	sdelay $0x7  }
0xab: {  	[tilespmem:v1+s9+$0x0] =	vst.idx.msk $0xffff, v0  }
0xac: {  	v1 =	vld [tilespmem:$0xB40];
	_ =	sdelay $0x2  }
0xad: {  	v2 =	vld [tilespmem:$0x140];
	_ =	sdelay $0x4  }
0xae: {  	[tilespmem:v1+s9+$0x0] =	vst.idx.msk $0xffff, v2  }
0xaf: {  	v1 =	vld [tilespmem:$0xB50];
	_ =	sdelay $0x2  }
0xb0: {  	v2 =	vld [tilespmem:$0x150];
	_ =	sdelay $0x4  }
0xb1: {  	[tilespmem:v1+s9+$0x0] =	vst.idx.msk $0xffff, v2  }
0xb2: {  	v1 =	vld [tilespmem:$0xB60];
	_ =	sdelay $0x2  }
0xb3: {  	v2 =	vld [tilespmem:$0x160];
	_ =	sdelay $0x4  }
0xb4: {  	[tilespmem:v1+s9+$0x0] =	vst.idx.msk $0xffff, v2  }
0xb5: {  	v1 =	vld [tilespmem:$0xB70];
	_ =	sdelay $0x2  }
0xb6: {  	v2 =	vld [tilespmem:$0x170];
	_ =	sdelay $0x4  }
0xb7: {  	[tilespmem:v1+s9+$0x0] =	vst.idx.msk $0xffff, v2  }
0xb8: {  	v1 =	vld [tilespmem:$0xB80];
	_ =	sdelay $0x2  }
0xb9: {  	v2 =	vld [tilespmem:$0x180];
	_ =	sdelay $0x4  }
0xba: {  	s17 =	rddreg [dreg:$0x8];
	[tilespmem:v1+s9+$0x0] =	vst.idx.msk $0xffff, v2  }
0xbb: {  	[hbm4b:s17+s10] =	stream.strided.scatter [tilespmem:s9], [sflag:$0x1], $0x1000, s11, s10, $0x38;
	[tilespmem:$0x3500] =	vst v63  }
0xbc: {  	_ =	swait.ge [sflag:s14], $0x1000  }
0xbd: {  	[sflag:s14] =	ssyncset.done $0x0  }
0xbe: {  	[sflag:s14] =	ssyncadd.s32 $0xFFFFF000  }
0xbf: {  	v1 =	vld [tilespmem:$0xAF0];
	_ =	sdelay $0x7  }
0xc0: {  	[tilespmem:v1+s12+$0x0] =	vst.idx.msk $0xffff, v0  }
0xc1: {  	v1 =	vld [tilespmem:$0xB00];
	_ =	sdelay $0x7  }
0xc2: {  	[tilespmem:v1+s12+$0x0] =	vst.idx.msk $0xffff, v0  }
0xc3: {  	v1 =	vld [tilespmem:$0xB10];
	_ =	sdelay $0x7  }
0xc4: {  	[tilespmem:v1+s12+$0x0] =	vst.idx.msk $0xffff, v0  }
0xc5: {  	v1 =	vld [tilespmem:$0xB20];
	_ =	sdelay $0x7  }
0xc6: {  	[tilespmem:v1+s12+$0x0] =	vst.idx.msk $0xffff, v0  }
0xc7: {  	v1 =	vld [tilespmem:$0xB30];
	_ =	sdelay $0x7  }
0xc8: {  	[tilespmem:v1+s12+$0x0] =	vst.idx.msk $0xffff, v0  }
0xc9: {  	v1 =	vld [tilespmem:$0xB90];
	_ =	sdelay $0x2  }
0xca: {  	v2 =	vld [tilespmem:$0x190];
	_ =	sdelay $0x4  }
0xcb: {  	[tilespmem:v1+s12+$0x0] =	vst.idx.msk $0xffff, v2  }
0xcc: {  	v1 =	vld [tilespmem:$0xBA0];
	_ =	sdelay $0x2  }
0xcd: {  	v2 =	vld [tilespmem:$0x1A0];
	_ =	sdelay $0x4  }
0xce: {  	[tilespmem:v1+s12+$0x0] =	vst.idx.msk $0xffff, v2  }
0xcf: {  	v1 =	vld [tilespmem:$0xBB0];
	_ =	sdelay $0x2  }
0xd0: {  	v2 =	vld [tilespmem:$0x1B0];
	_ =	sdelay $0x4  }
0xd1: {  	[tilespmem:v1+s12+$0x0] =	vst.idx.msk $0xffff, v2  }
0xd2: {  	v1 =	vld [tilespmem:$0xBC0];
	_ =	sdelay $0x2  }
0xd3: {  	v2 =	vld [tilespmem:$0x1C0];
	_ =	sdelay $0x4  }
0xd4: {  	[tilespmem:v1+s12+$0x0] =	vst.idx.msk $0xffff, v2  }
0xd5: {  	v1 =	vld [tilespmem:$0xBD0];
	_ =	sdelay $0x2  }
0xd6: {  	v2 =	vld [tilespmem:$0x1D0];
	_ =	sdelay $0x4  }
0xd7: {  	s18 =	rddreg [dreg:$0x9];
	[tilespmem:v1+s12+$0x0] =	vst.idx.msk $0xffff, v2  }
0xd8: {  	[hbm4b:s18+s10] =	stream.strided.scatter [tilespmem:s12], [sflag:$0x2], $0x1000, s11, s10, $0x38;
	[tilespmem:$0x3500] =	vst v63  }
0xd9: {  	_ =	swait.ge [sflag:s13], $0x1000  }
0xda: {  	[sflag:s13] =	ssyncset.done $0x0  }
0xdb: {  	[sflag:s13] =	ssyncadd.s32 $0xFFFFF000  }
0xdc: {  	v1 =	vld [tilespmem:$0xB40];
	_ =	sdelay $0x7  }
0xdd: {  	[tilespmem:v1+s9+$0x0] =	vst.idx.msk $0xffff, v0  }
0xde: {  	v1 =	vld [tilespmem:$0xB50];
	_ =	sdelay $0x7  }
0xdf: {  	[tilespmem:v1+s9+$0x0] =	vst.idx.msk $0xffff, v0  }
0xe0: {  	v1 =	vld [tilespmem:$0xB60];
	_ =	sdelay $0x7  }
0xe1: {  	[tilespmem:v1+s9+$0x0] =	vst.idx.msk $0xffff, v0  }
0xe2: {  	v1 =	vld [tilespmem:$0xB70];
	_ =	sdelay $0x7  }
0xe3: {  	[tilespmem:v1+s9+$0x0] =	vst.idx.msk $0xffff, v0  }
0xe4: {  	v1 =	vld [tilespmem:$0xB80];
	_ =	sdelay $0x7  }
0xe5: {  	[tilespmem:v1+s9+$0x0] =	vst.idx.msk $0xffff, v0  }
0xe6: {  	v1 =	vld [tilespmem:$0xBE0];
	_ =	sdelay $0x2  }
0xe7: {  	v2 =	vld [tilespmem:$0x1E0];
	_ =	sdelay $0x4  }
0xe8: {  	[tilespmem:v1+s9+$0x0] =	vst.idx.msk $0xffff, v2  }
0xe9: {  	v1 =	vld [tilespmem:$0xBF0];
	_ =	sdelay $0x2  }
0xea: {  	v2 =	vld [tilespmem:$0x1F0];
	_ =	sdelay $0x4  }
0xeb: {  	[tilespmem:v1+s9+$0x0] =	vst.idx.msk $0xffff, v2  }
0xec: {  	v1 =	vld [tilespmem:$0xC00];
	_ =	sdelay $0x2  }
0xed: {  	v2 =	vld [tilespmem:$0x200];
	_ =	sdelay $0x4  }
0xee: {  	[tilespmem:v1+s9+$0x0] =	vst.idx.msk $0xffff, v2  }
0xef: {  	v1 =	vld [tilespmem:$0xC10];
	_ =	sdelay $0x2  }
0xf0: {  	v2 =	vld [tilespmem:$0x210];
	_ =	sdelay $0x4  }
0xf1: {  	[tilespmem:v1+s9+$0x0] =	vst.idx.msk $0xffff, v2  }
0xf2: {  	v1 =	vld [tilespmem:$0xC20];
	_ =	sdelay $0x2  }
0xf3: {  	v2 =	vld [tilespmem:$0x220];
	_ =	sdelay $0x4  }
0xf4: {  	s17 =	rddreg [dreg:$0xa];
	[tilespmem:v1+s9+$0x0] =	vst.idx.msk $0xffff, v2  }
0xf5: {  	[hbm4b:s17+s10] =	stream.strided.scatter [tilespmem:s9], [sflag:$0x1], $0x1000, s11, s10, $0x38;
	[tilespmem:$0x3500] =	vst v63  }
0xf6: {  	_ =	swait.ge [sflag:s14], $0x1000  }
0xf7: {  	[sflag:s14] =	ssyncset.done $0x0  }
0xf8: {  	[sflag:s14] =	ssyncadd.s32 $0xFFFFF000  }
0xf9: {  	v1 =	vld [tilespmem:$0xB90];
	_ =	sdelay $0x7  }
0xfa: {  	[tilespmem:v1+s12+$0x0] =	vst.idx.msk $0xffff, v0  }
0xfb: {  	v1 =	vld [tilespmem:$0xBA0];
	_ =	sdelay $0x7  }
0xfc: {  	[tilespmem:v1+s12+$0x0] =	vst.idx.msk $0xffff, v0  }
0xfd: {  	v1 =	vld [tilespmem:$0xBB0];
	_ =	sdelay $0x7  }
0xfe: {  	[tilespmem:v1+s12+$0x0] =	vst.idx.msk $0xffff, v0  }
0xff: {  	v1 =	vld [tilespmem:$0xBC0];
	_ =	sdelay $0x7  }
0x100: {  	[tilespmem:v1+s12+$0x0] =	vst.idx.msk $0xffff, v0  }
0x101: {  	v1 =	vld [tilespmem:$0xBD0];
	_ =	sdelay $0x7  }
0x102: {  	[tilespmem:v1+s12+$0x0] =	vst.idx.msk $0xffff, v0  }
0x103: {  	v1 =	vld [tilespmem:$0xC30];
	_ =	sdelay $0x2  }
0x104: {  	v2 =	vld [tilespmem:$0x230];
	_ =	sdelay $0x4  }
0x105: {  	[tilespmem:v1+s12+$0x0] =	vst.idx.msk $0xffff, v2  }
0x106: {  	v1 =	vld [tilespmem:$0xC40];
	_ =	sdelay $0x2  }
0x107: {  	v2 =	vld [tilespmem:$0x240];
	_ =	sdelay $0x4  }
0x108: {  	[tilespmem:v1+s12+$0x0] =	vst.idx.msk $0xffff, v2  }
0x109: {  	v1 =	vld [tilespmem:$0xC50];
	_ =	sdelay $0x2  }
0x10a: {  	v2 =	vld [tilespmem:$0x250];
	_ =	sdelay $0x4  }
0x10b: {  	[tilespmem:v1+s12+$0x0] =	vst.idx.msk $0xffff, v2  }
0x10c: {  	v1 =	vld [tilespmem:$0xC60];
	_ =	sdelay $0x2  }
0x10d: {  	v2 =	vld [tilespmem:$0x260];
	_ =	sdelay $0x4  }
0x10e: {  	[tilespmem:v1+s12+$0x0] =	vst.idx.msk $0xffff, v2  }
0x10f: {  	v1 =	vld [tilespmem:$0xC70];
	_ =	sdelay $0x2  }
0x110: {  	v2 =	vld [tilespmem:$0x270];
	_ =	sdelay $0x4  }
0x111: {  	s18 =	rddreg [dreg:$0xb];
	[tilespmem:v1+s12+$0x0] =	vst.idx.msk $0xffff, v2  }
0x112: {  	[hbm4b:s18+s10] =	stream.strided.scatter [tilespmem:s12], [sflag:$0x2], $0x1000, s11, s10, $0x38;
	[tilespmem:$0x3500] =	vst v63  }
0x113: {  	_ =	swait.ge [sflag:s13], $0x1000  }
0x114: {  	[sflag:s13] =	ssyncset.done $0x0  }
0x115: {  	[sflag:s13] =	ssyncadd.s32 $0xFFFFF000  }
0x116: {  	v1 =	vld [tilespmem:$0xBE0];
	_ =	sdelay $0x7  }
0x117: {  	[tilespmem:v1+s9+$0x0] =	vst.idx.msk $0xffff, v0  }
0x118: {  	v1 =	vld [tilespmem:$0xBF0];
	_ =	sdelay $0x7  }
0x119: {  	[tilespmem:v1+s9+$0x0] =	vst.idx.msk $0xffff, v0  }
0x11a: {  	v1 =	vld [tilespmem:$0xC00];
	_ =	sdelay $0x7  }
0x11b: {  	[tilespmem:v1+s9+$0x0] =	vst.idx.msk $0xffff, v0  }
0x11c: {  	v1 =	vld [tilespmem:$0xC10];
	_ =	sdelay $0x7  }
0x11d: {  	[tilespmem:v1+s9+$0x0] =	vst.idx.msk $0xffff, v0  }
0x11e: {  	v1 =	vld [tilespmem:$0xC20];
	_ =	sdelay $0x7  }
0x11f: {  	[tilespmem:v1+s9+$0x0] =	vst.idx.msk $0xffff, v0  }
0x120: {  	v1 =	vld [tilespmem:$0xC80];
	_ =	sdelay $0x2  }
0x121: {  	v2 =	vld [tilespmem:$0x280];
	_ =	sdelay $0x4  }
0x122: {  	[tilespmem:v1+s9+$0x0] =	vst.idx.msk $0xffff, v2  }
0x123: {  	v1 =	vld [tilespmem:$0xC90];
	_ =	sdelay $0x2  }
0x124: {  	v2 =	vld [tilespmem:$0x290];
	_ =	sdelay $0x4  }
0x125: {  	[tilespmem:v1+s9+$0x0] =	vst.idx.msk $0xffff, v2  }
0x126: {  	v1 =	vld [tilespmem:$0xCA0];
	_ =	sdelay $0x2  }
0x127: {  	v2 =	vld [tilespmem:$0x2A0];
	_ =	sdelay $0x4  }
0x128: {  	[tilespmem:v1+s9+$0x0] =	vst.idx.msk $0xffff, v2  }
0x129: {  	v1 =	vld [tilespmem:$0xCB0];
	_ =	sdelay $0x2  }
0x12a: {  	v2 =	vld [tilespmem:$0x2B0];
	_ =	sdelay $0x4  }
0x12b: {  	[tilespmem:v1+s9+$0x0] =	vst.idx.msk $0xffff, v2  }
0x12c: {  	v1 =	vld [tilespmem:$0xCC0];
	_ =	sdelay $0x2  }
0x12d: {  	v2 =	vld [tilespmem:$0x2C0];
	_ =	sdelay $0x4  }
0x12e: {  	s17 =	rddreg [dreg:$0xc];
	[tilespmem:v1+s9+$0x0] =	vst.idx.msk $0xffff, v2  }
0x12f: {  	[hbm4b:s17+s10] =	stream.strided.scatter [tilespmem:s9], [sflag:$0x1], $0x1000, s11, s10, $0x38;
	[tilespmem:$0x3500] =	vst v63  }
0x130: {  	_ =	swait.ge [sflag:s14], $0x1000  }
0x131: {  	[sflag:s14] =	ssyncset.done $0x0  }
0x132: {  	[sflag:s14] =	ssyncadd.s32 $0xFFFFF000  }
0x133: {  	v1 =	vld [tilespmem:$0xC30];
	_ =	sdelay $0x7  }
0x134: {  	[tilespmem:v1+s12+$0x0] =	vst.idx.msk $0xffff, v0  }
0x135: {  	v1 =	vld [tilespmem:$0xC40];
	_ =	sdelay $0x7  }
0x136: {  	[tilespmem:v1+s12+$0x0] =	vst.idx.msk $0xffff, v0  }
0x137: {  	v1 =	vld [tilespmem:$0xC50];
	_ =	sdelay $0x7  }
0x138: {  	[tilespmem:v1+s12+$0x0] =	vst.idx.msk $0xffff, v0  }
0x139: {  	v1 =	vld [tilespmem:$0xC60];
	_ =	sdelay $0x7  }
0x13a: {  	[tilespmem:v1+s12+$0x0] =	vst.idx.msk $0xffff, v0  }
0x13b: {  	v1 =	vld [tilespmem:$0xC70];
	_ =	sdelay $0x7  }
0x13c: {  	[tilespmem:v1+s12+$0x0] =	vst.idx.msk $0xffff, v0  }
0x13d: {  	v1 =	vld [tilespmem:$0xCD0];
	_ =	sdelay $0x2  }
0x13e: {  	v2 =	vld [tilespmem:$0x2D0];
	_ =	sdelay $0x4  }
0x13f: {  	[tilespmem:v1+s12+$0x0] =	vst.idx.msk $0xffff, v2  }
0x140: {  	v1 =	vld [tilespmem:$0xCE0];
	_ =	sdelay $0x2  }
0x141: {  	v2 =	vld [tilespmem:$0x2E0];
	_ =	sdelay $0x4  }
0x142: {  	[tilespmem:v1+s12+$0x0] =	vst.idx.msk $0xffff, v2  }
0x143: {  	v1 =	vld [tilespmem:$0xCF0];
	_ =	sdelay $0x2  }
0x144: {  	v2 =	vld [tilespmem:$0x2F0];
	_ =	sdelay $0x4  }
0x145: {  	[tilespmem:v1+s12+$0x0] =	vst.idx.msk $0xffff, v2  }
0x146: {  	v1 =	vld [tilespmem:$0xD00];
	_ =	sdelay $0x2  }
0x147: {  	v2 =	vld [tilespmem:$0x300];
	_ =	sdelay $0x4  }
0x148: {  	[tilespmem:v1+s12+$0x0] =	vst.idx.msk $0xffff, v2  }
0x149: {  	v1 =	vld [tilespmem:$0xD10];
	_ =	sdelay $0x2  }
0x14a: {  	v2 =	vld [tilespmem:$0x310];
	_ =	sdelay $0x4  }
0x14b: {  	s18 =	rddreg [dreg:$0xd];
	[tilespmem:v1+s12+$0x0] =	vst.idx.msk $0xffff, v2  }
0x14c: {  	[hbm4b:s18+s10] =	stream.strided.scatter [tilespmem:s12], [sflag:$0x2], $0x1000, s11, s10, $0x38;
	[tilespmem:$0x3500] =	vst v63  }
0x14d: {  	_ =	swait.ge [sflag:s13], $0x1000  }
0x14e: {  	[sflag:s13] =	ssyncset.done $0x0  }
0x14f: {  	[sflag:s13] =	ssyncadd.s32 $0xFFFFF000  }
0x150: {  	v1 =	vld [tilespmem:$0xC80];
	_ =	sdelay $0x7  }
0x151: {  	[tilespmem:v1+s9+$0x0] =	vst.idx.msk $0xffff, v0  }
0x152: {  	v1 =	vld [tilespmem:$0xC90];
	_ =	sdelay $0x7  }
0x153: {  	[tilespmem:v1+s9+$0x0] =	vst.idx.msk $0xffff, v0  }
0x154: {  	v1 =	vld [tilespmem:$0xCA0];
	_ =	sdelay $0x7  }
0x155: {  	[tilespmem:v1+s9+$0x0] =	vst.idx.msk $0xffff, v0  }
0x156: {  	v1 =	vld [tilespmem:$0xCB0];
	_ =	sdelay $0x7  }
0x157: {  	[tilespmem:v1+s9+$0x0] =	vst.idx.msk $0xffff, v0  }
0x158: {  	v1 =	vld [tilespmem:$0xCC0];
	_ =	sdelay $0x7  }
0x159: {  	[tilespmem:v1+s9+$0x0] =	vst.idx.msk $0xffff, v0  }
0x15a: {  	v1 =	vld [tilespmem:$0xD20];
	_ =	sdelay $0x2  }
0x15b: {  	v2 =	vld [tilespmem:$0x320];
	_ =	sdelay $0x4  }
0x15c: {  	[tilespmem:v1+s9+$0x0] =	vst.idx.msk $0xffff, v2  }
0x15d: {  	v1 =	vld [tilespmem:$0xD30];
	_ =	sdelay $0x2  }
0x15e: {  	v2 =	vld [tilespmem:$0x330];
	_ =	sdelay $0x4  }
0x15f: {  	[tilespmem:v1+s9+$0x0] =	vst.idx.msk $0xffff, v2  }
0x160: {  	v1 =	vld [tilespmem:$0xD40];
	_ =	sdelay $0x2  }
0x161: {  	v2 =	vld [tilespmem:$0x340];
	_ =	sdelay $0x4  }
0x162: {  	[tilespmem:v1+s9+$0x0] =	vst.idx.msk $0xffff, v2  }
0x163: {  	v1 =	vld [tilespmem:$0xD50];
	_ =	sdelay $0x2  }
0x164: {  	v2 =	vld [tilespmem:$0x350];
	_ =	sdelay $0x4  }
0x165: {  	[tilespmem:v1+s9+$0x0] =	vst.idx.msk $0xffff, v2  }
0x166: {  	v1 =	vld [tilespmem:$0xD60];
	_ =	sdelay $0x2  }
0x167: {  	v2 =	vld [tilespmem:$0x360];
	_ =	sdelay $0x4  }
0x168: {  	s17 =	rddreg [dreg:$0xe];
	[tilespmem:v1+s9+$0x0] =	vst.idx.msk $0xffff, v2  }
0x169: {  	[hbm4b:s17+s10] =	stream.strided.scatter [tilespmem:s9], [sflag:$0x1], $0x1000, s11, s10, $0x38;
	[tilespmem:$0x3500] =	vst v63  }
0x16a: {  	_ =	swait.ge [sflag:s14], $0x1000  }
0x16b: {  	[sflag:s14] =	ssyncset.done $0x0  }
0x16c: {  	[sflag:s14] =	ssyncadd.s32 $0xFFFFF000  }
0x16d: {  	v1 =	vld [tilespmem:$0xCD0];
	_ =	sdelay $0x7  }
0x16e: {  	[tilespmem:v1+s12+$0x0] =	vst.idx.msk $0xffff, v0  }
0x16f: {  	v1 =	vld [tilespmem:$0xCE0];
	_ =	sdelay $0x7  }
0x170: {  	[tilespmem:v1+s12+$0x0] =	vst.idx.msk $0xffff, v0  }
0x171: {  	v1 =	vld [tilespmem:$0xCF0];
	_ =	sdelay $0x7  }
0x172: {  	[tilespmem:v1+s12+$0x0] =	vst.idx.msk $0xffff, v0  }
0x173: {  	v1 =	vld [tilespmem:$0xD00];
	_ =	sdelay $0x7  }
0x174: {  	[tilespmem:v1+s12+$0x0] =	vst.idx.msk $0xffff, v0  }
0x175: {  	v1 =	vld [tilespmem:$0xD10];
	_ =	sdelay $0x7  }
0x176: {  	[tilespmem:v1+s12+$0x0] =	vst.idx.msk $0xffff, v0  }
0x177: {  	v1 =	vld [tilespmem:$0xD70];
	_ =	sdelay $0x2  }
0x178: {  	v2 =	vld [tilespmem:$0x370];
	_ =	sdelay $0x4  }
0x179: {  	[tilespmem:v1+s12+$0x0] =	vst.idx.msk $0xffff, v2  }
0x17a: {  	v1 =	vld [tilespmem:$0xD80];
	_ =	sdelay $0x2  }
0x17b: {  	v2 =	vld [tilespmem:$0x380];
	_ =	sdelay $0x4  }
0x17c: {  	[tilespmem:v1+s12+$0x0] =	vst.idx.msk $0xffff, v2  }
0x17d: {  	v1 =	vld [tilespmem:$0xD90];
	_ =	sdelay $0x2  }
0x17e: {  	v2 =	vld [tilespmem:$0x390];
	_ =	sdelay $0x4  }
0x17f: {  	[tilespmem:v1+s12+$0x0] =	vst.idx.msk $0xffff, v2  }
0x180: {  	v1 =	vld [tilespmem:$0xDA0];
	_ =	sdelay $0x2  }
0x181: {  	v2 =	vld [tilespmem:$0x3A0];
	_ =	sdelay $0x4  }
0x182: {  	[tilespmem:v1+s12+$0x0] =	vst.idx.msk $0xffff, v2  }
0x183: {  	v1 =	vld [tilespmem:$0xDB0];
	_ =	sdelay $0x2  }
0x184: {  	v2 =	vld [tilespmem:$0x3B0];
	_ =	sdelay $0x4  }
0x185: {  	s18 =	rddreg [dreg:$0xf];
	[tilespmem:v1+s12+$0x0] =	vst.idx.msk $0xffff, v2  }
0x186: {  	[hbm4b:s18+s10] =	stream.strided.scatter [tilespmem:s12], [sflag:$0x2], $0x1000, s11, s10, $0x38;
	[tilespmem:$0x3500] =	vst v63  }
0x187: {  	_ =	swait.ge [sflag:s13], $0x1000  }
0x188: {  	[sflag:s13] =	ssyncset.done $0x0  }
0x189: {  	[sflag:s13] =	ssyncadd.s32 $0xFFFFF000  }
0x18a: {  	v1 =	vld [tilespmem:$0xD20];
	_ =	sdelay $0x7  }
0x18b: {  	[tilespmem:v1+s9+$0x0] =	vst.idx.msk $0xffff, v0  }
0x18c: {  	v1 =	vld [tilespmem:$0xD30];
	_ =	sdelay $0x7  }
0x18d: {  	[tilespmem:v1+s9+$0x0] =	vst.idx.msk $0xffff, v0  }
0x18e: {  	v1 =	vld [tilespmem:$0xD40];
	_ =	sdelay $0x7  }
0x18f: {  	[tilespmem:v1+s9+$0x0] =	vst.idx.msk $0xffff, v0  }
0x190: {  	v1 =	vld [tilespmem:$0xD50];
	_ =	sdelay $0x7  }
0x191: {  	[tilespmem:v1+s9+$0x0] =	vst.idx.msk $0xffff, v0  }
0x192: {  	v1 =	vld [tilespmem:$0xD60];
	_ =	sdelay $0x7  }
0x193: {  	[tilespmem:v1+s9+$0x0] =	vst.idx.msk $0xffff, v0  }
0x194: {  	v1 =	vld [tilespmem:$0xDC0];
	_ =	sdelay $0x2  }
0x195: {  	v2 =	vld [tilespmem:$0x3C0];
	_ =	sdelay $0x4  }
0x196: {  	[tilespmem:v1+s9+$0x0] =	vst.idx.msk $0xffff, v2  }
0x197: {  	v1 =	vld [tilespmem:$0xDD0];
	_ =	sdelay $0x2  }
0x198: {  	v2 =	vld [tilespmem:$0x3D0];
	_ =	sdelay $0x4  }
0x199: {  	[tilespmem:v1+s9+$0x0] =	vst.idx.msk $0xffff, v2  }
0x19a: {  	v1 =	vld [tilespmem:$0xDE0];
	_ =	sdelay $0x2  }
0x19b: {  	v2 =	vld [tilespmem:$0x3E0];
	_ =	sdelay $0x4  }
0x19c: {  	[tilespmem:v1+s9+$0x0] =	vst.idx.msk $0xffff, v2  }
0x19d: {  	v1 =	vld [tilespmem:$0xDF0];
	_ =	sdelay $0x2  }
0x19e: {  	v2 =	vld [tilespmem:$0x3F0];
	_ =	sdelay $0x4  }
0x19f: {  	[tilespmem:v1+s9+$0x0] =	vst.idx.msk $0xffff, v2  }
0x1a0: {  	v1 =	vld [tilespmem:$0xE00];
	_ =	sdelay $0x2  }
0x1a1: {  	v2 =	vld [tilespmem:$0x400];
	_ =	sdelay $0x4  }
0x1a2: {  	s17 =	rddreg [dreg:$0x10];
	[tilespmem:v1+s9+$0x0] =	vst.idx.msk $0xffff, v2  }
0x1a3: {  	[hbm4b:s17+s10] =	stream.strided.scatter [tilespmem:s9], [sflag:$0x1], $0x1000, s11, s10, $0x38;
	[tilespmem:$0x3500] =	vst v63  }
0x1a4: {  	_ =	swait.ge [sflag:s14], $0x1000  }
0x1a5: {  	[sflag:s14] =	ssyncset.done $0x0  }
0x1a6: {  	[sflag:s14] =	ssyncadd.s32 $0xFFFFF000  }
0x1a7: {  	v1 =	vld [tilespmem:$0xD70];
	_ =	sdelay $0x7  }
0x1a8: {  	[tilespmem:v1+s12+$0x0] =	vst.idx.msk $0xffff, v0  }
0x1a9: {  	v1 =	vld [tilespmem:$0xD80];
	_ =	sdelay $0x7  }
0x1aa: {  	[tilespmem:v1+s12+$0x0] =	vst.idx.msk $0xffff, v0  }
0x1ab: {  	v1 =	vld [tilespmem:$0xD90];
	_ =	sdelay $0x7  }
0x1ac: {  	[tilespmem:v1+s12+$0x0] =	vst.idx.msk $0xffff, v0  }
0x1ad: {  	v1 =	vld [tilespmem:$0xDA0];
	_ =	sdelay $0x7  }
0x1ae: {  	[tilespmem:v1+s12+$0x0] =	vst.idx.msk $0xffff, v0  }
0x1af: {  	v1 =	vld [tilespmem:$0xDB0];
	_ =	sdelay $0x7  }
0x1b0: {  	[tilespmem:v1+s12+$0x0] =	vst.idx.msk $0xffff, v0  }
0x1b1: {  	v1 =	vld [tilespmem:$0xE10];
	_ =	sdelay $0x2  }
0x1b2: {  	v2 =	vld [tilespmem:$0x410];
	_ =	sdelay $0x4  }
0x1b3: {  	[tilespmem:v1+s12+$0x0] =	vst.idx.msk $0xffff, v2  }
0x1b4: {  	v1 =	vld [tilespmem:$0xE20];
	_ =	sdelay $0x2  }
0x1b5: {  	v2 =	vld [tilespmem:$0x420];
	_ =	sdelay $0x4  }
0x1b6: {  	[tilespmem:v1+s12+$0x0] =	vst.idx.msk $0xffff, v2  }
0x1b7: {  	v1 =	vld [tilespmem:$0xE30];
	_ =	sdelay $0x2  }
0x1b8: {  	v2 =	vld [tilespmem:$0x430];
	_ =	sdelay $0x4  }
0x1b9: {  	[tilespmem:v1+s12+$0x0] =	vst.idx.msk $0xffff, v2  }
0x1ba: {  	v1 =	vld [tilespmem:$0xE40];
	_ =	sdelay $0x2  }
0x1bb: {  	v2 =	vld [tilespmem:$0x440];
	_ =	sdelay $0x4  }
0x1bc: {  	[tilespmem:v1+s12+$0x0] =	vst.idx.msk $0xffff, v2  }
0x1bd: {  	v1 =	vld [tilespmem:$0xE50];
	_ =	sdelay $0x2  }
0x1be: {  	v2 =	vld [tilespmem:$0x450];
	_ =	sdelay $0x4  }
0x1bf: {  	s18 =	rddreg [dreg:$0x11];
	[tilespmem:v1+s12+$0x0] =	vst.idx.msk $0xffff, v2  }
0x1c0: {  	[hbm4b:s18+s10] =	stream.strided.scatter [tilespmem:s12], [sflag:$0x2], $0x1000, s11, s10, $0x38;
	[tilespmem:$0x3500] =	vst v63  }
0x1c1: {  	_ =	swait.ge [sflag:s13], $0x1000  }
0x1c2: {  	[sflag:s13] =	ssyncset.done $0x0  }
0x1c3: {  	[sflag:s13] =	ssyncadd.s32 $0xFFFFF000  }
0x1c4: {  	v1 =	vld [tilespmem:$0xDC0];
	_ =	sdelay $0x7  }
0x1c5: {  	[tilespmem:v1+s9+$0x0] =	vst.idx.msk $0xffff, v0  }
0x1c6: {  	v1 =	vld [tilespmem:$0xDD0];
	_ =	sdelay $0x7  }
0x1c7: {  	[tilespmem:v1+s9+$0x0] =	vst.idx.msk $0xffff, v0  }
0x1c8: {  	v1 =	vld [tilespmem:$0xDE0];
	_ =	sdelay $0x7  }
0x1c9: {  	[tilespmem:v1+s9+$0x0] =	vst.idx.msk $0xffff, v0  }
0x1ca: {  	v1 =	vld [tilespmem:$0xDF0];
	_ =	sdelay $0x7  }
0x1cb: {  	[tilespmem:v1+s9+$0x0] =	vst.idx.msk $0xffff, v0  }
0x1cc: {  	v1 =	vld [tilespmem:$0xE00];
	_ =	sdelay $0x7  }
0x1cd: {  	[tilespmem:v1+s9+$0x0] =	vst.idx.msk $0xffff, v0  }
0x1ce: {  	v1 =	vld [tilespmem:$0xE60];
	_ =	sdelay $0x2  }
0x1cf: {  	v2 =	vld [tilespmem:$0x460];
	_ =	sdelay $0x4  }
0x1d0: {  	[tilespmem:v1+s9+$0x0] =	vst.idx.msk $0xffff, v2  }
0x1d1: {  	v1 =	vld [tilespmem:$0xE70];
	_ =	sdelay $0x2  }
0x1d2: {  	v2 =	vld [tilespmem:$0x470];
	_ =	sdelay $0x4  }
0x1d3: {  	[tilespmem:v1+s9+$0x0] =	vst.idx.msk $0xffff, v2  }
0x1d4: {  	v1 =	vld [tilespmem:$0xE80];
	_ =	sdelay $0x2  }
0x1d5: {  	v2 =	vld [tilespmem:$0x480];
	_ =	sdelay $0x4  }
0x1d6: {  	[tilespmem:v1+s9+$0x0] =	vst.idx.msk $0xffff, v2  }
0x1d7: {  	v1 =	vld [tilespmem:$0xE90];
	_ =	sdelay $0x2  }
0x1d8: {  	v2 =	vld [tilespmem:$0x490];
	_ =	sdelay $0x4  }
0x1d9: {  	[tilespmem:v1+s9+$0x0] =	vst.idx.msk $0xffff, v2  }
0x1da: {  	v1 =	vld [tilespmem:$0xEA0];
	_ =	sdelay $0x2  }
0x1db: {  	v2 =	vld [tilespmem:$0x4A0];
	_ =	sdelay $0x4  }
0x1dc: {  	[tilespmem:v1+s9+$0x0] =	vst.idx.msk $0xffff, v2  }
0x1dd: {  	[hbm4b:s19+s10] =	stream.strided.scatter [tilespmem:s9], [sflag:$0x1], $0x1000, s11, s10, $0x38;
	[tilespmem:$0x3500] =	vst v63  }
0x1de: {  	_ =	swait.ge [sflag:s14], $0x1000  }
0x1df: {  	[sflag:s14] =	ssyncset.done $0x0  }
0x1e0: {  	[sflag:s14] =	ssyncadd.s32 $0xFFFFF000  }
0x1e1: {  	v1 =	vld [tilespmem:$0xE10];
	_ =	sdelay $0x7  }
0x1e2: {  	[tilespmem:v1+s12+$0x0] =	vst.idx.msk $0xffff, v0  }
0x1e3: {  	v1 =	vld [tilespmem:$0xE20];
	_ =	sdelay $0x7  }
0x1e4: {  	[tilespmem:v1+s12+$0x0] =	vst.idx.msk $0xffff, v0  }
0x1e5: {  	v1 =	vld [tilespmem:$0xE30];
	_ =	sdelay $0x7  }
0x1e6: {  	[tilespmem:v1+s12+$0x0] =	vst.idx.msk $0xffff, v0  }
0x1e7: {  	v1 =	vld [tilespmem:$0xE40];
	_ =	sdelay $0x7  }
0x1e8: {  	[tilespmem:v1+s12+$0x0] =	vst.idx.msk $0xffff, v0  }
0x1e9: {  	v1 =	vld [tilespmem:$0xE50];
	_ =	sdelay $0x7  }
0x1ea: {  	[tilespmem:v1+s12+$0x0] =	vst.idx.msk $0xffff, v0  }
0x1eb: {  	v1 =	vld [tilespmem:$0xEB0];
	_ =	sdelay $0x2  }
0x1ec: {  	v2 =	vld [tilespmem:$0x4B0];
	_ =	sdelay $0x4  }
0x1ed: {  	[tilespmem:v1+s12+$0x0] =	vst.idx.msk $0xffff, v2  }
0x1ee: {  	v1 =	vld [tilespmem:$0xEC0];
	_ =	sdelay $0x2  }
0x1ef: {  	v2 =	vld [tilespmem:$0x4C0];
	_ =	sdelay $0x4  }
0x1f0: {  	[tilespmem:v1+s12+$0x0] =	vst.idx.msk $0xffff, v2  }
0x1f1: {  	v1 =	vld [tilespmem:$0xED0];
	_ =	sdelay $0x2  }
0x1f2: {  	v2 =	vld [tilespmem:$0x4D0];
	_ =	sdelay $0x4  }
0x1f3: {  	[tilespmem:v1+s12+$0x0] =	vst.idx.msk $0xffff, v2  }
0x1f4: {  	v1 =	vld [tilespmem:$0xEE0];
	_ =	sdelay $0x2  }
0x1f5: {  	v2 =	vld [tilespmem:$0x4E0];
	_ =	sdelay $0x4  }
0x1f6: {  	[tilespmem:v1+s12+$0x0] =	vst.idx.msk $0xffff, v2  }
0x1f7: {  	v1 =	vld [tilespmem:$0xEF0];
	_ =	sdelay $0x2  }
0x1f8: {  	v2 =	vld [tilespmem:$0x4F0];
	_ =	sdelay $0x4  }
0x1f9: {  	[tilespmem:v1+s12+$0x0] =	vst.idx.msk $0xffff, v2  }
0x1fa: {  	[hbm4b:s20+s10] =	stream.strided.scatter [tilespmem:s12], [sflag:$0x2], $0x1000, s11, s10, $0x38;
	[tilespmem:$0x3500] =	vst v63  }
0x1fb: {  	_ =	swait.ge [sflag:s13], $0x1000  }
0x1fc: {  	[sflag:s13] =	ssyncset.done $0x0  }
0x1fd: {  	[sflag:s13] =	ssyncadd.s32 $0xFFFFF000  }
0x1fe: {  	v1 =	vld [tilespmem:$0xE60];
	_ =	sdelay $0x7  }
0x1ff: {  	[tilespmem:v1+s9+$0x0] =	vst.idx.msk $0xffff, v0  }
0x200: {  	v1 =	vld [tilespmem:$0xE70];
	_ =	sdelay $0x7  }
0x201: {  	[tilespmem:v1+s9+$0x0] =	vst.idx.msk $0xffff, v0  }
0x202: {  	v1 =	vld [tilespmem:$0xE80];
	_ =	sdelay $0x7  }
0x203: {  	[tilespmem:v1+s9+$0x0] =	vst.idx.msk $0xffff, v0  }
0x204: {  	v1 =	vld [tilespmem:$0xE90];
	_ =	sdelay $0x7  }
0x205: {  	[tilespmem:v1+s9+$0x0] =	vst.idx.msk $0xffff, v0  }
0x206: {  	v1 =	vld [tilespmem:$0xEA0];
	_ =	sdelay $0x7  }
0x207: {  	[tilespmem:v1+s9+$0x0] =	vst.idx.msk $0xffff, v0  }
0x208: {  	v1 =	vld [tilespmem:$0xF00];
	_ =	sdelay $0x2  }
0x209: {  	v2 =	vld [tilespmem:$0x500];
	_ =	sdelay $0x4  }
0x20a: {  	[tilespmem:v1+s9+$0x0] =	vst.idx.msk $0xffff, v2  }
0x20b: {  	v1 =	vld [tilespmem:$0xF10];
	_ =	sdelay $0x2  }
0x20c: {  	v2 =	vld [tilespmem:$0x510];
	_ =	sdelay $0x4  }
0x20d: {  	[tilespmem:v1+s9+$0x0] =	vst.idx.msk $0xffff, v2  }
0x20e: {  	v1 =	vld [tilespmem:$0xF20];
	_ =	sdelay $0x2  }
0x20f: {  	v2 =	vld [tilespmem:$0x520];
	_ =	sdelay $0x4  }
0x210: {  	[tilespmem:v1+s9+$0x0] =	vst.idx.msk $0xffff, v2  }
0x211: {  	v1 =	vld [tilespmem:$0xF30];
	_ =	sdelay $0x2  }
0x212: {  	v2 =	vld [tilespmem:$0x530];
	_ =	sdelay $0x4  }
0x213: {  	[tilespmem:v1+s9+$0x0] =	vst.idx.msk $0xffff, v2  }
0x214: {  	v1 =	vld [tilespmem:$0xF40];
	_ =	sdelay $0x2  }
0x215: {  	v2 =	vld [tilespmem:$0x540];
	_ =	sdelay $0x4  }
0x216: {  	[tilespmem:v1+s9+$0x0] =	vst.idx.msk $0xffff, v2  }
0x217: {  	[hbm4b:s21+s10] =	stream.strided.scatter [tilespmem:s9], [sflag:$0x1], $0x1000, s11, s10, $0x38;
	[tilespmem:$0x3500] =	vst v63  }
0x218: {  	_ =	swait.ge [sflag:s14], $0x1000  }
0x219: {  	[sflag:s14] =	ssyncset.done $0x0  }
0x21a: {  	[sflag:s14] =	ssyncadd.s32 $0xFFFFF000  }
0x21b: {  	v1 =	vld [tilespmem:$0xEB0];
	_ =	sdelay $0x7  }
0x21c: {  	[tilespmem:v1+s12+$0x0] =	vst.idx.msk $0xffff, v0  }
0x21d: {  	v1 =	vld [tilespmem:$0xEC0];
	_ =	sdelay $0x7  }
0x21e: {  	[tilespmem:v1+s12+$0x0] =	vst.idx.msk $0xffff, v0  }
0x21f: {  	v1 =	vld [tilespmem:$0xED0];
	_ =	sdelay $0x7  }
0x220: {  	[tilespmem:v1+s12+$0x0] =	vst.idx.msk $0xffff, v0  }
0x221: {  	v1 =	vld [tilespmem:$0xEE0];
	_ =	sdelay $0x7  }
0x222: {  	[tilespmem:v1+s12+$0x0] =	vst.idx.msk $0xffff, v0  }
0x223: {  	v1 =	vld [tilespmem:$0xEF0];
	_ =	sdelay $0x7  }
0x224: {  	[tilespmem:v1+s12+$0x0] =	vst.idx.msk $0xffff, v0  }
0x225: {  	v1 =	vld [tilespmem:$0xF50];
	_ =	sdelay $0x2  }
0x226: {  	v2 =	vld [tilespmem:$0x550];
	_ =	sdelay $0x4  }
0x227: {  	[tilespmem:v1+s12+$0x0] =	vst.idx.msk $0xffff, v2  }
0x228: {  	v1 =	vld [tilespmem:$0xF60];
	_ =	sdelay $0x2  }
0x229: {  	v2 =	vld [tilespmem:$0x560];
	_ =	sdelay $0x4  }
0x22a: {  	[tilespmem:v1+s12+$0x0] =	vst.idx.msk $0xffff, v2  }
0x22b: {  	v1 =	vld [tilespmem:$0xF70];
	_ =	sdelay $0x2  }
0x22c: {  	v2 =	vld [tilespmem:$0x570];
	_ =	sdelay $0x4  }
0x22d: {  	[tilespmem:v1+s12+$0x0] =	vst.idx.msk $0xffff, v2  }
0x22e: {  	v1 =	vld [tilespmem:$0xF80];
	_ =	sdelay $0x2  }
0x22f: {  	v2 =	vld [tilespmem:$0x580];
	_ =	sdelay $0x4  }
0x230: {  	[tilespmem:v1+s12+$0x0] =	vst.idx.msk $0xffff, v2  }
0x231: {  	v1 =	vld [tilespmem:$0xF90];
	_ =	sdelay $0x2  }
0x232: {  	v2 =	vld [tilespmem:$0x590];
	_ =	sdelay $0x4  }
0x233: {  	[tilespmem:v1+s12+$0x0] =	vst.idx.msk $0xffff, v2  }
0x234: {  	[hbm4b:s22+s10] =	stream.strided.scatter [tilespmem:s12], [sflag:$0x2], $0x1000, s11, s10, $0x38;
	[tilespmem:$0x3500] =	vst v63  }
0x235: {  	_ =	swait.ge [sflag:s13], $0x1000  }
0x236: {  	[sflag:s13] =	ssyncset.done $0x0  }
0x237: {  	[sflag:s13] =	ssyncadd.s32 $0xFFFFF000  }
0x238: {  	v1 =	vld [tilespmem:$0xF00];
	_ =	sdelay $0x7  }
0x239: {  	[tilespmem:v1+s9+$0x0] =	vst.idx.msk $0xffff, v0  }
0x23a: {  	v1 =	vld [tilespmem:$0xF10];
	_ =	sdelay $0x7  }
0x23b: {  	[tilespmem:v1+s9+$0x0] =	vst.idx.msk $0xffff, v0  }
0x23c: {  	v1 =	vld [tilespmem:$0xF20];
	_ =	sdelay $0x7  }
0x23d: {  	[tilespmem:v1+s9+$0x0] =	vst.idx.msk $0xffff, v0  }
0x23e: {  	v1 =	vld [tilespmem:$0xF30];
	_ =	sdelay $0x7  }
0x23f: {  	[tilespmem:v1+s9+$0x0] =	vst.idx.msk $0xffff, v0  }
0x240: {  	v1 =	vld [tilespmem:$0xF40];
	_ =	sdelay $0x7  }
0x241: {  	[tilespmem:v1+s9+$0x0] =	vst.idx.msk $0xffff, v0  }
0x242: {  	v1 =	vld [tilespmem:$0xFA0];
	_ =	sdelay $0x2  }
0x243: {  	v2 =	vld [tilespmem:$0x5A0];
	_ =	sdelay $0x4  }
0x244: {  	[tilespmem:v1+s9+$0x0] =	vst.idx.msk $0xffff, v2  }
0x245: {  	v1 =	vld [tilespmem:$0xFB0];
	_ =	sdelay $0x2  }
0x246: {  	v2 =	vld [tilespmem:$0x5B0];
	_ =	sdelay $0x4  }
0x247: {  	[tilespmem:v1+s9+$0x0] =	vst.idx.msk $0xffff, v2  }
0x248: {  	v1 =	vld [tilespmem:$0xFC0];
	_ =	sdelay $0x2  }
0x249: {  	v2 =	vld [tilespmem:$0x5C0];
	_ =	sdelay $0x4  }
0x24a: {  	[tilespmem:v1+s9+$0x0] =	vst.idx.msk $0xffff, v2  }
0x24b: {  	v1 =	vld [tilespmem:$0xFD0];
	_ =	sdelay $0x2  }
0x24c: {  	v2 =	vld [tilespmem:$0x5D0];
	_ =	sdelay $0x4  }
0x24d: {  	[tilespmem:v1+s9+$0x0] =	vst.idx.msk $0xffff, v2  }
0x24e: {  	v1 =	vld [tilespmem:$0xFE0];
	_ =	sdelay $0x2  }
0x24f: {  	v2 =	vld [tilespmem:$0x5E0];
	_ =	sdelay $0x4  }
0x250: {  	[tilespmem:v1+s9+$0x0] =	vst.idx.msk $0xffff, v2  }
0x251: {  	[hbm4b:s23+s10] =	stream.strided.scatter [tilespmem:s9], [sflag:$0x1], $0x1000, s11, s10, $0x38;
	[tilespmem:$0x3500] =	vst v63  }
0x252: {  	_ =	swait.ge [sflag:s14], $0x1000  }
0x253: {  	[sflag:s14] =	ssyncset.done $0x0  }
0x254: {  	[sflag:s14] =	ssyncadd.s32 $0xFFFFF000  }
0x255: {  	v1 =	vld [tilespmem:$0xF50];
	_ =	sdelay $0x7  }
0x256: {  	[tilespmem:v1+s12+$0x0] =	vst.idx.msk $0xffff, v0  }
0x257: {  	v1 =	vld [tilespmem:$0xF60];
	_ =	sdelay $0x7  }
0x258: {  	[tilespmem:v1+s12+$0x0] =	vst.idx.msk $0xffff, v0  }
0x259: {  	v1 =	vld [tilespmem:$0xF70];
	_ =	sdelay $0x7  }
0x25a: {  	[tilespmem:v1+s12+$0x0] =	vst.idx.msk $0xffff, v0  }
0x25b: {  	v1 =	vld [tilespmem:$0xF80];
	_ =	sdelay $0x7  }
0x25c: {  	[tilespmem:v1+s12+$0x0] =	vst.idx.msk $0xffff, v0  }
0x25d: {  	v1 =	vld [tilespmem:$0xF90];
	_ =	sdelay $0x7  }
0x25e: {  	[tilespmem:v1+s12+$0x0] =	vst.idx.msk $0xffff, v0  }
0x25f: {  	v1 =	vld [tilespmem:$0xFF0];
	_ =	sdelay $0x2  }
0x260: {  	v2 =	vld [tilespmem:$0x5F0];
	_ =	sdelay $0x4  }
0x261: {  	[tilespmem:v1+s12+$0x0] =	vst.idx.msk $0xffff, v2  }
0x262: {  	v1 =	vld [tilespmem:$0x1000];
	_ =	sdelay $0x2  }
0x263: {  	v2 =	vld [tilespmem:$0x600];
	_ =	sdelay $0x4  }
0x264: {  	[tilespmem:v1+s12+$0x0] =	vst.idx.msk $0xffff, v2  }
0x265: {  	v1 =	vld [tilespmem:$0x1010];
	_ =	sdelay $0x2  }
0x266: {  	v2 =	vld [tilespmem:$0x610];
	_ =	sdelay $0x4  }
0x267: {  	[tilespmem:v1+s12+$0x0] =	vst.idx.msk $0xffff, v2  }
0x268: {  	v1 =	vld [tilespmem:$0x1020];
	_ =	sdelay $0x2  }
0x269: {  	v2 =	vld [tilespmem:$0x620];
	_ =	sdelay $0x4  }
0x26a: {  	[tilespmem:v1+s12+$0x0] =	vst.idx.msk $0xffff, v2  }
0x26b: {  	v1 =	vld [tilespmem:$0x1030];
	_ =	sdelay $0x2  }
0x26c: {  	v2 =	vld [tilespmem:$0x630];
	_ =	sdelay $0x4  }
0x26d: {  	[tilespmem:v1+s12+$0x0] =	vst.idx.msk $0xffff, v2  }
0x26e: {  	[hbm4b:s24+s10] =	stream.strided.scatter [tilespmem:s12], [sflag:$0x2], $0x1000, s11, s10, $0x38;
	[tilespmem:$0x3500] =	vst v63  }
0x26f: {  	_ =	swait.ge [sflag:s13], $0x1000  }
0x270: {  	[sflag:s13] =	ssyncset.done $0x0  }
0x271: {  	[sflag:s13] =	ssyncadd.s32 $0xFFFFF000  }
0x272: {  	v1 =	vld [tilespmem:$0xFA0];
	_ =	sdelay $0x7  }
0x273: {  	[tilespmem:v1+s9+$0x0] =	vst.idx.msk $0xffff, v0  }
0x274: {  	v1 =	vld [tilespmem:$0xFB0];
	_ =	sdelay $0x7  }
0x275: {  	[tilespmem:v1+s9+$0x0] =	vst.idx.msk $0xffff, v0  }
0x276: {  	v1 =	vld [tilespmem:$0xFC0];
	_ =	sdelay $0x7  }
0x277: {  	[tilespmem:v1+s9+$0x0] =	vst.idx.msk $0xffff, v0  }
0x278: {  	v1 =	vld [tilespmem:$0xFD0];
	_ =	sdelay $0x7  }
0x279: {  	[tilespmem:v1+s9+$0x0] =	vst.idx.msk $0xffff, v0  }
0x27a: {  	v1 =	vld [tilespmem:$0xFE0];
	_ =	sdelay $0x7  }
0x27b: {  	[tilespmem:v1+s9+$0x0] =	vst.idx.msk $0xffff, v0  }
0x27c: {  	v1 =	vld [tilespmem:$0x1040];
	_ =	sdelay $0x2  }
0x27d: {  	v2 =	vld [tilespmem:$0x640];
	_ =	sdelay $0x4  }
0x27e: {  	[tilespmem:v1+s9+$0x0] =	vst.idx.msk $0xffff, v2  }
0x27f: {  	v1 =	vld [tilespmem:$0x1050];
	_ =	sdelay $0x2  }
0x280: {  	v2 =	vld [tilespmem:$0x650];
	_ =	sdelay $0x4  }
0x281: {  	[tilespmem:v1+s9+$0x0] =	vst.idx.msk $0xffff, v2  }
0x282: {  	v1 =	vld [tilespmem:$0x1060];
	_ =	sdelay $0x2  }
0x283: {  	v2 =	vld [tilespmem:$0x660];
	_ =	sdelay $0x4  }
0x284: {  	[tilespmem:v1+s9+$0x0] =	vst.idx.msk $0xffff, v2  }
0x285: {  	v1 =	vld [tilespmem:$0x1070];
	_ =	sdelay $0x2  }
0x286: {  	v2 =	vld [tilespmem:$0x670];
	_ =	sdelay $0x4  }
0x287: {  	[tilespmem:v1+s9+$0x0] =	vst.idx.msk $0xffff, v2  }
0x288: {  	v1 =	vld [tilespmem:$0x1080];
	_ =	sdelay $0x2  }
0x289: {  	v2 =	vld [tilespmem:$0x680];
	_ =	sdelay $0x4  }
0x28a: {  	[tilespmem:v1+s9+$0x0] =	vst.idx.msk $0xffff, v2  }
0x28b: {  	[hbm4b:s26+s10] =	stream.strided.scatter [tilespmem:s9], [sflag:$0x1], $0x1000, s11, s10, $0x38;
	[tilespmem:$0x3500] =	vst v63  }
0x28c: {  	_ =	swait.ge [sflag:s14], $0x1000  }
0x28d: {  	[sflag:s14] =	ssyncset.done $0x0  }
0x28e: {  	[sflag:s14] =	ssyncadd.s32 $0xFFFFF000  }
0x28f: {  	v1 =	vld [tilespmem:$0xFF0];
	_ =	sdelay $0x7  }
0x290: {  	[tilespmem:v1+s12+$0x0] =	vst.idx.msk $0xffff, v0  }
0x291: {  	v1 =	vld [tilespmem:$0x1000];
	_ =	sdelay $0x7  }
0x292: {  	[tilespmem:v1+s12+$0x0] =	vst.idx.msk $0xffff, v0  }
0x293: {  	v1 =	vld [tilespmem:$0x1010];
	_ =	sdelay $0x7  }
0x294: {  	[tilespmem:v1+s12+$0x0] =	vst.idx.msk $0xffff, v0  }
0x295: {  	v1 =	vld [tilespmem:$0x1020];
	_ =	sdelay $0x7  }
0x296: {  	[tilespmem:v1+s12+$0x0] =	vst.idx.msk $0xffff, v0  }
0x297: {  	v1 =	vld [tilespmem:$0x1030];
	_ =	sdelay $0x7  }
0x298: {  	[tilespmem:v1+s12+$0x0] =	vst.idx.msk $0xffff, v0  }
0x299: {  	v1 =	vld [tilespmem:$0x1090];
	_ =	sdelay $0x2  }
0x29a: {  	v2 =	vld [tilespmem:$0x690];
	_ =	sdelay $0x4  }
0x29b: {  	[tilespmem:v1+s12+$0x0] =	vst.idx.msk $0xffff, v2  }
0x29c: {  	v1 =	vld [tilespmem:$0x10A0];
	_ =	sdelay $0x2  }
0x29d: {  	v2 =	vld [tilespmem:$0x6A0];
	_ =	sdelay $0x4  }
0x29e: {  	[tilespmem:v1+s12+$0x0] =	vst.idx.msk $0xffff, v2  }
0x29f: {  	v1 =	vld [tilespmem:$0x10B0];
	_ =	sdelay $0x2  }
0x2a0: {  	v2 =	vld [tilespmem:$0x6B0];
	_ =	sdelay $0x4  }
0x2a1: {  	[tilespmem:v1+s12+$0x0] =	vst.idx.msk $0xffff, v2  }
0x2a2: {  	v1 =	vld [tilespmem:$0x10C0];
	_ =	sdelay $0x2  }
0x2a3: {  	v2 =	vld [tilespmem:$0x6C0];
	_ =	sdelay $0x4  }
0x2a4: {  	[tilespmem:v1+s12+$0x0] =	vst.idx.msk $0xffff, v2  }
0x2a5: {  	v1 =	vld [tilespmem:$0x10D0];
	_ =	sdelay $0x2  }
0x2a6: {  	v2 =	vld [tilespmem:$0x6D0];
	_ =	sdelay $0x4  }
0x2a7: {  	[tilespmem:v1+s12+$0x0] =	vst.idx.msk $0xffff, v2  }
0x2a8: {  	[hbm4b:s28+s10] =	stream.strided.scatter [tilespmem:s12], [sflag:$0x2], $0x1000, s11, s10, $0x38;
	[tilespmem:$0x3500] =	vst v63  }
0x2a9: {  	_ =	swait.ge [sflag:s13], $0x1000  }
0x2aa: {  	[sflag:s13] =	ssyncset.done $0x0  }
0x2ab: {  	[sflag:s13] =	ssyncadd.s32 $0xFFFFF000  }
0x2ac: {  	v1 =	vld [tilespmem:$0x1040];
	_ =	sdelay $0x7  }
0x2ad: {  	[tilespmem:v1+s9+$0x0] =	vst.idx.msk $0xffff, v0  }
0x2ae: {  	v1 =	vld [tilespmem:$0x1050];
	_ =	sdelay $0x7  }
0x2af: {  	[tilespmem:v1+s9+$0x0] =	vst.idx.msk $0xffff, v0  }
0x2b0: {  	v1 =	vld [tilespmem:$0x1060];
	_ =	sdelay $0x7  }
0x2b1: {  	[tilespmem:v1+s9+$0x0] =	vst.idx.msk $0xffff, v0  }
0x2b2: {  	v1 =	vld [tilespmem:$0x1070];
	_ =	sdelay $0x7  }
0x2b3: {  	[tilespmem:v1+s9+$0x0] =	vst.idx.msk $0xffff, v0  }
0x2b4: {  	v1 =	vld [tilespmem:$0x1080];
	_ =	sdelay $0x7  }
0x2b5: {  	[tilespmem:v1+s9+$0x0] =	vst.idx.msk $0xffff, v0  }
0x2b6: {  	v1 =	vld [tilespmem:$0x10E0];
	_ =	sdelay $0x2  }
0x2b7: {  	v2 =	vld [tilespmem:$0x6E0];
	_ =	sdelay $0x4  }
0x2b8: {  	[tilespmem:v1+s9+$0x0] =	vst.idx.msk $0xffff, v2  }
0x2b9: {  	v1 =	vld [tilespmem:$0x10F0];
	_ =	sdelay $0x2  }
0x2ba: {  	v2 =	vld [tilespmem:$0x6F0];
	_ =	sdelay $0x4  }
0x2bb: {  	[tilespmem:v1+s9+$0x0] =	vst.idx.msk $0xffff, v2  }
0x2bc: {  	v1 =	vld [tilespmem:$0x1100];
	_ =	sdelay $0x2  }
0x2bd: {  	v2 =	vld [tilespmem:$0x700];
	_ =	sdelay $0x4  }
0x2be: {  	[tilespmem:v1+s9+$0x0] =	vst.idx.msk $0xffff, v2  }
0x2bf: {  	v1 =	vld [tilespmem:$0x1110];
	_ =	sdelay $0x2  }
0x2c0: {  	v2 =	vld [tilespmem:$0x710];
	_ =	sdelay $0x4  }
0x2c1: {  	[tilespmem:v1+s9+$0x0] =	vst.idx.msk $0xffff, v2  }
0x2c2: {  	v1 =	vld [tilespmem:$0x1120];
	_ =	sdelay $0x2  }
0x2c3: {  	v2 =	vld [tilespmem:$0x720];
	_ =	sdelay $0x4  }
0x2c4: {  	[tilespmem:v1+s9+$0x0] =	vst.idx.msk $0xffff, v2  }
0x2c5: {  	[hbm4b:s29+s10] =	stream.strided.scatter [tilespmem:s9], [sflag:$0x1], $0x1000, s11, s10, $0x38;
	[tilespmem:$0x3500] =	vst v63  }
0x2c6: {  	_ =	swait.ge [sflag:s14], $0x1000  }
0x2c7: {  	[sflag:s14] =	ssyncset.done $0x0  }
0x2c8: {  	[sflag:s14] =	ssyncadd.s32 $0xFFFFF000  }
0x2c9: {  	v1 =	vld [tilespmem:$0x1090];
	_ =	sdelay $0x7  }
0x2ca: {  	[tilespmem:v1+s12+$0x0] =	vst.idx.msk $0xffff, v0  }
0x2cb: {  	v1 =	vld [tilespmem:$0x10A0];
	_ =	sdelay $0x7  }
0x2cc: {  	[tilespmem:v1+s12+$0x0] =	vst.idx.msk $0xffff, v0  }
0x2cd: {  	v1 =	vld [tilespmem:$0x10B0];
	_ =	sdelay $0x7  }
0x2ce: {  	[tilespmem:v1+s12+$0x0] =	vst.idx.msk $0xffff, v0  }
0x2cf: {  	v1 =	vld [tilespmem:$0x10C0];
	_ =	sdelay $0x7  }
0x2d0: {  	[tilespmem:v1+s12+$0x0] =	vst.idx.msk $0xffff, v0  }
0x2d1: {  	v1 =	vld [tilespmem:$0x10D0];
	_ =	sdelay $0x7  }
0x2d2: {  	[tilespmem:v1+s12+$0x0] =	vst.idx.msk $0xffff, v0  }
0x2d3: {  	v1 =	vld [tilespmem:$0x1130];
	_ =	sdelay $0x2  }
0x2d4: {  	v2 =	vld [tilespmem:$0x730];
	_ =	sdelay $0x4  }
0x2d5: {  	[tilespmem:v1+s12+$0x0] =	vst.idx.msk $0xffff, v2  }
0x2d6: {  	v1 =	vld [tilespmem:$0x1140];
	_ =	sdelay $0x2  }
0x2d7: {  	v2 =	vld [tilespmem:$0x740];
	_ =	sdelay $0x4  }
0x2d8: {  	[tilespmem:v1+s12+$0x0] =	vst.idx.msk $0xffff, v2  }
0x2d9: {  	v1 =	vld [tilespmem:$0x1150];
	_ =	sdelay $0x2  }
0x2da: {  	v2 =	vld [tilespmem:$0x750];
	_ =	sdelay $0x4  }
0x2db: {  	[tilespmem:v1+s12+$0x0] =	vst.idx.msk $0xffff, v2  }
0x2dc: {  	v1 =	vld [tilespmem:$0x1160];
	_ =	sdelay $0x2  }
0x2dd: {  	v2 =	vld [tilespmem:$0x760];
	_ =	sdelay $0x4  }
0x2de: {  	[tilespmem:v1+s12+$0x0] =	vst.idx.msk $0xffff, v2  }
0x2df: {  	v1 =	vld [tilespmem:$0x1170];
	_ =	sdelay $0x2  }
0x2e0: {  	v2 =	vld [tilespmem:$0x770];
	_ =	sdelay $0x4  }
0x2e1: {  	[tilespmem:v1+s12+$0x0] =	vst.idx.msk $0xffff, v2  }
0x2e2: {  	[hbm4b:s30+s10] =	stream.strided.scatter [tilespmem:s12], [sflag:$0x2], $0x1000, s11, s10, $0x38;
	[tilespmem:$0x3500] =	vst v63  }
0x2e3: {  	_ =	swait.ge [sflag:s13], $0x1000  }
0x2e4: {  	[sflag:s13] =	ssyncset.done $0x0  }
0x2e5: {  	[sflag:s13] =	ssyncadd.s32 $0xFFFFF000  }
0x2e6: {  	v1 =	vld [tilespmem:$0x10E0];
	_ =	sdelay $0x7  }
0x2e7: {  	[tilespmem:v1+s9+$0x0] =	vst.idx.msk $0xffff, v0  }
0x2e8: {  	v1 =	vld [tilespmem:$0x10F0];
	_ =	sdelay $0x7  }
0x2e9: {  	[tilespmem:v1+s9+$0x0] =	vst.idx.msk $0xffff, v0  }
0x2ea: {  	v1 =	vld [tilespmem:$0x1100];
	_ =	sdelay $0x7  }
0x2eb: {  	[tilespmem:v1+s9+$0x0] =	vst.idx.msk $0xffff, v0  }
0x2ec: {  	v1 =	vld [tilespmem:$0x1110];
	_ =	sdelay $0x7  }
0x2ed: {  	[tilespmem:v1+s9+$0x0] =	vst.idx.msk $0xffff, v0  }
0x2ee: {  	v1 =	vld [tilespmem:$0x1120];
	_ =	sdelay $0x7  }
0x2ef: {  	[tilespmem:v1+s9+$0x0] =	vst.idx.msk $0xffff, v0  }
0x2f0: {  	v1 =	vld [tilespmem:$0x1180];
	_ =	sdelay $0x2  }
0x2f1: {  	v2 =	vld [tilespmem:$0x780];
	_ =	sdelay $0x4  }
0x2f2: {  	[tilespmem:v1+s9+$0x0] =	vst.idx.msk $0xffff, v2  }
0x2f3: {  	v1 =	vld [tilespmem:$0x1190];
	_ =	sdelay $0x2  }
0x2f4: {  	v2 =	vld [tilespmem:$0x790];
	_ =	sdelay $0x4  }
0x2f5: {  	[tilespmem:v1+s9+$0x0] =	vst.idx.msk $0xffff, v2  }
0x2f6: {  	v1 =	vld [tilespmem:$0x11A0];
	_ =	sdelay $0x2  }
0x2f7: {  	v2 =	vld [tilespmem:$0x7A0];
	_ =	sdelay $0x4  }
0x2f8: {  	[tilespmem:v1+s9+$0x0] =	vst.idx.msk $0xffff, v2  }
0x2f9: {  	v1 =	vld [tilespmem:$0x11B0];
	_ =	sdelay $0x2  }
0x2fa: {  	v2 =	vld [tilespmem:$0x7B0];
	_ =	sdelay $0x4  }
0x2fb: {  	[tilespmem:v1+s9+$0x0] =	vst.idx.msk $0xffff, v2  }
0x2fc: {  	v1 =	vld [tilespmem:$0x11C0];
	_ =	sdelay $0x2  }
0x2fd: {  	v2 =	vld [tilespmem:$0x7C0];
	_ =	sdelay $0x4  }
0x2fe: {  	[tilespmem:v1+s9+$0x0] =	vst.idx.msk $0xffff, v2  }
0x2ff: {  	[hbm4b:s31+s10] =	stream.strided.scatter [tilespmem:s9], [sflag:$0x1], $0x1000, s11, s10, $0x38;
	[tilespmem:$0x3500] =	vst v63  }
0x300: {  	_ =	swait.ge [sflag:s14], $0x1000  }
0x301: {  	[sflag:s14] =	ssyncset.done $0x0  }
0x302: {  	[sflag:s14] =	ssyncadd.s32 $0xFFFFF000  }
0x303: {  	v1 =	vld [tilespmem:$0x1130];
	_ =	sdelay $0x7  }
0x304: {  	[tilespmem:v1+s12+$0x0] =	vst.idx.msk $0xffff, v0  }
0x305: {  	v1 =	vld [tilespmem:$0x1140];
	_ =	sdelay $0x7  }
0x306: {  	[tilespmem:v1+s12+$0x0] =	vst.idx.msk $0xffff, v0  }
0x307: {  	v1 =	vld [tilespmem:$0x1150];
	_ =	sdelay $0x7  }
0x308: {  	[tilespmem:v1+s12+$0x0] =	vst.idx.msk $0xffff, v0  }
0x309: {  	v1 =	vld [tilespmem:$0x1160];
	_ =	sdelay $0x7  }
0x30a: {  	[tilespmem:v1+s12+$0x0] =	vst.idx.msk $0xffff, v0  }
0x30b: {  	v1 =	vld [tilespmem:$0x1170];
	_ =	sdelay $0x7  }
0x30c: {  	[tilespmem:v1+s12+$0x0] =	vst.idx.msk $0xffff, v0  }
0x30d: {  	v1 =	vld [tilespmem:$0x11D0];
	_ =	sdelay $0x2  }
0x30e: {  	v2 =	vld [tilespmem:$0x7D0];
	_ =	sdelay $0x4  }
0x30f: {  	[tilespmem:v1+s12+$0x0] =	vst.idx.msk $0xffff, v2  }
0x310: {  	v1 =	vld [tilespmem:$0x11E0];
	_ =	sdelay $0x2  }
0x311: {  	v2 =	vld [tilespmem:$0x7E0];
	_ =	sdelay $0x4  }
0x312: {  	[tilespmem:v1+s12+$0x0] =	vst.idx.msk $0xffff, v2  }
0x313: {  	v1 =	vld [tilespmem:$0x11F0];
	_ =	sdelay $0x2  }
0x314: {  	v2 =	vld [tilespmem:$0x7F0];
	_ =	sdelay $0x4  }
0x315: {  	[tilespmem:v1+s12+$0x0] =	vst.idx.msk $0xffff, v2  }
0x316: {  	v1 =	vld [tilespmem:$0x1200];
	_ =	sdelay $0x2  }
0x317: {  	v2 =	vld [tilespmem:$0x800];
	_ =	sdelay $0x4  }
0x318: {  	[tilespmem:v1+s12+$0x0] =	vst.idx.msk $0xffff, v2  }
0x319: {  	v1 =	vld [tilespmem:$0x1210];
	_ =	sdelay $0x2  }
0x31a: {  	v2 =	vld [tilespmem:$0x810];
	_ =	sdelay $0x4  }
0x31b: {  	[tilespmem:v1+s12+$0x0] =	vst.idx.msk $0xffff, v2  }
0x31c: {  	[hbm4b:s1+s10] =	stream.strided.scatter [tilespmem:s12], [sflag:$0x2], $0x1000, s11, s10, $0x38;
	[tilespmem:$0x3500] =	vst v63  }
0x31d: {  	_ =	swait.ge [sflag:s13], $0x1000  }
0x31e: {  	[sflag:s13] =	ssyncset.done $0x0  }
0x31f: {  	[sflag:s13] =	ssyncadd.s32 $0xFFFFF000  }
0x320: {  	v1 =	vld [tilespmem:$0x1180];
	_ =	sdelay $0x7  }
0x321: {  	[tilespmem:v1+s9+$0x0] =	vst.idx.msk $0xffff, v0  }
0x322: {  	v1 =	vld [tilespmem:$0x1190];
	_ =	sdelay $0x7  }
0x323: {  	[tilespmem:v1+s9+$0x0] =	vst.idx.msk $0xffff, v0  }
0x324: {  	v1 =	vld [tilespmem:$0x11A0];
	_ =	sdelay $0x7  }
0x325: {  	[tilespmem:v1+s9+$0x0] =	vst.idx.msk $0xffff, v0  }
0x326: {  	v1 =	vld [tilespmem:$0x11B0];
	_ =	sdelay $0x7  }
0x327: {  	[tilespmem:v1+s9+$0x0] =	vst.idx.msk $0xffff, v0  }
0x328: {  	v1 =	vld [tilespmem:$0x11C0];
	_ =	sdelay $0x7  }
0x329: {  	[tilespmem:v1+s9+$0x0] =	vst.idx.msk $0xffff, v0  }
0x32a: {  	v1 =	vld [tilespmem:$0x1220];
	_ =	sdelay $0x2  }
0x32b: {  	v2 =	vld [tilespmem:$0x820];
	_ =	sdelay $0x4  }
0x32c: {  	[tilespmem:v1+s9+$0x0] =	vst.idx.msk $0xffff, v2  }
0x32d: {  	v1 =	vld [tilespmem:$0x1230];
	_ =	sdelay $0x2  }
0x32e: {  	v2 =	vld [tilespmem:$0x830];
	_ =	sdelay $0x4  }
0x32f: {  	[tilespmem:v1+s9+$0x0] =	vst.idx.msk $0xffff, v2  }
0x330: {  	v1 =	vld [tilespmem:$0x1240];
	_ =	sdelay $0x2  }
0x331: {  	v2 =	vld [tilespmem:$0x840];
	_ =	sdelay $0x4  }
0x332: {  	[tilespmem:v1+s9+$0x0] =	vst.idx.msk $0xffff, v2  }
0x333: {  	v1 =	vld [tilespmem:$0x1250];
	_ =	sdelay $0x2  }
0x334: {  	v2 =	vld [tilespmem:$0x850];
	_ =	sdelay $0x4  }
0x335: {  	[tilespmem:v1+s9+$0x0] =	vst.idx.msk $0xffff, v2  }
0x336: {  	v1 =	vld [tilespmem:$0x1260];
	_ =	sdelay $0x2  }
0x337: {  	v2 =	vld [tilespmem:$0x860];
	_ =	sdelay $0x4  }
0x338: {  	[tilespmem:v1+s9+$0x0] =	vst.idx.msk $0xffff, v2  }
0x339: {  	[hbm4b:s0+s10] =	stream.strided.scatter [tilespmem:s9], [sflag:$0x1], $0x1000, s11, s10, $0x38;
	[tilespmem:$0x3500] =	vst v63  }
0x33a: {  	_ =	swait.ge [sflag:s14], $0x1000  }
0x33b: {  	[sflag:s14] =	ssyncset.done $0x0  }
0x33c: {  	[sflag:s14] =	ssyncadd.s32 $0xFFFFF000  }
0x33d: {  	v1 =	vld [tilespmem:$0x11D0];
	_ =	sdelay $0x7  }
0x33e: {  	[tilespmem:v1+s12+$0x0] =	vst.idx.msk $0xffff, v0  }
0x33f: {  	v1 =	vld [tilespmem:$0x11E0];
	_ =	sdelay $0x7  }
0x340: {  	[tilespmem:v1+s12+$0x0] =	vst.idx.msk $0xffff, v0  }
0x341: {  	v1 =	vld [tilespmem:$0x11F0];
	_ =	sdelay $0x7  }
0x342: {  	[tilespmem:v1+s12+$0x0] =	vst.idx.msk $0xffff, v0  }
0x343: {  	v1 =	vld [tilespmem:$0x1200];
	_ =	sdelay $0x7  }
0x344: {  	[tilespmem:v1+s12+$0x0] =	vst.idx.msk $0xffff, v0  }
0x345: {  	v1 =	vld [tilespmem:$0x1210];
	_ =	sdelay $0x7  }
0x346: {  	[tilespmem:v1+s12+$0x0] =	vst.idx.msk $0xffff, v0  }
0x347: {  	v1 =	vld [tilespmem:$0x1270];
	_ =	sdelay $0x2  }
0x348: {  	v2 =	vld [tilespmem:$0x870];
	_ =	sdelay $0x4  }
0x349: {  	[tilespmem:v1+s12+$0x0] =	vst.idx.msk $0xffff, v2  }
0x34a: {  	v1 =	vld [tilespmem:$0x1280];
	_ =	sdelay $0x2  }
0x34b: {  	v2 =	vld [tilespmem:$0x880];
	_ =	sdelay $0x4  }
0x34c: {  	[tilespmem:v1+s12+$0x0] =	vst.idx.msk $0xffff, v2  }
0x34d: {  	v1 =	vld [tilespmem:$0x1290];
	_ =	sdelay $0x2  }
0x34e: {  	v2 =	vld [tilespmem:$0x890];
	_ =	sdelay $0x4  }
0x34f: {  	[tilespmem:v1+s12+$0x0] =	vst.idx.msk $0xffff, v2  }
0x350: {  	v1 =	vld [tilespmem:$0x12A0];
	_ =	sdelay $0x2  }
0x351: {  	v2 =	vld [tilespmem:$0x8A0];
	_ =	sdelay $0x4  }
0x352: {  	[tilespmem:v1+s12+$0x0] =	vst.idx.msk $0xffff, v2  }
0x353: {  	v1 =	vld [tilespmem:$0x12B0];
	_ =	sdelay $0x2  }
0x354: {  	v2 =	vld [tilespmem:$0x8B0];
	_ =	sdelay $0x4  }
0x355: {  	[tilespmem:v1+s12+$0x0] =	vst.idx.msk $0xffff, v2  }
0x356: {  	[hbm4b:s2+s10] =	stream.strided.scatter [tilespmem:s12], [sflag:$0x2], $0x1000, s11, s10, $0x38;
	[tilespmem:$0x3500] =	vst v63  }
0x357: {  	_ =	swait.ge [sflag:s13], $0x1000  }
0x358: {  	[sflag:s13] =	ssyncset.done $0x0  }
0x359: {  	[sflag:s13] =	ssyncadd.s32 $0xFFFFF000  }
0x35a: {  	v1 =	vld [tilespmem:$0x1220];
	_ =	sdelay $0x7  }
0x35b: {  	[tilespmem:v1+s9+$0x0] =	vst.idx.msk $0xffff, v0  }
0x35c: {  	v1 =	vld [tilespmem:$0x1230];
	_ =	sdelay $0x7  }
0x35d: {  	[tilespmem:v1+s9+$0x0] =	vst.idx.msk $0xffff, v0  }
0x35e: {  	v1 =	vld [tilespmem:$0x1240];
	_ =	sdelay $0x7  }
0x35f: {  	[tilespmem:v1+s9+$0x0] =	vst.idx.msk $0xffff, v0  }
0x360: {  	v1 =	vld [tilespmem:$0x1250];
	_ =	sdelay $0x7  }
0x361: {  	[tilespmem:v1+s9+$0x0] =	vst.idx.msk $0xffff, v0  }
0x362: {  	v1 =	vld [tilespmem:$0x1260];
	_ =	sdelay $0x7  }
0x363: {  	[tilespmem:v1+s9+$0x0] =	vst.idx.msk $0xffff, v0  }
0x364: {  	v1 =	vld [tilespmem:$0x12C0];
	_ =	sdelay $0x2  }
0x365: {  	v2 =	vld [tilespmem:$0x8C0];
	_ =	sdelay $0x4  }
0x366: {  	[tilespmem:v1+s9+$0x0] =	vst.idx.msk $0xffff, v2  }
0x367: {  	v1 =	vld [tilespmem:$0x12D0];
	_ =	sdelay $0x2  }
0x368: {  	v2 =	vld [tilespmem:$0x8D0];
	_ =	sdelay $0x4  }
0x369: {  	[tilespmem:v1+s9+$0x0] =	vst.idx.msk $0xffff, v2  }
0x36a: {  	v1 =	vld [tilespmem:$0x12E0];
	_ =	sdelay $0x2  }
0x36b: {  	v2 =	vld [tilespmem:$0x8E0];
	_ =	sdelay $0x4  }
0x36c: {  	[tilespmem:v1+s9+$0x0] =	vst.idx.msk $0xffff, v2  }
0x36d: {  	v1 =	vld [tilespmem:$0x12F0];
	_ =	sdelay $0x2  }
0x36e: {  	v2 =	vld [tilespmem:$0x8F0];
	_ =	sdelay $0x4  }
0x36f: {  	[tilespmem:v1+s9+$0x0] =	vst.idx.msk $0xffff, v2  }
0x370: {  	v1 =	vld [tilespmem:$0x1300];
	_ =	sdelay $0x2  }
0x371: {  	v2 =	vld [tilespmem:$0x900];
	_ =	sdelay $0x4  }
0x372: {  	[tilespmem:v1+s9+$0x0] =	vst.idx.msk $0xffff, v2  }
0x373: {  	[hbm4b:s3+s10] =	stream.strided.scatter [tilespmem:s9], [sflag:$0x1], $0x1000, s11, s10, $0x38;
	[tilespmem:$0x3500] =	vst v63  }
0x374: {  	_ =	swait.ge [sflag:s14], $0x1000  }
0x375: {  	[sflag:s14] =	ssyncset.done $0x0  }
0x376: {  	[sflag:s14] =	ssyncadd.s32 $0xFFFFF000  }
0x377: {  	v1 =	vld [tilespmem:$0x1270];
	_ =	sdelay $0x7  }
0x378: {  	[tilespmem:v1+s12+$0x0] =	vst.idx.msk $0xffff, v0  }
0x379: {  	v1 =	vld [tilespmem:$0x1280];
	_ =	sdelay $0x7  }
0x37a: {  	[tilespmem:v1+s12+$0x0] =	vst.idx.msk $0xffff, v0  }
0x37b: {  	v1 =	vld [tilespmem:$0x1290];
	_ =	sdelay $0x7  }
0x37c: {  	[tilespmem:v1+s12+$0x0] =	vst.idx.msk $0xffff, v0  }
0x37d: {  	v1 =	vld [tilespmem:$0x12A0];
	_ =	sdelay $0x7  }
0x37e: {  	[tilespmem:v1+s12+$0x0] =	vst.idx.msk $0xffff, v0  }
0x37f: {  	v1 =	vld [tilespmem:$0x12B0];
	_ =	sdelay $0x7  }
0x380: {  	[tilespmem:v1+s12+$0x0] =	vst.idx.msk $0xffff, v0  }
0x381: {  	v1 =	vld [tilespmem:$0x1310];
	_ =	sdelay $0x2  }
0x382: {  	v2 =	vld [tilespmem:$0x910];
	_ =	sdelay $0x4  }
0x383: {  	[tilespmem:v1+s12+$0x0] =	vst.idx.msk $0xffff, v2  }
0x384: {  	v1 =	vld [tilespmem:$0x1320];
	_ =	sdelay $0x2  }
0x385: {  	v2 =	vld [tilespmem:$0x920];
	_ =	sdelay $0x4  }
0x386: {  	[tilespmem:v1+s12+$0x0] =	vst.idx.msk $0xffff, v2  }
0x387: {  	v1 =	vld [tilespmem:$0x1330];
	_ =	sdelay $0x2  }
0x388: {  	v2 =	vld [tilespmem:$0x930];
	_ =	sdelay $0x4  }
0x389: {  	[tilespmem:v1+s12+$0x0] =	vst.idx.msk $0xffff, v2  }
0x38a: {  	v1 =	vld [tilespmem:$0x1340];
	_ =	sdelay $0x2  }
0x38b: {  	v2 =	vld [tilespmem:$0x940];
	_ =	sdelay $0x4  }
0x38c: {  	[tilespmem:v1+s12+$0x0] =	vst.idx.msk $0xffff, v2  }
0x38d: {  	v1 =	vld [tilespmem:$0x1350];
	_ =	sdelay $0x2  }
0x38e: {  	v2 =	vld [tilespmem:$0x950];
	_ =	sdelay $0x4  }
0x38f: {  	[tilespmem:v1+s12+$0x0] =	vst.idx.msk $0xffff, v2  }
0x390: {  	[hbm4b:s5+s10] =	stream.strided.scatter [tilespmem:s12], [sflag:$0x2], $0x1000, s11, s10, $0x38;
	[tilespmem:$0x3500] =	vst v63  }
0x391: {  	_ =	swait.ge [sflag:s13], $0x1000  }
0x392: {  	[sflag:s13] =	ssyncset.done $0x0  }
0x393: {  	[sflag:s13] =	ssyncadd.s32 $0xFFFFF000  }
0x394: {  	v1 =	vld [tilespmem:$0x12C0];
	_ =	sdelay $0x7  }
0x395: {  	[tilespmem:v1+s9+$0x0] =	vst.idx.msk $0xffff, v0  }
0x396: {  	v1 =	vld [tilespmem:$0x12D0];
	_ =	sdelay $0x7  }
0x397: {  	[tilespmem:v1+s9+$0x0] =	vst.idx.msk $0xffff, v0  }
0x398: {  	v1 =	vld [tilespmem:$0x12E0];
	_ =	sdelay $0x7  }
0x399: {  	[tilespmem:v1+s9+$0x0] =	vst.idx.msk $0xffff, v0  }
0x39a: {  	v1 =	vld [tilespmem:$0x12F0];
	_ =	sdelay $0x7  }
0x39b: {  	[tilespmem:v1+s9+$0x0] =	vst.idx.msk $0xffff, v0  }
0x39c: {  	v1 =	vld [tilespmem:$0x1300];
	_ =	sdelay $0x7  }
0x39d: {  	[tilespmem:v1+s9+$0x0] =	vst.idx.msk $0xffff, v0  }
0x39e: {  	v1 =	vld [tilespmem:$0x1360];
	_ =	sdelay $0x2  }
0x39f: {  	v2 =	vld [tilespmem:$0x960];
	_ =	sdelay $0x4  }
0x3a0: {  	[tilespmem:v1+s9+$0x0] =	vst.idx.msk $0xffff, v2  }
0x3a1: {  	v1 =	vld [tilespmem:$0x1370];
	_ =	sdelay $0x2  }
0x3a2: {  	v2 =	vld [tilespmem:$0x970];
	_ =	sdelay $0x4  }
0x3a3: {  	[tilespmem:v1+s9+$0x0] =	vst.idx.msk $0xffff, v2  }
0x3a4: {  	v1 =	vld [tilespmem:$0x1380];
	_ =	sdelay $0x2  }
0x3a5: {  	v2 =	vld [tilespmem:$0x980];
	_ =	sdelay $0x4  }
0x3a6: {  	[tilespmem:v1+s9+$0x0] =	vst.idx.msk $0xffff, v2  }
0x3a7: {  	v1 =	vld [tilespmem:$0x1390];
	_ =	sdelay $0x2  }
0x3a8: {  	v2 =	vld [tilespmem:$0x990];
	_ =	sdelay $0x4  }
0x3a9: {  	[tilespmem:v1+s9+$0x0] =	vst.idx.msk $0xffff, v2  }
0x3aa: {  	v1 =	vld [tilespmem:$0x13A0];
	_ =	sdelay $0x2  }
0x3ab: {  	v2 =	vld [tilespmem:$0x9A0];
	_ =	sdelay $0x4  }
0x3ac: {  	[tilespmem:v1+s9+$0x0] =	vst.idx.msk $0xffff, v2  }
0x3ad: {  	[hbm4b:s6+s10] =	stream.strided.scatter [tilespmem:s9], [sflag:$0x1], $0x1000, s11, s10, $0x38;
	[tilespmem:$0x3500] =	vst v63  }
0x3ae: {  	_ =	swait.ge [sflag:s14], $0x1000  }
0x3af: {  	[sflag:s14] =	ssyncset.done $0x0  }
0x3b0: {  	[sflag:s14] =	ssyncadd.s32 $0xFFFFF000  }
0x3b1: {  	v1 =	vld [tilespmem:$0x1310];
	_ =	sdelay $0x7  }
0x3b2: {  	[tilespmem:v1+s12+$0x0] =	vst.idx.msk $0xffff, v0  }
0x3b3: {  	v1 =	vld [tilespmem:$0x1320];
	_ =	sdelay $0x7  }
0x3b4: {  	[tilespmem:v1+s12+$0x0] =	vst.idx.msk $0xffff, v0  }
0x3b5: {  	v1 =	vld [tilespmem:$0x1330];
	_ =	sdelay $0x7  }
0x3b6: {  	[tilespmem:v1+s12+$0x0] =	vst.idx.msk $0xffff, v0  }
0x3b7: {  	v1 =	vld [tilespmem:$0x1340];
	_ =	sdelay $0x7  }
0x3b8: {  	[tilespmem:v1+s12+$0x0] =	vst.idx.msk $0xffff, v0  }
0x3b9: {  	v1 =	vld [tilespmem:$0x1350];
	_ =	sdelay $0x7  }
0x3ba: {  	[tilespmem:v1+s12+$0x0] =	vst.idx.msk $0xffff, v0  }
0x3bb: {  	v1 =	vld [tilespmem:$0x13B0];
	_ =	sdelay $0x2  }
0x3bc: {  	v2 =	vld [tilespmem:$0x9B0];
	_ =	sdelay $0x4  }
0x3bd: {  	[tilespmem:v1+s12+$0x0] =	vst.idx.msk $0xffff, v2  }
0x3be: {  	v1 =	vld [tilespmem:$0x13C0];
	_ =	sdelay $0x2  }
0x3bf: {  	v2 =	vld [tilespmem:$0x9C0];
	_ =	sdelay $0x4  }
0x3c0: {  	[tilespmem:v1+s12+$0x0] =	vst.idx.msk $0xffff, v2  }
0x3c1: {  	v1 =	vld [tilespmem:$0x13D0];
	_ =	sdelay $0x2  }
0x3c2: {  	v2 =	vld [tilespmem:$0x9D0];
	_ =	sdelay $0x4  }
0x3c3: {  	[tilespmem:v1+s12+$0x0] =	vst.idx.msk $0xffff, v2  }
0x3c4: {  	v1 =	vld [tilespmem:$0x13E0];
	_ =	sdelay $0x2  }
0x3c5: {  	v2 =	vld [tilespmem:$0x9E0];
	_ =	sdelay $0x4  }
0x3c6: {  	[tilespmem:v1+s12+$0x0] =	vst.idx.msk $0xffff, v2  }
0x3c7: {  	v1 =	vld [tilespmem:$0x13F0];
	_ =	sdelay $0x2  }
0x3c8: {  	v2 =	vld [tilespmem:$0x9F0];
	_ =	sdelay $0x4  }
0x3c9: {  	s15 =	sadd.s32 $0x1, s15;
	[tilespmem:v1+s12+$0x0] =	vst.idx.msk $0xffff, v2  }
0x3ca: {  	[hbm4b:s7+s10] =	stream.strided.scatter [tilespmem:s12], [sflag:$0x2], $0x1000, s11, s10, $0x38;
	[tilespmem:$0x3500] =	vst v63  }
0x3cb: {  	p0 =	sne.s32 s15, s25;
	_ =	swait.ge [sflag:s13], $0x1000  }
.Ltmp1:
0x3cc: {  	[sflag:s13] =	ssyncset.done $0x0;
	(pc) =	sbr.rel @p0 .LBB2_1-.Ltmp1, $4  }
0x3cd: {  	[sflag:s13] =	ssyncadd.s32 $0xFFFFF000  }
0x3ce: {  	_ =	swait.ge [sflag:s14], $0x1000  }
0x3cf: {  	[sflag:s14] =	ssyncset.done $0x0  }
0x3d0: {  	[sflag:s14] =	ssyncadd.s32 $0xFFFFF000  }
0x3d1: {  	_ =	sfence.sel $0x180000  }
0x3d2: {  	[bflag:$0x0] =	sbarrier.arrive $0xFFFF  }
0x3d3: {  	_ =	strace $0x9000004A  }
0x3d4: {  	s0 =	stileid.u32;
	[bflag:$0x2] =	sbarrier.arrive $0xFFFF  }
0x3d5: {  	p0 =	sne.s32 s0, $0x0;
	s0 =	rddreg [dreg:$0x2]  }
0x3d6: {  	s0 =	sadd.s32 @!p0 $0x100000, s0  }
0x3d7: {  	[sflag:s0] =	ssyncadd.tile.s32 @!p0 $0x1;
	_ =	shalt  }
.Lfunc_end2:
_tile_overlayer_lowered:
.L_overlay_start_2:
0x3d8: {  	(tag) =	ssettag $0x2  }
0x3d9: {  	s0 =	rddreg [dreg:$0x0];
	s2 =	stileid.u32  }
0x3da: {  	s1 =	rddreg [dreg:$0x1];
	p0 =	sne.s32 s2, $0x0  }
0x3db: {  	s3 =	rddreg [dreg:$0x2];
	[bflag:$0x3] =	sbarrier.arrive $0xFFFF;
	s2 =	simm.s32 @!p0 $0x1C03  }
0x3dc: {  	[timem:s3], [sflag:s2] =	dma.local @!p0 [hbm:s0], s1  }
0x3dd: {  	s0 =	simm.s32 @!p0 $0x3  }
0x3de: {  	_ =	swait.ge @!p0 [sflag:s0], s1  }
0x3df: {  	s1 =	ssub.s32 @!p0 $0x0, s1;
	[sflag:s0] =	ssyncset.done @!p0 $0x0  }
0x3e0: {  	[sflag:s0] =	ssyncadd.s32 @!p0 s1  }
0x3e1: {  	[bflag:$0x3] =	sbarrier.arrive $0xFFFF  }
0x3e2: {  	_ =	shalt  }

</sc_bundles>
